<compile_context>
chip_gen: v7x
topology: tpu7x:2x2x1
jax: 0.10.2.dev20260603
libtpu: 0.0.44.dev20260713+nightly
codegen_flags: <defaults>
</compile_context>

<pallas_src>
import functools

import jax
import jax.numpy as jnp
from jax import lax
from jax.experimental import pallas as pl
from jax.experimental.pallas import tpu as pltpu
from jax.experimental.pallas import tpu_sc as plsc

_N = 10000
_E = 320000
_D = 128
_HID = 128
_OUT = 64
_G = 128

_NC, _NS, _L = 2, 16, 16
_CHUNK = 128
_ETOT = _E + _N
_NCHUNK = -(-_ETOT // (_NS * _CHUNK))
_EPAD = _NS * _NCHUNK * _CHUNK
_NPAD = 10240
_STRIPE = _NPAD // _NS
_ROWBLK = 1024


def _edge_kernel_body(Df, hs_hbm, as_hbm, ad_hbm, src_hbm, dst_hbm,
                      num_out, den_out,
                      as_l, ad_l, src_l, dst_l,
                      w0_l, w1_l, rows0_l, rows1_l,
                      num_s, den_s, gsem0, gsem1, ssem0, ssem1):
    half = Df // 2
    cid = lax.axis_index("c")
    sid = lax.axis_index("s")
    w_l = w0_l

    pltpu.sync_copy(as_hbm, as_l)
    pltpu.sync_copy(ad_hbm, ad_l)
    pltpu.sync_copy(src_hbm.at[sid], src_l)
    pltpu.sync_copy(dst_hbm.at[sid], dst_l)

    def _maxstep_a(i, m):
        return jnp.maximum(m, as_l[pl.ds(i * _L, _L)])
    def _maxstep_b(i, m):
        return jnp.maximum(m, ad_l[pl.ds(i * _L, _L)])
    neg = jnp.full((_L,), -3e38, jnp.float32)

    def _lane_max_splat(v16):
        w_l[pl.ds(0, _L)] = v16
        acc = plsc.load_gather(w_l, [jnp.zeros((_L,), jnp.int32)])
        for k in range(1, _L):
            acc = jnp.maximum(
                acc, plsc.load_gather(w_l, [jnp.full((_L,), k, jnp.int32)]))
        return acc

    masv = _lane_max_splat(lax.fori_loop(0, _NPAD // _L, _maxstep_a, neg))
    madv = _lane_max_splat(lax.fori_loop(0, _NPAD // _L, _maxstep_b, neg))
    msum = masv + madv
    cbound = jnp.maximum(msum, 0.2 * msum)

    zero16 = jnp.zeros((_L,), jnp.float32)
    def _zrow(i, _):
        for f in range(half // _L):
            rows0_l[i, pl.ds(f * _L, _L)] = zero16
            rows1_l[i, pl.ds(f * _L, _L)] = zero16
        return 0
    lax.fori_loop(0, _CHUNK, _zrow, 0)
    for k in range(_CHUNK // _L):
        w0_l[pl.ds(k * _L, _L)] = zero16
        w1_l[pl.ds(k * _L, _L)] = zero16
    base = sid * _STRIPE
    for t in range(_STRIPE // _CHUNK):
        pltpu.sync_copy(rows0_l, num_s.at[pl.ds(base + t * _CHUNK, _CHUNK)])
        pltpu.sync_copy(w0_l, den_s.at[pl.ds(base + t * _CHUNK, _CHUNK)])
    plsc.subcore_barrier()

    def _weights(j, wbuf):
        @plsc.parallel_loop(0, _CHUNK // _L, unroll=4)
        def _wgrp(k):
            si = src_l[j, pl.ds(k * _L, _L)]
            di = dst_l[j, pl.ds(k * _L, _L)]
            s = (plsc.load_gather(as_l, [si]) +
                 plsc.load_gather(ad_l, [di]))
            e = jnp.maximum(s, 0.2 * s)
            wbuf[pl.ds(k * _L, _L)] = jnp.exp(e - cbound)

    def _scale_rows(wbuf, rows):
        @plsc.parallel_loop(0, _CHUNK, unroll=8)
        def _scale(i):
            wv = plsc.load_gather(
                wbuf, [jnp.broadcast_to(i, (_L,)).astype(jnp.int32)])
            for f in range(half // _L):
                sl = pl.ds(f * _L, _L)
                rows[i, sl] = rows[i, sl] * wv

    def _issue_gather(j, rows, gsem):
        return pltpu.async_copy(hs_hbm.at[cid].at[src_l.at[j]], rows, gsem)

    def _issue_scatter(j, wbuf, rows, ssem):
        pltpu.async_copy(rows, num_s.at[dst_l.at[j]], ssem, add=True)
        pltpu.async_copy(wbuf, den_s.at[dst_l.at[j]], ssem, add=True)

    def _drain_gather(rows, gsem):
        pltpu.make_async_copy(hs_hbm.at[cid, pl.ds(0, _CHUNK)],
                              rows, gsem).wait()

    def _drain_scatter(wbuf, rows, ssem):
        pltpu.make_async_copy(hs_hbm.at[cid, pl.ds(0, _CHUNK)],
                              rows, ssem).wait()
        pltpu.make_async_copy(as_hbm.at[pl.ds(0, _CHUNK)],
                              wbuf, ssem).wait()

    _issue_scatter(0, w0_l, rows0_l, ssem0)
    _issue_scatter(0, w1_l, rows1_l, ssem1)
    _drain_scatter(w0_l, rows0_l, ssem0)
    _issue_gather(0, rows0_l, gsem0)

    def _pair(k, _):
        a = 2 * k
        b = a + 1
        _drain_scatter(w1_l, rows1_l, ssem1)
        _issue_gather(b, rows1_l, gsem1)
        _weights(a, w0_l)
        _drain_gather(rows0_l, gsem0)
        _scale_rows(w0_l, rows0_l)
        _issue_scatter(a, w0_l, rows0_l, ssem0)
        _weights(b, w1_l)
        _drain_gather(rows1_l, gsem1)
        _scale_rows(w1_l, rows1_l)
        _drain_scatter(w0_l, rows0_l, ssem0)
        _issue_gather(jnp.minimum(a + 2, _NCHUNK - 1), rows0_l, gsem0)
        _issue_scatter(b, w1_l, rows1_l, ssem1)
        return 0
    lax.fori_loop(0, _NCHUNK // 2, _pair, 0)
    _drain_gather(rows0_l, gsem0)
    _drain_scatter(w1_l, rows1_l, ssem1)
    plsc.subcore_barrier()

    pltpu.sync_copy(num_s.at[pl.ds(base, _STRIPE)],
                    num_out.at[cid, pl.ds(base, _STRIPE)])
    @pl.when(cid == 0)
    def _():
        pltpu.sync_copy(den_s.at[pl.ds(base, _STRIPE)],
                        den_out.at[pl.ds(base, _STRIPE)])


def _make_edge_kernel(Df):
    half = Df // 2
    mesh = plsc.VectorSubcoreMesh(core_axis_name="c", subcore_axis_name="s")
    return pl.kernel(
        functools.partial(_edge_kernel_body, Df),
        out_type=(jax.ShapeDtypeStruct((_NC, _NPAD, half), jnp.float32),
                  jax.ShapeDtypeStruct((_NPAD,), jnp.float32)),
        mesh=mesh,
        scratch_types=(
            pltpu.VMEM((_NPAD,), jnp.float32),
            pltpu.VMEM((_NPAD,), jnp.float32),
            pltpu.VMEM((_NCHUNK, _CHUNK), jnp.int32),
            pltpu.VMEM((_NCHUNK, _CHUNK), jnp.int32),
            pltpu.VMEM((_CHUNK,), jnp.float32),
            pltpu.VMEM((_CHUNK,), jnp.float32),
            pltpu.VMEM((_CHUNK, half), jnp.float32),
            pltpu.VMEM((_CHUNK, half), jnp.float32),
            pltpu.VMEM_SHARED((_NPAD, half), jnp.float32),
            pltpu.VMEM_SHARED((_NPAD,), jnp.float32),
            pltpu.SemaphoreType.DMA,
            pltpu.SemaphoreType.DMA,
            pltpu.SemaphoreType.DMA,
            pltpu.SemaphoreType.DMA,
        ),
        compiler_params=pltpu.CompilerParams(
            needs_layout_passes=False, use_tc_tiling_on_sc=False),
        name=f"gat_edge_sc_{Df}",
    )



def _col_from_tile8(v8):
    n = _ROWBLK
    si = lax.broadcasted_iota(jnp.int32, (n, 8), 0) // _G
    sj = lax.broadcasted_iota(jnp.int32, (n, 8), 1)
    p = (si == sj).astype(jnp.float32)
    li = lax.broadcasted_iota(jnp.int32, (n, _G), 0) % _G
    lj = lax.broadcasted_iota(jnp.int32, (n, _G), 1)
    lmask = (li == lj).astype(jnp.float32)
    rep = lax.dot_general(p, v8, (((1,), (0,)), ((), ())),
                          preferred_element_type=jnp.float32)
    return (rep * lmask).sum(-1, keepdims=True)

def _tc_a_body(x_ref, w_ref, asr, adr, h_ref, sa_ref, da_ref):
    h = jnp.dot(x_ref[...], w_ref[...], preferred_element_type=jnp.float32)
    h_ref[0] = h[:, :_HID // 2]
    h_ref[1] = h[:, _HID // 2:]
    sa_ref[...] = (h * asr[...]).sum(-1, keepdims=True).reshape(8, _G)
    da_ref[...] = (h * adr[...]).sum(-1, keepdims=True).reshape(8, _G)


def _tc_b_body(num_ref, den_ref, b1_ref, w2_ref, asr, adr,
               h2_ref, sa_ref, da_ref):
    d = _col_from_tile8(den_ref[...]) + 1e-30
    nsum = jnp.concatenate([num_ref[0], num_ref[1]], axis=-1)
    h = jax.nn.relu(nsum / d + b1_ref[...])
    h2 = jnp.dot(h, w2_ref[...], preferred_element_type=jnp.float32)
    h2_ref[0] = h2[:, :_OUT // 2]
    h2_ref[1] = h2[:, _OUT // 2:]
    sa_ref[...] = (h2 * asr[...]).sum(-1, keepdims=True).reshape(8, _G)
    da_ref[...] = (h2 * adr[...]).sum(-1, keepdims=True).reshape(8, _G)


def _tc_c_body(num_ref, den_ref, b2_ref, bat_ref, lw_ref, lb_ref,
               res_ref, acc_ref):
    i = pl.program_id(0)
    @pl.when(i == 0)
    def _():
        acc_ref[...] = jnp.zeros_like(acc_ref)
    d = _col_from_tile8(den_ref[...]) + 1e-30
    nsum = jnp.concatenate([num_ref[0], num_ref[1]], axis=-1)
    o = nsum / d + b2_ref[...]
    z = o - o.max(-1, keepdims=True)
    ls = z - jnp.log(jnp.exp(z).sum(-1, keepdims=True))
    lsa = jnp.concatenate([ls, jnp.ones_like(ls)], axis=-1)
    bat_col = _col_from_tile8(bat_ref[...].astype(jnp.float32))
    boh = (bat_col == lax.broadcasted_iota(
        jnp.int32, (1, _G), 1).astype(jnp.float32)).astype(jnp.float32)
    acc_ref[...] += lax.dot_general(
        boh, lsa, (((0,), (0,)), ((), ())),
        preferred_element_type=jnp.float32)
    @pl.when(i == pl.num_programs(0) - 1)
    def _():
        acc = acc_ref[...]
        pm = acc[:, :_OUT] / jnp.maximum(acc[:, _OUT:_OUT + 1], 1.0)
        res_ref[...] = jnp.dot(pm, lw_ref[...],
                               preferred_element_type=jnp.float32) + lb_ref[...]


_NB = _NPAD // _ROWBLK


def _tc_a(xp, W1, a1s, a1d):
    return pl.pallas_call(
        _tc_a_body,
        grid=(_NB,),
        in_specs=[
            pl.BlockSpec((_ROWBLK, _D), lambda i: (i, 0)),
            pl.BlockSpec((_D, _HID), lambda i: (0, 0)),
            pl.BlockSpec((1, _HID), lambda i: (0, 0)),
            pl.BlockSpec((1, _HID), lambda i: (0, 0)),
        ],
        out_specs=[
            pl.BlockSpec((_NC, _ROWBLK, _HID // 2), lambda i: (0, i, 0)),
            pl.BlockSpec((8, _G), lambda i: (i, 0)),
            pl.BlockSpec((8, _G), lambda i: (i, 0)),
        ],
        out_shape=[
            jax.ShapeDtypeStruct((_NC, _NPAD, _HID // 2), jnp.float32),
            jax.ShapeDtypeStruct((_NB * 8, _G), jnp.float32),
            jax.ShapeDtypeStruct((_NB * 8, _G), jnp.float32),
        ],
    )(xp, W1, a1s, a1d)


def _tc_b(num1, den1, b1, W2, a2s, a2d):
    return pl.pallas_call(
        _tc_b_body,
        grid=(_NB,),
        in_specs=[
            pl.BlockSpec((_NC, _ROWBLK, _HID // 2), lambda i: (0, i, 0)),
            pl.BlockSpec((8, _G), lambda i: (i, 0)),
            pl.BlockSpec((1, _HID), lambda i: (0, 0)),
            pl.BlockSpec((_HID, _OUT), lambda i: (0, 0)),
            pl.BlockSpec((1, _OUT), lambda i: (0, 0)),
            pl.BlockSpec((1, _OUT), lambda i: (0, 0)),
        ],
        out_specs=[
            pl.BlockSpec((_NC, _ROWBLK, _OUT // 2), lambda i: (0, i, 0)),
            pl.BlockSpec((8, _G), lambda i: (i, 0)),
            pl.BlockSpec((8, _G), lambda i: (i, 0)),
        ],
        out_shape=[
            jax.ShapeDtypeStruct((_NC, _NPAD, _OUT // 2), jnp.float32),
            jax.ShapeDtypeStruct((_NB * 8, _G), jnp.float32),
            jax.ShapeDtypeStruct((_NB * 8, _G), jnp.float32),
        ],
    )(num1, den1, b1, W2, a2s, a2d)


def _tc_c(num2, den2, b2, bat2d, lwp, lbp):
    return pl.pallas_call(
        _tc_c_body,
        grid=(_NB,),
        in_specs=[
            pl.BlockSpec((_NC, _ROWBLK, _OUT // 2), lambda i: (0, i, 0)),
            pl.BlockSpec((8, _G), lambda i: (i, 0)),
            pl.BlockSpec((1, _OUT), lambda i: (0, 0)),
            pl.BlockSpec((8, _G), lambda i: (i, 0)),
            pl.BlockSpec((_OUT, _G), lambda i: (0, 0)),
            pl.BlockSpec((1, _G), lambda i: (0, 0)),
        ],
        out_specs=pl.BlockSpec((_G, _G), lambda i: (0, 0)),
        out_shape=jax.ShapeDtypeStruct((_G, _G), jnp.float32),
        scratch_shapes=[pltpu.VMEM((_G, _G), jnp.float32)],
    )(num2, den2, b2, bat2d, lwp, lbp)


def kernel(x, adj, batch, W1, a1_src, a1_dst, b1, W2, a2_src, a2_dst, b2,
           linW, linb):
    xp = jnp.pad(x, ((0, _NPAD - _N), (0, 0)))
    loops = jnp.arange(_N, dtype=jnp.int32)
    src_all = jnp.concatenate(
        [adj[0], loops, jnp.zeros((_EPAD - _ETOT,), jnp.int32)])
    dst_all = jnp.concatenate(
        [adj[1], loops, jnp.full((_EPAD - _ETOT,), _N, jnp.int32)])
    srcg = src_all.reshape(_NS, _NCHUNK, _CHUNK)
    dstg = dst_all.reshape(_NS, _NCHUNK, _CHUNK)
    batch_pad = jnp.concatenate(
        [batch, jnp.full((_NPAD - _N,), _G, jnp.int32)])
    bat2d = batch_pad.reshape(_NB * 8, _G)
    lwp = jnp.pad(linW, ((0, 0), (0, _G - 1)))
    lbp = jnp.broadcast_to(linb.reshape(1, 1), (1, _G))
    b1r = b1.reshape(1, _HID)
    b2r = b2.reshape(1, _OUT)

    hs1, as1, ad1 = _tc_a(xp, W1, a1_src, a1_dst)
    ek1 = _make_edge_kernel(_HID)
    num1p, den1 = ek1(hs1, as1.reshape(_NPAD), ad1.reshape(_NPAD),
                      srcg, dstg)

    hs2, as2, ad2 = _tc_b(num1p, den1.reshape(_NB * 8, _G), b1r, W2,
                          a2_src, a2_dst)
    ek2 = _make_edge_kernel(_OUT)
    num2p, den2 = ek2(hs2, as2.reshape(_NPAD), ad2.reshape(_NPAD),
                      srcg, dstg)

    res = _tc_c(num2p, den2.reshape(_NB * 8, _G), b2r, bat2d, lwp, lbp)
    return res[:, :1]

# --- scband reference (transcript-rebuilt; emitter-appended) ---
"""Pipeline reference for scband-gat-19610820673943 (READ-ONLY COPY).

The authoritative reference and input builder live on the scoring server;
editing this copy changes nothing except your own understanding.
"""

import jax, jax.numpy as jnp
import numpy as np

N, E, D = 10000, 320000, 128
HID, OUT, HEADS, G = 128, 64, 1, 128


def _gat_conv(x, src, dst, W, a_src, a_dst, bias, heads, out_ch, concat):
    n = x.shape[0]
    h = (x @ W).reshape(n, heads, out_ch)
    alpha_src = (h * a_src[None, :, :]).sum(-1)  # [N, heads]
    alpha_dst = (h * a_dst[None, :, :]).sum(-1)  # [N, heads]
    e = jax.nn.leaky_relu(alpha_src[src] + alpha_dst[dst], 0.2)  # [E, heads]
    emax = jax.ops.segment_max(e, dst, num_segments=n)
    emax = jnp.where(jnp.isfinite(emax), emax, 0.0)
    ex = jnp.exp(e - emax[dst])
    denom = jax.ops.segment_sum(ex, dst, num_segments=n)
    alpha = ex / (denom[dst] + 1e-16)
    out = jax.ops.segment_sum(h[src] * alpha[:, :, None], dst, num_segments=n)
    if concat:
        out = out.reshape(n, heads * out_ch)
    else:
        out = out.mean(axis=1)
    return out + bias


def setup_inputs(seed: int = 0):
    key = jax.random.key(seed)
    ks = jax.random.split(key, 16)
    x = jax.random.normal(ks[0], (N, D), dtype=jnp.float32)
    adj = jax.random.randint(ks[1], (2, E), 0, N, dtype=jnp.int32)
    batch = jnp.sort(jax.random.randint(ks[2], (N,), 0, G, dtype=jnp.int32))
    s1 = float(1.0 / np.sqrt(D))
    W1 = jax.random.uniform(ks[3], (D, HEADS * HID), jnp.float32, -s1, s1)
    a1_src = jax.random.uniform(ks[4], (HEADS, HID), jnp.float32, -s1, s1)
    a1_dst = jax.random.uniform(ks[5], (HEADS, HID), jnp.float32, -s1, s1)
    b1 = jnp.zeros((HEADS * HID,), jnp.float32)
    s2 = float(1.0 / np.sqrt(HEADS * HID))
    W2 = jax.random.uniform(ks[6], (HEADS * HID, OUT), jnp.float32, -s2, s2)
    a2_src = jax.random.uniform(ks[7], (1, OUT), jnp.float32, -s2, s2)
    a2_dst = jax.random.uniform(ks[8], (1, OUT), jnp.float32, -s2, s2)
    b2 = jnp.zeros((OUT,), jnp.float32)
    sl = float(1.0 / np.sqrt(OUT))
    linW = jax.random.uniform(ks[9], (OUT, 1), jnp.float32, -sl, sl)
    linb = jax.random.uniform(ks[10], (1,), jnp.float32, -sl, sl)
    return {"x": x, "adj": adj, "batch": batch, "W1": W1, "a1_src": a1_src,
            "a1_dst": a1_dst, "b1": b1, "W2": W2, "a2_src": a2_src,
            "a2_dst": a2_dst, "b2": b2, "linW": linW, "linb": linb}


def reference(x, adj, batch, W1, a1_src, a1_dst, b1, W2, a2_src, a2_dst, b2, linW, linb):
    n = x.shape[0]
    loops = jnp.arange(n, dtype=adj.dtype)
    src = jnp.concatenate([adj[0], loops])  # add self-loops (PyG default)
    dst = jnp.concatenate([adj[1], loops])
    h = _gat_conv(x, src, dst, W1, a1_src, a1_dst, b1, HEADS, HID, True)
    h = jax.nn.relu(h)
    h = _gat_conv(h, src, dst, W2, a2_src, a2_dst, b2, 1, OUT, False)
    h = jax.nn.log_softmax(h, axis=1)
    sums = jax.ops.segment_sum(h, batch, num_segments=G)
    counts = jax.ops.segment_sum(jnp.ones((n,), jnp.float32), batch, num_segments=G)
    pooled = sums / jnp.maximum(counts, 1.0)[:, None]
    return pooled @ linW + linb

if __name__ == "__main__":
    import jax
    _d = setup_inputs()
    print(jax.jit(kernel)(*tuple(_d.values())))

</pallas_src>

<mosaic_0001>
#map = affine_map<(d0, d1) -> (0, 0, 0)>
#map1 = affine_map<(d0, d1) -> (0)>
module attributes {stable_mosaic.version = 14 : i64} {
  func.func @gat_edge_sc_128(%arg0: i32, %arg1: i32, %arg2: memref<2x10240x64xf32, #tpu.memory_space<hbm>>, %arg3: memref<10240xf32, #tpu.memory_space<hbm>>, %arg4: memref<10240xf32, #tpu.memory_space<hbm>>, %arg5: memref<16x162x128xi32, #tpu.memory_space<hbm>>, %arg6: memref<16x162x128xi32, #tpu.memory_space<hbm>>, %arg7: memref<2x10240x64xf32, #tpu.memory_space<hbm>>, %arg8: memref<10240xf32, #tpu.memory_space<hbm>>, %arg9: memref<10240xf32, #tpu.memory_space<vmem>>, %arg10: memref<10240xf32, #tpu.memory_space<vmem>>, %arg11: memref<162x128xi32, #tpu.memory_space<vmem>>, %arg12: memref<162x128xi32, #tpu.memory_space<vmem>>, %arg13: memref<128xf32, #tpu.memory_space<vmem>>, %arg14: memref<128xf32, #tpu.memory_space<vmem>>, %arg15: memref<128x64xf32, #tpu.memory_space<vmem>>, %arg16: memref<128x64xf32, #tpu.memory_space<vmem>>, %arg17: memref<10240x64xf32, #tpu.memory_space<vmem_shared>>, %arg18: memref<10240xf32, #tpu.memory_space<vmem_shared>>, %arg19: memref<!tpu.dma_semaphore, #tpu.memory_space<semaphore_mem>>, %arg20: memref<!tpu.dma_semaphore, #tpu.memory_space<semaphore_mem>>, %arg21: memref<!tpu.dma_semaphore, #tpu.memory_space<semaphore_mem>>, %arg22: memref<!tpu.dma_semaphore, #tpu.memory_space<semaphore_mem>>) attributes {dimension_semantics = [#tpu.dimension_semantics<core_parallel>, #tpu.dimension_semantics<subcore_parallel>], iteration_bounds = array<i64: 2, 16>, scalar_prefetch = 0 : i64, scratch_operands = 14 : i64, tpu.core_type = #tpu.core_type<sc_vector_subcore>, window_params = [{transform_indices = #map}, {transform_indices = #map1}, {transform_indices = #map1}, {transform_indices = #map}, {transform_indices = #map}, {transform_indices = #map}, {transform_indices = #map1}]} {
    "tpu.region"() ({
      %run_scoped3A = tpu.sem_alloc : memref<!tpu.dma_semaphore, #tpu.memory_space<semaphore_mem>>
      tpu.enqueue_dma source(%arg3 : memref<10240xf32, #tpu.memory_space<hbm>>) target(%arg9 : memref<10240xf32, #tpu.memory_space<vmem>>) target_semaphore(%run_scoped3A : memref<!tpu.dma_semaphore, #tpu.memory_space<semaphore_mem>>)
      tpu.wait_dma2 semaphore(%run_scoped3A : memref<!tpu.dma_semaphore, #tpu.memory_space<semaphore_mem>>) src(%arg3 : memref<10240xf32, #tpu.memory_space<hbm>>) dst(%arg9 : memref<10240xf32, #tpu.memory_space<vmem>>)
      tpu.yield
    }) : () -> ()
    "tpu.region"() ({
      %run_scoped3A = tpu.sem_alloc : memref<!tpu.dma_semaphore, #tpu.memory_space<semaphore_mem>>
      tpu.enqueue_dma source(%arg4 : memref<10240xf32, #tpu.memory_space<hbm>>) target(%arg10 : memref<10240xf32, #tpu.memory_space<vmem>>) target_semaphore(%run_scoped3A : memref<!tpu.dma_semaphore, #tpu.memory_space<semaphore_mem>>)
      tpu.wait_dma2 semaphore(%run_scoped3A : memref<!tpu.dma_semaphore, #tpu.memory_space<semaphore_mem>>) src(%arg4 : memref<10240xf32, #tpu.memory_space<hbm>>) dst(%arg10 : memref<10240xf32, #tpu.memory_space<vmem>>)
      tpu.yield
    }) : () -> ()
    "tpu.region"() ({
      %run_scoped3A = tpu.sem_alloc : memref<!tpu.dma_semaphore, #tpu.memory_space<semaphore_mem>>
      %dma_start3A_282 = arith.constant 0 : i32
      %dma_start3A_283 = arith.constant 0 : i32
      %dma_start3A_284 = tpu.memref_slice %arg5[%arg1, %dma_start3A_282, %dma_start3A_283] : memref<16x162x128xi32, #tpu.memory_space<hbm>> -> memref<1x162x128xi32, #tpu.memory_space<hbm>>
      %dma_start3A_285 = tpu.memref_squeeze %dma_start3A_284 : memref<1x162x128xi32, #tpu.memory_space<hbm>> -> memref<162x128xi32, #tpu.memory_space<hbm>>
      %dma_start3A_286 = arith.constant 0 : i32
      %dma_start3A_287 = arith.constant 0 : i32
      %dma_start3A_288 = tpu.memref_slice %arg5[%arg1, %dma_start3A_286, %dma_start3A_287] : memref<16x162x128xi32, #tpu.memory_space<hbm>> -> memref<1x162x128xi32, #tpu.memory_space<hbm>>
      %dma_start3A_289 = tpu.memref_squeeze %dma_start3A_288 : memref<1x162x128xi32, #tpu.memory_space<hbm>> -> memref<162x128xi32, #tpu.memory_space<hbm>>
      tpu.enqueue_dma source(%dma_start3A_289 : memref<162x128xi32, #tpu.memory_space<hbm>>) target(%arg11 : memref<162x128xi32, #tpu.memory_space<vmem>>) target_semaphore(%run_scoped3A : memref<!tpu.dma_semaphore, #tpu.memory_space<semaphore_mem>>)
      %dma_wait3A_290 = arith.constant 0 : i32
      %dma_wait3A_291 = arith.constant 0 : i32
      %dma_wait3A_292 = tpu.memref_slice %arg5[%arg1, %dma_wait3A_290, %dma_wait3A_291] : memref<16x162x128xi32, #tpu.memory_space<hbm>> -> memref<1x162x128xi32, #tpu.memory_space<hbm>>
      %dma_wait3A_293 = tpu.memref_squeeze %dma_wait3A_292 : memref<1x162x128xi32, #tpu.memory_space<hbm>> -> memref<162x128xi32, #tpu.memory_space<hbm>>
      %dma_wait3A_294 = arith.constant 0 : i32
      %dma_wait3A_295 = arith.constant 0 : i32
      %dma_wait3A_296 = tpu.memref_slice %arg5[%arg1, %dma_wait3A_294, %dma_wait3A_295] : memref<16x162x128xi32, #tpu.memory_space<hbm>> -> memref<1x162x128xi32, #tpu.memory_space<hbm>>
      %dma_wait3A_297 = tpu.memref_squeeze %dma_wait3A_296 : memref<1x162x128xi32, #tpu.memory_space<hbm>> -> memref<162x128xi32, #tpu.memory_space<hbm>>
      tpu.wait_dma2 semaphore(%run_scoped3A : memref<!tpu.dma_semaphore, #tpu.memory_space<semaphore_mem>>) src(%dma_wait3A_297 : memref<162x128xi32, #tpu.memory_space<hbm>>) dst(%arg11 : memref<162x128xi32, #tpu.memory_space<vmem>>)
      tpu.yield
    }) : () -> ()
    "tpu.region"() ({
      %run_scoped3A = tpu.sem_alloc : memref<!tpu.dma_semaphore, #tpu.memory_space<semaphore_mem>>
      %dma_start3A_282 = arith.constant 0 : i32
      %dma_start3A_283 = arith.constant 0 : i32
      %dma_start3A_284 = tpu.memref_slice %arg6[%arg1, %dma_start3A_282, %dma_start3A_283] : memref<16x162x128xi32, #tpu.memory_space<hbm>> -> memref<1x162x128xi32, #tpu.memory_space<hbm>>
      %dma_start3A_285 = tpu.memref_squeeze %dma_start3A_284 : memref<1x162x128xi32, #tpu.memory_space<hbm>> -> memref<162x128xi32, #tpu.memory_space<hbm>>
      %dma_start3A_286 = arith.constant 0 : i32
      %dma_start3A_287 = arith.constant 0 : i32
      %dma_start3A_288 = tpu.memref_slice %arg6[%arg1, %dma_start3A_286, %dma_start3A_287] : memref<16x162x128xi32, #tpu.memory_space<hbm>> -> memref<1x162x128xi32, #tpu.memory_space<hbm>>
      %dma_start3A_289 = tpu.memref_squeeze %dma_start3A_288 : memref<1x162x128xi32, #tpu.memory_space<hbm>> -> memref<162x128xi32, #tpu.memory_space<hbm>>
      tpu.enqueue_dma source(%dma_start3A_289 : memref<162x128xi32, #tpu.memory_space<hbm>>) target(%arg12 : memref<162x128xi32, #tpu.memory_space<vmem>>) target_semaphore(%run_scoped3A : memref<!tpu.dma_semaphore, #tpu.memory_space<semaphore_mem>>)
      %dma_wait3A_290 = arith.constant 0 : i32
      %dma_wait3A_291 = arith.constant 0 : i32
      %dma_wait3A_292 = tpu.memref_slice %arg6[%arg1, %dma_wait3A_290, %dma_wait3A_291] : memref<16x162x128xi32, #tpu.memory_space<hbm>> -> memref<1x162x128xi32, #tpu.memory_space<hbm>>
      %dma_wait3A_293 = tpu.memref_squeeze %dma_wait3A_292 : memref<1x162x128xi32, #tpu.memory_space<hbm>> -> memref<162x128xi32, #tpu.memory_space<hbm>>
      %dma_wait3A_294 = arith.constant 0 : i32
      %dma_wait3A_295 = arith.constant 0 : i32
      %dma_wait3A_296 = tpu.memref_slice %arg6[%arg1, %dma_wait3A_294, %dma_wait3A_295] : memref<16x162x128xi32, #tpu.memory_space<hbm>> -> memref<1x162x128xi32, #tpu.memory_space<hbm>>
      %dma_wait3A_297 = tpu.memref_squeeze %dma_wait3A_296 : memref<1x162x128xi32, #tpu.memory_space<hbm>> -> memref<162x128xi32, #tpu.memory_space<hbm>>
      tpu.wait_dma2 semaphore(%run_scoped3A : memref<!tpu.dma_semaphore, #tpu.memory_space<semaphore_mem>>) src(%dma_wait3A_297 : memref<162x128xi32, #tpu.memory_space<hbm>>) dst(%arg12 : memref<162x128xi32, #tpu.memory_space<vmem>>)
      tpu.yield
    }) : () -> ()
    %broadcast_in_dim3A = arith.constant -3.000000e+38 : f32
    %broadcast_in_dim3A_0 = vector.broadcast %broadcast_in_dim3A : f32 to vector<16xf32>
    %scan3A = arith.constant 0 : i32
    %scan3A_1 = arith.constant 640 : i32
    %scan3A_2 = arith.addi %scan3A, %scan3A_1 : i32
    %scan3A_3 = arith.constant 1 : i32
    %scan3A_4 = scf.for %scan3A_282 = %scan3A to %scan3A_2 step %scan3A_3 iter_args(%scan3A_283 = %broadcast_in_dim3A_0) -> (vector<16xf32>)  : i32 {
      %mul3A_284 = arith.constant 16 : i32
      %mul3A_285 = arith.muli %scan3A_282, %mul3A_284 : i32
      %get3A = arith.index_cast %mul3A_285 : i32 to index
      %get3A_286 = tpu.vector_load %arg9[%get3A] {strides = array<i32>} : memref<10240xf32, #tpu.memory_space<vmem>>, vector<16xf32>,
      %max3A_287 = arith.maximumf %scan3A_283, %get3A_286 : vector<16xf32>
      scf.yield %max3A_287 : vector<16xf32>
    }
    %scan3A_5 = arith.constant 640 : i32
    %swap3A = arith.constant 0 : index
    %swap3A_6 = tpu.vector_load %arg13[%swap3A] {strides = array<i32>} : memref<128xf32, #tpu.memory_space<vmem>>, vector<16xf32>,
    tpu.vector_store %arg13[%swap3A], %scan3A_4 {strides = array<i32>} : memref<128xf32, #tpu.memory_space<vmem>>, vector<16xf32>,
    %broadcast_in_dim3A_7 = arith.constant 0 : i32
    %broadcast_in_dim3A_8 = vector.broadcast %broadcast_in_dim3A_7 : i32 to vector<16xi32>
    %gather3A = tpu.vector_load_idx %arg13[%broadcast_in_dim3A_8] : memref<128xf32, #tpu.memory_space<vmem>>[vector<16xi32>], vector<16xf32>,
    %broadcast_in_dim3A_9 = arith.constant 1 : i32
    %broadcast_in_dim3A_10 = vector.broadcast %broadcast_in_dim3A_9 : i32 to vector<16xi32>
    %gather3A_11 = tpu.vector_load_idx %arg13[%broadcast_in_dim3A_10] : memref<128xf32, #tpu.memory_space<vmem>>[vector<16xi32>], vector<16xf32>,
    %max3A = arith.maximumf %gather3A, %gather3A_11 : vector<16xf32>
    %broadcast_in_dim3A_12 = arith.constant 2 : i32
    %broadcast_in_dim3A_13 = vector.broadcast %broadcast_in_dim3A_12 : i32 to vector<16xi32>
    %gather3A_14 = tpu.vector_load_idx %arg13[%broadcast_in_dim3A_13] : memref<128xf32, #tpu.memory_space<vmem>>[vector<16xi32>], vector<16xf32>,
    %max3A_15 = arith.maximumf %max3A, %gather3A_14 : vector<16xf32>
    %broadcast_in_dim3A_16 = arith.constant 3 : i32
    %broadcast_in_dim3A_17 = vector.broadcast %broadcast_in_dim3A_16 : i32 to vector<16xi32>
    %gather3A_18 = tpu.vector_load_idx %arg13[%broadcast_in_dim3A_17] : memref<128xf32, #tpu.memory_space<vmem>>[vector<16xi32>], vector<16xf32>,
    %max3A_19 = arith.maximumf %max3A_15, %gather3A_18 : vector<16xf32>
    %broadcast_in_dim3A_20 = arith.constant 4 : i32
    %broadcast_in_dim3A_21 = vector.broadcast %broadcast_in_dim3A_20 : i32 to vector<16xi32>
    %gather3A_22 = tpu.vector_load_idx %arg13[%broadcast_in_dim3A_21] : memref<128xf32, #tpu.memory_space<vmem>>[vector<16xi32>], vector<16xf32>,
    %max3A_23 = arith.maximumf %max3A_19, %gather3A_22 : vector<16xf32>
    %broadcast_in_dim3A_24 = arith.constant 5 : i32
    %broadcast_in_dim3A_25 = vector.broadcast %broadcast_in_dim3A_24 : i32 to vector<16xi32>
    %gather3A_26 = tpu.vector_load_idx %arg13[%broadcast_in_dim3A_25] : memref<128xf32, #tpu.memory_space<vmem>>[vector<16xi32>], vector<16xf32>,
    %max3A_27 = arith.maximumf %max3A_23, %gather3A_26 : vector<16xf32>
    %broadcast_in_dim3A_28 = arith.constant 6 : i32
    %broadcast_in_dim3A_29 = vector.broadcast %broadcast_in_dim3A_28 : i32 to vector<16xi32>
    %gather3A_30 = tpu.vector_load_idx %arg13[%broadcast_in_dim3A_29] : memref<128xf32, #tpu.memory_space<vmem>>[vector<16xi32>], vector<16xf32>,
    %max3A_31 = arith.maximumf %max3A_27, %gather3A_30 : vector<16xf32>
    %broadcast_in_dim3A_32 = arith.constant 7 : i32
    %broadcast_in_dim3A_33 = vector.broadcast %broadcast_in_dim3A_32 : i32 to vector<16xi32>
    %gather3A_34 = tpu.vector_load_idx %arg13[%broadcast_in_dim3A_33] : memref<128xf32, #tpu.memory_space<vmem>>[vector<16xi32>], vector<16xf32>,
    %max3A_35 = arith.maximumf %max3A_31, %gather3A_34 : vector<16xf32>
    %broadcast_in_dim3A_36 = arith.constant 8 : i32
    %broadcast_in_dim3A_37 = vector.broadcast %broadcast_in_dim3A_36 : i32 to vector<16xi32>
    %gather3A_38 = tpu.vector_load_idx %arg13[%broadcast_in_dim3A_37] : memref<128xf32, #tpu.memory_space<vmem>>[vector<16xi32>], vector<16xf32>,
    %max3A_39 = arith.maximumf %max3A_35, %gather3A_38 : vector<16xf32>
    %broadcast_in_dim3A_40 = arith.constant 9 : i32
    %broadcast_in_dim3A_41 = vector.broadcast %broadcast_in_dim3A_40 : i32 to vector<16xi32>
    %gather3A_42 = tpu.vector_load_idx %arg13[%broadcast_in_dim3A_41] : memref<128xf32, #tpu.memory_space<vmem>>[vector<16xi32>], vector<16xf32>,
    %max3A_43 = arith.maximumf %max3A_39, %gather3A_42 : vector<16xf32>
    %broadcast_in_dim3A_44 = arith.constant 10 : i32
    %broadcast_in_dim3A_45 = vector.broadcast %broadcast_in_dim3A_44 : i32 to vector<16xi32>
    %gather3A_46 = tpu.vector_load_idx %arg13[%broadcast_in_dim3A_45] : memref<128xf32, #tpu.memory_space<vmem>>[vector<16xi32>], vector<16xf32>,
    %max3A_47 = arith.maximumf %max3A_43, %gather3A_46 : vector<16xf32>
    %broadcast_in_dim3A_48 = arith.constant 11 : i32
    %broadcast_in_dim3A_49 = vector.broadcast %broadcast_in_dim3A_48 : i32 to vector<16xi32>
    %gather3A_50 = tpu.vector_load_idx %arg13[%broadcast_in_dim3A_49] : memref<128xf32, #tpu.memory_space<vmem>>[vector<16xi32>], vector<16xf32>,
    %max3A_51 = arith.maximumf %max3A_47, %gather3A_50 : vector<16xf32>
    %broadcast_in_dim3A_52 = arith.constant 12 : i32
    %broadcast_in_dim3A_53 = vector.broadcast %broadcast_in_dim3A_52 : i32 to vector<16xi32>
    %gather3A_54 = tpu.vector_load_idx %arg13[%broadcast_in_dim3A_53] : memref<128xf32, #tpu.memory_space<vmem>>[vector<16xi32>], vector<16xf32>,
    %max3A_55 = arith.maximumf %max3A_51, %gather3A_54 : vector<16xf32>
    %broadcast_in_dim3A_56 = arith.constant 13 : i32
    %broadcast_in_dim3A_57 = vector.broadcast %broadcast_in_dim3A_56 : i32 to vector<16xi32>
    %gather3A_58 = tpu.vector_load_idx %arg13[%broadcast_in_dim3A_57] : memref<128xf32, #tpu.memory_space<vmem>>[vector<16xi32>], vector<16xf32>,
    %max3A_59 = arith.maximumf %max3A_55, %gather3A_58 : vector<16xf32>
    %broadcast_in_dim3A_60 = arith.constant 14 : i32
    %broadcast_in_dim3A_61 = vector.broadcast %broadcast_in_dim3A_60 : i32 to vector<16xi32>
    %gather3A_62 = tpu.vector_load_idx %arg13[%broadcast_in_dim3A_61] : memref<128xf32, #tpu.memory_space<vmem>>[vector<16xi32>], vector<16xf32>,
    %max3A_63 = arith.maximumf %max3A_59, %gather3A_62 : vector<16xf32>
    %broadcast_in_dim3A_64 = arith.constant 15 : i32
    %broadcast_in_dim3A_65 = vector.broadcast %broadcast_in_dim3A_64 : i32 to vector<16xi32>
    %gather3A_66 = tpu.vector_load_idx %arg13[%broadcast_in_dim3A_65] : memref<128xf32, #tpu.memory_space<vmem>>[vector<16xi32>], vector<16xf32>,
    %max3A_67 = arith.maximumf %max3A_63, %gather3A_66 : vector<16xf32>
    %scan3A_68 = arith.constant 0 : i32
    %scan3A_69 = arith.constant 640 : i32
    %scan3A_70 = arith.addi %scan3A_68, %scan3A_69 : i32
    %scan3A_71 = arith.constant 1 : i32
    %scan3A_72 = scf.for %scan3A_282 = %scan3A_68 to %scan3A_70 step %scan3A_71 iter_args(%scan3A_283 = %broadcast_in_dim3A_0) -> (vector<16xf32>)  : i32 {
      %mul3A_284 = arith.constant 16 : i32
      %mul3A_285 = arith.muli %scan3A_282, %mul3A_284 : i32
      %get3A = arith.index_cast %mul3A_285 : i32 to index
      %get3A_286 = tpu.vector_load %arg10[%get3A] {strides = array<i32>} : memref<10240xf32, #tpu.memory_space<vmem>>, vector<16xf32>,
      %max3A_287 = arith.maximumf %scan3A_283, %get3A_286 : vector<16xf32>
      scf.yield %max3A_287 : vector<16xf32>
    }
    %scan3A_73 = arith.constant 640 : i32
    %swap3A_74 = arith.constant 0 : index
    %swap3A_75 = tpu.vector_load %arg13[%swap3A_74] {strides = array<i32>} : memref<128xf32, #tpu.memory_space<vmem>>, vector<16xf32>,
    tpu.vector_store %arg13[%swap3A_74], %scan3A_72 {strides = array<i32>} : memref<128xf32, #tpu.memory_space<vmem>>, vector<16xf32>,
    %broadcast_in_dim3A_76 = arith.constant 0 : i32
    %broadcast_in_dim3A_77 = vector.broadcast %broadcast_in_dim3A_76 : i32 to vector<16xi32>
    %gather3A_78 = tpu.vector_load_idx %arg13[%broadcast_in_dim3A_77] : memref<128xf32, #tpu.memory_space<vmem>>[vector<16xi32>], vector<16xf32>,
    %broadcast_in_dim3A_79 = arith.constant 1 : i32
    %broadcast_in_dim3A_80 = vector.broadcast %broadcast_in_dim3A_79 : i32 to vector<16xi32>
    %gather3A_81 = tpu.vector_load_idx %arg13[%broadcast_in_dim3A_80] : memref<128xf32, #tpu.memory_space<vmem>>[vector<16xi32>], vector<16xf32>,
    %max3A_82 = arith.maximumf %gather3A_78, %gather3A_81 : vector<16xf32>
    %broadcast_in_dim3A_83 = arith.constant 2 : i32
    %broadcast_in_dim3A_84 = vector.broadcast %broadcast_in_dim3A_83 : i32 to vector<16xi32>
    %gather3A_85 = tpu.vector_load_idx %arg13[%broadcast_in_dim3A_84] : memref<128xf32, #tpu.memory_space<vmem>>[vector<16xi32>], vector<16xf32>,
    %max3A_86 = arith.maximumf %max3A_82, %gather3A_85 : vector<16xf32>
    %broadcast_in_dim3A_87 = arith.constant 3 : i32
    %broadcast_in_dim3A_88 = vector.broadcast %broadcast_in_dim3A_87 : i32 to vector<16xi32>
    %gather3A_89 = tpu.vector_load_idx %arg13[%broadcast_in_dim3A_88] : memref<128xf32, #tpu.memory_space<vmem>>[vector<16xi32>], vector<16xf32>,
    %max3A_90 = arith.maximumf %max3A_86, %gather3A_89 : vector<16xf32>
    %broadcast_in_dim3A_91 = arith.constant 4 : i32
    %broadcast_in_dim3A_92 = vector.broadcast %broadcast_in_dim3A_91 : i32 to vector<16xi32>
    %gather3A_93 = tpu.vector_load_idx %arg13[%broadcast_in_dim3A_92] : memref<128xf32, #tpu.memory_space<vmem>>[vector<16xi32>], vector<16xf32>,
    %max3A_94 = arith.maximumf %max3A_90, %gather3A_93 : vector<16xf32>
    %broadcast_in_dim3A_95 = arith.constant 5 : i32
    %broadcast_in_dim3A_96 = vector.broadcast %broadcast_in_dim3A_95 : i32 to vector<16xi32>
    %gather3A_97 = tpu.vector_load_idx %arg13[%broadcast_in_dim3A_96] : memref<128xf32, #tpu.memory_space<vmem>>[vector<16xi32>], vector<16xf32>,
    %max3A_98 = arith.maximumf %max3A_94, %gather3A_97 : vector<16xf32>
    %broadcast_in_dim3A_99 = arith.constant 6 : i32
    %broadcast_in_dim3A_100 = vector.broadcast %broadcast_in_dim3A_99 : i32 to vector<16xi32>
    %gather3A_101 = tpu.vector_load_idx %arg13[%broadcast_in_dim3A_100] : memref<128xf32, #tpu.memory_space<vmem>>[vector<16xi32>], vector<16xf32>,
    %max3A_102 = arith.maximumf %max3A_98, %gather3A_101 : vector<16xf32>
    %broadcast_in_dim3A_103 = arith.constant 7 : i32
    %broadcast_in_dim3A_104 = vector.broadcast %broadcast_in_dim3A_103 : i32 to vector<16xi32>
    %gather3A_105 = tpu.vector_load_idx %arg13[%broadcast_in_dim3A_104] : memref<128xf32, #tpu.memory_space<vmem>>[vector<16xi32>], vector<16xf32>,
    %max3A_106 = arith.maximumf %max3A_102, %gather3A_105 : vector<16xf32>
    %broadcast_in_dim3A_107 = arith.constant 8 : i32
    %broadcast_in_dim3A_108 = vector.broadcast %broadcast_in_dim3A_107 : i32 to vector<16xi32>
    %gather3A_109 = tpu.vector_load_idx %arg13[%broadcast_in_dim3A_108] : memref<128xf32, #tpu.memory_space<vmem>>[vector<16xi32>], vector<16xf32>,
    %max3A_110 = arith.maximumf %max3A_106, %gather3A_109 : vector<16xf32>
    %broadcast_in_dim3A_111 = arith.constant 9 : i32
    %broadcast_in_dim3A_112 = vector.broadcast %broadcast_in_dim3A_111 : i32 to vector<16xi32>
    %gather3A_113 = tpu.vector_load_idx %arg13[%broadcast_in_dim3A_112] : memref<128xf32, #tpu.memory_space<vmem>>[vector<16xi32>], vector<16xf32>,
    %max3A_114 = arith.maximumf %max3A_110, %gather3A_113 : vector<16xf32>
    %broadcast_in_dim3A_115 = arith.constant 10 : i32
    %broadcast_in_dim3A_116 = vector.broadcast %broadcast_in_dim3A_115 : i32 to vector<16xi32>
    %gather3A_117 = tpu.vector_load_idx %arg13[%broadcast_in_dim3A_116] : memref<128xf32, #tpu.memory_space<vmem>>[vector<16xi32>], vector<16xf32>,
    %max3A_118 = arith.maximumf %max3A_114, %gather3A_117 : vector<16xf32>
    %broadcast_in_dim3A_119 = arith.constant 11 : i32
    %broadcast_in_dim3A_120 = vector.broadcast %broadcast_in_dim3A_119 : i32 to vector<16xi32>
    %gather3A_121 = tpu.vector_load_idx %arg13[%broadcast_in_dim3A_120] : memref<128xf32, #tpu.memory_space<vmem>>[vector<16xi32>], vector<16xf32>,
    %max3A_122 = arith.maximumf %max3A_118, %gather3A_121 : vector<16xf32>
    %broadcast_in_dim3A_123 = arith.constant 12 : i32
    %broadcast_in_dim3A_124 = vector.broadcast %broadcast_in_dim3A_123 : i32 to vector<16xi32>
    %gather3A_125 = tpu.vector_load_idx %arg13[%broadcast_in_dim3A_124] : memref<128xf32, #tpu.memory_space<vmem>>[vector<16xi32>], vector<16xf32>,
    %max3A_126 = arith.maximumf %max3A_122, %gather3A_125 : vector<16xf32>
    %broadcast_in_dim3A_127 = arith.constant 13 : i32
    %broadcast_in_dim3A_128 = vector.broadcast %broadcast_in_dim3A_127 : i32 to vector<16xi32>
    %gather3A_129 = tpu.vector_load_idx %arg13[%broadcast_in_dim3A_128] : memref<128xf32, #tpu.memory_space<vmem>>[vector<16xi32>], vector<16xf32>,
    %max3A_130 = arith.maximumf %max3A_126, %gather3A_129 : vector<16xf32>
    %broadcast_in_dim3A_131 = arith.constant 14 : i32
    %broadcast_in_dim3A_132 = vector.broadcast %broadcast_in_dim3A_131 : i32 to vector<16xi32>
    %gather3A_133 = tpu.vector_load_idx %arg13[%broadcast_in_dim3A_132] : memref<128xf32, #tpu.memory_space<vmem>>[vector<16xi32>], vector<16xf32>,
    %max3A_134 = arith.maximumf %max3A_130, %gather3A_133 : vector<16xf32>
    %broadcast_in_dim3A_135 = arith.constant 15 : i32
    %broadcast_in_dim3A_136 = vector.broadcast %broadcast_in_dim3A_135 : i32 to vector<16xi32>
    %gather3A_137 = tpu.vector_load_idx %arg13[%broadcast_in_dim3A_136] : memref<128xf32, #tpu.memory_space<vmem>>[vector<16xi32>], vector<16xf32>,
    %max3A_138 = arith.maximumf %max3A_134, %gather3A_137 : vector<16xf32>
    %add3A = arith.addf %max3A_67, %max3A_138 : vector<16xf32>
    %mul3A = arith.constant 2.000000e-01 : f32
    %mul3A_139 = vector.broadcast %mul3A : f32 to vector<16xf32>
    %mul3A_140 = arith.mulf %mul3A_139, %add3A : vector<16xf32>
    %max3A_141 = arith.maximumf %add3A, %mul3A_140 : vector<16xf32>
    %broadcast_in_dim3A_142 = arith.constant 0.000000e+00 : f32
    %broadcast_in_dim3A_143 = vector.broadcast %broadcast_in_dim3A_142 : f32 to vector<16xf32>
    %scan3A_144 = arith.constant 0 : i32
    %scan3A_145 = arith.constant 0 : i32
    %scan3A_146 = arith.constant 128 : i32
    %scan3A_147 = arith.addi %scan3A_145, %scan3A_146 : i32
    %scan3A_148 = arith.constant 1 : i32
    %scan3A_149 = scf.for %scan3A_282 = %scan3A_145 to %scan3A_147 step %scan3A_148 iter_args(%scan3A_283 = %scan3A_144) -> (i32)  : i32 {
      %swap3A_284 = arith.index_cast %scan3A_282 : i32 to index
      %swap3A_285 = arith.constant 0 : index
      %swap3A_286 = tpu.vector_load %arg15[%swap3A_284, %swap3A_285] {strides = array<i32>} : memref<128x64xf32, #tpu.memory_space<vmem>>, vector<16xf32>,
      tpu.vector_store %arg15[%swap3A_284, %swap3A_285], %broadcast_in_dim3A_143 {strides = array<i32>} : memref<128x64xf32, #tpu.memory_space<vmem>>, vector<16xf32>,
      %swap3A_287 = arith.index_cast %scan3A_282 : i32 to index
      %swap3A_288 = arith.constant 0 : index
      %swap3A_289 = tpu.vector_load %arg16[%swap3A_287, %swap3A_288] {strides = array<i32>} : memref<128x64xf32, #tpu.memory_space<vmem>>, vector<16xf32>,
      tpu.vector_store %arg16[%swap3A_287, %swap3A_288], %broadcast_in_dim3A_143 {strides = array<i32>} : memref<128x64xf32, #tpu.memory_space<vmem>>, vector<16xf32>,
      %swap3A_290 = arith.index_cast %scan3A_282 : i32 to index
      %swap3A_291 = arith.constant 16 : index
      %swap3A_292 = tpu.vector_load %arg15[%swap3A_290, %swap3A_291] {strides = array<i32>} : memref<128x64xf32, #tpu.memory_space<vmem>>, vector<16xf32>,
      tpu.vector_store %arg15[%swap3A_290, %swap3A_291], %broadcast_in_dim3A_143 {strides = array<i32>} : memref<128x64xf32, #tpu.memory_space<vmem>>, vector<16xf32>,
      %swap3A_293 = arith.index_cast %scan3A_282 : i32 to index
      %swap3A_294 = arith.constant 16 : index
      %swap3A_295 = tpu.vector_load %arg16[%swap3A_293, %swap3A_294] {strides = array<i32>} : memref<128x64xf32, #tpu.memory_space<vmem>>, vector<16xf32>,
      tpu.vector_store %arg16[%swap3A_293, %swap3A_294], %broadcast_in_dim3A_143 {strides = array<i32>} : memref<128x64xf32, #tpu.memory_space<vmem>>, vector<16xf32>,
      %swap3A_296 = arith.index_cast %scan3A_282 : i32 to index
      %swap3A_297 = arith.constant 32 : index
      %swap3A_298 = tpu.vector_load %arg15[%swap3A_296, %swap3A_297] {strides = array<i32>} : memref<128x64xf32, #tpu.memory_space<vmem>>, vector<16xf32>,
      tpu.vector_store %arg15[%swap3A_296, %swap3A_297], %broadcast_in_dim3A_143 {strides = array<i32>} : memref<128x64xf32, #tpu.memory_space<vmem>>, vector<16xf32>,
      %swap3A_299 = arith.index_cast %scan3A_282 : i32 to index
      %swap3A_300 = arith.constant 32 : index
      %swap3A_301 = tpu.vector_load %arg16[%swap3A_299, %swap3A_300] {strides = array<i32>} : memref<128x64xf32, #tpu.memory_space<vmem>>, vector<16xf32>,
      tpu.vector_store %arg16[%swap3A_299, %swap3A_300], %broadcast_in_dim3A_143 {strides = array<i32>} : memref<128x64xf32, #tpu.memory_space<vmem>>, vector<16xf32>,
      %swap3A_302 = arith.index_cast %scan3A_282 : i32 to index
      %swap3A_303 = arith.constant 48 : index
      %swap3A_304 = tpu.vector_load %arg15[%swap3A_302, %swap3A_303] {strides = array<i32>} : memref<128x64xf32, #tpu.memory_space<vmem>>, vector<16xf32>,
      tpu.vector_store %arg15[%swap3A_302, %swap3A_303], %broadcast_in_dim3A_143 {strides = array<i32>} : memref<128x64xf32, #tpu.memory_space<vmem>>, vector<16xf32>,
      %swap3A_305 = arith.index_cast %scan3A_282 : i32 to index
      %swap3A_306 = arith.constant 48 : index
      %swap3A_307 = tpu.vector_load %arg16[%swap3A_305, %swap3A_306] {strides = array<i32>} : memref<128x64xf32, #tpu.memory_space<vmem>>, vector<16xf32>,
      tpu.vector_store %arg16[%swap3A_305, %swap3A_306], %broadcast_in_dim3A_143 {strides = array<i32>} : memref<128x64xf32, #tpu.memory_space<vmem>>, vector<16xf32>,
      %scan3A_308 = arith.constant 0 : i32
      scf.yield %scan3A_308 : i32
    }
    %scan3A_150 = arith.constant 128 : i32
    %swap3A_151 = arith.constant 0 : index
    %swap3A_152 = tpu.vector_load %arg13[%swap3A_151] {strides = array<i32>} : memref<128xf32, #tpu.memory_space<vmem>>, vector<16xf32>,
    tpu.vector_store %arg13[%swap3A_151], %broadcast_in_dim3A_143 {strides = array<i32>} : memref<128xf32, #tpu.memory_space<vmem>>, vector<16xf32>,
    %swap3A_153 = arith.constant 0 : index
    %swap3A_154 = tpu.vector_load %arg14[%swap3A_153] {strides = array<i32>} : memref<128xf32, #tpu.memory_space<vmem>>, vector<16xf32>,
    tpu.vector_store %arg14[%swap3A_153], %broadcast_in_dim3A_143 {strides = array<i32>} : memref<128xf32, #tpu.memory_space<vmem>>, vector<16xf32>,
    %swap3A_155 = arith.constant 16 : index
    %swap3A_156 = tpu.vector_load %arg13[%swap3A_155] {strides = array<i32>} : memref<128xf32, #tpu.memory_space<vmem>>, vector<16xf32>,
    tpu.vector_store %arg13[%swap3A_155], %broadcast_in_dim3A_143 {strides = array<i32>} : memref<128xf32, #tpu.memory_space<vmem>>, vector<16xf32>,
    %swap3A_157 = arith.constant 16 : index
    %swap3A_158 = tpu.vector_load %arg14[%swap3A_157] {strides = array<i32>} : memref<128xf32, #tpu.memory_space<vmem>>, vector<16xf32>,
    tpu.vector_store %arg14[%swap3A_157], %broadcast_in_dim3A_143 {strides = array<i32>} : memref<128xf32, #tpu.memory_space<vmem>>, vector<16xf32>,
    %swap3A_159 = arith.constant 32 : index
    %swap3A_160 = tpu.vector_load %arg13[%swap3A_159] {strides = array<i32>} : memref<128xf32, #tpu.memory_space<vmem>>, vector<16xf32>,
    tpu.vector_store %arg13[%swap3A_159], %broadcast_in_dim3A_143 {strides = array<i32>} : memref<128xf32, #tpu.memory_space<vmem>>, vector<16xf32>,
    %swap3A_161 = arith.constant 32 : index
    %swap3A_162 = tpu.vector_load %arg14[%swap3A_161] {strides = array<i32>} : memref<128xf32, #tpu.memory_space<vmem>>, vector<16xf32>,
    tpu.vector_store %arg14[%swap3A_161], %broadcast_in_dim3A_143 {strides = array<i32>} : memref<128xf32, #tpu.memory_space<vmem>>, vector<16xf32>,
    %swap3A_163 = arith.constant 48 : index
    %swap3A_164 = tpu.vector_load %arg13[%swap3A_163] {strides = array<i32>} : memref<128xf32, #tpu.memory_space<vmem>>, vector<16xf32>,
    tpu.vector_store %arg13[%swap3A_163], %broadcast_in_dim3A_143 {strides = array<i32>} : memref<128xf32, #tpu.memory_space<vmem>>, vector<16xf32>,
    %swap3A_165 = arith.constant 48 : index
    %swap3A_166 = tpu.vector_load %arg14[%swap3A_165] {strides = array<i32>} : memref<128xf32, #tpu.memory_space<vmem>>, vector<16xf32>,
    tpu.vector_store %arg14[%swap3A_165], %broadcast_in_dim3A_143 {strides = array<i32>} : memref<128xf32, #tpu.memory_space<vmem>>, vector<16xf32>,
    %swap3A_167 = arith.constant 64 : index
    %swap3A_168 = tpu.vector_load %arg13[%swap3A_167] {strides = array<i32>} : memref<128xf32, #tpu.memory_space<vmem>>, vector<16xf32>,
    tpu.vector_store %arg13[%swap3A_167], %broadcast_in_dim3A_143 {strides = array<i32>} : memref<128xf32, #tpu.memory_space<vmem>>, vector<16xf32>,
    %swap3A_169 = arith.constant 64 : index
    %swap3A_170 = tpu.vector_load %arg14[%swap3A_169] {strides = array<i32>} : memref<128xf32, #tpu.memory_space<vmem>>, vector<16xf32>,
    tpu.vector_store %arg14[%swap3A_169], %broadcast_in_dim3A_143 {strides = array<i32>} : memref<128xf32, #tpu.memory_space<vmem>>, vector<16xf32>,
    %swap3A_171 = arith.constant 80 : index
    %swap3A_172 = tpu.vector_load %arg13[%swap3A_171] {strides = array<i32>} : memref<128xf32, #tpu.memory_space<vmem>>, vector<16xf32>,
    tpu.vector_store %arg13[%swap3A_171], %broadcast_in_dim3A_143 {strides = array<i32>} : memref<128xf32, #tpu.memory_space<vmem>>, vector<16xf32>,
    %swap3A_173 = arith.constant 80 : index
    %swap3A_174 = tpu.vector_load %arg14[%swap3A_173] {strides = array<i32>} : memref<128xf32, #tpu.memory_space<vmem>>, vector<16xf32>,
    tpu.vector_store %arg14[%swap3A_173], %broadcast_in_dim3A_143 {strides = array<i32>} : memref<128xf32, #tpu.memory_space<vmem>>, vector<16xf32>,
    %swap3A_175 = arith.constant 96 : index
    %swap3A_176 = tpu.vector_load %arg13[%swap3A_175] {strides = array<i32>} : memref<128xf32, #tpu.memory_space<vmem>>, vector<16xf32>,
    tpu.vector_store %arg13[%swap3A_175], %broadcast_in_dim3A_143 {strides = array<i32>} : memref<128xf32, #tpu.memory_space<vmem>>, vector<16xf32>,
    %swap3A_177 = arith.constant 96 : index
    %swap3A_178 = tpu.vector_load %arg14[%swap3A_177] {strides = array<i32>} : memref<128xf32, #tpu.memory_space<vmem>>, vector<16xf32>,
    tpu.vector_store %arg14[%swap3A_177], %broadcast_in_dim3A_143 {strides = array<i32>} : memref<128xf32, #tpu.memory_space<vmem>>, vector<16xf32>,
    %swap3A_179 = arith.constant 112 : index
    %swap3A_180 = tpu.vector_load %arg13[%swap3A_179] {strides = array<i32>} : memref<128xf32, #tpu.memory_space<vmem>>, vector<16xf32>,
    tpu.vector_store %arg13[%swap3A_179], %broadcast_in_dim3A_143 {strides = array<i32>} : memref<128xf32, #tpu.memory_space<vmem>>, vector<16xf32>,
    %swap3A_181 = arith.constant 112 : index
    %swap3A_182 = tpu.vector_load %arg14[%swap3A_181] {strides = array<i32>} : memref<128xf32, #tpu.memory_space<vmem>>, vector<16xf32>,
    tpu.vector_store %arg14[%swap3A_181], %broadcast_in_dim3A_143 {strides = array<i32>} : memref<128xf32, #tpu.memory_space<vmem>>, vector<16xf32>,
    %mul3A_183 = arith.constant 640 : i32
    %mul3A_184 = arith.muli %arg1, %mul3A_183 : i32
    %add3A_185 = arith.constant 0 : i32
    %add3A_186 = arith.addi %mul3A_184, %add3A_185 : i32
    "tpu.region"() ({
      %run_scoped3A = tpu.sem_alloc : memref<!tpu.dma_semaphore, #tpu.memory_space<semaphore_mem>>
      %dma_start3A_282 = arith.constant 0 : i32
      %dma_start3A_283 = tpu.memref_slice %arg17[%add3A_186, %dma_start3A_282] : memref<10240x64xf32, #tpu.memory_space<vmem_shared>> -> memref<128x64xf32, #tpu.memory_space<vmem_shared>>
      %dma_start3A_284 = arith.constant 0 : i32
      %dma_start3A_285 = tpu.memref_slice %arg17[%add3A_186, %dma_start3A_284] : memref<10240x64xf32, #tpu.memory_space<vmem_shared>> -> memref<128x64xf32, #tpu.memory_space<vmem_shared>>
      tpu.enqueue_dma source(%arg15 : memref<128x64xf32, #tpu.memory_space<vmem>>) target(%dma_start3A_285 : memref<128x64xf32, #tpu.memory_space<vmem_shared>>) target_semaphore(%run_scoped3A : memref<!tpu.dma_semaphore, #tpu.memory_space<semaphore_mem>>)
      %dma_wait3A_286 = arith.constant 0 : i32
      %dma_wait3A_287 = tpu.memref_slice %arg17[%add3A_186, %dma_wait3A_286] : memref<10240x64xf32, #tpu.memory_space<vmem_shared>> -> memref<128x64xf32, #tpu.memory_space<vmem_shared>>
      %dma_wait3A_288 = arith.constant 0 : i32
      %dma_wait3A_289 = tpu.memref_slice %arg17[%add3A_186, %dma_wait3A_288] : memref<10240x64xf32, #tpu.memory_space<vmem_shared>> -> memref<128x64xf32, #tpu.memory_space<vmem_shared>>
      tpu.wait_dma2 semaphore(%run_scoped3A : memref<!tpu.dma_semaphore, #tpu.memory_space<semaphore_mem>>) src(%arg15 : memref<128x64xf32, #tpu.memory_space<vmem>>) dst(%dma_wait3A_289 : memref<128x64xf32, #tpu.memory_space<vmem_shared>>)
      tpu.yield
    }) : () -> ()
    %add3A_187 = arith.constant 0 : i32
    %add3A_188 = arith.addi %mul3A_184, %add3A_187 : i32
    "tpu.region"() ({
      %run_scoped3A = tpu.sem_alloc : memref<!tpu.dma_semaphore, #tpu.memory_space<semaphore_mem>>
      %dma_start3A_282 = tpu.memref_slice %arg18[%add3A_188] : memref<10240xf32, #tpu.memory_space<vmem_shared>> -> memref<128xf32, #tpu.memory_space<vmem_shared>>
      %dma_start3A_283 = tpu.memref_slice %arg18[%add3A_188] : memref<10240xf32, #tpu.memory_space<vmem_shared>> -> memref<128xf32, #tpu.memory_space<vmem_shared>>
      tpu.enqueue_dma source(%arg13 : memref<128xf32, #tpu.memory_space<vmem>>) target(%dma_start3A_283 : memref<128xf32, #tpu.memory_space<vmem_shared>>) target_semaphore(%run_scoped3A : memref<!tpu.dma_semaphore, #tpu.memory_space<semaphore_mem>>)
      %dma_wait3A_284 = tpu.memref_slice %arg18[%add3A_188] : memref<10240xf32, #tpu.memory_space<vmem_shared>> -> memref<128xf32, #tpu.memory_space<vmem_shared>>
      %dma_wait3A_285 = tpu.memref_slice %arg18[%add3A_188] : memref<10240xf32, #tpu.memory_space<vmem_shared>> -> memref<128xf32, #tpu.memory_space<vmem_shared>>
      tpu.wait_dma2 semaphore(%run_scoped3A : memref<!tpu.dma_semaphore, #tpu.memory_space<semaphore_mem>>) src(%arg13 : memref<128xf32, #tpu.memory_space<vmem>>) dst(%dma_wait3A_285 : memref<128xf32, #tpu.memory_space<vmem_shared>>)
      tpu.yield
    }) : () -> ()
    %add3A_189 = arith.constant 128 : i32
    %add3A_190 = arith.addi %mul3A_184, %add3A_189 : i32
    "tpu.region"() ({
      %run_scoped3A = tpu.sem_alloc : memref<!tpu.dma_semaphore, #tpu.memory_space<semaphore_mem>>
      %dma_start3A_282 = arith.constant 0 : i32
      %dma_start3A_283 = tpu.memref_slice %arg17[%add3A_190, %dma_start3A_282] : memref<10240x64xf32, #tpu.memory_space<vmem_shared>> -> memref<128x64xf32, #tpu.memory_space<vmem_shared>>
      %dma_start3A_284 = arith.constant 0 : i32
      %dma_start3A_285 = tpu.memref_slice %arg17[%add3A_190, %dma_start3A_284] : memref<10240x64xf32, #tpu.memory_space<vmem_shared>> -> memref<128x64xf32, #tpu.memory_space<vmem_shared>>
      tpu.enqueue_dma source(%arg15 : memref<128x64xf32, #tpu.memory_space<vmem>>) target(%dma_start3A_285 : memref<128x64xf32, #tpu.memory_space<vmem_shared>>) target_semaphore(%run_scoped3A : memref<!tpu.dma_semaphore, #tpu.memory_space<semaphore_mem>>)
      %dma_wait3A_286 = arith.constant 0 : i32
      %dma_wait3A_287 = tpu.memref_slice %arg17[%add3A_190, %dma_wait3A_286] : memref<10240x64xf32, #tpu.memory_space<vmem_shared>> -> memref<128x64xf32, #tpu.memory_space<vmem_shared>>
      %dma_wait3A_288 = arith.constant 0 : i32
      %dma_wait3A_289 = tpu.memref_slice %arg17[%add3A_190, %dma_wait3A_288] : memref<10240x64xf32, #tpu.memory_space<vmem_shared>> -> memref<128x64xf32, #tpu.memory_space<vmem_shared>>
      tpu.wait_dma2 semaphore(%run_scoped3A : memref<!tpu.dma_semaphore, #tpu.memory_space<semaphore_mem>>) src(%arg15 : memref<128x64xf32, #tpu.memory_space<vmem>>) dst(%dma_wait3A_289 : memref<128x64xf32, #tpu.memory_space<vmem_shared>>)
      tpu.yield
    }) : () -> ()
    %add3A_191 = arith.constant 128 : i32
    %add3A_192 = arith.addi %mul3A_184, %add3A_191 : i32
    "tpu.region"() ({
      %run_scoped3A = tpu.sem_alloc : memref<!tpu.dma_semaphore, #tpu.memory_space<semaphore_mem>>
      %dma_start3A_282 = tpu.memref_slice %arg18[%add3A_192] : memref<10240xf32, #tpu.memory_space<vmem_shared>> -> memref<128xf32, #tpu.memory_space<vmem_shared>>
      %dma_start3A_283 = tpu.memref_slice %arg18[%add3A_192] : memref<10240xf32, #tpu.memory_space<vmem_shared>> -> memref<128xf32, #tpu.memory_space<vmem_shared>>
      tpu.enqueue_dma source(%arg13 : memref<128xf32, #tpu.memory_space<vmem>>) target(%dma_start3A_283 : memref<128xf32, #tpu.memory_space<vmem_shared>>) target_semaphore(%run_scoped3A : memref<!tpu.dma_semaphore, #tpu.memory_space<semaphore_mem>>)
      %dma_wait3A_284 = tpu.memref_slice %arg18[%add3A_192] : memref<10240xf32, #tpu.memory_space<vmem_shared>> -> memref<128xf32, #tpu.memory_space<vmem_shared>>
      %dma_wait3A_285 = tpu.memref_slice %arg18[%add3A_192] : memref<10240xf32, #tpu.memory_space<vmem_shared>> -> memref<128xf32, #tpu.memory_space<vmem_shared>>
      tpu.wait_dma2 semaphore(%run_scoped3A : memref<!tpu.dma_semaphore, #tpu.memory_space<semaphore_mem>>) src(%arg13 : memref<128xf32, #tpu.memory_space<vmem>>) dst(%dma_wait3A_285 : memref<128xf32, #tpu.memory_space<vmem_shared>>)
      tpu.yield
    }) : () -> ()
    %add3A_193 = arith.constant 256 : i32
    %add3A_194 = arith.addi %mul3A_184, %add3A_193 : i32
    "tpu.region"() ({
      %run_scoped3A = tpu.sem_alloc : memref<!tpu.dma_semaphore, #tpu.memory_space<semaphore_mem>>
      %dma_start3A_282 = arith.constant 0 : i32
      %dma_start3A_283 = tpu.memref_slice %arg17[%add3A_194, %dma_start3A_282] : memref<10240x64xf32, #tpu.memory_space<vmem_shared>> -> memref<128x64xf32, #tpu.memory_space<vmem_shared>>
      %dma_start3A_284 = arith.constant 0 : i32
      %dma_start3A_285 = tpu.memref_slice %arg17[%add3A_194, %dma_start3A_284] : memref<10240x64xf32, #tpu.memory_space<vmem_shared>> -> memref<128x64xf32, #tpu.memory_space<vmem_shared>>
      tpu.enqueue_dma source(%arg15 : memref<128x64xf32, #tpu.memory_space<vmem>>) target(%dma_start3A_285 : memref<128x64xf32, #tpu.memory_space<vmem_shared>>) target_semaphore(%run_scoped3A : memref<!tpu.dma_semaphore, #tpu.memory_space<semaphore_mem>>)
      %dma_wait3A_286 = arith.constant 0 : i32
      %dma_wait3A_287 = tpu.memref_slice %arg17[%add3A_194, %dma_wait3A_286] : memref<10240x64xf32, #tpu.memory_space<vmem_shared>> -> memref<128x64xf32, #tpu.memory_space<vmem_shared>>
      %dma_wait3A_288 = arith.constant 0 : i32
      %dma_wait3A_289 = tpu.memref_slice %arg17[%add3A_194, %dma_wait3A_288] : memref<10240x64xf32, #tpu.memory_space<vmem_shared>> -> memref<128x64xf32, #tpu.memory_space<vmem_shared>>
      tpu.wait_dma2 semaphore(%run_scoped3A : memref<!tpu.dma_semaphore, #tpu.memory_space<semaphore_mem>>) src(%arg15 : memref<128x64xf32, #tpu.memory_space<vmem>>) dst(%dma_wait3A_289 : memref<128x64xf32, #tpu.memory_space<vmem_shared>>)
      tpu.yield
    }) : () -> ()
    %add3A_195 = arith.constant 256 : i32
    %add3A_196 = arith.addi %mul3A_184, %add3A_195 : i32
    "tpu.region"() ({
      %run_scoped3A = tpu.sem_alloc : memref<!tpu.dma_semaphore, #tpu.memory_space<semaphore_mem>>
      %dma_start3A_282 = tpu.memref_slice %arg18[%add3A_196] : memref<10240xf32, #tpu.memory_space<vmem_shared>> -> memref<128xf32, #tpu.memory_space<vmem_shared>>
      %dma_start3A_283 = tpu.memref_slice %arg18[%add3A_196] : memref<10240xf32, #tpu.memory_space<vmem_shared>> -> memref<128xf32, #tpu.memory_space<vmem_shared>>
      tpu.enqueue_dma source(%arg13 : memref<128xf32, #tpu.memory_space<vmem>>) target(%dma_start3A_283 : memref<128xf32, #tpu.memory_space<vmem_shared>>) target_semaphore(%run_scoped3A : memref<!tpu.dma_semaphore, #tpu.memory_space<semaphore_mem>>)
      %dma_wait3A_284 = tpu.memref_slice %arg18[%add3A_196] : memref<10240xf32, #tpu.memory_space<vmem_shared>> -> memref<128xf32, #tpu.memory_space<vmem_shared>>
      %dma_wait3A_285 = tpu.memref_slice %arg18[%add3A_196] : memref<10240xf32, #tpu.memory_space<vmem_shared>> -> memref<128xf32, #tpu.memory_space<vmem_shared>>
      tpu.wait_dma2 semaphore(%run_scoped3A : memref<!tpu.dma_semaphore, #tpu.memory_space<semaphore_mem>>) src(%arg13 : memref<128xf32, #tpu.memory_space<vmem>>) dst(%dma_wait3A_285 : memref<128xf32, #tpu.memory_space<vmem_shared>>)
      tpu.yield
    }) : () -> ()
    %add3A_197 = arith.constant 384 : i32
    %add3A_198 = arith.addi %mul3A_184, %add3A_197 : i32
    "tpu.region"() ({
      %run_scoped3A = tpu.sem_alloc : memref<!tpu.dma_semaphore, #tpu.memory_space<semaphore_mem>>
      %dma_start3A_282 = arith.constant 0 : i32
      %dma_start3A_283 = tpu.memref_slice %arg17[%add3A_198, %dma_start3A_282] : memref<10240x64xf32, #tpu.memory_space<vmem_shared>> -> memref<128x64xf32, #tpu.memory_space<vmem_shared>>
      %dma_start3A_284 = arith.constant 0 : i32
      %dma_start3A_285 = tpu.memref_slice %arg17[%add3A_198, %dma_start3A_284] : memref<10240x64xf32, #tpu.memory_space<vmem_shared>> -> memref<128x64xf32, #tpu.memory_space<vmem_shared>>
      tpu.enqueue_dma source(%arg15 : memref<128x64xf32, #tpu.memory_space<vmem>>) target(%dma_start3A_285 : memref<128x64xf32, #tpu.memory_space<vmem_shared>>) target_semaphore(%run_scoped3A : memref<!tpu.dma_semaphore, #tpu.memory_space<semaphore_mem>>)
      %dma_wait3A_286 = arith.constant 0 : i32
      %dma_wait3A_287 = tpu.memref_slice %arg17[%add3A_198, %dma_wait3A_286] : memref<10240x64xf32, #tpu.memory_space<vmem_shared>> -> memref<128x64xf32, #tpu.memory_space<vmem_shared>>
      %dma_wait3A_288 = arith.constant 0 : i32
      %dma_wait3A_289 = tpu.memref_slice %arg17[%add3A_198, %dma_wait3A_288] : memref<10240x64xf32, #tpu.memory_space<vmem_shared>> -> memref<128x64xf32, #tpu.memory_space<vmem_shared>>
      tpu.wait_dma2 semaphore(%run_scoped3A : memref<!tpu.dma_semaphore, #tpu.memory_space<semaphore_mem>>) src(%arg15 : memref<128x64xf32, #tpu.memory_space<vmem>>) dst(%dma_wait3A_289 : memref<128x64xf32, #tpu.memory_space<vmem_shared>>)
      tpu.yield
    }) : () -> ()
    %add3A_199 = arith.constant 384 : i32
    %add3A_200 = arith.addi %mul3A_184, %add3A_199 : i32
    "tpu.region"() ({
      %run_scoped3A = tpu.sem_alloc : memref<!tpu.dma_semaphore, #tpu.memory_space<semaphore_mem>>
      %dma_start3A_282 = tpu.memref_slice %arg18[%add3A_200] : memref<10240xf32, #tpu.memory_space<vmem_shared>> -> memref<128xf32, #tpu.memory_space<vmem_shared>>
      %dma_start3A_283 = tpu.memref_slice %arg18[%add3A_200] : memref<10240xf32, #tpu.memory_space<vmem_shared>> -> memref<128xf32, #tpu.memory_space<vmem_shared>>
      tpu.enqueue_dma source(%arg13 : memref<128xf32, #tpu.memory_space<vmem>>) target(%dma_start3A_283 : memref<128xf32, #tpu.memory_space<vmem_shared>>) target_semaphore(%run_scoped3A : memref<!tpu.dma_semaphore, #tpu.memory_space<semaphore_mem>>)
      %dma_wait3A_284 = tpu.memref_slice %arg18[%add3A_200] : memref<10240xf32, #tpu.memory_space<vmem_shared>> -> memref<128xf32, #tpu.memory_space<vmem_shared>>
      %dma_wait3A_285 = tpu.memref_slice %arg18[%add3A_200] : memref<10240xf32, #tpu.memory_space<vmem_shared>> -> memref<128xf32, #tpu.memory_space<vmem_shared>>
      tpu.wait_dma2 semaphore(%run_scoped3A : memref<!tpu.dma_semaphore, #tpu.memory_space<semaphore_mem>>) src(%arg13 : memref<128xf32, #tpu.memory_space<vmem>>) dst(%dma_wait3A_285 : memref<128xf32, #tpu.memory_space<vmem_shared>>)
      tpu.yield
    }) : () -> ()
    %add3A_201 = arith.constant 512 : i32
    %add3A_202 = arith.addi %mul3A_184, %add3A_201 : i32
    "tpu.region"() ({
      %run_scoped3A = tpu.sem_alloc : memref<!tpu.dma_semaphore, #tpu.memory_space<semaphore_mem>>
      %dma_start3A_282 = arith.constant 0 : i32
      %dma_start3A_283 = tpu.memref_slice %arg17[%add3A_202, %dma_start3A_282] : memref<10240x64xf32, #tpu.memory_space<vmem_shared>> -> memref<128x64xf32, #tpu.memory_space<vmem_shared>>
      %dma_start3A_284 = arith.constant 0 : i32
      %dma_start3A_285 = tpu.memref_slice %arg17[%add3A_202, %dma_start3A_284] : memref<10240x64xf32, #tpu.memory_space<vmem_shared>> -> memref<128x64xf32, #tpu.memory_space<vmem_shared>>
      tpu.enqueue_dma source(%arg15 : memref<128x64xf32, #tpu.memory_space<vmem>>) target(%dma_start3A_285 : memref<128x64xf32, #tpu.memory_space<vmem_shared>>) target_semaphore(%run_scoped3A : memref<!tpu.dma_semaphore, #tpu.memory_space<semaphore_mem>>)
      %dma_wait3A_286 = arith.constant 0 : i32
      %dma_wait3A_287 = tpu.memref_slice %arg17[%add3A_202, %dma_wait3A_286] : memref<10240x64xf32, #tpu.memory_space<vmem_shared>> -> memref<128x64xf32, #tpu.memory_space<vmem_shared>>
      %dma_wait3A_288 = arith.constant 0 : i32
      %dma_wait3A_289 = tpu.memref_slice %arg17[%add3A_202, %dma_wait3A_288] : memref<10240x64xf32, #tpu.memory_space<vmem_shared>> -> memref<128x64xf32, #tpu.memory_space<vmem_shared>>
      tpu.wait_dma2 semaphore(%run_scoped3A : memref<!tpu.dma_semaphore, #tpu.memory_space<semaphore_mem>>) src(%arg15 : memref<128x64xf32, #tpu.memory_space<vmem>>) dst(%dma_wait3A_289 : memref<128x64xf32, #tpu.memory_space<vmem_shared>>)
      tpu.yield
    }) : () -> ()
    %add3A_203 = arith.constant 512 : i32
    %add3A_204 = arith.addi %mul3A_184, %add3A_203 : i32
    "tpu.region"() ({
      %run_scoped3A = tpu.sem_alloc : memref<!tpu.dma_semaphore, #tpu.memory_space<semaphore_mem>>
      %dma_start3A_282 = tpu.memref_slice %arg18[%add3A_204] : memref<10240xf32, #tpu.memory_space<vmem_shared>> -> memref<128xf32, #tpu.memory_space<vmem_shared>>
      %dma_start3A_283 = tpu.memref_slice %arg18[%add3A_204] : memref<10240xf32, #tpu.memory_space<vmem_shared>> -> memref<128xf32, #tpu.memory_space<vmem_shared>>
      tpu.enqueue_dma source(%arg13 : memref<128xf32, #tpu.memory_space<vmem>>) target(%dma_start3A_283 : memref<128xf32, #tpu.memory_space<vmem_shared>>) target_semaphore(%run_scoped3A : memref<!tpu.dma_semaphore, #tpu.memory_space<semaphore_mem>>)
      %dma_wait3A_284 = tpu.memref_slice %arg18[%add3A_204] : memref<10240xf32, #tpu.memory_space<vmem_shared>> -> memref<128xf32, #tpu.memory_space<vmem_shared>>
      %dma_wait3A_285 = tpu.memref_slice %arg18[%add3A_204] : memref<10240xf32, #tpu.memory_space<vmem_shared>> -> memref<128xf32, #tpu.memory_space<vmem_shared>>
      tpu.wait_dma2 semaphore(%run_scoped3A : memref<!tpu.dma_semaphore, #tpu.memory_space<semaphore_mem>>) src(%arg13 : memref<128xf32, #tpu.memory_space<vmem>>) dst(%dma_wait3A_285 : memref<128xf32, #tpu.memory_space<vmem_shared>>)
      tpu.yield
    }) : () -> ()
    %barrier3A = arith.constant 0 : index
    tpu.barrier barrier_id(%barrier3A)
    %dma_start3A = arith.constant 0 : i32
    %dma_start3A_205 = arith.constant 0 : i32
    %dma_start3A_206 = tpu.memref_slice %arg12[%dma_start3A, %dma_start3A_205] : memref<162x128xi32, #tpu.memory_space<vmem>> -> memref<1x128xi32, #tpu.memory_space<vmem>>
    %dma_start3A_207 = tpu.memref_squeeze %dma_start3A_206 : memref<1x128xi32, #tpu.memory_space<vmem>> -> memref<128xi32, #tpu.memory_space<vmem>>
    %dma_start3A_208 = arith.constant 0 : i32
    %dma_start3A_209 = arith.constant 0 : i32
    %dma_start3A_210 = tpu.memref_slice %arg17[%dma_start3A_208, %dma_start3A_209] : memref<10240x64xf32, #tpu.memory_space<vmem_shared>> -> memref<10240x64xf32, #tpu.memory_space<vmem_shared>>
    tpu.enqueue_indirect_dma source(%arg15 : memref<128x64xf32, #tpu.memory_space<vmem>>) target(%dma_start3A_210 : memref<10240x64xf32, #tpu.memory_space<vmem_shared>>) offsets(%dma_start3A_207 : memref<128xi32, #tpu.memory_space<vmem>>) semaphore(%arg21 : memref<!tpu.dma_semaphore, #tpu.memory_space<semaphore_mem>>) {add = true}
    %dma_start3A_211 = arith.constant 0 : i32
    %dma_start3A_212 = arith.constant 0 : i32
    %dma_start3A_213 = tpu.memref_slice %arg12[%dma_start3A_211, %dma_start3A_212] : memref<162x128xi32, #tpu.memory_space<vmem>> -> memref<1x128xi32, #tpu.memory_space<vmem>>
    %dma_start3A_214 = tpu.memref_squeeze %dma_start3A_213 : memref<1x128xi32, #tpu.memory_space<vmem>> -> memref<128xi32, #tpu.memory_space<vmem>>
    %dma_start3A_215 = arith.constant 0 : i32
    %dma_start3A_216 = tpu.memref_slice %arg18[%dma_start3A_215] : memref<10240xf32, #tpu.memory_space<vmem_shared>> -> memref<10240xf32, #tpu.memory_space<vmem_shared>>
    tpu.enqueue_indirect_dma source(%arg13 : memref<128xf32, #tpu.memory_space<vmem>>) target(%dma_start3A_216 : memref<10240xf32, #tpu.memory_space<vmem_shared>>) offsets(%dma_start3A_214 : memref<128xi32, #tpu.memory_space<vmem>>) semaphore(%arg21 : memref<!tpu.dma_semaphore, #tpu.memory_space<semaphore_mem>>) {add = true}
    %dma_start3A_217 = arith.constant 0 : i32
    %dma_start3A_218 = arith.constant 0 : i32
    %dma_start3A_219 = tpu.memref_slice %arg12[%dma_start3A_217, %dma_start3A_218] : memref<162x128xi32, #tpu.memory_space<vmem>> -> memref<1x128xi32, #tpu.memory_space<vmem>>
    %dma_start3A_220 = tpu.memref_squeeze %dma_start3A_219 : memref<1x128xi32, #tpu.memory_space<vmem>> -> memref<128xi32, #tpu.memory_space<vmem>>
    %dma_start3A_221 = arith.constant 0 : i32
    %dma_start3A_222 = arith.constant 0 : i32
    %dma_start3A_223 = tpu.memref_slice %arg17[%dma_start3A_221, %dma_start3A_222] : memref<10240x64xf32, #tpu.memory_space<vmem_shared>> -> memref<10240x64xf32, #tpu.memory_space<vmem_shared>>
    tpu.enqueue_indirect_dma source(%arg16 : memref<128x64xf32, #tpu.memory_space<vmem>>) target(%dma_start3A_223 : memref<10240x64xf32, #tpu.memory_space<vmem_shared>>) offsets(%dma_start3A_220 : memref<128xi32, #tpu.memory_space<vmem>>) semaphore(%arg22 : memref<!tpu.dma_semaphore, #tpu.memory_space<semaphore_mem>>) {add = true}
    %dma_start3A_224 = arith.constant 0 : i32
    %dma_start3A_225 = arith.constant 0 : i32
    %dma_start3A_226 = tpu.memref_slice %arg12[%dma_start3A_224, %dma_start3A_225] : memref<162x128xi32, #tpu.memory_space<vmem>> -> memref<1x128xi32, #tpu.memory_space<vmem>>
    %dma_start3A_227 = tpu.memref_squeeze %dma_start3A_226 : memref<1x128xi32, #tpu.memory_space<vmem>> -> memref<128xi32, #tpu.memory_space<vmem>>
    %dma_start3A_228 = arith.constant 0 : i32
    %dma_start3A_229 = tpu.memref_slice %arg18[%dma_start3A_228] : memref<10240xf32, #tpu.memory_space<vmem_shared>> -> memref<10240xf32, #tpu.memory_space<vmem_shared>>
    tpu.enqueue_indirect_dma source(%arg14 : memref<128xf32, #tpu.memory_space<vmem>>) target(%dma_start3A_229 : memref<10240xf32, #tpu.memory_space<vmem_shared>>) offsets(%dma_start3A_227 : memref<128xi32, #tpu.memory_space<vmem>>) semaphore(%arg22 : memref<!tpu.dma_semaphore, #tpu.memory_space<semaphore_mem>>) {add = true}
    %dma_wait3A = arith.constant 0 : i32
    %dma_wait3A_230 = arith.constant 0 : i32
    %dma_wait3A_231 = tpu.memref_slice %arg2[%arg0, %dma_wait3A, %dma_wait3A_230] : memref<2x10240x64xf32, #tpu.memory_space<hbm>> -> memref<1x128x64xf32, #tpu.memory_space<hbm>>
    %dma_wait3A_232 = tpu.memref_squeeze %dma_wait3A_231 : memref<1x128x64xf32, #tpu.memory_space<hbm>> -> memref<128x64xf32, #tpu.memory_space<hbm>>
    %dma_wait3A_233 = arith.constant 0 : i32
    %dma_wait3A_234 = arith.constant 0 : i32
    %dma_wait3A_235 = tpu.memref_slice %arg2[%arg0, %dma_wait3A_233, %dma_wait3A_234] : memref<2x10240x64xf32, #tpu.memory_space<hbm>> -> memref<1x128x64xf32, #tpu.memory_space<hbm>>
    %dma_wait3A_236 = tpu.memref_squeeze %dma_wait3A_235 : memref<1x128x64xf32, #tpu.memory_space<hbm>> -> memref<128x64xf32, #tpu.memory_space<hbm>>
    tpu.wait_dma2 semaphore(%arg21 : memref<!tpu.dma_semaphore, #tpu.memory_space<semaphore_mem>>) src(%dma_wait3A_236 : memref<128x64xf32, #tpu.memory_space<hbm>>) dst(%arg15 : memref<128x64xf32, #tpu.memory_space<vmem>>)
    %dma_wait3A_237 = arith.constant 0 : i32
    %dma_wait3A_238 = tpu.memref_slice %arg3[%dma_wait3A_237] : memref<10240xf32, #tpu.memory_space<hbm>> -> memref<128xf32, #tpu.memory_space<hbm>>
    %dma_wait3A_239 = arith.constant 0 : i32
    %dma_wait3A_240 = tpu.memref_slice %arg3[%dma_wait3A_239] : memref<10240xf32, #tpu.memory_space<hbm>> -> memref<128xf32, #tpu.memory_space<hbm>>
    tpu.wait_dma2 semaphore(%arg21 : memref<!tpu.dma_semaphore, #tpu.memory_space<semaphore_mem>>) src(%dma_wait3A_240 : memref<128xf32, #tpu.memory_space<hbm>>) dst(%arg13 : memref<128xf32, #tpu.memory_space<vmem>>)
    %dma_start3A_241 = arith.constant 0 : i32
    %dma_start3A_242 = arith.constant 0 : i32
    %dma_start3A_243 = tpu.memref_slice %arg11[%dma_start3A_241, %dma_start3A_242] : memref<162x128xi32, #tpu.memory_space<vmem>> -> memref<1x128xi32, #tpu.memory_space<vmem>>
    %dma_start3A_244 = tpu.memref_squeeze %dma_start3A_243 : memref<1x128xi32, #tpu.memory_space<vmem>> -> memref<128xi32, #tpu.memory_space<vmem>>
    %dma_start3A_245 = arith.constant 0 : i32
    %dma_start3A_246 = arith.constant 0 : i32
    %dma_start3A_247 = tpu.memref_slice %arg2[%arg0, %dma_start3A_245, %dma_start3A_246] : memref<2x10240x64xf32, #tpu.memory_space<hbm>> -> memref<1x10240x64xf32, #tpu.memory_space<hbm>>
    %dma_start3A_248 = tpu.memref_squeeze %dma_start3A_247 : memref<1x10240x64xf32, #tpu.memory_space<hbm>> -> memref<10240x64xf32, #tpu.memory_space<hbm>>
    %dma_start3A_249 = arith.constant 0 : i32
    %dma_start3A_250 = arith.constant 0 : i32
    %dma_start3A_251 = tpu.memref_slice %dma_start3A_248[%dma_start3A_249, %dma_start3A_250] : memref<10240x64xf32, #tpu.memory_space<hbm>> -> memref<10240x64xf32, #tpu.memory_space<hbm>>
    tpu.enqueue_indirect_dma source(%dma_start3A_251 : memref<10240x64xf32, #tpu.memory_space<hbm>>) target(%arg15 : memref<128x64xf32, #tpu.memory_space<vmem>>) offsets(%dma_start3A_244 : memref<128xi32, #tpu.memory_space<vmem>>) semaphore(%arg19 : memref<!tpu.dma_semaphore, #tpu.memory_space<semaphore_mem>>)
    %scan3A_252 = arith.constant 0 : i32
    %scan3A_253 = arith.constant 0 : i32
    %scan3A_254 = arith.constant 81 : i32
    %scan3A_255 = arith.addi %scan3A_253, %scan3A_254 : i32
    %scan3A_256 = arith.constant 1 : i32
    %scan3A_257 = scf.for %scan3A_282 = %scan3A_253 to %scan3A_255 step %scan3A_256 iter_args(%scan3A_283 = %scan3A_252) -> (i32)  : i32 {
      %mul3A_284 = arith.constant 2 : i32
      %mul3A_285 = arith.muli %mul3A_284, %scan3A_282 : i32
      %add3A_286 = arith.constant 1 : i32
      %add3A_287 = arith.addi %mul3A_285, %add3A_286 : i32
      %dma_wait3A_288 = arith.constant 0 : i32
      %dma_wait3A_289 = arith.constant 0 : i32
      %dma_wait3A_290 = tpu.memref_slice %arg2[%arg0, %dma_wait3A_288, %dma_wait3A_289] : memref<2x10240x64xf32, #tpu.memory_space<hbm>> -> memref<1x128x64xf32, #tpu.memory_space<hbm>>
      %dma_wait3A_291 = tpu.memref_squeeze %dma_wait3A_290 : memref<1x128x64xf32, #tpu.memory_space<hbm>> -> memref<128x64xf32, #tpu.memory_space<hbm>>
      %dma_wait3A_292 = arith.constant 0 : i32
      %dma_wait3A_293 = arith.constant 0 : i32
      %dma_wait3A_294 = tpu.memref_slice %arg2[%arg0, %dma_wait3A_292, %dma_wait3A_293] : memref<2x10240x64xf32, #tpu.memory_space<hbm>> -> memref<1x128x64xf32, #tpu.memory_space<hbm>>
      %dma_wait3A_295 = tpu.memref_squeeze %dma_wait3A_294 : memref<1x128x64xf32, #tpu.memory_space<hbm>> -> memref<128x64xf32, #tpu.memory_space<hbm>>
      tpu.wait_dma2 semaphore(%arg22 : memref<!tpu.dma_semaphore, #tpu.memory_space<semaphore_mem>>) src(%dma_wait3A_295 : memref<128x64xf32, #tpu.memory_space<hbm>>) dst(%arg16 : memref<128x64xf32, #tpu.memory_space<vmem>>)
      %dma_wait3A_296 = arith.constant 0 : i32
      %dma_wait3A_297 = tpu.memref_slice %arg3[%dma_wait3A_296] : memref<10240xf32, #tpu.memory_space<hbm>> -> memref<128xf32, #tpu.memory_space<hbm>>
      %dma_wait3A_298 = arith.constant 0 : i32
      %dma_wait3A_299 = tpu.memref_slice %arg3[%dma_wait3A_298] : memref<10240xf32, #tpu.memory_space<hbm>> -> memref<128xf32, #tpu.memory_space<hbm>>
      tpu.wait_dma2 semaphore(%arg22 : memref<!tpu.dma_semaphore, #tpu.memory_space<semaphore_mem>>) src(%dma_wait3A_299 : memref<128xf32, #tpu.memory_space<hbm>>) dst(%arg14 : memref<128xf32, #tpu.memory_space<vmem>>)
      %dma_start3A_300 = arith.constant 0 : i32
      %dma_start3A_301 = tpu.memref_slice %arg11[%add3A_287, %dma_start3A_300] : memref<162x128xi32, #tpu.memory_space<vmem>> -> memref<1x128xi32, #tpu.memory_space<vmem>>
      %dma_start3A_302 = tpu.memref_squeeze %dma_start3A_301 : memref<1x128xi32, #tpu.memory_space<vmem>> -> memref<128xi32, #tpu.memory_space<vmem>>
      %dma_start3A_303 = arith.constant 0 : i32
      %dma_start3A_304 = arith.constant 0 : i32
      %dma_start3A_305 = tpu.memref_slice %arg2[%arg0, %dma_start3A_303, %dma_start3A_304] : memref<2x10240x64xf32, #tpu.memory_space<hbm>> -> memref<1x10240x64xf32, #tpu.memory_space<hbm>>
      %dma_start3A_306 = tpu.memref_squeeze %dma_start3A_305 : memref<1x10240x64xf32, #tpu.memory_space<hbm>> -> memref<10240x64xf32, #tpu.memory_space<hbm>>
      %dma_start3A_307 = arith.constant 0 : i32
      %dma_start3A_308 = arith.constant 0 : i32
      %dma_start3A_309 = tpu.memref_slice %dma_start3A_306[%dma_start3A_307, %dma_start3A_308] : memref<10240x64xf32, #tpu.memory_space<hbm>> -> memref<10240x64xf32, #tpu.memory_space<hbm>>
      tpu.enqueue_indirect_dma source(%dma_start3A_309 : memref<10240x64xf32, #tpu.memory_space<hbm>>) target(%arg16 : memref<128x64xf32, #tpu.memory_space<vmem>>) offsets(%dma_start3A_302 : memref<128xi32, #tpu.memory_space<vmem>>) semaphore(%arg20 : memref<!tpu.dma_semaphore, #tpu.memory_space<semaphore_mem>>)
      %parallel_loop3A = arith.constant 0 : i32
      %parallel_loop3A_310 = arith.constant 8 : i32
      %parallel_loop3A_311 = arith.constant 1 : i32
      scf.for %parallel_loop3A_385 = %parallel_loop3A to %parallel_loop3A_310 step %parallel_loop3A_311  : i32 {
        %parallel_loop3A_386 = arith.constant 16 : i32
        %parallel_loop3A_387 = arith.muli %parallel_loop3A_385, %parallel_loop3A_386 : i32
        %parallel_loop3A_388 = arith.index_cast %mul3A_285 : i32 to index
        %parallel_loop3A_389 = arith.index_cast %parallel_loop3A_387 : i32 to index
        %parallel_loop3A_390 = tpu.vector_load %arg11[%parallel_loop3A_388, %parallel_loop3A_389] {strides = array<i32>} : memref<162x128xi32, #tpu.memory_space<vmem>>, vector<16xi32>,
        %parallel_loop3A_391 = arith.constant 16 : i32
        %parallel_loop3A_392 = arith.muli %parallel_loop3A_385, %parallel_loop3A_391 : i32
        %parallel_loop3A_393 = arith.index_cast %mul3A_285 : i32 to index
        %parallel_loop3A_394 = arith.index_cast %parallel_loop3A_392 : i32 to index
        %parallel_loop3A_395 = tpu.vector_load %arg12[%parallel_loop3A_393, %parallel_loop3A_394] {strides = array<i32>} : memref<162x128xi32, #tpu.memory_space<vmem>>, vector<16xi32>,
        %parallel_loop3A_396 = tpu.vector_load_idx %arg9[%parallel_loop3A_390] : memref<10240xf32, #tpu.memory_space<vmem>>[vector<16xi32>], vector<16xf32>,
        %parallel_loop3A_397 = tpu.vector_load_idx %arg10[%parallel_loop3A_395] : memref<10240xf32, #tpu.memory_space<vmem>>[vector<16xi32>], vector<16xf32>,
        %parallel_loop3A_398 = arith.addf %parallel_loop3A_396, %parallel_loop3A_397 : vector<16xf32>
        %parallel_loop3A_399 = arith.constant 2.000000e-01 : f32
        %parallel_loop3A_400 = vector.broadcast %parallel_loop3A_399 : f32 to vector<16xf32>
        %parallel_loop3A_401 = arith.mulf %parallel_loop3A_400, %parallel_loop3A_398 : vector<16xf32>
        %parallel_loop3A_402 = arith.maximumf %parallel_loop3A_398, %parallel_loop3A_401 : vector<16xf32>
        %parallel_loop3A_403 = arith.subf %parallel_loop3A_402, %max3A_141 : vector<16xf32>
        %parallel_loop3A_404 = math.exp %parallel_loop3A_403 : vector<16xf32>
        %parallel_loop3A_405 = arith.constant 16 : i32
        %parallel_loop3A_406 = arith.muli %parallel_loop3A_385, %parallel_loop3A_405 : i32
        %parallel_loop3A_407 = arith.index_cast %parallel_loop3A_406 : i32 to index
        %parallel_loop3A_408 = tpu.vector_load %arg13[%parallel_loop3A_407] {strides = array<i32>} : memref<128xf32, #tpu.memory_space<vmem>>, vector<16xf32>,
        tpu.vector_store %arg13[%parallel_loop3A_407], %parallel_loop3A_404 {strides = array<i32>} : memref<128xf32, #tpu.memory_space<vmem>>, vector<16xf32>,
      } {sc.loop_unroll_factor = 4 : i64, sc.parallel_access}
      %dma_wait3A_312 = arith.constant 0 : i32
      %dma_wait3A_313 = arith.constant 0 : i32
      %dma_wait3A_314 = tpu.memref_slice %arg2[%arg0, %dma_wait3A_312, %dma_wait3A_313] : memref<2x10240x64xf32, #tpu.memory_space<hbm>> -> memref<1x128x64xf32, #tpu.memory_space<hbm>>
      %dma_wait3A_315 = tpu.memref_squeeze %dma_wait3A_314 : memref<1x128x64xf32, #tpu.memory_space<hbm>> -> memref<128x64xf32, #tpu.memory_space<hbm>>
      %dma_wait3A_316 = arith.constant 0 : i32
      %dma_wait3A_317 = arith.constant 0 : i32
      %dma_wait3A_318 = tpu.memref_slice %arg2[%arg0, %dma_wait3A_316, %dma_wait3A_317] : memref<2x10240x64xf32, #tpu.memory_space<hbm>> -> memref<1x128x64xf32, #tpu.memory_space<hbm>>
      %dma_wait3A_319 = tpu.memref_squeeze %dma_wait3A_318 : memref<1x128x64xf32, #tpu.memory_space<hbm>> -> memref<128x64xf32, #tpu.memory_space<hbm>>
      tpu.wait_dma2 semaphore(%arg19 : memref<!tpu.dma_semaphore, #tpu.memory_space<semaphore_mem>>) src(%dma_wait3A_319 : memref<128x64xf32, #tpu.memory_space<hbm>>) dst(%arg15 : memref<128x64xf32, #tpu.memory_space<vmem>>)
      %parallel_loop3A_320 = arith.constant 0 : i32
      %parallel_loop3A_321 = arith.constant 128 : i32
      %parallel_loop3A_322 = arith.constant 1 : i32
      scf.for %parallel_loop3A_385 = %parallel_loop3A_320 to %parallel_loop3A_321 step %parallel_loop3A_322  : i32 {
        %parallel_loop3A_386 = vector.broadcast %parallel_loop3A_385 : i32 to vector<16xi32>
        %parallel_loop3A_387 = tpu.vector_load_idx %arg13[%parallel_loop3A_386] : memref<128xf32, #tpu.memory_space<vmem>>[vector<16xi32>], vector<16xf32>,
        %parallel_loop3A_388 = arith.index_cast %parallel_loop3A_385 : i32 to index
        %parallel_loop3A_389 = arith.constant 0 : index
        %parallel_loop3A_390 = tpu.vector_load %arg15[%parallel_loop3A_388, %parallel_loop3A_389] {strides = array<i32>} : memref<128x64xf32, #tpu.memory_space<vmem>>, vector<16xf32>,
        %parallel_loop3A_391 = arith.mulf %parallel_loop3A_390, %parallel_loop3A_387 : vector<16xf32>
        %parallel_loop3A_392 = arith.index_cast %parallel_loop3A_385 : i32 to index
        %parallel_loop3A_393 = arith.constant 0 : index
        %parallel_loop3A_394 = tpu.vector_load %arg15[%parallel_loop3A_392, %parallel_loop3A_393] {strides = array<i32>} : memref<128x64xf32, #tpu.memory_space<vmem>>, vector<16xf32>,
        tpu.vector_store %arg15[%parallel_loop3A_392, %parallel_loop3A_393], %parallel_loop3A_391 {strides = array<i32>} : memref<128x64xf32, #tpu.memory_space<vmem>>, vector<16xf32>,
        %parallel_loop3A_395 = arith.index_cast %parallel_loop3A_385 : i32 to index
        %parallel_loop3A_396 = arith.constant 16 : index
        %parallel_loop3A_397 = tpu.vector_load %arg15[%parallel_loop3A_395, %parallel_loop3A_396] {strides = array<i32>} : memref<128x64xf32, #tpu.memory_space<vmem>>, vector<16xf32>,
        %parallel_loop3A_398 = arith.mulf %parallel_loop3A_397, %parallel_loop3A_387 : vector<16xf32>
        %parallel_loop3A_399 = arith.index_cast %parallel_loop3A_385 : i32 to index
        %parallel_loop3A_400 = arith.constant 16 : index
        %parallel_loop3A_401 = tpu.vector_load %arg15[%parallel_loop3A_399, %parallel_loop3A_400] {strides = array<i32>} : memref<128x64xf32, #tpu.memory_space<vmem>>, vector<16xf32>,
        tpu.vector_store %arg15[%parallel_loop3A_399, %parallel_loop3A_400], %parallel_loop3A_398 {strides = array<i32>} : memref<128x64xf32, #tpu.memory_space<vmem>>, vector<16xf32>,
        %parallel_loop3A_402 = arith.index_cast %parallel_loop3A_385 : i32 to index
        %parallel_loop3A_403 = arith.constant 32 : index
        %parallel_loop3A_404 = tpu.vector_load %arg15[%parallel_loop3A_402, %parallel_loop3A_403] {strides = array<i32>} : memref<128x64xf32, #tpu.memory_space<vmem>>, vector<16xf32>,
        %parallel_loop3A_405 = arith.mulf %parallel_loop3A_404, %parallel_loop3A_387 : vector<16xf32>
        %parallel_loop3A_406 = arith.index_cast %parallel_loop3A_385 : i32 to index
        %parallel_loop3A_407 = arith.constant 32 : index
        %parallel_loop3A_408 = tpu.vector_load %arg15[%parallel_loop3A_406, %parallel_loop3A_407] {strides = array<i32>} : memref<128x64xf32, #tpu.memory_space<vmem>>, vector<16xf32>,
        tpu.vector_store %arg15[%parallel_loop3A_406, %parallel_loop3A_407], %parallel_loop3A_405 {strides = array<i32>} : memref<128x64xf32, #tpu.memory_space<vmem>>, vector<16xf32>,
        %parallel_loop3A_409 = arith.index_cast %parallel_loop3A_385 : i32 to index
        %parallel_loop3A_410 = arith.constant 48 : index
        %parallel_loop3A_411 = tpu.vector_load %arg15[%parallel_loop3A_409, %parallel_loop3A_410] {strides = array<i32>} : memref<128x64xf32, #tpu.memory_space<vmem>>, vector<16xf32>,
        %parallel_loop3A_412 = arith.mulf %parallel_loop3A_411, %parallel_loop3A_387 : vector<16xf32>
        %parallel_loop3A_413 = arith.index_cast %parallel_loop3A_385 : i32 to index
        %parallel_loop3A_414 = arith.constant 48 : index
        %parallel_loop3A_415 = tpu.vector_load %arg15[%parallel_loop3A_413, %parallel_loop3A_414] {strides = array<i32>} : memref<128x64xf32, #tpu.memory_space<vmem>>, vector<16xf32>,
        tpu.vector_store %arg15[%parallel_loop3A_413, %parallel_loop3A_414], %parallel_loop3A_412 {strides = array<i32>} : memref<128x64xf32, #tpu.memory_space<vmem>>, vector<16xf32>,
      } {sc.loop_unroll_factor = 8 : i64, sc.parallel_access}
      %dma_start3A_323 = arith.constant 0 : i32
      %dma_start3A_324 = tpu.memref_slice %arg12[%mul3A_285, %dma_start3A_323] : memref<162x128xi32, #tpu.memory_space<vmem>> -> memref<1x128xi32, #tpu.memory_space<vmem>>
      %dma_start3A_325 = tpu.memref_squeeze %dma_start3A_324 : memref<1x128xi32, #tpu.memory_space<vmem>> -> memref<128xi32, #tpu.memory_space<vmem>>
      %dma_start3A_326 = arith.constant 0 : i32
      %dma_start3A_327 = arith.constant 0 : i32
      %dma_start3A_328 = tpu.memref_slice %arg17[%dma_start3A_326, %dma_start3A_327] : memref<10240x64xf32, #tpu.memory_space<vmem_shared>> -> memref<10240x64xf32, #tpu.memory_space<vmem_shared>>
      tpu.enqueue_indirect_dma source(%arg15 : memref<128x64xf32, #tpu.memory_space<vmem>>) target(%dma_start3A_328 : memref<10240x64xf32, #tpu.memory_space<vmem_shared>>) offsets(%dma_start3A_325 : memref<128xi32, #tpu.memory_space<vmem>>) semaphore(%arg21 : memref<!tpu.dma_semaphore, #tpu.memory_space<semaphore_mem>>) {add = true}
      %dma_start3A_329 = arith.constant 0 : i32
      %dma_start3A_330 = tpu.memref_slice %arg12[%mul3A_285, %dma_start3A_329] : memref<162x128xi32, #tpu.memory_space<vmem>> -> memref<1x128xi32, #tpu.memory_space<vmem>>
      %dma_start3A_331 = tpu.memref_squeeze %dma_start3A_330 : memref<1x128xi32, #tpu.memory_space<vmem>> -> memref<128xi32, #tpu.memory_space<vmem>>
      %dma_start3A_332 = arith.constant 0 : i32
      %dma_start3A_333 = tpu.memref_slice %arg18[%dma_start3A_332] : memref<10240xf32, #tpu.memory_space<vmem_shared>> -> memref<10240xf32, #tpu.memory_space<vmem_shared>>
      tpu.enqueue_indirect_dma source(%arg13 : memref<128xf32, #tpu.memory_space<vmem>>) target(%dma_start3A_333 : memref<10240xf32, #tpu.memory_space<vmem_shared>>) offsets(%dma_start3A_331 : memref<128xi32, #tpu.memory_space<vmem>>) semaphore(%arg21 : memref<!tpu.dma_semaphore, #tpu.memory_space<semaphore_mem>>) {add = true}
      %parallel_loop3A_334 = arith.constant 0 : i32
      %parallel_loop3A_335 = arith.constant 8 : i32
      %parallel_loop3A_336 = arith.constant 1 : i32
      scf.for %parallel_loop3A_385 = %parallel_loop3A_334 to %parallel_loop3A_335 step %parallel_loop3A_336  : i32 {
        %parallel_loop3A_386 = arith.constant 16 : i32
        %parallel_loop3A_387 = arith.muli %parallel_loop3A_385, %parallel_loop3A_386 : i32
        %parallel_loop3A_388 = arith.index_cast %add3A_287 : i32 to index
        %parallel_loop3A_389 = arith.index_cast %parallel_loop3A_387 : i32 to index
        %parallel_loop3A_390 = tpu.vector_load %arg11[%parallel_loop3A_388, %parallel_loop3A_389] {strides = array<i32>} : memref<162x128xi32, #tpu.memory_space<vmem>>, vector<16xi32>,
        %parallel_loop3A_391 = arith.constant 16 : i32
        %parallel_loop3A_392 = arith.muli %parallel_loop3A_385, %parallel_loop3A_391 : i32
        %parallel_loop3A_393 = arith.index_cast %add3A_287 : i32 to index
        %parallel_loop3A_394 = arith.index_cast %parallel_loop3A_392 : i32 to index
        %parallel_loop3A_395 = tpu.vector_load %arg12[%parallel_loop3A_393, %parallel_loop3A_394] {strides = array<i32>} : memref<162x128xi32, #tpu.memory_space<vmem>>, vector<16xi32>,
        %parallel_loop3A_396 = tpu.vector_load_idx %arg9[%parallel_loop3A_390] : memref<10240xf32, #tpu.memory_space<vmem>>[vector<16xi32>], vector<16xf32>,
        %parallel_loop3A_397 = tpu.vector_load_idx %arg10[%parallel_loop3A_395] : memref<10240xf32, #tpu.memory_space<vmem>>[vector<16xi32>], vector<16xf32>,
        %parallel_loop3A_398 = arith.addf %parallel_loop3A_396, %parallel_loop3A_397 : vector<16xf32>
        %parallel_loop3A_399 = arith.constant 2.000000e-01 : f32
        %parallel_loop3A_400 = vector.broadcast %parallel_loop3A_399 : f32 to vector<16xf32>
        %parallel_loop3A_401 = arith.mulf %parallel_loop3A_400, %parallel_loop3A_398 : vector<16xf32>
        %parallel_loop3A_402 = arith.maximumf %parallel_loop3A_398, %parallel_loop3A_401 : vector<16xf32>
        %parallel_loop3A_403 = arith.subf %parallel_loop3A_402, %max3A_141 : vector<16xf32>
        %parallel_loop3A_404 = math.exp %parallel_loop3A_403 : vector<16xf32>
        %parallel_loop3A_405 = arith.constant 16 : i32
        %parallel_loop3A_406 = arith.muli %parallel_loop3A_385, %parallel_loop3A_405 : i32
        %parallel_loop3A_407 = arith.index_cast %parallel_loop3A_406 : i32 to index
        %parallel_loop3A_408 = tpu.vector_load %arg14[%parallel_loop3A_407] {strides = array<i32>} : memref<128xf32, #tpu.memory_space<vmem>>, vector<16xf32>,
        tpu.vector_store %arg14[%parallel_loop3A_407], %parallel_loop3A_404 {strides = array<i32>} : memref<128xf32, #tpu.memory_space<vmem>>, vector<16xf32>,
      } {sc.loop_unroll_factor = 4 : i64, sc.parallel_access}
      %dma_wait3A_337 = arith.constant 0 : i32
      %dma_wait3A_338 = arith.constant 0 : i32
      %dma_wait3A_339 = tpu.memref_slice %arg2[%arg0, %dma_wait3A_337, %dma_wait3A_338] : memref<2x10240x64xf32, #tpu.memory_space<hbm>> -> memref<1x128x64xf32, #tpu.memory_space<hbm>>
      %dma_wait3A_340 = tpu.memref_squeeze %dma_wait3A_339 : memref<1x128x64xf32, #tpu.memory_space<hbm>> -> memref<128x64xf32, #tpu.memory_space<hbm>>
      %dma_wait3A_341 = arith.constant 0 : i32
      %dma_wait3A_342 = arith.constant 0 : i32
      %dma_wait3A_343 = tpu.memref_slice %arg2[%arg0, %dma_wait3A_341, %dma_wait3A_342] : memref<2x10240x64xf32, #tpu.memory_space<hbm>> -> memref<1x128x64xf32, #tpu.memory_space<hbm>>
      %dma_wait3A_344 = tpu.memref_squeeze %dma_wait3A_343 : memref<1x128x64xf32, #tpu.memory_space<hbm>> -> memref<128x64xf32, #tpu.memory_space<hbm>>
      tpu.wait_dma2 semaphore(%arg20 : memref<!tpu.dma_semaphore, #tpu.memory_space<semaphore_mem>>) src(%dma_wait3A_344 : memref<128x64xf32, #tpu.memory_space<hbm>>) dst(%arg16 : memref<128x64xf32, #tpu.memory_space<vmem>>)
      %parallel_loop3A_345 = arith.constant 0 : i32
      %parallel_loop3A_346 = arith.constant 128 : i32
      %parallel_loop3A_347 = arith.constant 1 : i32
      scf.for %parallel_loop3A_385 = %parallel_loop3A_345 to %parallel_loop3A_346 step %parallel_loop3A_347  : i32 {
        %parallel_loop3A_386 = vector.broadcast %parallel_loop3A_385 : i32 to vector<16xi32>
        %parallel_loop3A_387 = tpu.vector_load_idx %arg14[%parallel_loop3A_386] : memref<128xf32, #tpu.memory_space<vmem>>[vector<16xi32>], vector<16xf32>,
        %parallel_loop3A_388 = arith.index_cast %parallel_loop3A_385 : i32 to index
        %parallel_loop3A_389 = arith.constant 0 : index
        %parallel_loop3A_390 = tpu.vector_load %arg16[%parallel_loop3A_388, %parallel_loop3A_389] {strides = array<i32>} : memref<128x64xf32, #tpu.memory_space<vmem>>, vector<16xf32>,
        %parallel_loop3A_391 = arith.mulf %parallel_loop3A_390, %parallel_loop3A_387 : vector<16xf32>
        %parallel_loop3A_392 = arith.index_cast %parallel_loop3A_385 : i32 to index
        %parallel_loop3A_393 = arith.constant 0 : index
        %parallel_loop3A_394 = tpu.vector_load %arg16[%parallel_loop3A_392, %parallel_loop3A_393] {strides = array<i32>} : memref<128x64xf32, #tpu.memory_space<vmem>>, vector<16xf32>,
        tpu.vector_store %arg16[%parallel_loop3A_392, %parallel_loop3A_393], %parallel_loop3A_391 {strides = array<i32>} : memref<128x64xf32, #tpu.memory_space<vmem>>, vector<16xf32>,
        %parallel_loop3A_395 = arith.index_cast %parallel_loop3A_385 : i32 to index
        %parallel_loop3A_396 = arith.constant 16 : index
        %parallel_loop3A_397 = tpu.vector_load %arg16[%parallel_loop3A_395, %parallel_loop3A_396] {strides = array<i32>} : memref<128x64xf32, #tpu.memory_space<vmem>>, vector<16xf32>,
        %parallel_loop3A_398 = arith.mulf %parallel_loop3A_397, %parallel_loop3A_387 : vector<16xf32>
        %parallel_loop3A_399 = arith.index_cast %parallel_loop3A_385 : i32 to index
        %parallel_loop3A_400 = arith.constant 16 : index
        %parallel_loop3A_401 = tpu.vector_load %arg16[%parallel_loop3A_399, %parallel_loop3A_400] {strides = array<i32>} : memref<128x64xf32, #tpu.memory_space<vmem>>, vector<16xf32>,
        tpu.vector_store %arg16[%parallel_loop3A_399, %parallel_loop3A_400], %parallel_loop3A_398 {strides = array<i32>} : memref<128x64xf32, #tpu.memory_space<vmem>>, vector<16xf32>,
        %parallel_loop3A_402 = arith.index_cast %parallel_loop3A_385 : i32 to index
        %parallel_loop3A_403 = arith.constant 32 : index
        %parallel_loop3A_404 = tpu.vector_load %arg16[%parallel_loop3A_402, %parallel_loop3A_403] {strides = array<i32>} : memref<128x64xf32, #tpu.memory_space<vmem>>, vector<16xf32>,
        %parallel_loop3A_405 = arith.mulf %parallel_loop3A_404, %parallel_loop3A_387 : vector<16xf32>
        %parallel_loop3A_406 = arith.index_cast %parallel_loop3A_385 : i32 to index
        %parallel_loop3A_407 = arith.constant 32 : index
        %parallel_loop3A_408 = tpu.vector_load %arg16[%parallel_loop3A_406, %parallel_loop3A_407] {strides = array<i32>} : memref<128x64xf32, #tpu.memory_space<vmem>>, vector<16xf32>,
        tpu.vector_store %arg16[%parallel_loop3A_406, %parallel_loop3A_407], %parallel_loop3A_405 {strides = array<i32>} : memref<128x64xf32, #tpu.memory_space<vmem>>, vector<16xf32>,
        %parallel_loop3A_409 = arith.index_cast %parallel_loop3A_385 : i32 to index
        %parallel_loop3A_410 = arith.constant 48 : index
        %parallel_loop3A_411 = tpu.vector_load %arg16[%parallel_loop3A_409, %parallel_loop3A_410] {strides = array<i32>} : memref<128x64xf32, #tpu.memory_space<vmem>>, vector<16xf32>,
        %parallel_loop3A_412 = arith.mulf %parallel_loop3A_411, %parallel_loop3A_387 : vector<16xf32>
        %parallel_loop3A_413 = arith.index_cast %parallel_loop3A_385 : i32 to index
        %parallel_loop3A_414 = arith.constant 48 : index
        %parallel_loop3A_415 = tpu.vector_load %arg16[%parallel_loop3A_413, %parallel_loop3A_414] {strides = array<i32>} : memref<128x64xf32, #tpu.memory_space<vmem>>, vector<16xf32>,
        tpu.vector_store %arg16[%parallel_loop3A_413, %parallel_loop3A_414], %parallel_loop3A_412 {strides = array<i32>} : memref<128x64xf32, #tpu.memory_space<vmem>>, vector<16xf32>,
      } {sc.loop_unroll_factor = 8 : i64, sc.parallel_access}
      %dma_wait3A_348 = arith.constant 0 : i32
      %dma_wait3A_349 = arith.constant 0 : i32
      %dma_wait3A_350 = tpu.memref_slice %arg2[%arg0, %dma_wait3A_348, %dma_wait3A_349] : memref<2x10240x64xf32, #tpu.memory_space<hbm>> -> memref<1x128x64xf32, #tpu.memory_space<hbm>>
      %dma_wait3A_351 = tpu.memref_squeeze %dma_wait3A_350 : memref<1x128x64xf32, #tpu.memory_space<hbm>> -> memref<128x64xf32, #tpu.memory_space<hbm>>
      %dma_wait3A_352 = arith.constant 0 : i32
      %dma_wait3A_353 = arith.constant 0 : i32
      %dma_wait3A_354 = tpu.memref_slice %arg2[%arg0, %dma_wait3A_352, %dma_wait3A_353] : memref<2x10240x64xf32, #tpu.memory_space<hbm>> -> memref<1x128x64xf32, #tpu.memory_space<hbm>>
      %dma_wait3A_355 = tpu.memref_squeeze %dma_wait3A_354 : memref<1x128x64xf32, #tpu.memory_space<hbm>> -> memref<128x64xf32, #tpu.memory_space<hbm>>
      tpu.wait_dma2 semaphore(%arg21 : memref<!tpu.dma_semaphore, #tpu.memory_space<semaphore_mem>>) src(%dma_wait3A_355 : memref<128x64xf32, #tpu.memory_space<hbm>>) dst(%arg15 : memref<128x64xf32, #tpu.memory_space<vmem>>)
      %dma_wait3A_356 = arith.constant 0 : i32
      %dma_wait3A_357 = tpu.memref_slice %arg3[%dma_wait3A_356] : memref<10240xf32, #tpu.memory_space<hbm>> -> memref<128xf32, #tpu.memory_space<hbm>>
      %dma_wait3A_358 = arith.constant 0 : i32
      %dma_wait3A_359 = tpu.memref_slice %arg3[%dma_wait3A_358] : memref<10240xf32, #tpu.memory_space<hbm>> -> memref<128xf32, #tpu.memory_space<hbm>>
      tpu.wait_dma2 semaphore(%arg21 : memref<!tpu.dma_semaphore, #tpu.memory_space<semaphore_mem>>) src(%dma_wait3A_359 : memref<128xf32, #tpu.memory_space<hbm>>) dst(%arg13 : memref<128xf32, #tpu.memory_space<vmem>>)
      %add3A_360 = arith.constant 2 : i32
      %add3A_361 = arith.addi %mul3A_285, %add3A_360 : i32
      %min3A = arith.constant 161 : i32
      %min3A_362 = arith.minsi %add3A_361, %min3A : i32
      %dma_start3A_363 = arith.constant 0 : i32
      %dma_start3A_364 = tpu.memref_slice %arg11[%min3A_362, %dma_start3A_363] : memref<162x128xi32, #tpu.memory_space<vmem>> -> memref<1x128xi32, #tpu.memory_space<vmem>>
      %dma_start3A_365 = tpu.memref_squeeze %dma_start3A_364 : memref<1x128xi32, #tpu.memory_space<vmem>> -> memref<128xi32, #tpu.memory_space<vmem>>
      %dma_start3A_366 = arith.constant 0 : i32
      %dma_start3A_367 = arith.constant 0 : i32
      %dma_start3A_368 = tpu.memref_slice %arg2[%arg0, %dma_start3A_366, %dma_start3A_367] : memref<2x10240x64xf32, #tpu.memory_space<hbm>> -> memref<1x10240x64xf32, #tpu.memory_space<hbm>>
      %dma_start3A_369 = tpu.memref_squeeze %dma_start3A_368 : memref<1x10240x64xf32, #tpu.memory_space<hbm>> -> memref<10240x64xf32, #tpu.memory_space<hbm>>
      %dma_start3A_370 = arith.constant 0 : i32
      %dma_start3A_371 = arith.constant 0 : i32
      %dma_start3A_372 = tpu.memref_slice %dma_start3A_369[%dma_start3A_370, %dma_start3A_371] : memref<10240x64xf32, #tpu.memory_space<hbm>> -> memref<10240x64xf32, #tpu.memory_space<hbm>>
      tpu.enqueue_indirect_dma source(%dma_start3A_372 : memref<10240x64xf32, #tpu.memory_space<hbm>>) target(%arg15 : memref<128x64xf32, #tpu.memory_space<vmem>>) offsets(%dma_start3A_365 : memref<128xi32, #tpu.memory_space<vmem>>) semaphore(%arg19 : memref<!tpu.dma_semaphore, #tpu.memory_space<semaphore_mem>>)
      %dma_start3A_373 = arith.constant 0 : i32
      %dma_start3A_374 = tpu.memref_slice %arg12[%add3A_287, %dma_start3A_373] : memref<162x128xi32, #tpu.memory_space<vmem>> -> memref<1x128xi32, #tpu.memory_space<vmem>>
      %dma_start3A_375 = tpu.memref_squeeze %dma_start3A_374 : memref<1x128xi32, #tpu.memory_space<vmem>> -> memref<128xi32, #tpu.memory_space<vmem>>
      %dma_start3A_376 = arith.constant 0 : i32
      %dma_start3A_377 = arith.constant 0 : i32
      %dma_start3A_378 = tpu.memref_slice %arg17[%dma_start3A_376, %dma_start3A_377] : memref<10240x64xf32, #tpu.memory_space<vmem_shared>> -> memref<10240x64xf32, #tpu.memory_space<vmem_shared>>
      tpu.enqueue_indirect_dma source(%arg16 : memref<128x64xf32, #tpu.memory_space<vmem>>) target(%dma_start3A_378 : memref<10240x64xf32, #tpu.memory_space<vmem_shared>>) offsets(%dma_start3A_375 : memref<128xi32, #tpu.memory_space<vmem>>) semaphore(%arg22 : memref<!tpu.dma_semaphore, #tpu.memory_space<semaphore_mem>>) {add = true}
      %dma_start3A_379 = arith.constant 0 : i32
      %dma_start3A_380 = tpu.memref_slice %arg12[%add3A_287, %dma_start3A_379] : memref<162x128xi32, #tpu.memory_space<vmem>> -> memref<1x128xi32, #tpu.memory_space<vmem>>
      %dma_start3A_381 = tpu.memref_squeeze %dma_start3A_380 : memref<1x128xi32, #tpu.memory_space<vmem>> -> memref<128xi32, #tpu.memory_space<vmem>>
      %dma_start3A_382 = arith.constant 0 : i32
      %dma_start3A_383 = tpu.memref_slice %arg18[%dma_start3A_382] : memref<10240xf32, #tpu.memory_space<vmem_shared>> -> memref<10240xf32, #tpu.memory_space<vmem_shared>>
      tpu.enqueue_indirect_dma source(%arg14 : memref<128xf32, #tpu.memory_space<vmem>>) target(%dma_start3A_383 : memref<10240xf32, #tpu.memory_space<vmem_shared>>) offsets(%dma_start3A_381 : memref<128xi32, #tpu.memory_space<vmem>>) semaphore(%arg22 : memref<!tpu.dma_semaphore, #tpu.memory_space<semaphore_mem>>) {add = true}
      %scan3A_384 = arith.constant 0 : i32
      scf.yield %scan3A_384 : i32
    }
    %scan3A_258 = arith.constant 81 : i32
    %dma_wait3A_259 = arith.constant 0 : i32
    %dma_wait3A_260 = arith.constant 0 : i32
    %dma_wait3A_261 = tpu.memref_slice %arg2[%arg0, %dma_wait3A_259, %dma_wait3A_260] : memref<2x10240x64xf32, #tpu.memory_space<hbm>> -> memref<1x128x64xf32, #tpu.memory_space<hbm>>
    %dma_wait3A_262 = tpu.memref_squeeze %dma_wait3A_261 : memref<1x128x64xf32, #tpu.memory_space<hbm>> -> memref<128x64xf32, #tpu.memory_space<hbm>>
    %dma_wait3A_263 = arith.constant 0 : i32
    %dma_wait3A_264 = arith.constant 0 : i32
    %dma_wait3A_265 = tpu.memref_slice %arg2[%arg0, %dma_wait3A_263, %dma_wait3A_264] : memref<2x10240x64xf32, #tpu.memory_space<hbm>> -> memref<1x128x64xf32, #tpu.memory_space<hbm>>
    %dma_wait3A_266 = tpu.memref_squeeze %dma_wait3A_265 : memref<1x128x64xf32, #tpu.memory_space<hbm>> -> memref<128x64xf32, #tpu.memory_space<hbm>>
    tpu.wait_dma2 semaphore(%arg19 : memref<!tpu.dma_semaphore, #tpu.memory_space<semaphore_mem>>) src(%dma_wait3A_266 : memref<128x64xf32, #tpu.memory_space<hbm>>) dst(%arg15 : memref<128x64xf32, #tpu.memory_space<vmem>>)
    %dma_wait3A_267 = arith.constant 0 : i32
    %dma_wait3A_268 = arith.constant 0 : i32
    %dma_wait3A_269 = tpu.memref_slice %arg2[%arg0, %dma_wait3A_267, %dma_wait3A_268] : memref<2x10240x64xf32, #tpu.memory_space<hbm>> -> memref<1x128x64xf32, #tpu.memory_space<hbm>>
    %dma_wait3A_270 = tpu.memref_squeeze %dma_wait3A_269 : memref<1x128x64xf32, #tpu.memory_space<hbm>> -> memref<128x64xf32, #tpu.memory_space<hbm>>
    %dma_wait3A_271 = arith.constant 0 : i32
    %dma_wait3A_272 = arith.constant 0 : i32
    %dma_wait3A_273 = tpu.memref_slice %arg2[%arg0, %dma_wait3A_271, %dma_wait3A_272] : memref<2x10240x64xf32, #tpu.memory_space<hbm>> -> memref<1x128x64xf32, #tpu.memory_space<hbm>>
    %dma_wait3A_274 = tpu.memref_squeeze %dma_wait3A_273 : memref<1x128x64xf32, #tpu.memory_space<hbm>> -> memref<128x64xf32, #tpu.memory_space<hbm>>
    tpu.wait_dma2 semaphore(%arg22 : memref<!tpu.dma_semaphore, #tpu.memory_space<semaphore_mem>>) src(%dma_wait3A_274 : memref<128x64xf32, #tpu.memory_space<hbm>>) dst(%arg16 : memref<128x64xf32, #tpu.memory_space<vmem>>)
    %dma_wait3A_275 = arith.constant 0 : i32
    %dma_wait3A_276 = tpu.memref_slice %arg3[%dma_wait3A_275] : memref<10240xf32, #tpu.memory_space<hbm>> -> memref<128xf32, #tpu.memory_space<hbm>>
    %dma_wait3A_277 = arith.constant 0 : i32
    %dma_wait3A_278 = tpu.memref_slice %arg3[%dma_wait3A_277] : memref<10240xf32, #tpu.memory_space<hbm>> -> memref<128xf32, #tpu.memory_space<hbm>>
    tpu.wait_dma2 semaphore(%arg22 : memref<!tpu.dma_semaphore, #tpu.memory_space<semaphore_mem>>) src(%dma_wait3A_278 : memref<128xf32, #tpu.memory_space<hbm>>) dst(%arg14 : memref<128xf32, #tpu.memory_space<vmem>>)
    %barrier3A_279 = arith.constant 0 : index
    tpu.barrier barrier_id(%barrier3A_279)
    "tpu.region"() ({
      %run_scoped3A = tpu.sem_alloc : memref<!tpu.dma_semaphore, #tpu.memory_space<semaphore_mem>>
      %dma_start3A_282 = arith.constant 0 : i32
      %dma_start3A_283 = tpu.memref_slice %arg7[%arg0, %mul3A_184, %dma_start3A_282] : memref<2x10240x64xf32, #tpu.memory_space<hbm>> -> memref<1x640x64xf32, #tpu.memory_space<hbm>>
      %dma_start3A_284 = tpu.memref_squeeze %dma_start3A_283 : memref<1x640x64xf32, #tpu.memory_space<hbm>> -> memref<640x64xf32, #tpu.memory_space<hbm>>
      %dma_start3A_285 = arith.constant 0 : i32
      %dma_start3A_286 = tpu.memref_slice %arg17[%mul3A_184, %dma_start3A_285] : memref<10240x64xf32, #tpu.memory_space<vmem_shared>> -> memref<640x64xf32, #tpu.memory_space<vmem_shared>>
      tpu.enqueue_dma source(%dma_start3A_286 : memref<640x64xf32, #tpu.memory_space<vmem_shared>>) target(%dma_start3A_284 : memref<640x64xf32, #tpu.memory_space<hbm>>) target_semaphore(%run_scoped3A : memref<!tpu.dma_semaphore, #tpu.memory_space<semaphore_mem>>)
      %dma_wait3A_287 = arith.constant 0 : i32
      %dma_wait3A_288 = tpu.memref_slice %arg7[%arg0, %mul3A_184, %dma_wait3A_287] : memref<2x10240x64xf32, #tpu.memory_space<hbm>> -> memref<1x640x64xf32, #tpu.memory_space<hbm>>
      %dma_wait3A_289 = tpu.memref_squeeze %dma_wait3A_288 : memref<1x640x64xf32, #tpu.memory_space<hbm>> -> memref<640x64xf32, #tpu.memory_space<hbm>>
      %dma_wait3A_290 = arith.constant 0 : i32
      %dma_wait3A_291 = tpu.memref_slice %arg17[%mul3A_184, %dma_wait3A_290] : memref<10240x64xf32, #tpu.memory_space<vmem_shared>> -> memref<640x64xf32, #tpu.memory_space<vmem_shared>>
      tpu.wait_dma2 semaphore(%run_scoped3A : memref<!tpu.dma_semaphore, #tpu.memory_space<semaphore_mem>>) src(%dma_wait3A_291 : memref<640x64xf32, #tpu.memory_space<vmem_shared>>) dst(%dma_wait3A_289 : memref<640x64xf32, #tpu.memory_space<hbm>>)
      tpu.yield
    }) : () -> ()
    %eq3A = arith.constant 0 : i32
    %eq3A_280 = arith.cmpi eq, %arg0, %eq3A : i32
    %convert_element_type3A = arith.extui %eq3A_280 : i1 to i32
    %cond3A = arith.constant 0 : i32
    %cond3A_281 = arith.cmpi ne, %convert_element_type3A, %cond3A : i32
    scf.if %cond3A_281 {
      "tpu.region"() ({
        %run_scoped3A = tpu.sem_alloc : memref<!tpu.dma_semaphore, #tpu.memory_space<semaphore_mem>>
        %dma_start3A_282 = tpu.memref_slice %arg8[%mul3A_184] : memref<10240xf32, #tpu.memory_space<hbm>> -> memref<640xf32, #tpu.memory_space<hbm>>
        %dma_start3A_283 = tpu.memref_slice %arg18[%mul3A_184] : memref<10240xf32, #tpu.memory_space<vmem_shared>> -> memref<640xf32, #tpu.memory_space<vmem_shared>>
        tpu.enqueue_dma source(%dma_start3A_283 : memref<640xf32, #tpu.memory_space<vmem_shared>>) target(%dma_start3A_282 : memref<640xf32, #tpu.memory_space<hbm>>) target_semaphore(%run_scoped3A : memref<!tpu.dma_semaphore, #tpu.memory_space<semaphore_mem>>)
        %dma_wait3A_284 = tpu.memref_slice %arg8[%mul3A_184] : memref<10240xf32, #tpu.memory_space<hbm>> -> memref<640xf32, #tpu.memory_space<hbm>>
        %dma_wait3A_285 = tpu.memref_slice %arg18[%mul3A_184] : memref<10240xf32, #tpu.memory_space<vmem_shared>> -> memref<640xf32, #tpu.memory_space<vmem_shared>>
        tpu.wait_dma2 semaphore(%run_scoped3A : memref<!tpu.dma_semaphore, #tpu.memory_space<semaphore_mem>>) src(%dma_wait3A_285 : memref<640xf32, #tpu.memory_space<vmem_shared>>) dst(%dma_wait3A_284 : memref<640xf32, #tpu.memory_space<hbm>>)
        tpu.yield
      }) : () -> ()
    } else {
    }
    return
  }
}

#map = affine_map<(d0, d1) -> (0, 0, 0)>
#map1 = affine_map<(d0, d1) -> (0)>
module attributes {stable_mosaic.version = 14 : i64} {
  func.func @gat_edge_sc_64(%arg0: i32, %arg1: i32, %arg2: memref<2x10240x32xf32, #tpu.memory_space<hbm>>, %arg3: memref<10240xf32, #tpu.memory_space<hbm>>, %arg4: memref<10240xf32, #tpu.memory_space<hbm>>, %arg5: memref<16x162x128xi32, #tpu.memory_space<hbm>>, %arg6: memref<16x162x128xi32, #tpu.memory_space<hbm>>, %arg7: memref<2x10240x32xf32, #tpu.memory_space<hbm>>, %arg8: memref<10240xf32, #tpu.memory_space<hbm>>, %arg9: memref<10240xf32, #tpu.memory_space<vmem>>, %arg10: memref<10240xf32, #tpu.memory_space<vmem>>, %arg11: memref<162x128xi32, #tpu.memory_space<vmem>>, %arg12: memref<162x128xi32, #tpu.memory_space<vmem>>, %arg13: memref<128xf32, #tpu.memory_space<vmem>>, %arg14: memref<128xf32, #tpu.memory_space<vmem>>, %arg15: memref<128x32xf32, #tpu.memory_space<vmem>>, %arg16: memref<128x32xf32, #tpu.memory_space<vmem>>, %arg17: memref<10240x32xf32, #tpu.memory_space<vmem_shared>>, %arg18: memref<10240xf32, #tpu.memory_space<vmem_shared>>, %arg19: memref<!tpu.dma_semaphore, #tpu.memory_space<semaphore_mem>>, %arg20: memref<!tpu.dma_semaphore, #tpu.memory_space<semaphore_mem>>, %arg21: memref<!tpu.dma_semaphore, #tpu.memory_space<semaphore_mem>>, %arg22: memref<!tpu.dma_semaphore, #tpu.memory_space<semaphore_mem>>) attributes {dimension_semantics = [#tpu.dimension_semantics<core_parallel>, #tpu.dimension_semantics<subcore_parallel>], iteration_bounds = array<i64: 2, 16>, scalar_prefetch = 0 : i64, scratch_operands = 14 : i64, tpu.core_type = #tpu.core_type<sc_vector_subcore>, window_params = [{transform_indices = #map}, {transform_indices = #map1}, {transform_indices = #map1}, {transform_indices = #map}, {transform_indices = #map}, {transform_indices = #map}, {transform_indices = #map1}]} {
    "tpu.region"() ({
      %run_scoped3A = tpu.sem_alloc : memref<!tpu.dma_semaphore, #tpu.memory_space<semaphore_mem>>
      tpu.enqueue_dma source(%arg3 : memref<10240xf32, #tpu.memory_space<hbm>>) target(%arg9 : memref<10240xf32, #tpu.memory_space<vmem>>) target_semaphore(%run_scoped3A : memref<!tpu.dma_semaphore, #tpu.memory_space<semaphore_mem>>)
      tpu.wait_dma2 semaphore(%run_scoped3A : memref<!tpu.dma_semaphore, #tpu.memory_space<semaphore_mem>>) src(%arg3 : memref<10240xf32, #tpu.memory_space<hbm>>) dst(%arg9 : memref<10240xf32, #tpu.memory_space<vmem>>)
      tpu.yield
    }) : () -> ()
    "tpu.region"() ({
      %run_scoped3A = tpu.sem_alloc : memref<!tpu.dma_semaphore, #tpu.memory_space<semaphore_mem>>
      tpu.enqueue_dma source(%arg4 : memref<10240xf32, #tpu.memory_space<hbm>>) target(%arg10 : memref<10240xf32, #tpu.memory_space<vmem>>) target_semaphore(%run_scoped3A : memref<!tpu.dma_semaphore, #tpu.memory_space<semaphore_mem>>)
      tpu.wait_dma2 semaphore(%run_scoped3A : memref<!tpu.dma_semaphore, #tpu.memory_space<semaphore_mem>>) src(%arg4 : memref<10240xf32, #tpu.memory_space<hbm>>) dst(%arg10 : memref<10240xf32, #tpu.memory_space<vmem>>)
      tpu.yield
    }) : () -> ()
    "tpu.region"() ({
      %run_scoped3A = tpu.sem_alloc : memref<!tpu.dma_semaphore, #tpu.memory_space<semaphore_mem>>
      %dma_start3A_282 = arith.constant 0 : i32
      %dma_start3A_283 = arith.constant 0 : i32
      %dma_start3A_284 = tpu.memref_slice %arg5[%arg1, %dma_start3A_282, %dma_start3A_283] : memref<16x162x128xi32, #tpu.memory_space<hbm>> -> memref<1x162x128xi32, #tpu.memory_space<hbm>>
      %dma_start3A_285 = tpu.memref_squeeze %dma_start3A_284 : memref<1x162x128xi32, #tpu.memory_space<hbm>> -> memref<162x128xi32, #tpu.memory_space<hbm>>
      %dma_start3A_286 = arith.constant 0 : i32
      %dma_start3A_287 = arith.constant 0 : i32
      %dma_start3A_288 = tpu.memref_slice %arg5[%arg1, %dma_start3A_286, %dma_start3A_287] : memref<16x162x128xi32, #tpu.memory_space<hbm>> -> memref<1x162x128xi32, #tpu.memory_space<hbm>>
      %dma_start3A_289 = tpu.memref_squeeze %dma_start3A_288 : memref<1x162x128xi32, #tpu.memory_space<hbm>> -> memref<162x128xi32, #tpu.memory_space<hbm>>
      tpu.enqueue_dma source(%dma_start3A_289 : memref<162x128xi32, #tpu.memory_space<hbm>>) target(%arg11 : memref<162x128xi32, #tpu.memory_space<vmem>>) target_semaphore(%run_scoped3A : memref<!tpu.dma_semaphore, #tpu.memory_space<semaphore_mem>>)
      %dma_wait3A_290 = arith.constant 0 : i32
      %dma_wait3A_291 = arith.constant 0 : i32
      %dma_wait3A_292 = tpu.memref_slice %arg5[%arg1, %dma_wait3A_290, %dma_wait3A_291] : memref<16x162x128xi32, #tpu.memory_space<hbm>> -> memref<1x162x128xi32, #tpu.memory_space<hbm>>
      %dma_wait3A_293 = tpu.memref_squeeze %dma_wait3A_292 : memref<1x162x128xi32, #tpu.memory_space<hbm>> -> memref<162x128xi32, #tpu.memory_space<hbm>>
      %dma_wait3A_294 = arith.constant 0 : i32
      %dma_wait3A_295 = arith.constant 0 : i32
      %dma_wait3A_296 = tpu.memref_slice %arg5[%arg1, %dma_wait3A_294, %dma_wait3A_295] : memref<16x162x128xi32, #tpu.memory_space<hbm>> -> memref<1x162x128xi32, #tpu.memory_space<hbm>>
      %dma_wait3A_297 = tpu.memref_squeeze %dma_wait3A_296 : memref<1x162x128xi32, #tpu.memory_space<hbm>> -> memref<162x128xi32, #tpu.memory_space<hbm>>
      tpu.wait_dma2 semaphore(%run_scoped3A : memref<!tpu.dma_semaphore, #tpu.memory_space<semaphore_mem>>) src(%dma_wait3A_297 : memref<162x128xi32, #tpu.memory_space<hbm>>) dst(%arg11 : memref<162x128xi32, #tpu.memory_space<vmem>>)
      tpu.yield
    }) : () -> ()
    "tpu.region"() ({
      %run_scoped3A = tpu.sem_alloc : memref<!tpu.dma_semaphore, #tpu.memory_space<semaphore_mem>>
      %dma_start3A_282 = arith.constant 0 : i32
      %dma_start3A_283 = arith.constant 0 : i32
      %dma_start3A_284 = tpu.memref_slice %arg6[%arg1, %dma_start3A_282, %dma_start3A_283] : memref<16x162x128xi32, #tpu.memory_space<hbm>> -> memref<1x162x128xi32, #tpu.memory_space<hbm>>
      %dma_start3A_285 = tpu.memref_squeeze %dma_start3A_284 : memref<1x162x128xi32, #tpu.memory_space<hbm>> -> memref<162x128xi32, #tpu.memory_space<hbm>>
      %dma_start3A_286 = arith.constant 0 : i32
      %dma_start3A_287 = arith.constant 0 : i32
      %dma_start3A_288 = tpu.memref_slice %arg6[%arg1, %dma_start3A_286, %dma_start3A_287] : memref<16x162x128xi32, #tpu.memory_space<hbm>> -> memref<1x162x128xi32, #tpu.memory_space<hbm>>
      %dma_start3A_289 = tpu.memref_squeeze %dma_start3A_288 : memref<1x162x128xi32, #tpu.memory_space<hbm>> -> memref<162x128xi32, #tpu.memory_space<hbm>>
      tpu.enqueue_dma source(%dma_start3A_289 : memref<162x128xi32, #tpu.memory_space<hbm>>) target(%arg12 : memref<162x128xi32, #tpu.memory_space<vmem>>) target_semaphore(%run_scoped3A : memref<!tpu.dma_semaphore, #tpu.memory_space<semaphore_mem>>)
      %dma_wait3A_290 = arith.constant 0 : i32
      %dma_wait3A_291 = arith.constant 0 : i32
      %dma_wait3A_292 = tpu.memref_slice %arg6[%arg1, %dma_wait3A_290, %dma_wait3A_291] : memref<16x162x128xi32, #tpu.memory_space<hbm>> -> memref<1x162x128xi32, #tpu.memory_space<hbm>>
      %dma_wait3A_293 = tpu.memref_squeeze %dma_wait3A_292 : memref<1x162x128xi32, #tpu.memory_space<hbm>> -> memref<162x128xi32, #tpu.memory_space<hbm>>
      %dma_wait3A_294 = arith.constant 0 : i32
      %dma_wait3A_295 = arith.constant 0 : i32
      %dma_wait3A_296 = tpu.memref_slice %arg6[%arg1, %dma_wait3A_294, %dma_wait3A_295] : memref<16x162x128xi32, #tpu.memory_space<hbm>> -> memref<1x162x128xi32, #tpu.memory_space<hbm>>
      %dma_wait3A_297 = tpu.memref_squeeze %dma_wait3A_296 : memref<1x162x128xi32, #tpu.memory_space<hbm>> -> memref<162x128xi32, #tpu.memory_space<hbm>>
      tpu.wait_dma2 semaphore(%run_scoped3A : memref<!tpu.dma_semaphore, #tpu.memory_space<semaphore_mem>>) src(%dma_wait3A_297 : memref<162x128xi32, #tpu.memory_space<hbm>>) dst(%arg12 : memref<162x128xi32, #tpu.memory_space<vmem>>)
      tpu.yield
    }) : () -> ()
    %broadcast_in_dim3A = arith.constant -3.000000e+38 : f32
    %broadcast_in_dim3A_0 = vector.broadcast %broadcast_in_dim3A : f32 to vector<16xf32>
    %scan3A = arith.constant 0 : i32
    %scan3A_1 = arith.constant 640 : i32
    %scan3A_2 = arith.addi %scan3A, %scan3A_1 : i32
    %scan3A_3 = arith.constant 1 : i32
    %scan3A_4 = scf.for %scan3A_282 = %scan3A to %scan3A_2 step %scan3A_3 iter_args(%scan3A_283 = %broadcast_in_dim3A_0) -> (vector<16xf32>)  : i32 {
      %mul3A_284 = arith.constant 16 : i32
      %mul3A_285 = arith.muli %scan3A_282, %mul3A_284 : i32
      %get3A = arith.index_cast %mul3A_285 : i32 to index
      %get3A_286 = tpu.vector_load %arg9[%get3A] {strides = array<i32>} : memref<10240xf32, #tpu.memory_space<vmem>>, vector<16xf32>,
      %max3A_287 = arith.maximumf %scan3A_283, %get3A_286 : vector<16xf32>
      scf.yield %max3A_287 : vector<16xf32>
    }
    %scan3A_5 = arith.constant 640 : i32
    %swap3A = arith.constant 0 : index
    %swap3A_6 = tpu.vector_load %arg13[%swap3A] {strides = array<i32>} : memref<128xf32, #tpu.memory_space<vmem>>, vector<16xf32>,
    tpu.vector_store %arg13[%swap3A], %scan3A_4 {strides = array<i32>} : memref<128xf32, #tpu.memory_space<vmem>>, vector<16xf32>,
    %broadcast_in_dim3A_7 = arith.constant 0 : i32
    %broadcast_in_dim3A_8 = vector.broadcast %broadcast_in_dim3A_7 : i32 to vector<16xi32>
    %gather3A = tpu.vector_load_idx %arg13[%broadcast_in_dim3A_8] : memref<128xf32, #tpu.memory_space<vmem>>[vector<16xi32>], vector<16xf32>,
    %broadcast_in_dim3A_9 = arith.constant 1 : i32
    %broadcast_in_dim3A_10 = vector.broadcast %broadcast_in_dim3A_9 : i32 to vector<16xi32>
    %gather3A_11 = tpu.vector_load_idx %arg13[%broadcast_in_dim3A_10] : memref<128xf32, #tpu.memory_space<vmem>>[vector<16xi32>], vector<16xf32>,
    %max3A = arith.maximumf %gather3A, %gather3A_11 : vector<16xf32>
    %broadcast_in_dim3A_12 = arith.constant 2 : i32
    %broadcast_in_dim3A_13 = vector.broadcast %broadcast_in_dim3A_12 : i32 to vector<16xi32>
    %gather3A_14 = tpu.vector_load_idx %arg13[%broadcast_in_dim3A_13] : memref<128xf32, #tpu.memory_space<vmem>>[vector<16xi32>], vector<16xf32>,
    %max3A_15 = arith.maximumf %max3A, %gather3A_14 : vector<16xf32>
    %broadcast_in_dim3A_16 = arith.constant 3 : i32
    %broadcast_in_dim3A_17 = vector.broadcast %broadcast_in_dim3A_16 : i32 to vector<16xi32>
    %gather3A_18 = tpu.vector_load_idx %arg13[%broadcast_in_dim3A_17] : memref<128xf32, #tpu.memory_space<vmem>>[vector<16xi32>], vector<16xf32>,
    %max3A_19 = arith.maximumf %max3A_15, %gather3A_18 : vector<16xf32>
    %broadcast_in_dim3A_20 = arith.constant 4 : i32
    %broadcast_in_dim3A_21 = vector.broadcast %broadcast_in_dim3A_20 : i32 to vector<16xi32>
    %gather3A_22 = tpu.vector_load_idx %arg13[%broadcast_in_dim3A_21] : memref<128xf32, #tpu.memory_space<vmem>>[vector<16xi32>], vector<16xf32>,
    %max3A_23 = arith.maximumf %max3A_19, %gather3A_22 : vector<16xf32>
    %broadcast_in_dim3A_24 = arith.constant 5 : i32
    %broadcast_in_dim3A_25 = vector.broadcast %broadcast_in_dim3A_24 : i32 to vector<16xi32>
    %gather3A_26 = tpu.vector_load_idx %arg13[%broadcast_in_dim3A_25] : memref<128xf32, #tpu.memory_space<vmem>>[vector<16xi32>], vector<16xf32>,
    %max3A_27 = arith.maximumf %max3A_23, %gather3A_26 : vector<16xf32>
    %broadcast_in_dim3A_28 = arith.constant 6 : i32
    %broadcast_in_dim3A_29 = vector.broadcast %broadcast_in_dim3A_28 : i32 to vector<16xi32>
    %gather3A_30 = tpu.vector_load_idx %arg13[%broadcast_in_dim3A_29] : memref<128xf32, #tpu.memory_space<vmem>>[vector<16xi32>], vector<16xf32>,
    %max3A_31 = arith.maximumf %max3A_27, %gather3A_30 : vector<16xf32>
    %broadcast_in_dim3A_32 = arith.constant 7 : i32
    %broadcast_in_dim3A_33 = vector.broadcast %broadcast_in_dim3A_32 : i32 to vector<16xi32>
    %gather3A_34 = tpu.vector_load_idx %arg13[%broadcast_in_dim3A_33] : memref<128xf32, #tpu.memory_space<vmem>>[vector<16xi32>], vector<16xf32>,
    %max3A_35 = arith.maximumf %max3A_31, %gather3A_34 : vector<16xf32>
    %broadcast_in_dim3A_36 = arith.constant 8 : i32
    %broadcast_in_dim3A_37 = vector.broadcast %broadcast_in_dim3A_36 : i32 to vector<16xi32>
    %gather3A_38 = tpu.vector_load_idx %arg13[%broadcast_in_dim3A_37] : memref<128xf32, #tpu.memory_space<vmem>>[vector<16xi32>], vector<16xf32>,
    %max3A_39 = arith.maximumf %max3A_35, %gather3A_38 : vector<16xf32>
    %broadcast_in_dim3A_40 = arith.constant 9 : i32
    %broadcast_in_dim3A_41 = vector.broadcast %broadcast_in_dim3A_40 : i32 to vector<16xi32>
    %gather3A_42 = tpu.vector_load_idx %arg13[%broadcast_in_dim3A_41] : memref<128xf32, #tpu.memory_space<vmem>>[vector<16xi32>], vector<16xf32>,
    %max3A_43 = arith.maximumf %max3A_39, %gather3A_42 : vector<16xf32>
    %broadcast_in_dim3A_44 = arith.constant 10 : i32
    %broadcast_in_dim3A_45 = vector.broadcast %broadcast_in_dim3A_44 : i32 to vector<16xi32>
    %gather3A_46 = tpu.vector_load_idx %arg13[%broadcast_in_dim3A_45] : memref<128xf32, #tpu.memory_space<vmem>>[vector<16xi32>], vector<16xf32>,
    %max3A_47 = arith.maximumf %max3A_43, %gather3A_46 : vector<16xf32>
    %broadcast_in_dim3A_48 = arith.constant 11 : i32
    %broadcast_in_dim3A_49 = vector.broadcast %broadcast_in_dim3A_48 : i32 to vector<16xi32>
    %gather3A_50 = tpu.vector_load_idx %arg13[%broadcast_in_dim3A_49] : memref<128xf32, #tpu.memory_space<vmem>>[vector<16xi32>], vector<16xf32>,
    %max3A_51 = arith.maximumf %max3A_47, %gather3A_50 : vector<16xf32>
    %broadcast_in_dim3A_52 = arith.constant 12 : i32
    %broadcast_in_dim3A_53 = vector.broadcast %broadcast_in_dim3A_52 : i32 to vector<16xi32>
    %gather3A_54 = tpu.vector_load_idx %arg13[%broadcast_in_dim3A_53] : memref<128xf32, #tpu.memory_space<vmem>>[vector<16xi32>], vector<16xf32>,
    %max3A_55 = arith.maximumf %max3A_51, %gather3A_54 : vector<16xf32>
    %broadcast_in_dim3A_56 = arith.constant 13 : i32
    %broadcast_in_dim3A_57 = vector.broadcast %broadcast_in_dim3A_56 : i32 to vector<16xi32>
    %gather3A_58 = tpu.vector_load_idx %arg13[%broadcast_in_dim3A_57] : memref<128xf32, #tpu.memory_space<vmem>>[vector<16xi32>], vector<16xf32>,
    %max3A_59 = arith.maximumf %max3A_55, %gather3A_58 : vector<16xf32>
    %broadcast_in_dim3A_60 = arith.constant 14 : i32
    %broadcast_in_dim3A_61 = vector.broadcast %broadcast_in_dim3A_60 : i32 to vector<16xi32>
    %gather3A_62 = tpu.vector_load_idx %arg13[%broadcast_in_dim3A_61] : memref<128xf32, #tpu.memory_space<vmem>>[vector<16xi32>], vector<16xf32>,
    %max3A_63 = arith.maximumf %max3A_59, %gather3A_62 : vector<16xf32>
    %broadcast_in_dim3A_64 = arith.constant 15 : i32
    %broadcast_in_dim3A_65 = vector.broadcast %broadcast_in_dim3A_64 : i32 to vector<16xi32>
    %gather3A_66 = tpu.vector_load_idx %arg13[%broadcast_in_dim3A_65] : memref<128xf32, #tpu.memory_space<vmem>>[vector<16xi32>], vector<16xf32>,
    %max3A_67 = arith.maximumf %max3A_63, %gather3A_66 : vector<16xf32>
    %scan3A_68 = arith.constant 0 : i32
    %scan3A_69 = arith.constant 640 : i32
    %scan3A_70 = arith.addi %scan3A_68, %scan3A_69 : i32
    %scan3A_71 = arith.constant 1 : i32
    %scan3A_72 = scf.for %scan3A_282 = %scan3A_68 to %scan3A_70 step %scan3A_71 iter_args(%scan3A_283 = %broadcast_in_dim3A_0) -> (vector<16xf32>)  : i32 {
      %mul3A_284 = arith.constant 16 : i32
      %mul3A_285 = arith.muli %scan3A_282, %mul3A_284 : i32
      %get3A = arith.index_cast %mul3A_285 : i32 to index
      %get3A_286 = tpu.vector_load %arg10[%get3A] {strides = array<i32>} : memref<10240xf32, #tpu.memory_space<vmem>>, vector<16xf32>,
      %max3A_287 = arith.maximumf %scan3A_283, %get3A_286 : vector<16xf32>
      scf.yield %max3A_287 : vector<16xf32>
    }
    %scan3A_73 = arith.constant 640 : i32
    %swap3A_74 = arith.constant 0 : index
    %swap3A_75 = tpu.vector_load %arg13[%swap3A_74] {strides = array<i32>} : memref<128xf32, #tpu.memory_space<vmem>>, vector<16xf32>,
    tpu.vector_store %arg13[%swap3A_74], %scan3A_72 {strides = array<i32>} : memref<128xf32, #tpu.memory_space<vmem>>, vector<16xf32>,
    %broadcast_in_dim3A_76 = arith.constant 0 : i32
    %broadcast_in_dim3A_77 = vector.broadcast %broadcast_in_dim3A_76 : i32 to vector<16xi32>
    %gather3A_78 = tpu.vector_load_idx %arg13[%broadcast_in_dim3A_77] : memref<128xf32, #tpu.memory_space<vmem>>[vector<16xi32>], vector<16xf32>,
    %broadcast_in_dim3A_79 = arith.constant 1 : i32
    %broadcast_in_dim3A_80 = vector.broadcast %broadcast_in_dim3A_79 : i32 to vector<16xi32>
    %gather3A_81 = tpu.vector_load_idx %arg13[%broadcast_in_dim3A_80] : memref<128xf32, #tpu.memory_space<vmem>>[vector<16xi32>], vector<16xf32>,
    %max3A_82 = arith.maximumf %gather3A_78, %gather3A_81 : vector<16xf32>
    %broadcast_in_dim3A_83 = arith.constant 2 : i32
    %broadcast_in_dim3A_84 = vector.broadcast %broadcast_in_dim3A_83 : i32 to vector<16xi32>
    %gather3A_85 = tpu.vector_load_idx %arg13[%broadcast_in_dim3A_84] : memref<128xf32, #tpu.memory_space<vmem>>[vector<16xi32>], vector<16xf32>,
    %max3A_86 = arith.maximumf %max3A_82, %gather3A_85 : vector<16xf32>
    %broadcast_in_dim3A_87 = arith.constant 3 : i32
    %broadcast_in_dim3A_88 = vector.broadcast %broadcast_in_dim3A_87 : i32 to vector<16xi32>
    %gather3A_89 = tpu.vector_load_idx %arg13[%broadcast_in_dim3A_88] : memref<128xf32, #tpu.memory_space<vmem>>[vector<16xi32>], vector<16xf32>,
    %max3A_90 = arith.maximumf %max3A_86, %gather3A_89 : vector<16xf32>
    %broadcast_in_dim3A_91 = arith.constant 4 : i32
    %broadcast_in_dim3A_92 = vector.broadcast %broadcast_in_dim3A_91 : i32 to vector<16xi32>
    %gather3A_93 = tpu.vector_load_idx %arg13[%broadcast_in_dim3A_92] : memref<128xf32, #tpu.memory_space<vmem>>[vector<16xi32>], vector<16xf32>,
    %max3A_94 = arith.maximumf %max3A_90, %gather3A_93 : vector<16xf32>
    %broadcast_in_dim3A_95 = arith.constant 5 : i32
    %broadcast_in_dim3A_96 = vector.broadcast %broadcast_in_dim3A_95 : i32 to vector<16xi32>
    %gather3A_97 = tpu.vector_load_idx %arg13[%broadcast_in_dim3A_96] : memref<128xf32, #tpu.memory_space<vmem>>[vector<16xi32>], vector<16xf32>,
    %max3A_98 = arith.maximumf %max3A_94, %gather3A_97 : vector<16xf32>
    %broadcast_in_dim3A_99 = arith.constant 6 : i32
    %broadcast_in_dim3A_100 = vector.broadcast %broadcast_in_dim3A_99 : i32 to vector<16xi32>
    %gather3A_101 = tpu.vector_load_idx %arg13[%broadcast_in_dim3A_100] : memref<128xf32, #tpu.memory_space<vmem>>[vector<16xi32>], vector<16xf32>,
    %max3A_102 = arith.maximumf %max3A_98, %gather3A_101 : vector<16xf32>
    %broadcast_in_dim3A_103 = arith.constant 7 : i32
    %broadcast_in_dim3A_104 = vector.broadcast %broadcast_in_dim3A_103 : i32 to vector<16xi32>
    %gather3A_105 = tpu.vector_load_idx %arg13[%broadcast_in_dim3A_104] : memref<128xf32, #tpu.memory_space<vmem>>[vector<16xi32>], vector<16xf32>,
    %max3A_106 = arith.maximumf %max3A_102, %gather3A_105 : vector<16xf32>
    %broadcast_in_dim3A_107 = arith.constant 8 : i32
    %broadcast_in_dim3A_108 = vector.broadcast %broadcast_in_dim3A_107 : i32 to vector<16xi32>
    %gather3A_109 = tpu.vector_load_idx %arg13[%broadcast_in_dim3A_108] : memref<128xf32, #tpu.memory_space<vmem>>[vector<16xi32>], vector<16xf32>,
    %max3A_110 = arith.maximumf %max3A_106, %gather3A_109 : vector<16xf32>
    %broadcast_in_dim3A_111 = arith.constant 9 : i32
    %broadcast_in_dim3A_112 = vector.broadcast %broadcast_in_dim3A_111 : i32 to vector<16xi32>
    %gather3A_113 = tpu.vector_load_idx %arg13[%broadcast_in_dim3A_112] : memref<128xf32, #tpu.memory_space<vmem>>[vector<16xi32>], vector<16xf32>,
    %max3A_114 = arith.maximumf %max3A_110, %gather3A_113 : vector<16xf32>
    %broadcast_in_dim3A_115 = arith.constant 10 : i32
    %broadcast_in_dim3A_116 = vector.broadcast %broadcast_in_dim3A_115 : i32 to vector<16xi32>
    %gather3A_117 = tpu.vector_load_idx %arg13[%broadcast_in_dim3A_116] : memref<128xf32, #tpu.memory_space<vmem>>[vector<16xi32>], vector<16xf32>,
    %max3A_118 = arith.maximumf %max3A_114, %gather3A_117 : vector<16xf32>
    %broadcast_in_dim3A_119 = arith.constant 11 : i32
    %broadcast_in_dim3A_120 = vector.broadcast %broadcast_in_dim3A_119 : i32 to vector<16xi32>
    %gather3A_121 = tpu.vector_load_idx %arg13[%broadcast_in_dim3A_120] : memref<128xf32, #tpu.memory_space<vmem>>[vector<16xi32>], vector<16xf32>,
    %max3A_122 = arith.maximumf %max3A_118, %gather3A_121 : vector<16xf32>
    %broadcast_in_dim3A_123 = arith.constant 12 : i32
    %broadcast_in_dim3A_124 = vector.broadcast %broadcast_in_dim3A_123 : i32 to vector<16xi32>
    %gather3A_125 = tpu.vector_load_idx %arg13[%broadcast_in_dim3A_124] : memref<128xf32, #tpu.memory_space<vmem>>[vector<16xi32>], vector<16xf32>,
    %max3A_126 = arith.maximumf %max3A_122, %gather3A_125 : vector<16xf32>
    %broadcast_in_dim3A_127 = arith.constant 13 : i32
    %broadcast_in_dim3A_128 = vector.broadcast %broadcast_in_dim3A_127 : i32 to vector<16xi32>
    %gather3A_129 = tpu.vector_load_idx %arg13[%broadcast_in_dim3A_128] : memref<128xf32, #tpu.memory_space<vmem>>[vector<16xi32>], vector<16xf32>,
    %max3A_130 = arith.maximumf %max3A_126, %gather3A_129 : vector<16xf32>
    %broadcast_in_dim3A_131 = arith.constant 14 : i32
    %broadcast_in_dim3A_132 = vector.broadcast %broadcast_in_dim3A_131 : i32 to vector<16xi32>
    %gather3A_133 = tpu.vector_load_idx %arg13[%broadcast_in_dim3A_132] : memref<128xf32, #tpu.memory_space<vmem>>[vector<16xi32>], vector<16xf32>,
    %max3A_134 = arith.maximumf %max3A_130, %gather3A_133 : vector<16xf32>
    %broadcast_in_dim3A_135 = arith.constant 15 : i32
    %broadcast_in_dim3A_136 = vector.broadcast %broadcast_in_dim3A_135 : i32 to vector<16xi32>
    %gather3A_137 = tpu.vector_load_idx %arg13[%broadcast_in_dim3A_136] : memref<128xf32, #tpu.memory_space<vmem>>[vector<16xi32>], vector<16xf32>,
    %max3A_138 = arith.maximumf %max3A_134, %gather3A_137 : vector<16xf32>
    %add3A = arith.addf %max3A_67, %max3A_138 : vector<16xf32>
    %mul3A = arith.constant 2.000000e-01 : f32
    %mul3A_139 = vector.broadcast %mul3A : f32 to vector<16xf32>
    %mul3A_140 = arith.mulf %mul3A_139, %add3A : vector<16xf32>
    %max3A_141 = arith.maximumf %add3A, %mul3A_140 : vector<16xf32>
    %broadcast_in_dim3A_142 = arith.constant 0.000000e+00 : f32
    %broadcast_in_dim3A_143 = vector.broadcast %broadcast_in_dim3A_142 : f32 to vector<16xf32>
    %scan3A_144 = arith.constant 0 : i32
    %scan3A_145 = arith.constant 0 : i32
    %scan3A_146 = arith.constant 128 : i32
    %scan3A_147 = arith.addi %scan3A_145, %scan3A_146 : i32
    %scan3A_148 = arith.constant 1 : i32
    %scan3A_149 = scf.for %scan3A_282 = %scan3A_145 to %scan3A_147 step %scan3A_148 iter_args(%scan3A_283 = %scan3A_144) -> (i32)  : i32 {
      %swap3A_284 = arith.index_cast %scan3A_282 : i32 to index
      %swap3A_285 = arith.constant 0 : index
      %swap3A_286 = tpu.vector_load %arg15[%swap3A_284, %swap3A_285] {strides = array<i32>} : memref<128x32xf32, #tpu.memory_space<vmem>>, vector<16xf32>,
      tpu.vector_store %arg15[%swap3A_284, %swap3A_285], %broadcast_in_dim3A_143 {strides = array<i32>} : memref<128x32xf32, #tpu.memory_space<vmem>>, vector<16xf32>,
      %swap3A_287 = arith.index_cast %scan3A_282 : i32 to index
      %swap3A_288 = arith.constant 0 : index
      %swap3A_289 = tpu.vector_load %arg16[%swap3A_287, %swap3A_288] {strides = array<i32>} : memref<128x32xf32, #tpu.memory_space<vmem>>, vector<16xf32>,
      tpu.vector_store %arg16[%swap3A_287, %swap3A_288], %broadcast_in_dim3A_143 {strides = array<i32>} : memref<128x32xf32, #tpu.memory_space<vmem>>, vector<16xf32>,
      %swap3A_290 = arith.index_cast %scan3A_282 : i32 to index
      %swap3A_291 = arith.constant 16 : index
      %swap3A_292 = tpu.vector_load %arg15[%swap3A_290, %swap3A_291] {strides = array<i32>} : memref<128x32xf32, #tpu.memory_space<vmem>>, vector<16xf32>,
      tpu.vector_store %arg15[%swap3A_290, %swap3A_291], %broadcast_in_dim3A_143 {strides = array<i32>} : memref<128x32xf32, #tpu.memory_space<vmem>>, vector<16xf32>,
      %swap3A_293 = arith.index_cast %scan3A_282 : i32 to index
      %swap3A_294 = arith.constant 16 : index
      %swap3A_295 = tpu.vector_load %arg16[%swap3A_293, %swap3A_294] {strides = array<i32>} : memref<128x32xf32, #tpu.memory_space<vmem>>, vector<16xf32>,
      tpu.vector_store %arg16[%swap3A_293, %swap3A_294], %broadcast_in_dim3A_143 {strides = array<i32>} : memref<128x32xf32, #tpu.memory_space<vmem>>, vector<16xf32>,
      %scan3A_296 = arith.constant 0 : i32
      scf.yield %scan3A_296 : i32
    }
    %scan3A_150 = arith.constant 128 : i32
    %swap3A_151 = arith.constant 0 : index
    %swap3A_152 = tpu.vector_load %arg13[%swap3A_151] {strides = array<i32>} : memref<128xf32, #tpu.memory_space<vmem>>, vector<16xf32>,
    tpu.vector_store %arg13[%swap3A_151], %broadcast_in_dim3A_143 {strides = array<i32>} : memref<128xf32, #tpu.memory_space<vmem>>, vector<16xf32>,
    %swap3A_153 = arith.constant 0 : index
    %swap3A_154 = tpu.vector_load %arg14[%swap3A_153] {strides = array<i32>} : memref<128xf32, #tpu.memory_space<vmem>>, vector<16xf32>,
    tpu.vector_store %arg14[%swap3A_153], %broadcast_in_dim3A_143 {strides = array<i32>} : memref<128xf32, #tpu.memory_space<vmem>>, vector<16xf32>,
    %swap3A_155 = arith.constant 16 : index
    %swap3A_156 = tpu.vector_load %arg13[%swap3A_155] {strides = array<i32>} : memref<128xf32, #tpu.memory_space<vmem>>, vector<16xf32>,
    tpu.vector_store %arg13[%swap3A_155], %broadcast_in_dim3A_143 {strides = array<i32>} : memref<128xf32, #tpu.memory_space<vmem>>, vector<16xf32>,
    %swap3A_157 = arith.constant 16 : index
    %swap3A_158 = tpu.vector_load %arg14[%swap3A_157] {strides = array<i32>} : memref<128xf32, #tpu.memory_space<vmem>>, vector<16xf32>,
    tpu.vector_store %arg14[%swap3A_157], %broadcast_in_dim3A_143 {strides = array<i32>} : memref<128xf32, #tpu.memory_space<vmem>>, vector<16xf32>,
    %swap3A_159 = arith.constant 32 : index
    %swap3A_160 = tpu.vector_load %arg13[%swap3A_159] {strides = array<i32>} : memref<128xf32, #tpu.memory_space<vmem>>, vector<16xf32>,
    tpu.vector_store %arg13[%swap3A_159], %broadcast_in_dim3A_143 {strides = array<i32>} : memref<128xf32, #tpu.memory_space<vmem>>, vector<16xf32>,
    %swap3A_161 = arith.constant 32 : index
    %swap3A_162 = tpu.vector_load %arg14[%swap3A_161] {strides = array<i32>} : memref<128xf32, #tpu.memory_space<vmem>>, vector<16xf32>,
    tpu.vector_store %arg14[%swap3A_161], %broadcast_in_dim3A_143 {strides = array<i32>} : memref<128xf32, #tpu.memory_space<vmem>>, vector<16xf32>,
    %swap3A_163 = arith.constant 48 : index
    %swap3A_164 = tpu.vector_load %arg13[%swap3A_163] {strides = array<i32>} : memref<128xf32, #tpu.memory_space<vmem>>, vector<16xf32>,
    tpu.vector_store %arg13[%swap3A_163], %broadcast_in_dim3A_143 {strides = array<i32>} : memref<128xf32, #tpu.memory_space<vmem>>, vector<16xf32>,
    %swap3A_165 = arith.constant 48 : index
    %swap3A_166 = tpu.vector_load %arg14[%swap3A_165] {strides = array<i32>} : memref<128xf32, #tpu.memory_space<vmem>>, vector<16xf32>,
    tpu.vector_store %arg14[%swap3A_165], %broadcast_in_dim3A_143 {strides = array<i32>} : memref<128xf32, #tpu.memory_space<vmem>>, vector<16xf32>,
    %swap3A_167 = arith.constant 64 : index
    %swap3A_168 = tpu.vector_load %arg13[%swap3A_167] {strides = array<i32>} : memref<128xf32, #tpu.memory_space<vmem>>, vector<16xf32>,
    tpu.vector_store %arg13[%swap3A_167], %broadcast_in_dim3A_143 {strides = array<i32>} : memref<128xf32, #tpu.memory_space<vmem>>, vector<16xf32>,
    %swap3A_169 = arith.constant 64 : index
    %swap3A_170 = tpu.vector_load %arg14[%swap3A_169] {strides = array<i32>} : memref<128xf32, #tpu.memory_space<vmem>>, vector<16xf32>,
    tpu.vector_store %arg14[%swap3A_169], %broadcast_in_dim3A_143 {strides = array<i32>} : memref<128xf32, #tpu.memory_space<vmem>>, vector<16xf32>,
    %swap3A_171 = arith.constant 80 : index
    %swap3A_172 = tpu.vector_load %arg13[%swap3A_171] {strides = array<i32>} : memref<128xf32, #tpu.memory_space<vmem>>, vector<16xf32>,
    tpu.vector_store %arg13[%swap3A_171], %broadcast_in_dim3A_143 {strides = array<i32>} : memref<128xf32, #tpu.memory_space<vmem>>, vector<16xf32>,
    %swap3A_173 = arith.constant 80 : index
    %swap3A_174 = tpu.vector_load %arg14[%swap3A_173] {strides = array<i32>} : memref<128xf32, #tpu.memory_space<vmem>>, vector<16xf32>,
    tpu.vector_store %arg14[%swap3A_173], %broadcast_in_dim3A_143 {strides = array<i32>} : memref<128xf32, #tpu.memory_space<vmem>>, vector<16xf32>,
    %swap3A_175 = arith.constant 96 : index
    %swap3A_176 = tpu.vector_load %arg13[%swap3A_175] {strides = array<i32>} : memref<128xf32, #tpu.memory_space<vmem>>, vector<16xf32>,
    tpu.vector_store %arg13[%swap3A_175], %broadcast_in_dim3A_143 {strides = array<i32>} : memref<128xf32, #tpu.memory_space<vmem>>, vector<16xf32>,
    %swap3A_177 = arith.constant 96 : index
    %swap3A_178 = tpu.vector_load %arg14[%swap3A_177] {strides = array<i32>} : memref<128xf32, #tpu.memory_space<vmem>>, vector<16xf32>,
    tpu.vector_store %arg14[%swap3A_177], %broadcast_in_dim3A_143 {strides = array<i32>} : memref<128xf32, #tpu.memory_space<vmem>>, vector<16xf32>,
    %swap3A_179 = arith.constant 112 : index
    %swap3A_180 = tpu.vector_load %arg13[%swap3A_179] {strides = array<i32>} : memref<128xf32, #tpu.memory_space<vmem>>, vector<16xf32>,
    tpu.vector_store %arg13[%swap3A_179], %broadcast_in_dim3A_143 {strides = array<i32>} : memref<128xf32, #tpu.memory_space<vmem>>, vector<16xf32>,
    %swap3A_181 = arith.constant 112 : index
    %swap3A_182 = tpu.vector_load %arg14[%swap3A_181] {strides = array<i32>} : memref<128xf32, #tpu.memory_space<vmem>>, vector<16xf32>,
    tpu.vector_store %arg14[%swap3A_181], %broadcast_in_dim3A_143 {strides = array<i32>} : memref<128xf32, #tpu.memory_space<vmem>>, vector<16xf32>,
    %mul3A_183 = arith.constant 640 : i32
    %mul3A_184 = arith.muli %arg1, %mul3A_183 : i32
    %add3A_185 = arith.constant 0 : i32
    %add3A_186 = arith.addi %mul3A_184, %add3A_185 : i32
    "tpu.region"() ({
      %run_scoped3A = tpu.sem_alloc : memref<!tpu.dma_semaphore, #tpu.memory_space<semaphore_mem>>
      %dma_start3A_282 = arith.constant 0 : i32
      %dma_start3A_283 = tpu.memref_slice %arg17[%add3A_186, %dma_start3A_282] : memref<10240x32xf32, #tpu.memory_space<vmem_shared>> -> memref<128x32xf32, #tpu.memory_space<vmem_shared>>
      %dma_start3A_284 = arith.constant 0 : i32
      %dma_start3A_285 = tpu.memref_slice %arg17[%add3A_186, %dma_start3A_284] : memref<10240x32xf32, #tpu.memory_space<vmem_shared>> -> memref<128x32xf32, #tpu.memory_space<vmem_shared>>
      tpu.enqueue_dma source(%arg15 : memref<128x32xf32, #tpu.memory_space<vmem>>) target(%dma_start3A_285 : memref<128x32xf32, #tpu.memory_space<vmem_shared>>) target_semaphore(%run_scoped3A : memref<!tpu.dma_semaphore, #tpu.memory_space<semaphore_mem>>)
      %dma_wait3A_286 = arith.constant 0 : i32
      %dma_wait3A_287 = tpu.memref_slice %arg17[%add3A_186, %dma_wait3A_286] : memref<10240x32xf32, #tpu.memory_space<vmem_shared>> -> memref<128x32xf32, #tpu.memory_space<vmem_shared>>
      %dma_wait3A_288 = arith.constant 0 : i32
      %dma_wait3A_289 = tpu.memref_slice %arg17[%add3A_186, %dma_wait3A_288] : memref<10240x32xf32, #tpu.memory_space<vmem_shared>> -> memref<128x32xf32, #tpu.memory_space<vmem_shared>>
      tpu.wait_dma2 semaphore(%run_scoped3A : memref<!tpu.dma_semaphore, #tpu.memory_space<semaphore_mem>>) src(%arg15 : memref<128x32xf32, #tpu.memory_space<vmem>>) dst(%dma_wait3A_289 : memref<128x32xf32, #tpu.memory_space<vmem_shared>>)
      tpu.yield
    }) : () -> ()
    %add3A_187 = arith.constant 0 : i32
    %add3A_188 = arith.addi %mul3A_184, %add3A_187 : i32
    "tpu.region"() ({
      %run_scoped3A = tpu.sem_alloc : memref<!tpu.dma_semaphore, #tpu.memory_space<semaphore_mem>>
      %dma_start3A_282 = tpu.memref_slice %arg18[%add3A_188] : memref<10240xf32, #tpu.memory_space<vmem_shared>> -> memref<128xf32, #tpu.memory_space<vmem_shared>>
      %dma_start3A_283 = tpu.memref_slice %arg18[%add3A_188] : memref<10240xf32, #tpu.memory_space<vmem_shared>> -> memref<128xf32, #tpu.memory_space<vmem_shared>>
      tpu.enqueue_dma source(%arg13 : memref<128xf32, #tpu.memory_space<vmem>>) target(%dma_start3A_283 : memref<128xf32, #tpu.memory_space<vmem_shared>>) target_semaphore(%run_scoped3A : memref<!tpu.dma_semaphore, #tpu.memory_space<semaphore_mem>>)
      %dma_wait3A_284 = tpu.memref_slice %arg18[%add3A_188] : memref<10240xf32, #tpu.memory_space<vmem_shared>> -> memref<128xf32, #tpu.memory_space<vmem_shared>>
      %dma_wait3A_285 = tpu.memref_slice %arg18[%add3A_188] : memref<10240xf32, #tpu.memory_space<vmem_shared>> -> memref<128xf32, #tpu.memory_space<vmem_shared>>
      tpu.wait_dma2 semaphore(%run_scoped3A : memref<!tpu.dma_semaphore, #tpu.memory_space<semaphore_mem>>) src(%arg13 : memref<128xf32, #tpu.memory_space<vmem>>) dst(%dma_wait3A_285 : memref<128xf32, #tpu.memory_space<vmem_shared>>)
      tpu.yield
    }) : () -> ()
    %add3A_189 = arith.constant 128 : i32
    %add3A_190 = arith.addi %mul3A_184, %add3A_189 : i32
    "tpu.region"() ({
      %run_scoped3A = tpu.sem_alloc : memref<!tpu.dma_semaphore, #tpu.memory_space<semaphore_mem>>
      %dma_start3A_282 = arith.constant 0 : i32
      %dma_start3A_283 = tpu.memref_slice %arg17[%add3A_190, %dma_start3A_282] : memref<10240x32xf32, #tpu.memory_space<vmem_shared>> -> memref<128x32xf32, #tpu.memory_space<vmem_shared>>
      %dma_start3A_284 = arith.constant 0 : i32
      %dma_start3A_285 = tpu.memref_slice %arg17[%add3A_190, %dma_start3A_284] : memref<10240x32xf32, #tpu.memory_space<vmem_shared>> -> memref<128x32xf32, #tpu.memory_space<vmem_shared>>
      tpu.enqueue_dma source(%arg15 : memref<128x32xf32, #tpu.memory_space<vmem>>) target(%dma_start3A_285 : memref<128x32xf32, #tpu.memory_space<vmem_shared>>) target_semaphore(%run_scoped3A : memref<!tpu.dma_semaphore, #tpu.memory_space<semaphore_mem>>)
      %dma_wait3A_286 = arith.constant 0 : i32
      %dma_wait3A_287 = tpu.memref_slice %arg17[%add3A_190, %dma_wait3A_286] : memref<10240x32xf32, #tpu.memory_space<vmem_shared>> -> memref<128x32xf32, #tpu.memory_space<vmem_shared>>
      %dma_wait3A_288 = arith.constant 0 : i32
      %dma_wait3A_289 = tpu.memref_slice %arg17[%add3A_190, %dma_wait3A_288] : memref<10240x32xf32, #tpu.memory_space<vmem_shared>> -> memref<128x32xf32, #tpu.memory_space<vmem_shared>>
      tpu.wait_dma2 semaphore(%run_scoped3A : memref<!tpu.dma_semaphore, #tpu.memory_space<semaphore_mem>>) src(%arg15 : memref<128x32xf32, #tpu.memory_space<vmem>>) dst(%dma_wait3A_289 : memref<128x32xf32, #tpu.memory_space<vmem_shared>>)
      tpu.yield
    }) : () -> ()
    %add3A_191 = arith.constant 128 : i32
    %add3A_192 = arith.addi %mul3A_184, %add3A_191 : i32
    "tpu.region"() ({
      %run_scoped3A = tpu.sem_alloc : memref<!tpu.dma_semaphore, #tpu.memory_space<semaphore_mem>>
      %dma_start3A_282 = tpu.memref_slice %arg18[%add3A_192] : memref<10240xf32, #tpu.memory_space<vmem_shared>> -> memref<128xf32, #tpu.memory_space<vmem_shared>>
      %dma_start3A_283 = tpu.memref_slice %arg18[%add3A_192] : memref<10240xf32, #tpu.memory_space<vmem_shared>> -> memref<128xf32, #tpu.memory_space<vmem_shared>>
      tpu.enqueue_dma source(%arg13 : memref<128xf32, #tpu.memory_space<vmem>>) target(%dma_start3A_283 : memref<128xf32, #tpu.memory_space<vmem_shared>>) target_semaphore(%run_scoped3A : memref<!tpu.dma_semaphore, #tpu.memory_space<semaphore_mem>>)
      %dma_wait3A_284 = tpu.memref_slice %arg18[%add3A_192] : memref<10240xf32, #tpu.memory_space<vmem_shared>> -> memref<128xf32, #tpu.memory_space<vmem_shared>>
      %dma_wait3A_285 = tpu.memref_slice %arg18[%add3A_192] : memref<10240xf32, #tpu.memory_space<vmem_shared>> -> memref<128xf32, #tpu.memory_space<vmem_shared>>
      tpu.wait_dma2 semaphore(%run_scoped3A : memref<!tpu.dma_semaphore, #tpu.memory_space<semaphore_mem>>) src(%arg13 : memref<128xf32, #tpu.memory_space<vmem>>) dst(%dma_wait3A_285 : memref<128xf32, #tpu.memory_space<vmem_shared>>)
      tpu.yield
    }) : () -> ()
    %add3A_193 = arith.constant 256 : i32
    %add3A_194 = arith.addi %mul3A_184, %add3A_193 : i32
    "tpu.region"() ({
      %run_scoped3A = tpu.sem_alloc : memref<!tpu.dma_semaphore, #tpu.memory_space<semaphore_mem>>
      %dma_start3A_282 = arith.constant 0 : i32
      %dma_start3A_283 = tpu.memref_slice %arg17[%add3A_194, %dma_start3A_282] : memref<10240x32xf32, #tpu.memory_space<vmem_shared>> -> memref<128x32xf32, #tpu.memory_space<vmem_shared>>
      %dma_start3A_284 = arith.constant 0 : i32
      %dma_start3A_285 = tpu.memref_slice %arg17[%add3A_194, %dma_start3A_284] : memref<10240x32xf32, #tpu.memory_space<vmem_shared>> -> memref<128x32xf32, #tpu.memory_space<vmem_shared>>
      tpu.enqueue_dma source(%arg15 : memref<128x32xf32, #tpu.memory_space<vmem>>) target(%dma_start3A_285 : memref<128x32xf32, #tpu.memory_space<vmem_shared>>) target_semaphore(%run_scoped3A : memref<!tpu.dma_semaphore, #tpu.memory_space<semaphore_mem>>)
      %dma_wait3A_286 = arith.constant 0 : i32
      %dma_wait3A_287 = tpu.memref_slice %arg17[%add3A_194, %dma_wait3A_286] : memref<10240x32xf32, #tpu.memory_space<vmem_shared>> -> memref<128x32xf32, #tpu.memory_space<vmem_shared>>
      %dma_wait3A_288 = arith.constant 0 : i32
      %dma_wait3A_289 = tpu.memref_slice %arg17[%add3A_194, %dma_wait3A_288] : memref<10240x32xf32, #tpu.memory_space<vmem_shared>> -> memref<128x32xf32, #tpu.memory_space<vmem_shared>>
      tpu.wait_dma2 semaphore(%run_scoped3A : memref<!tpu.dma_semaphore, #tpu.memory_space<semaphore_mem>>) src(%arg15 : memref<128x32xf32, #tpu.memory_space<vmem>>) dst(%dma_wait3A_289 : memref<128x32xf32, #tpu.memory_space<vmem_shared>>)
      tpu.yield
    }) : () -> ()
    %add3A_195 = arith.constant 256 : i32
    %add3A_196 = arith.addi %mul3A_184, %add3A_195 : i32
    "tpu.region"() ({
      %run_scoped3A = tpu.sem_alloc : memref<!tpu.dma_semaphore, #tpu.memory_space<semaphore_mem>>
      %dma_start3A_282 = tpu.memref_slice %arg18[%add3A_196] : memref<10240xf32, #tpu.memory_space<vmem_shared>> -> memref<128xf32, #tpu.memory_space<vmem_shared>>
      %dma_start3A_283 = tpu.memref_slice %arg18[%add3A_196] : memref<10240xf32, #tpu.memory_space<vmem_shared>> -> memref<128xf32, #tpu.memory_space<vmem_shared>>
      tpu.enqueue_dma source(%arg13 : memref<128xf32, #tpu.memory_space<vmem>>) target(%dma_start3A_283 : memref<128xf32, #tpu.memory_space<vmem_shared>>) target_semaphore(%run_scoped3A : memref<!tpu.dma_semaphore, #tpu.memory_space<semaphore_mem>>)
      %dma_wait3A_284 = tpu.memref_slice %arg18[%add3A_196] : memref<10240xf32, #tpu.memory_space<vmem_shared>> -> memref<128xf32, #tpu.memory_space<vmem_shared>>
      %dma_wait3A_285 = tpu.memref_slice %arg18[%add3A_196] : memref<10240xf32, #tpu.memory_space<vmem_shared>> -> memref<128xf32, #tpu.memory_space<vmem_shared>>
      tpu.wait_dma2 semaphore(%run_scoped3A : memref<!tpu.dma_semaphore, #tpu.memory_space<semaphore_mem>>) src(%arg13 : memref<128xf32, #tpu.memory_space<vmem>>) dst(%dma_wait3A_285 : memref<128xf32, #tpu.memory_space<vmem_shared>>)
      tpu.yield
    }) : () -> ()
    %add3A_197 = arith.constant 384 : i32
    %add3A_198 = arith.addi %mul3A_184, %add3A_197 : i32
    "tpu.region"() ({
      %run_scoped3A = tpu.sem_alloc : memref<!tpu.dma_semaphore, #tpu.memory_space<semaphore_mem>>
      %dma_start3A_282 = arith.constant 0 : i32
      %dma_start3A_283 = tpu.memref_slice %arg17[%add3A_198, %dma_start3A_282] : memref<10240x32xf32, #tpu.memory_space<vmem_shared>> -> memref<128x32xf32, #tpu.memory_space<vmem_shared>>
      %dma_start3A_284 = arith.constant 0 : i32
      %dma_start3A_285 = tpu.memref_slice %arg17[%add3A_198, %dma_start3A_284] : memref<10240x32xf32, #tpu.memory_space<vmem_shared>> -> memref<128x32xf32, #tpu.memory_space<vmem_shared>>
      tpu.enqueue_dma source(%arg15 : memref<128x32xf32, #tpu.memory_space<vmem>>) target(%dma_start3A_285 : memref<128x32xf32, #tpu.memory_space<vmem_shared>>) target_semaphore(%run_scoped3A : memref<!tpu.dma_semaphore, #tpu.memory_space<semaphore_mem>>)
      %dma_wait3A_286 = arith.constant 0 : i32
      %dma_wait3A_287 = tpu.memref_slice %arg17[%add3A_198, %dma_wait3A_286] : memref<10240x32xf32, #tpu.memory_space<vmem_shared>> -> memref<128x32xf32, #tpu.memory_space<vmem_shared>>
      %dma_wait3A_288 = arith.constant 0 : i32
      %dma_wait3A_289 = tpu.memref_slice %arg17[%add3A_198, %dma_wait3A_288] : memref<10240x32xf32, #tpu.memory_space<vmem_shared>> -> memref<128x32xf32, #tpu.memory_space<vmem_shared>>
      tpu.wait_dma2 semaphore(%run_scoped3A : memref<!tpu.dma_semaphore, #tpu.memory_space<semaphore_mem>>) src(%arg15 : memref<128x32xf32, #tpu.memory_space<vmem>>) dst(%dma_wait3A_289 : memref<128x32xf32, #tpu.memory_space<vmem_shared>>)
      tpu.yield
    }) : () -> ()
    %add3A_199 = arith.constant 384 : i32
    %add3A_200 = arith.addi %mul3A_184, %add3A_199 : i32
    "tpu.region"() ({
      %run_scoped3A = tpu.sem_alloc : memref<!tpu.dma_semaphore, #tpu.memory_space<semaphore_mem>>
      %dma_start3A_282 = tpu.memref_slice %arg18[%add3A_200] : memref<10240xf32, #tpu.memory_space<vmem_shared>> -> memref<128xf32, #tpu.memory_space<vmem_shared>>
      %dma_start3A_283 = tpu.memref_slice %arg18[%add3A_200] : memref<10240xf32, #tpu.memory_space<vmem_shared>> -> memref<128xf32, #tpu.memory_space<vmem_shared>>
      tpu.enqueue_dma source(%arg13 : memref<128xf32, #tpu.memory_space<vmem>>) target(%dma_start3A_283 : memref<128xf32, #tpu.memory_space<vmem_shared>>) target_semaphore(%run_scoped3A : memref<!tpu.dma_semaphore, #tpu.memory_space<semaphore_mem>>)
      %dma_wait3A_284 = tpu.memref_slice %arg18[%add3A_200] : memref<10240xf32, #tpu.memory_space<vmem_shared>> -> memref<128xf32, #tpu.memory_space<vmem_shared>>
      %dma_wait3A_285 = tpu.memref_slice %arg18[%add3A_200] : memref<10240xf32, #tpu.memory_space<vmem_shared>> -> memref<128xf32, #tpu.memory_space<vmem_shared>>
      tpu.wait_dma2 semaphore(%run_scoped3A : memref<!tpu.dma_semaphore, #tpu.memory_space<semaphore_mem>>) src(%arg13 : memref<128xf32, #tpu.memory_space<vmem>>) dst(%dma_wait3A_285 : memref<128xf32, #tpu.memory_space<vmem_shared>>)
      tpu.yield
    }) : () -> ()
    %add3A_201 = arith.constant 512 : i32
    %add3A_202 = arith.addi %mul3A_184, %add3A_201 : i32
    "tpu.region"() ({
      %run_scoped3A = tpu.sem_alloc : memref<!tpu.dma_semaphore, #tpu.memory_space<semaphore_mem>>
      %dma_start3A_282 = arith.constant 0 : i32
      %dma_start3A_283 = tpu.memref_slice %arg17[%add3A_202, %dma_start3A_282] : memref<10240x32xf32, #tpu.memory_space<vmem_shared>> -> memref<128x32xf32, #tpu.memory_space<vmem_shared>>
      %dma_start3A_284 = arith.constant 0 : i32
      %dma_start3A_285 = tpu.memref_slice %arg17[%add3A_202, %dma_start3A_284] : memref<10240x32xf32, #tpu.memory_space<vmem_shared>> -> memref<128x32xf32, #tpu.memory_space<vmem_shared>>
      tpu.enqueue_dma source(%arg15 : memref<128x32xf32, #tpu.memory_space<vmem>>) target(%dma_start3A_285 : memref<128x32xf32, #tpu.memory_space<vmem_shared>>) target_semaphore(%run_scoped3A : memref<!tpu.dma_semaphore, #tpu.memory_space<semaphore_mem>>)
      %dma_wait3A_286 = arith.constant 0 : i32
      %dma_wait3A_287 = tpu.memref_slice %arg17[%add3A_202, %dma_wait3A_286] : memref<10240x32xf32, #tpu.memory_space<vmem_shared>> -> memref<128x32xf32, #tpu.memory_space<vmem_shared>>
      %dma_wait3A_288 = arith.constant 0 : i32
      %dma_wait3A_289 = tpu.memref_slice %arg17[%add3A_202, %dma_wait3A_288] : memref<10240x32xf32, #tpu.memory_space<vmem_shared>> -> memref<128x32xf32, #tpu.memory_space<vmem_shared>>
      tpu.wait_dma2 semaphore(%run_scoped3A : memref<!tpu.dma_semaphore, #tpu.memory_space<semaphore_mem>>) src(%arg15 : memref<128x32xf32, #tpu.memory_space<vmem>>) dst(%dma_wait3A_289 : memref<128x32xf32, #tpu.memory_space<vmem_shared>>)
      tpu.yield
    }) : () -> ()
    %add3A_203 = arith.constant 512 : i32
    %add3A_204 = arith.addi %mul3A_184, %add3A_203 : i32
    "tpu.region"() ({
      %run_scoped3A = tpu.sem_alloc : memref<!tpu.dma_semaphore, #tpu.memory_space<semaphore_mem>>
      %dma_start3A_282 = tpu.memref_slice %arg18[%add3A_204] : memref<10240xf32, #tpu.memory_space<vmem_shared>> -> memref<128xf32, #tpu.memory_space<vmem_shared>>
      %dma_start3A_283 = tpu.memref_slice %arg18[%add3A_204] : memref<10240xf32, #tpu.memory_space<vmem_shared>> -> memref<128xf32, #tpu.memory_space<vmem_shared>>
      tpu.enqueue_dma source(%arg13 : memref<128xf32, #tpu.memory_space<vmem>>) target(%dma_start3A_283 : memref<128xf32, #tpu.memory_space<vmem_shared>>) target_semaphore(%run_scoped3A : memref<!tpu.dma_semaphore, #tpu.memory_space<semaphore_mem>>)
      %dma_wait3A_284 = tpu.memref_slice %arg18[%add3A_204] : memref<10240xf32, #tpu.memory_space<vmem_shared>> -> memref<128xf32, #tpu.memory_space<vmem_shared>>
      %dma_wait3A_285 = tpu.memref_slice %arg18[%add3A_204] : memref<10240xf32, #tpu.memory_space<vmem_shared>> -> memref<128xf32, #tpu.memory_space<vmem_shared>>
      tpu.wait_dma2 semaphore(%run_scoped3A : memref<!tpu.dma_semaphore, #tpu.memory_space<semaphore_mem>>) src(%arg13 : memref<128xf32, #tpu.memory_space<vmem>>) dst(%dma_wait3A_285 : memref<128xf32, #tpu.memory_space<vmem_shared>>)
      tpu.yield
    }) : () -> ()
    %barrier3A = arith.constant 0 : index
    tpu.barrier barrier_id(%barrier3A)
    %dma_start3A = arith.constant 0 : i32
    %dma_start3A_205 = arith.constant 0 : i32
    %dma_start3A_206 = tpu.memref_slice %arg12[%dma_start3A, %dma_start3A_205] : memref<162x128xi32, #tpu.memory_space<vmem>> -> memref<1x128xi32, #tpu.memory_space<vmem>>
    %dma_start3A_207 = tpu.memref_squeeze %dma_start3A_206 : memref<1x128xi32, #tpu.memory_space<vmem>> -> memref<128xi32, #tpu.memory_space<vmem>>
    %dma_start3A_208 = arith.constant 0 : i32
    %dma_start3A_209 = arith.constant 0 : i32
    %dma_start3A_210 = tpu.memref_slice %arg17[%dma_start3A_208, %dma_start3A_209] : memref<10240x32xf32, #tpu.memory_space<vmem_shared>> -> memref<10240x32xf32, #tpu.memory_space<vmem_shared>>
    tpu.enqueue_indirect_dma source(%arg15 : memref<128x32xf32, #tpu.memory_space<vmem>>) target(%dma_start3A_210 : memref<10240x32xf32, #tpu.memory_space<vmem_shared>>) offsets(%dma_start3A_207 : memref<128xi32, #tpu.memory_space<vmem>>) semaphore(%arg21 : memref<!tpu.dma_semaphore, #tpu.memory_space<semaphore_mem>>) {add = true}
    %dma_start3A_211 = arith.constant 0 : i32
    %dma_start3A_212 = arith.constant 0 : i32
    %dma_start3A_213 = tpu.memref_slice %arg12[%dma_start3A_211, %dma_start3A_212] : memref<162x128xi32, #tpu.memory_space<vmem>> -> memref<1x128xi32, #tpu.memory_space<vmem>>
    %dma_start3A_214 = tpu.memref_squeeze %dma_start3A_213 : memref<1x128xi32, #tpu.memory_space<vmem>> -> memref<128xi32, #tpu.memory_space<vmem>>
    %dma_start3A_215 = arith.constant 0 : i32
    %dma_start3A_216 = tpu.memref_slice %arg18[%dma_start3A_215] : memref<10240xf32, #tpu.memory_space<vmem_shared>> -> memref<10240xf32, #tpu.memory_space<vmem_shared>>
    tpu.enqueue_indirect_dma source(%arg13 : memref<128xf32, #tpu.memory_space<vmem>>) target(%dma_start3A_216 : memref<10240xf32, #tpu.memory_space<vmem_shared>>) offsets(%dma_start3A_214 : memref<128xi32, #tpu.memory_space<vmem>>) semaphore(%arg21 : memref<!tpu.dma_semaphore, #tpu.memory_space<semaphore_mem>>) {add = true}
    %dma_start3A_217 = arith.constant 0 : i32
    %dma_start3A_218 = arith.constant 0 : i32
    %dma_start3A_219 = tpu.memref_slice %arg12[%dma_start3A_217, %dma_start3A_218] : memref<162x128xi32, #tpu.memory_space<vmem>> -> memref<1x128xi32, #tpu.memory_space<vmem>>
    %dma_start3A_220 = tpu.memref_squeeze %dma_start3A_219 : memref<1x128xi32, #tpu.memory_space<vmem>> -> memref<128xi32, #tpu.memory_space<vmem>>
    %dma_start3A_221 = arith.constant 0 : i32
    %dma_start3A_222 = arith.constant 0 : i32
    %dma_start3A_223 = tpu.memref_slice %arg17[%dma_start3A_221, %dma_start3A_222] : memref<10240x32xf32, #tpu.memory_space<vmem_shared>> -> memref<10240x32xf32, #tpu.memory_space<vmem_shared>>
    tpu.enqueue_indirect_dma source(%arg16 : memref<128x32xf32, #tpu.memory_space<vmem>>) target(%dma_start3A_223 : memref<10240x32xf32, #tpu.memory_space<vmem_shared>>) offsets(%dma_start3A_220 : memref<128xi32, #tpu.memory_space<vmem>>) semaphore(%arg22 : memref<!tpu.dma_semaphore, #tpu.memory_space<semaphore_mem>>) {add = true}
    %dma_start3A_224 = arith.constant 0 : i32
    %dma_start3A_225 = arith.constant 0 : i32
    %dma_start3A_226 = tpu.memref_slice %arg12[%dma_start3A_224, %dma_start3A_225] : memref<162x128xi32, #tpu.memory_space<vmem>> -> memref<1x128xi32, #tpu.memory_space<vmem>>
    %dma_start3A_227 = tpu.memref_squeeze %dma_start3A_226 : memref<1x128xi32, #tpu.memory_space<vmem>> -> memref<128xi32, #tpu.memory_space<vmem>>
    %dma_start3A_228 = arith.constant 0 : i32
    %dma_start3A_229 = tpu.memref_slice %arg18[%dma_start3A_228] : memref<10240xf32, #tpu.memory_space<vmem_shared>> -> memref<10240xf32, #tpu.memory_space<vmem_shared>>
    tpu.enqueue_indirect_dma source(%arg14 : memref<128xf32, #tpu.memory_space<vmem>>) target(%dma_start3A_229 : memref<10240xf32, #tpu.memory_space<vmem_shared>>) offsets(%dma_start3A_227 : memref<128xi32, #tpu.memory_space<vmem>>) semaphore(%arg22 : memref<!tpu.dma_semaphore, #tpu.memory_space<semaphore_mem>>) {add = true}
    %dma_wait3A = arith.constant 0 : i32
    %dma_wait3A_230 = arith.constant 0 : i32
    %dma_wait3A_231 = tpu.memref_slice %arg2[%arg0, %dma_wait3A, %dma_wait3A_230] : memref<2x10240x32xf32, #tpu.memory_space<hbm>> -> memref<1x128x32xf32, #tpu.memory_space<hbm>>
    %dma_wait3A_232 = tpu.memref_squeeze %dma_wait3A_231 : memref<1x128x32xf32, #tpu.memory_space<hbm>> -> memref<128x32xf32, #tpu.memory_space<hbm>>
    %dma_wait3A_233 = arith.constant 0 : i32
    %dma_wait3A_234 = arith.constant 0 : i32
    %dma_wait3A_235 = tpu.memref_slice %arg2[%arg0, %dma_wait3A_233, %dma_wait3A_234] : memref<2x10240x32xf32, #tpu.memory_space<hbm>> -> memref<1x128x32xf32, #tpu.memory_space<hbm>>
    %dma_wait3A_236 = tpu.memref_squeeze %dma_wait3A_235 : memref<1x128x32xf32, #tpu.memory_space<hbm>> -> memref<128x32xf32, #tpu.memory_space<hbm>>
    tpu.wait_dma2 semaphore(%arg21 : memref<!tpu.dma_semaphore, #tpu.memory_space<semaphore_mem>>) src(%dma_wait3A_236 : memref<128x32xf32, #tpu.memory_space<hbm>>) dst(%arg15 : memref<128x32xf32, #tpu.memory_space<vmem>>)
    %dma_wait3A_237 = arith.constant 0 : i32
    %dma_wait3A_238 = tpu.memref_slice %arg3[%dma_wait3A_237] : memref<10240xf32, #tpu.memory_space<hbm>> -> memref<128xf32, #tpu.memory_space<hbm>>
    %dma_wait3A_239 = arith.constant 0 : i32
    %dma_wait3A_240 = tpu.memref_slice %arg3[%dma_wait3A_239] : memref<10240xf32, #tpu.memory_space<hbm>> -> memref<128xf32, #tpu.memory_space<hbm>>
    tpu.wait_dma2 semaphore(%arg21 : memref<!tpu.dma_semaphore, #tpu.memory_space<semaphore_mem>>) src(%dma_wait3A_240 : memref<128xf32, #tpu.memory_space<hbm>>) dst(%arg13 : memref<128xf32, #tpu.memory_space<vmem>>)
    %dma_start3A_241 = arith.constant 0 : i32
    %dma_start3A_242 = arith.constant 0 : i32
    %dma_start3A_243 = tpu.memref_slice %arg11[%dma_start3A_241, %dma_start3A_242] : memref<162x128xi32, #tpu.memory_space<vmem>> -> memref<1x128xi32, #tpu.memory_space<vmem>>
    %dma_start3A_244 = tpu.memref_squeeze %dma_start3A_243 : memref<1x128xi32, #tpu.memory_space<vmem>> -> memref<128xi32, #tpu.memory_space<vmem>>
    %dma_start3A_245 = arith.constant 0 : i32
    %dma_start3A_246 = arith.constant 0 : i32
    %dma_start3A_247 = tpu.memref_slice %arg2[%arg0, %dma_start3A_245, %dma_start3A_246] : memref<2x10240x32xf32, #tpu.memory_space<hbm>> -> memref<1x10240x32xf32, #tpu.memory_space<hbm>>
    %dma_start3A_248 = tpu.memref_squeeze %dma_start3A_247 : memref<1x10240x32xf32, #tpu.memory_space<hbm>> -> memref<10240x32xf32, #tpu.memory_space<hbm>>
    %dma_start3A_249 = arith.constant 0 : i32
    %dma_start3A_250 = arith.constant 0 : i32
    %dma_start3A_251 = tpu.memref_slice %dma_start3A_248[%dma_start3A_249, %dma_start3A_250] : memref<10240x32xf32, #tpu.memory_space<hbm>> -> memref<10240x32xf32, #tpu.memory_space<hbm>>
    tpu.enqueue_indirect_dma source(%dma_start3A_251 : memref<10240x32xf32, #tpu.memory_space<hbm>>) target(%arg15 : memref<128x32xf32, #tpu.memory_space<vmem>>) offsets(%dma_start3A_244 : memref<128xi32, #tpu.memory_space<vmem>>) semaphore(%arg19 : memref<!tpu.dma_semaphore, #tpu.memory_space<semaphore_mem>>)
    %scan3A_252 = arith.constant 0 : i32
    %scan3A_253 = arith.constant 0 : i32
    %scan3A_254 = arith.constant 81 : i32
    %scan3A_255 = arith.addi %scan3A_253, %scan3A_254 : i32
    %scan3A_256 = arith.constant 1 : i32
    %scan3A_257 = scf.for %scan3A_282 = %scan3A_253 to %scan3A_255 step %scan3A_256 iter_args(%scan3A_283 = %scan3A_252) -> (i32)  : i32 {
      %mul3A_284 = arith.constant 2 : i32
      %mul3A_285 = arith.muli %mul3A_284, %scan3A_282 : i32
      %add3A_286 = arith.constant 1 : i32
      %add3A_287 = arith.addi %mul3A_285, %add3A_286 : i32
      %dma_wait3A_288 = arith.constant 0 : i32
      %dma_wait3A_289 = arith.constant 0 : i32
      %dma_wait3A_290 = tpu.memref_slice %arg2[%arg0, %dma_wait3A_288, %dma_wait3A_289] : memref<2x10240x32xf32, #tpu.memory_space<hbm>> -> memref<1x128x32xf32, #tpu.memory_space<hbm>>
      %dma_wait3A_291 = tpu.memref_squeeze %dma_wait3A_290 : memref<1x128x32xf32, #tpu.memory_space<hbm>> -> memref<128x32xf32, #tpu.memory_space<hbm>>
      %dma_wait3A_292 = arith.constant 0 : i32
      %dma_wait3A_293 = arith.constant 0 : i32
      %dma_wait3A_294 = tpu.memref_slice %arg2[%arg0, %dma_wait3A_292, %dma_wait3A_293] : memref<2x10240x32xf32, #tpu.memory_space<hbm>> -> memref<1x128x32xf32, #tpu.memory_space<hbm>>
      %dma_wait3A_295 = tpu.memref_squeeze %dma_wait3A_294 : memref<1x128x32xf32, #tpu.memory_space<hbm>> -> memref<128x32xf32, #tpu.memory_space<hbm>>
      tpu.wait_dma2 semaphore(%arg22 : memref<!tpu.dma_semaphore, #tpu.memory_space<semaphore_mem>>) src(%dma_wait3A_295 : memref<128x32xf32, #tpu.memory_space<hbm>>) dst(%arg16 : memref<128x32xf32, #tpu.memory_space<vmem>>)
      %dma_wait3A_296 = arith.constant 0 : i32
      %dma_wait3A_297 = tpu.memref_slice %arg3[%dma_wait3A_296] : memref<10240xf32, #tpu.memory_space<hbm>> -> memref<128xf32, #tpu.memory_space<hbm>>
      %dma_wait3A_298 = arith.constant 0 : i32
      %dma_wait3A_299 = tpu.memref_slice %arg3[%dma_wait3A_298] : memref<10240xf32, #tpu.memory_space<hbm>> -> memref<128xf32, #tpu.memory_space<hbm>>
      tpu.wait_dma2 semaphore(%arg22 : memref<!tpu.dma_semaphore, #tpu.memory_space<semaphore_mem>>) src(%dma_wait3A_299 : memref<128xf32, #tpu.memory_space<hbm>>) dst(%arg14 : memref<128xf32, #tpu.memory_space<vmem>>)
      %dma_start3A_300 = arith.constant 0 : i32
      %dma_start3A_301 = tpu.memref_slice %arg11[%add3A_287, %dma_start3A_300] : memref<162x128xi32, #tpu.memory_space<vmem>> -> memref<1x128xi32, #tpu.memory_space<vmem>>
      %dma_start3A_302 = tpu.memref_squeeze %dma_start3A_301 : memref<1x128xi32, #tpu.memory_space<vmem>> -> memref<128xi32, #tpu.memory_space<vmem>>
      %dma_start3A_303 = arith.constant 0 : i32
      %dma_start3A_304 = arith.constant 0 : i32
      %dma_start3A_305 = tpu.memref_slice %arg2[%arg0, %dma_start3A_303, %dma_start3A_304] : memref<2x10240x32xf32, #tpu.memory_space<hbm>> -> memref<1x10240x32xf32, #tpu.memory_space<hbm>>
      %dma_start3A_306 = tpu.memref_squeeze %dma_start3A_305 : memref<1x10240x32xf32, #tpu.memory_space<hbm>> -> memref<10240x32xf32, #tpu.memory_space<hbm>>
      %dma_start3A_307 = arith.constant 0 : i32
      %dma_start3A_308 = arith.constant 0 : i32
      %dma_start3A_309 = tpu.memref_slice %dma_start3A_306[%dma_start3A_307, %dma_start3A_308] : memref<10240x32xf32, #tpu.memory_space<hbm>> -> memref<10240x32xf32, #tpu.memory_space<hbm>>
      tpu.enqueue_indirect_dma source(%dma_start3A_309 : memref<10240x32xf32, #tpu.memory_space<hbm>>) target(%arg16 : memref<128x32xf32, #tpu.memory_space<vmem>>) offsets(%dma_start3A_302 : memref<128xi32, #tpu.memory_space<vmem>>) semaphore(%arg20 : memref<!tpu.dma_semaphore, #tpu.memory_space<semaphore_mem>>)
      %parallel_loop3A = arith.constant 0 : i32
      %parallel_loop3A_310 = arith.constant 8 : i32
      %parallel_loop3A_311 = arith.constant 1 : i32
      scf.for %parallel_loop3A_385 = %parallel_loop3A to %parallel_loop3A_310 step %parallel_loop3A_311  : i32 {
        %parallel_loop3A_386 = arith.constant 16 : i32
        %parallel_loop3A_387 = arith.muli %parallel_loop3A_385, %parallel_loop3A_386 : i32
        %parallel_loop3A_388 = arith.index_cast %mul3A_285 : i32 to index
        %parallel_loop3A_389 = arith.index_cast %parallel_loop3A_387 : i32 to index
        %parallel_loop3A_390 = tpu.vector_load %arg11[%parallel_loop3A_388, %parallel_loop3A_389] {strides = array<i32>} : memref<162x128xi32, #tpu.memory_space<vmem>>, vector<16xi32>,
        %parallel_loop3A_391 = arith.constant 16 : i32
        %parallel_loop3A_392 = arith.muli %parallel_loop3A_385, %parallel_loop3A_391 : i32
        %parallel_loop3A_393 = arith.index_cast %mul3A_285 : i32 to index
        %parallel_loop3A_394 = arith.index_cast %parallel_loop3A_392 : i32 to index
        %parallel_loop3A_395 = tpu.vector_load %arg12[%parallel_loop3A_393, %parallel_loop3A_394] {strides = array<i32>} : memref<162x128xi32, #tpu.memory_space<vmem>>, vector<16xi32>,
        %parallel_loop3A_396 = tpu.vector_load_idx %arg9[%parallel_loop3A_390] : memref<10240xf32, #tpu.memory_space<vmem>>[vector<16xi32>], vector<16xf32>,
        %parallel_loop3A_397 = tpu.vector_load_idx %arg10[%parallel_loop3A_395] : memref<10240xf32, #tpu.memory_space<vmem>>[vector<16xi32>], vector<16xf32>,
        %parallel_loop3A_398 = arith.addf %parallel_loop3A_396, %parallel_loop3A_397 : vector<16xf32>
        %parallel_loop3A_399 = arith.constant 2.000000e-01 : f32
        %parallel_loop3A_400 = vector.broadcast %parallel_loop3A_399 : f32 to vector<16xf32>
        %parallel_loop3A_401 = arith.mulf %parallel_loop3A_400, %parallel_loop3A_398 : vector<16xf32>
        %parallel_loop3A_402 = arith.maximumf %parallel_loop3A_398, %parallel_loop3A_401 : vector<16xf32>
        %parallel_loop3A_403 = arith.subf %parallel_loop3A_402, %max3A_141 : vector<16xf32>
        %parallel_loop3A_404 = math.exp %parallel_loop3A_403 : vector<16xf32>
        %parallel_loop3A_405 = arith.constant 16 : i32
        %parallel_loop3A_406 = arith.muli %parallel_loop3A_385, %parallel_loop3A_405 : i32
        %parallel_loop3A_407 = arith.index_cast %parallel_loop3A_406 : i32 to index
        %parallel_loop3A_408 = tpu.vector_load %arg13[%parallel_loop3A_407] {strides = array<i32>} : memref<128xf32, #tpu.memory_space<vmem>>, vector<16xf32>,
        tpu.vector_store %arg13[%parallel_loop3A_407], %parallel_loop3A_404 {strides = array<i32>} : memref<128xf32, #tpu.memory_space<vmem>>, vector<16xf32>,
      } {sc.loop_unroll_factor = 4 : i64, sc.parallel_access}
      %dma_wait3A_312 = arith.constant 0 : i32
      %dma_wait3A_313 = arith.constant 0 : i32
      %dma_wait3A_314 = tpu.memref_slice %arg2[%arg0, %dma_wait3A_312, %dma_wait3A_313] : memref<2x10240x32xf32, #tpu.memory_space<hbm>> -> memref<1x128x32xf32, #tpu.memory_space<hbm>>
      %dma_wait3A_315 = tpu.memref_squeeze %dma_wait3A_314 : memref<1x128x32xf32, #tpu.memory_space<hbm>> -> memref<128x32xf32, #tpu.memory_space<hbm>>
      %dma_wait3A_316 = arith.constant 0 : i32
      %dma_wait3A_317 = arith.constant 0 : i32
      %dma_wait3A_318 = tpu.memref_slice %arg2[%arg0, %dma_wait3A_316, %dma_wait3A_317] : memref<2x10240x32xf32, #tpu.memory_space<hbm>> -> memref<1x128x32xf32, #tpu.memory_space<hbm>>
      %dma_wait3A_319 = tpu.memref_squeeze %dma_wait3A_318 : memref<1x128x32xf32, #tpu.memory_space<hbm>> -> memref<128x32xf32, #tpu.memory_space<hbm>>
      tpu.wait_dma2 semaphore(%arg19 : memref<!tpu.dma_semaphore, #tpu.memory_space<semaphore_mem>>) src(%dma_wait3A_319 : memref<128x32xf32, #tpu.memory_space<hbm>>) dst(%arg15 : memref<128x32xf32, #tpu.memory_space<vmem>>)
      %parallel_loop3A_320 = arith.constant 0 : i32
      %parallel_loop3A_321 = arith.constant 128 : i32
      %parallel_loop3A_322 = arith.constant 1 : i32
      scf.for %parallel_loop3A_385 = %parallel_loop3A_320 to %parallel_loop3A_321 step %parallel_loop3A_322  : i32 {
        %parallel_loop3A_386 = vector.broadcast %parallel_loop3A_385 : i32 to vector<16xi32>
        %parallel_loop3A_387 = tpu.vector_load_idx %arg13[%parallel_loop3A_386] : memref<128xf32, #tpu.memory_space<vmem>>[vector<16xi32>], vector<16xf32>,
        %parallel_loop3A_388 = arith.index_cast %parallel_loop3A_385 : i32 to index
        %parallel_loop3A_389 = arith.constant 0 : index
        %parallel_loop3A_390 = tpu.vector_load %arg15[%parallel_loop3A_388, %parallel_loop3A_389] {strides = array<i32>} : memref<128x32xf32, #tpu.memory_space<vmem>>, vector<16xf32>,
        %parallel_loop3A_391 = arith.mulf %parallel_loop3A_390, %parallel_loop3A_387 : vector<16xf32>
        %parallel_loop3A_392 = arith.index_cast %parallel_loop3A_385 : i32 to index
        %parallel_loop3A_393 = arith.constant 0 : index
        %parallel_loop3A_394 = tpu.vector_load %arg15[%parallel_loop3A_392, %parallel_loop3A_393] {strides = array<i32>} : memref<128x32xf32, #tpu.memory_space<vmem>>, vector<16xf32>,
        tpu.vector_store %arg15[%parallel_loop3A_392, %parallel_loop3A_393], %parallel_loop3A_391 {strides = array<i32>} : memref<128x32xf32, #tpu.memory_space<vmem>>, vector<16xf32>,
        %parallel_loop3A_395 = arith.index_cast %parallel_loop3A_385 : i32 to index
        %parallel_loop3A_396 = arith.constant 16 : index
        %parallel_loop3A_397 = tpu.vector_load %arg15[%parallel_loop3A_395, %parallel_loop3A_396] {strides = array<i32>} : memref<128x32xf32, #tpu.memory_space<vmem>>, vector<16xf32>,
        %parallel_loop3A_398 = arith.mulf %parallel_loop3A_397, %parallel_loop3A_387 : vector<16xf32>
        %parallel_loop3A_399 = arith.index_cast %parallel_loop3A_385 : i32 to index
        %parallel_loop3A_400 = arith.constant 16 : index
        %parallel_loop3A_401 = tpu.vector_load %arg15[%parallel_loop3A_399, %parallel_loop3A_400] {strides = array<i32>} : memref<128x32xf32, #tpu.memory_space<vmem>>, vector<16xf32>,
        tpu.vector_store %arg15[%parallel_loop3A_399, %parallel_loop3A_400], %parallel_loop3A_398 {strides = array<i32>} : memref<128x32xf32, #tpu.memory_space<vmem>>, vector<16xf32>,
      } {sc.loop_unroll_factor = 8 : i64, sc.parallel_access}
      %dma_start3A_323 = arith.constant 0 : i32
      %dma_start3A_324 = tpu.memref_slice %arg12[%mul3A_285, %dma_start3A_323] : memref<162x128xi32, #tpu.memory_space<vmem>> -> memref<1x128xi32, #tpu.memory_space<vmem>>
      %dma_start3A_325 = tpu.memref_squeeze %dma_start3A_324 : memref<1x128xi32, #tpu.memory_space<vmem>> -> memref<128xi32, #tpu.memory_space<vmem>>
      %dma_start3A_326 = arith.constant 0 : i32
      %dma_start3A_327 = arith.constant 0 : i32
      %dma_start3A_328 = tpu.memref_slice %arg17[%dma_start3A_326, %dma_start3A_327] : memref<10240x32xf32, #tpu.memory_space<vmem_shared>> -> memref<10240x32xf32, #tpu.memory_space<vmem_shared>>
      tpu.enqueue_indirect_dma source(%arg15 : memref<128x32xf32, #tpu.memory_space<vmem>>) target(%dma_start3A_328 : memref<10240x32xf32, #tpu.memory_space<vmem_shared>>) offsets(%dma_start3A_325 : memref<128xi32, #tpu.memory_space<vmem>>) semaphore(%arg21 : memref<!tpu.dma_semaphore, #tpu.memory_space<semaphore_mem>>) {add = true}
      %dma_start3A_329 = arith.constant 0 : i32
      %dma_start3A_330 = tpu.memref_slice %arg12[%mul3A_285, %dma_start3A_329] : memref<162x128xi32, #tpu.memory_space<vmem>> -> memref<1x128xi32, #tpu.memory_space<vmem>>
      %dma_start3A_331 = tpu.memref_squeeze %dma_start3A_330 : memref<1x128xi32, #tpu.memory_space<vmem>> -> memref<128xi32, #tpu.memory_space<vmem>>
      %dma_start3A_332 = arith.constant 0 : i32
      %dma_start3A_333 = tpu.memref_slice %arg18[%dma_start3A_332] : memref<10240xf32, #tpu.memory_space<vmem_shared>> -> memref<10240xf32, #tpu.memory_space<vmem_shared>>
      tpu.enqueue_indirect_dma source(%arg13 : memref<128xf32, #tpu.memory_space<vmem>>) target(%dma_start3A_333 : memref<10240xf32, #tpu.memory_space<vmem_shared>>) offsets(%dma_start3A_331 : memref<128xi32, #tpu.memory_space<vmem>>) semaphore(%arg21 : memref<!tpu.dma_semaphore, #tpu.memory_space<semaphore_mem>>) {add = true}
      %parallel_loop3A_334 = arith.constant 0 : i32
      %parallel_loop3A_335 = arith.constant 8 : i32
      %parallel_loop3A_336 = arith.constant 1 : i32
      scf.for %parallel_loop3A_385 = %parallel_loop3A_334 to %parallel_loop3A_335 step %parallel_loop3A_336  : i32 {
        %parallel_loop3A_386 = arith.constant 16 : i32
        %parallel_loop3A_387 = arith.muli %parallel_loop3A_385, %parallel_loop3A_386 : i32
        %parallel_loop3A_388 = arith.index_cast %add3A_287 : i32 to index
        %parallel_loop3A_389 = arith.index_cast %parallel_loop3A_387 : i32 to index
        %parallel_loop3A_390 = tpu.vector_load %arg11[%parallel_loop3A_388, %parallel_loop3A_389] {strides = array<i32>} : memref<162x128xi32, #tpu.memory_space<vmem>>, vector<16xi32>,
        %parallel_loop3A_391 = arith.constant 16 : i32
        %parallel_loop3A_392 = arith.muli %parallel_loop3A_385, %parallel_loop3A_391 : i32
        %parallel_loop3A_393 = arith.index_cast %add3A_287 : i32 to index
        %parallel_loop3A_394 = arith.index_cast %parallel_loop3A_392 : i32 to index
        %parallel_loop3A_395 = tpu.vector_load %arg12[%parallel_loop3A_393, %parallel_loop3A_394] {strides = array<i32>} : memref<162x128xi32, #tpu.memory_space<vmem>>, vector<16xi32>,
        %parallel_loop3A_396 = tpu.vector_load_idx %arg9[%parallel_loop3A_390] : memref<10240xf32, #tpu.memory_space<vmem>>[vector<16xi32>], vector<16xf32>,
        %parallel_loop3A_397 = tpu.vector_load_idx %arg10[%parallel_loop3A_395] : memref<10240xf32, #tpu.memory_space<vmem>>[vector<16xi32>], vector<16xf32>,
        %parallel_loop3A_398 = arith.addf %parallel_loop3A_396, %parallel_loop3A_397 : vector<16xf32>
        %parallel_loop3A_399 = arith.constant 2.000000e-01 : f32
        %parallel_loop3A_400 = vector.broadcast %parallel_loop3A_399 : f32 to vector<16xf32>
        %parallel_loop3A_401 = arith.mulf %parallel_loop3A_400, %parallel_loop3A_398 : vector<16xf32>
        %parallel_loop3A_402 = arith.maximumf %parallel_loop3A_398, %parallel_loop3A_401 : vector<16xf32>
        %parallel_loop3A_403 = arith.subf %parallel_loop3A_402, %max3A_141 : vector<16xf32>
        %parallel_loop3A_404 = math.exp %parallel_loop3A_403 : vector<16xf32>
        %parallel_loop3A_405 = arith.constant 16 : i32
        %parallel_loop3A_406 = arith.muli %parallel_loop3A_385, %parallel_loop3A_405 : i32
        %parallel_loop3A_407 = arith.index_cast %parallel_loop3A_406 : i32 to index
        %parallel_loop3A_408 = tpu.vector_load %arg14[%parallel_loop3A_407] {strides = array<i32>} : memref<128xf32, #tpu.memory_space<vmem>>, vector<16xf32>,
        tpu.vector_store %arg14[%parallel_loop3A_407], %parallel_loop3A_404 {strides = array<i32>} : memref<128xf32, #tpu.memory_space<vmem>>, vector<16xf32>,
      } {sc.loop_unroll_factor = 4 : i64, sc.parallel_access}
      %dma_wait3A_337 = arith.constant 0 : i32
      %dma_wait3A_338 = arith.constant 0 : i32
      %dma_wait3A_339 = tpu.memref_slice %arg2[%arg0, %dma_wait3A_337, %dma_wait3A_338] : memref<2x10240x32xf32, #tpu.memory_space<hbm>> -> memref<1x128x32xf32, #tpu.memory_space<hbm>>
      %dma_wait3A_340 = tpu.memref_squeeze %dma_wait3A_339 : memref<1x128x32xf32, #tpu.memory_space<hbm>> -> memref<128x32xf32, #tpu.memory_space<hbm>>
      %dma_wait3A_341 = arith.constant 0 : i32
      %dma_wait3A_342 = arith.constant 0 : i32
      %dma_wait3A_343 = tpu.memref_slice %arg2[%arg0, %dma_wait3A_341, %dma_wait3A_342] : memref<2x10240x32xf32, #tpu.memory_space<hbm>> -> memref<1x128x32xf32, #tpu.memory_space<hbm>>
      %dma_wait3A_344 = tpu.memref_squeeze %dma_wait3A_343 : memref<1x128x32xf32, #tpu.memory_space<hbm>> -> memref<128x32xf32, #tpu.memory_space<hbm>>
      tpu.wait_dma2 semaphore(%arg20 : memref<!tpu.dma_semaphore, #tpu.memory_space<semaphore_mem>>) src(%dma_wait3A_344 : memref<128x32xf32, #tpu.memory_space<hbm>>) dst(%arg16 : memref<128x32xf32, #tpu.memory_space<vmem>>)
      %parallel_loop3A_345 = arith.constant 0 : i32
      %parallel_loop3A_346 = arith.constant 128 : i32
      %parallel_loop3A_347 = arith.constant 1 : i32
      scf.for %parallel_loop3A_385 = %parallel_loop3A_345 to %parallel_loop3A_346 step %parallel_loop3A_347  : i32 {
        %parallel_loop3A_386 = vector.broadcast %parallel_loop3A_385 : i32 to vector<16xi32>
        %parallel_loop3A_387 = tpu.vector_load_idx %arg14[%parallel_loop3A_386] : memref<128xf32, #tpu.memory_space<vmem>>[vector<16xi32>], vector<16xf32>,
        %parallel_loop3A_388 = arith.index_cast %parallel_loop3A_385 : i32 to index
        %parallel_loop3A_389 = arith.constant 0 : index
        %parallel_loop3A_390 = tpu.vector_load %arg16[%parallel_loop3A_388, %parallel_loop3A_389] {strides = array<i32>} : memref<128x32xf32, #tpu.memory_space<vmem>>, vector<16xf32>,
        %parallel_loop3A_391 = arith.mulf %parallel_loop3A_390, %parallel_loop3A_387 : vector<16xf32>
        %parallel_loop3A_392 = arith.index_cast %parallel_loop3A_385 : i32 to index
        %parallel_loop3A_393 = arith.constant 0 : index
        %parallel_loop3A_394 = tpu.vector_load %arg16[%parallel_loop3A_392, %parallel_loop3A_393] {strides = array<i32>} : memref<128x32xf32, #tpu.memory_space<vmem>>, vector<16xf32>,
        tpu.vector_store %arg16[%parallel_loop3A_392, %parallel_loop3A_393], %parallel_loop3A_391 {strides = array<i32>} : memref<128x32xf32, #tpu.memory_space<vmem>>, vector<16xf32>,
        %parallel_loop3A_395 = arith.index_cast %parallel_loop3A_385 : i32 to index
        %parallel_loop3A_396 = arith.constant 16 : index
        %parallel_loop3A_397 = tpu.vector_load %arg16[%parallel_loop3A_395, %parallel_loop3A_396] {strides = array<i32>} : memref<128x32xf32, #tpu.memory_space<vmem>>, vector<16xf32>,
        %parallel_loop3A_398 = arith.mulf %parallel_loop3A_397, %parallel_loop3A_387 : vector<16xf32>
        %parallel_loop3A_399 = arith.index_cast %parallel_loop3A_385 : i32 to index
        %parallel_loop3A_400 = arith.constant 16 : index
        %parallel_loop3A_401 = tpu.vector_load %arg16[%parallel_loop3A_399, %parallel_loop3A_400] {strides = array<i32>} : memref<128x32xf32, #tpu.memory_space<vmem>>, vector<16xf32>,
        tpu.vector_store %arg16[%parallel_loop3A_399, %parallel_loop3A_400], %parallel_loop3A_398 {strides = array<i32>} : memref<128x32xf32, #tpu.memory_space<vmem>>, vector<16xf32>,
      } {sc.loop_unroll_factor = 8 : i64, sc.parallel_access}
      %dma_wait3A_348 = arith.constant 0 : i32
      %dma_wait3A_349 = arith.constant 0 : i32
      %dma_wait3A_350 = tpu.memref_slice %arg2[%arg0, %dma_wait3A_348, %dma_wait3A_349] : memref<2x10240x32xf32, #tpu.memory_space<hbm>> -> memref<1x128x32xf32, #tpu.memory_space<hbm>>
      %dma_wait3A_351 = tpu.memref_squeeze %dma_wait3A_350 : memref<1x128x32xf32, #tpu.memory_space<hbm>> -> memref<128x32xf32, #tpu.memory_space<hbm>>
      %dma_wait3A_352 = arith.constant 0 : i32
      %dma_wait3A_353 = arith.constant 0 : i32
      %dma_wait3A_354 = tpu.memref_slice %arg2[%arg0, %dma_wait3A_352, %dma_wait3A_353] : memref<2x10240x32xf32, #tpu.memory_space<hbm>> -> memref<1x128x32xf32, #tpu.memory_space<hbm>>
      %dma_wait3A_355 = tpu.memref_squeeze %dma_wait3A_354 : memref<1x128x32xf32, #tpu.memory_space<hbm>> -> memref<128x32xf32, #tpu.memory_space<hbm>>
      tpu.wait_dma2 semaphore(%arg21 : memref<!tpu.dma_semaphore, #tpu.memory_space<semaphore_mem>>) src(%dma_wait3A_355 : memref<128x32xf32, #tpu.memory_space<hbm>>) dst(%arg15 : memref<128x32xf32, #tpu.memory_space<vmem>>)
      %dma_wait3A_356 = arith.constant 0 : i32
      %dma_wait3A_357 = tpu.memref_slice %arg3[%dma_wait3A_356] : memref<10240xf32, #tpu.memory_space<hbm>> -> memref<128xf32, #tpu.memory_space<hbm>>
      %dma_wait3A_358 = arith.constant 0 : i32
      %dma_wait3A_359 = tpu.memref_slice %arg3[%dma_wait3A_358] : memref<10240xf32, #tpu.memory_space<hbm>> -> memref<128xf32, #tpu.memory_space<hbm>>
      tpu.wait_dma2 semaphore(%arg21 : memref<!tpu.dma_semaphore, #tpu.memory_space<semaphore_mem>>) src(%dma_wait3A_359 : memref<128xf32, #tpu.memory_space<hbm>>) dst(%arg13 : memref<128xf32, #tpu.memory_space<vmem>>)
      %add3A_360 = arith.constant 2 : i32
      %add3A_361 = arith.addi %mul3A_285, %add3A_360 : i32
      %min3A = arith.constant 161 : i32
      %min3A_362 = arith.minsi %add3A_361, %min3A : i32
      %dma_start3A_363 = arith.constant 0 : i32
      %dma_start3A_364 = tpu.memref_slice %arg11[%min3A_362, %dma_start3A_363] : memref<162x128xi32, #tpu.memory_space<vmem>> -> memref<1x128xi32, #tpu.memory_space<vmem>>
      %dma_start3A_365 = tpu.memref_squeeze %dma_start3A_364 : memref<1x128xi32, #tpu.memory_space<vmem>> -> memref<128xi32, #tpu.memory_space<vmem>>
      %dma_start3A_366 = arith.constant 0 : i32
      %dma_start3A_367 = arith.constant 0 : i32
      %dma_start3A_368 = tpu.memref_slice %arg2[%arg0, %dma_start3A_366, %dma_start3A_367] : memref<2x10240x32xf32, #tpu.memory_space<hbm>> -> memref<1x10240x32xf32, #tpu.memory_space<hbm>>
      %dma_start3A_369 = tpu.memref_squeeze %dma_start3A_368 : memref<1x10240x32xf32, #tpu.memory_space<hbm>> -> memref<10240x32xf32, #tpu.memory_space<hbm>>
      %dma_start3A_370 = arith.constant 0 : i32
      %dma_start3A_371 = arith.constant 0 : i32
      %dma_start3A_372 = tpu.memref_slice %dma_start3A_369[%dma_start3A_370, %dma_start3A_371] : memref<10240x32xf32, #tpu.memory_space<hbm>> -> memref<10240x32xf32, #tpu.memory_space<hbm>>
      tpu.enqueue_indirect_dma source(%dma_start3A_372 : memref<10240x32xf32, #tpu.memory_space<hbm>>) target(%arg15 : memref<128x32xf32, #tpu.memory_space<vmem>>) offsets(%dma_start3A_365 : memref<128xi32, #tpu.memory_space<vmem>>) semaphore(%arg19 : memref<!tpu.dma_semaphore, #tpu.memory_space<semaphore_mem>>)
      %dma_start3A_373 = arith.constant 0 : i32
      %dma_start3A_374 = tpu.memref_slice %arg12[%add3A_287, %dma_start3A_373] : memref<162x128xi32, #tpu.memory_space<vmem>> -> memref<1x128xi32, #tpu.memory_space<vmem>>
      %dma_start3A_375 = tpu.memref_squeeze %dma_start3A_374 : memref<1x128xi32, #tpu.memory_space<vmem>> -> memref<128xi32, #tpu.memory_space<vmem>>
      %dma_start3A_376 = arith.constant 0 : i32
      %dma_start3A_377 = arith.constant 0 : i32
      %dma_start3A_378 = tpu.memref_slice %arg17[%dma_start3A_376, %dma_start3A_377] : memref<10240x32xf32, #tpu.memory_space<vmem_shared>> -> memref<10240x32xf32, #tpu.memory_space<vmem_shared>>
      tpu.enqueue_indirect_dma source(%arg16 : memref<128x32xf32, #tpu.memory_space<vmem>>) target(%dma_start3A_378 : memref<10240x32xf32, #tpu.memory_space<vmem_shared>>) offsets(%dma_start3A_375 : memref<128xi32, #tpu.memory_space<vmem>>) semaphore(%arg22 : memref<!tpu.dma_semaphore, #tpu.memory_space<semaphore_mem>>) {add = true}
      %dma_start3A_379 = arith.constant 0 : i32
      %dma_start3A_380 = tpu.memref_slice %arg12[%add3A_287, %dma_start3A_379] : memref<162x128xi32, #tpu.memory_space<vmem>> -> memref<1x128xi32, #tpu.memory_space<vmem>>
      %dma_start3A_381 = tpu.memref_squeeze %dma_start3A_380 : memref<1x128xi32, #tpu.memory_space<vmem>> -> memref<128xi32, #tpu.memory_space<vmem>>
      %dma_start3A_382 = arith.constant 0 : i32
      %dma_start3A_383 = tpu.memref_slice %arg18[%dma_start3A_382] : memref<10240xf32, #tpu.memory_space<vmem_shared>> -> memref<10240xf32, #tpu.memory_space<vmem_shared>>
      tpu.enqueue_indirect_dma source(%arg14 : memref<128xf32, #tpu.memory_space<vmem>>) target(%dma_start3A_383 : memref<10240xf32, #tpu.memory_space<vmem_shared>>) offsets(%dma_start3A_381 : memref<128xi32, #tpu.memory_space<vmem>>) semaphore(%arg22 : memref<!tpu.dma_semaphore, #tpu.memory_space<semaphore_mem>>) {add = true}
      %scan3A_384 = arith.constant 0 : i32
      scf.yield %scan3A_384 : i32
    }
    %scan3A_258 = arith.constant 81 : i32
    %dma_wait3A_259 = arith.constant 0 : i32
    %dma_wait3A_260 = arith.constant 0 : i32
    %dma_wait3A_261 = tpu.memref_slice %arg2[%arg0, %dma_wait3A_259, %dma_wait3A_260] : memref<2x10240x32xf32, #tpu.memory_space<hbm>> -> memref<1x128x32xf32, #tpu.memory_space<hbm>>
    %dma_wait3A_262 = tpu.memref_squeeze %dma_wait3A_261 : memref<1x128x32xf32, #tpu.memory_space<hbm>> -> memref<128x32xf32, #tpu.memory_space<hbm>>
    %dma_wait3A_263 = arith.constant 0 : i32
    %dma_wait3A_264 = arith.constant 0 : i32
    %dma_wait3A_265 = tpu.memref_slice %arg2[%arg0, %dma_wait3A_263, %dma_wait3A_264] : memref<2x10240x32xf32, #tpu.memory_space<hbm>> -> memref<1x128x32xf32, #tpu.memory_space<hbm>>
    %dma_wait3A_266 = tpu.memref_squeeze %dma_wait3A_265 : memref<1x128x32xf32, #tpu.memory_space<hbm>> -> memref<128x32xf32, #tpu.memory_space<hbm>>
    tpu.wait_dma2 semaphore(%arg19 : memref<!tpu.dma_semaphore, #tpu.memory_space<semaphore_mem>>) src(%dma_wait3A_266 : memref<128x32xf32, #tpu.memory_space<hbm>>) dst(%arg15 : memref<128x32xf32, #tpu.memory_space<vmem>>)
    %dma_wait3A_267 = arith.constant 0 : i32
    %dma_wait3A_268 = arith.constant 0 : i32
    %dma_wait3A_269 = tpu.memref_slice %arg2[%arg0, %dma_wait3A_267, %dma_wait3A_268] : memref<2x10240x32xf32, #tpu.memory_space<hbm>> -> memref<1x128x32xf32, #tpu.memory_space<hbm>>
    %dma_wait3A_270 = tpu.memref_squeeze %dma_wait3A_269 : memref<1x128x32xf32, #tpu.memory_space<hbm>> -> memref<128x32xf32, #tpu.memory_space<hbm>>
    %dma_wait3A_271 = arith.constant 0 : i32
    %dma_wait3A_272 = arith.constant 0 : i32
    %dma_wait3A_273 = tpu.memref_slice %arg2[%arg0, %dma_wait3A_271, %dma_wait3A_272] : memref<2x10240x32xf32, #tpu.memory_space<hbm>> -> memref<1x128x32xf32, #tpu.memory_space<hbm>>
    %dma_wait3A_274 = tpu.memref_squeeze %dma_wait3A_273 : memref<1x128x32xf32, #tpu.memory_space<hbm>> -> memref<128x32xf32, #tpu.memory_space<hbm>>
    tpu.wait_dma2 semaphore(%arg22 : memref<!tpu.dma_semaphore, #tpu.memory_space<semaphore_mem>>) src(%dma_wait3A_274 : memref<128x32xf32, #tpu.memory_space<hbm>>) dst(%arg16 : memref<128x32xf32, #tpu.memory_space<vmem>>)
    %dma_wait3A_275 = arith.constant 0 : i32
    %dma_wait3A_276 = tpu.memref_slice %arg3[%dma_wait3A_275] : memref<10240xf32, #tpu.memory_space<hbm>> -> memref<128xf32, #tpu.memory_space<hbm>>
    %dma_wait3A_277 = arith.constant 0 : i32
    %dma_wait3A_278 = tpu.memref_slice %arg3[%dma_wait3A_277] : memref<10240xf32, #tpu.memory_space<hbm>> -> memref<128xf32, #tpu.memory_space<hbm>>
    tpu.wait_dma2 semaphore(%arg22 : memref<!tpu.dma_semaphore, #tpu.memory_space<semaphore_mem>>) src(%dma_wait3A_278 : memref<128xf32, #tpu.memory_space<hbm>>) dst(%arg14 : memref<128xf32, #tpu.memory_space<vmem>>)
    %barrier3A_279 = arith.constant 0 : index
    tpu.barrier barrier_id(%barrier3A_279)
    "tpu.region"() ({
      %run_scoped3A = tpu.sem_alloc : memref<!tpu.dma_semaphore, #tpu.memory_space<semaphore_mem>>
      %dma_start3A_282 = arith.constant 0 : i32
      %dma_start3A_283 = tpu.memref_slice %arg7[%arg0, %mul3A_184, %dma_start3A_282] : memref<2x10240x32xf32, #tpu.memory_space<hbm>> -> memref<1x640x32xf32, #tpu.memory_space<hbm>>
      %dma_start3A_284 = tpu.memref_squeeze %dma_start3A_283 : memref<1x640x32xf32, #tpu.memory_space<hbm>> -> memref<640x32xf32, #tpu.memory_space<hbm>>
      %dma_start3A_285 = arith.constant 0 : i32
      %dma_start3A_286 = tpu.memref_slice %arg17[%mul3A_184, %dma_start3A_285] : memref<10240x32xf32, #tpu.memory_space<vmem_shared>> -> memref<640x32xf32, #tpu.memory_space<vmem_shared>>
      tpu.enqueue_dma source(%dma_start3A_286 : memref<640x32xf32, #tpu.memory_space<vmem_shared>>) target(%dma_start3A_284 : memref<640x32xf32, #tpu.memory_space<hbm>>) target_semaphore(%run_scoped3A : memref<!tpu.dma_semaphore, #tpu.memory_space<semaphore_mem>>)
      %dma_wait3A_287 = arith.constant 0 : i32
      %dma_wait3A_288 = tpu.memref_slice %arg7[%arg0, %mul3A_184, %dma_wait3A_287] : memref<2x10240x32xf32, #tpu.memory_space<hbm>> -> memref<1x640x32xf32, #tpu.memory_space<hbm>>
      %dma_wait3A_289 = tpu.memref_squeeze %dma_wait3A_288 : memref<1x640x32xf32, #tpu.memory_space<hbm>> -> memref<640x32xf32, #tpu.memory_space<hbm>>
      %dma_wait3A_290 = arith.constant 0 : i32
      %dma_wait3A_291 = tpu.memref_slice %arg17[%mul3A_184, %dma_wait3A_290] : memref<10240x32xf32, #tpu.memory_space<vmem_shared>> -> memref<640x32xf32, #tpu.memory_space<vmem_shared>>
      tpu.wait_dma2 semaphore(%run_scoped3A : memref<!tpu.dma_semaphore, #tpu.memory_space<semaphore_mem>>) src(%dma_wait3A_291 : memref<640x32xf32, #tpu.memory_space<vmem_shared>>) dst(%dma_wait3A_289 : memref<640x32xf32, #tpu.memory_space<hbm>>)
      tpu.yield
    }) : () -> ()
    %eq3A = arith.constant 0 : i32
    %eq3A_280 = arith.cmpi eq, %arg0, %eq3A : i32
    %convert_element_type3A = arith.extui %eq3A_280 : i1 to i32
    %cond3A = arith.constant 0 : i32
    %cond3A_281 = arith.cmpi ne, %convert_element_type3A, %cond3A : i32
    scf.if %cond3A_281 {
      "tpu.region"() ({
        %run_scoped3A = tpu.sem_alloc : memref<!tpu.dma_semaphore, #tpu.memory_space<semaphore_mem>>
        %dma_start3A_282 = tpu.memref_slice %arg8[%mul3A_184] : memref<10240xf32, #tpu.memory_space<hbm>> -> memref<640xf32, #tpu.memory_space<hbm>>
        %dma_start3A_283 = tpu.memref_slice %arg18[%mul3A_184] : memref<10240xf32, #tpu.memory_space<vmem_shared>> -> memref<640xf32, #tpu.memory_space<vmem_shared>>
        tpu.enqueue_dma source(%dma_start3A_283 : memref<640xf32, #tpu.memory_space<vmem_shared>>) target(%dma_start3A_282 : memref<640xf32, #tpu.memory_space<hbm>>) target_semaphore(%run_scoped3A : memref<!tpu.dma_semaphore, #tpu.memory_space<semaphore_mem>>)
        %dma_wait3A_284 = tpu.memref_slice %arg8[%mul3A_184] : memref<10240xf32, #tpu.memory_space<hbm>> -> memref<640xf32, #tpu.memory_space<hbm>>
        %dma_wait3A_285 = tpu.memref_slice %arg18[%mul3A_184] : memref<10240xf32, #tpu.memory_space<vmem_shared>> -> memref<640xf32, #tpu.memory_space<vmem_shared>>
        tpu.wait_dma2 semaphore(%run_scoped3A : memref<!tpu.dma_semaphore, #tpu.memory_space<semaphore_mem>>) src(%dma_wait3A_285 : memref<640xf32, #tpu.memory_space<vmem_shared>>) dst(%dma_wait3A_284 : memref<640xf32, #tpu.memory_space<hbm>>)
        tpu.yield
      }) : () -> ()
    } else {
    }
    return
  }
}

module attributes {stable_mosaic.version = 14 : i64} {
  func.func @_tc_a_body(%arg0: i32, %arg1: memref<1024x128xf32, #tpu.memory_space<vmem>>, %arg2: memref<128x128xf32, #tpu.memory_space<vmem>>, %arg3: memref<1x128xf32, #tpu.memory_space<vmem>>, %arg4: memref<1x128xf32, #tpu.memory_space<vmem>>, %arg5: memref<2x1024x64xf32, #tpu.memory_space<vmem>>, %arg6: memref<8x128xf32, #tpu.memory_space<vmem>>, %arg7: memref<8x128xf32, #tpu.memory_space<vmem>>) attributes {dimension_semantics = [#tpu.dimension_semantics<arbitrary>], iteration_bounds = array<i64: 10>, scalar_prefetch = 0 : i64, scratch_operands = 0 : i64, tpu.core_type = #tpu.core_type<tc>, window_params = [{transform_indices = @transform_0, window_bounds = array<i64: 1024, 128>}, {pipeline_mode = #tpu.pipeline_mode<synchronous>, transform_indices = @transform_1, window_bounds = array<i64: 128, 128>}, {pipeline_mode = #tpu.pipeline_mode<synchronous>, transform_indices = @transform_2, window_bounds = array<i64: 1, 128>}, {pipeline_mode = #tpu.pipeline_mode<synchronous>, transform_indices = @transform_3, window_bounds = array<i64: 1, 128>}, {transform_indices = @transform_4, window_bounds = array<i64: 2, 1024, 64>}, {transform_indices = @transform_5, window_bounds = array<i64: 8, 128>}, {transform_indices = @transform_6, window_bounds = array<i64: 8, 128>}]} {
    %get3A = arith.constant 0 : index
    %get3A_0 = arith.constant 0 : index
    %get3A_1 = vector.load %arg1[%get3A, %get3A_0] : memref<1024x128xf32, #tpu.memory_space<vmem>>, vector<1024x128xf32>
    %get3A_2 = arith.constant 0 : index
    %get3A_3 = arith.constant 0 : index
    %get3A_4 = vector.load %arg2[%get3A_2, %get3A_3] : memref<128x128xf32, #tpu.memory_space<vmem>>, vector<128x128xf32>
    %dot_general3A = arith.constant dense<0.000000e+00> : vector<1024x128xf32>
    %dot_general3A_5 = tpu.matmul %get3A_1, %get3A_4, %dot_general3A {dimension_numbers = #tpu.dot_dimension_numbers<[1], [0], [0], [1], [0, 0, 1, 1], [], []>, transpose_lhs_hint = false} : vector<1024x128xf32>, vector<128x128xf32>, vector<1024x128xf32> -> vector<1024x128xf32>
    %slice3A = vector.extract_strided_slice %dot_general3A_5 {offsets = [0, 0], sizes = [1024, 64], strides = [1, 1]} : vector<1024x128xf32> to vector<1024x64xf32>
    %swap3A = arith.constant 0 : index
    %swap3A_6 = arith.constant 0 : index
    %swap3A_7 = arith.constant 0 : index
    %swap3A_8 = vector.load %arg5[%swap3A, %swap3A_6, %swap3A_7] : memref<2x1024x64xf32, #tpu.memory_space<vmem>>, vector<1x1024x64xf32>
    %swap3A_9 = vector.shape_cast %swap3A_8 : vector<1x1024x64xf32> to vector<1024x64xf32>
    %swap3A_10 = vector.shape_cast %slice3A : vector<1024x64xf32> to vector<1x1024x64xf32>
    tpu.vector_store %arg5[%swap3A, %swap3A_6, %swap3A_7], %swap3A_10 {strides = array<i32>} : memref<2x1024x64xf32, #tpu.memory_space<vmem>>, vector<1x1024x64xf32>,
    %slice3A_11 = vector.extract_strided_slice %dot_general3A_5 {offsets = [0, 64], sizes = [1024, 64], strides = [1, 1]} : vector<1024x128xf32> to vector<1024x64xf32>
    %swap3A_12 = arith.constant 1 : index
    %swap3A_13 = arith.constant 0 : index
    %swap3A_14 = arith.constant 0 : index
    %swap3A_15 = vector.load %arg5[%swap3A_12, %swap3A_13, %swap3A_14] : memref<2x1024x64xf32, #tpu.memory_space<vmem>>, vector<1x1024x64xf32>
    %swap3A_16 = vector.shape_cast %swap3A_15 : vector<1x1024x64xf32> to vector<1024x64xf32>
    %swap3A_17 = vector.shape_cast %slice3A_11 : vector<1024x64xf32> to vector<1x1024x64xf32>
    tpu.vector_store %arg5[%swap3A_12, %swap3A_13, %swap3A_14], %swap3A_17 {strides = array<i32>} : memref<2x1024x64xf32, #tpu.memory_space<vmem>>, vector<1x1024x64xf32>,
    %get3A_18 = arith.constant 0 : index
    %get3A_19 = arith.constant 0 : index
    %get3A_20 = vector.load %arg3[%get3A_18, %get3A_19] : memref<1x128xf32, #tpu.memory_space<vmem>>, vector<1x128xf32>
    %mul3A = vector.broadcast %get3A_20 : vector<1x128xf32> to vector<1024x128xf32>
    %mul3A_21 = arith.mulf %dot_general3A_5, %mul3A : vector<1024x128xf32>
    %reduce_sum3A = arith.constant dense<0.000000e+00> : vector<1024xf32>
    %reduce_sum3A_22 = vector.multi_reduction <add>, %mul3A_21, %reduce_sum3A [1] : vector<1024x128xf32> to vector<1024xf32>
    %broadcast_in_dim3A = vector.shape_cast %reduce_sum3A_22 : vector<1024xf32> to vector<1024x1xf32>
    %reshape3A = vector.shape_cast %broadcast_in_dim3A : vector<1024x1xf32> to vector<8x128xf32>
    %swap3A_23 = arith.constant 0 : index
    %swap3A_24 = arith.constant 0 : index
    %swap3A_25 = vector.load %arg6[%swap3A_23, %swap3A_24] : memref<8x128xf32, #tpu.memory_space<vmem>>, vector<8x128xf32>
    tpu.vector_store %arg6[%swap3A_23, %swap3A_24], %reshape3A {strides = array<i32>} : memref<8x128xf32, #tpu.memory_space<vmem>>, vector<8x128xf32>,
    %get3A_26 = arith.constant 0 : index
    %get3A_27 = arith.constant 0 : index
    %get3A_28 = vector.load %arg4[%get3A_26, %get3A_27] : memref<1x128xf32, #tpu.memory_space<vmem>>, vector<1x128xf32>
    %mul3A_29 = vector.broadcast %get3A_28 : vector<1x128xf32> to vector<1024x128xf32>
    %mul3A_30 = arith.mulf %dot_general3A_5, %mul3A_29 : vector<1024x128xf32>
    %reduce_sum3A_31 = arith.constant dense<0.000000e+00> : vector<1024xf32>
    %reduce_sum3A_32 = vector.multi_reduction <add>, %mul3A_30, %reduce_sum3A_31 [1] : vector<1024x128xf32> to vector<1024xf32>
    %broadcast_in_dim3A_33 = vector.shape_cast %reduce_sum3A_32 : vector<1024xf32> to vector<1024x1xf32>
    %reshape3A_34 = vector.shape_cast %broadcast_in_dim3A_33 : vector<1024x1xf32> to vector<8x128xf32>
    %swap3A_35 = arith.constant 0 : index
    %swap3A_36 = arith.constant 0 : index
    %swap3A_37 = vector.load %arg7[%swap3A_35, %swap3A_36] : memref<8x128xf32, #tpu.memory_space<vmem>>, vector<8x128xf32>
    tpu.vector_store %arg7[%swap3A_35, %swap3A_36], %reshape3A_34 {strides = array<i32>} : memref<8x128xf32, #tpu.memory_space<vmem>>, vector<8x128xf32>,
    return
  }
  func.func @transform_0(%arg0: i32) -> (i32, i32) {
    %c0_i32 = arith.constant 0 : i32
    %c0_i32_0 = arith.constant 0 : i32
    return %arg0, %c0_i32 : i32, i32
  }
  func.func @transform_1(%arg0: i32) -> (i32, i32) {
    %c0_i32 = arith.constant 0 : i32
    %c0_i32_0 = arith.constant 0 : i32
    %c0_i32_1 = arith.constant 0 : i32
    return %c0_i32, %c0_i32_0 : i32, i32
  }
  func.func @transform_2(%arg0: i32) -> (i32, i32) {
    %c0_i32 = arith.constant 0 : i32
    %c0_i32_0 = arith.constant 0 : i32
    %c0_i32_1 = arith.constant 0 : i32
    return %c0_i32, %c0_i32_0 : i32, i32
  }
  func.func @transform_3(%arg0: i32) -> (i32, i32) {
    %c0_i32 = arith.constant 0 : i32
    %c0_i32_0 = arith.constant 0 : i32
    %c0_i32_1 = arith.constant 0 : i32
    return %c0_i32, %c0_i32_0 : i32, i32
  }
  func.func @transform_4(%arg0: i32) -> (i32, i32, i32) {
    %c0_i32 = arith.constant 0 : i32
    %c0_i32_0 = arith.constant 0 : i32
    %c0_i32_1 = arith.constant 0 : i32
    return %c0_i32, %arg0, %c0_i32_0 : i32, i32, i32
  }
  func.func @transform_5(%arg0: i32) -> (i32, i32) {
    %c0_i32 = arith.constant 0 : i32
    %c0_i32_0 = arith.constant 0 : i32
    return %arg0, %c0_i32 : i32, i32
  }
  func.func @transform_6(%arg0: i32) -> (i32, i32) {
    %c0_i32 = arith.constant 0 : i32
    %c0_i32_0 = arith.constant 0 : i32
    return %arg0, %c0_i32 : i32, i32
  }
}

module attributes {stable_mosaic.version = 14 : i64} {
  func.func @_tc_b_body(%arg0: i32, %arg1: memref<2x1024x64xf32, #tpu.memory_space<vmem>>, %arg2: memref<8x128xf32, #tpu.memory_space<vmem>>, %arg3: memref<1x128xf32, #tpu.memory_space<vmem>>, %arg4: memref<128x64xf32, #tpu.memory_space<vmem>>, %arg5: memref<1x64xf32, #tpu.memory_space<vmem>>, %arg6: memref<1x64xf32, #tpu.memory_space<vmem>>, %arg7: memref<2x1024x32xf32, #tpu.memory_space<vmem>>, %arg8: memref<8x128xf32, #tpu.memory_space<vmem>>, %arg9: memref<8x128xf32, #tpu.memory_space<vmem>>) attributes {dimension_semantics = [#tpu.dimension_semantics<arbitrary>], iteration_bounds = array<i64: 10>, scalar_prefetch = 0 : i64, scratch_operands = 0 : i64, tpu.core_type = #tpu.core_type<tc>, window_params = [{transform_indices = @transform_0, window_bounds = array<i64: 2, 1024, 64>}, {transform_indices = @transform_1, window_bounds = array<i64: 8, 128>}, {pipeline_mode = #tpu.pipeline_mode<synchronous>, transform_indices = @transform_2, window_bounds = array<i64: 1, 128>}, {pipeline_mode = #tpu.pipeline_mode<synchronous>, transform_indices = @transform_3, window_bounds = array<i64: 128, 64>}, {pipeline_mode = #tpu.pipeline_mode<synchronous>, transform_indices = @transform_4, window_bounds = array<i64: 1, 64>}, {pipeline_mode = #tpu.pipeline_mode<synchronous>, transform_indices = @transform_5, window_bounds = array<i64: 1, 64>}, {transform_indices = @transform_6, window_bounds = array<i64: 2, 1024, 32>}, {transform_indices = @transform_7, window_bounds = array<i64: 8, 128>}, {transform_indices = @transform_8, window_bounds = array<i64: 8, 128>}]} {
    %get3A = arith.constant 0 : index
    %get3A_0 = arith.constant 0 : index
    %get3A_1 = vector.load %arg2[%get3A, %get3A_0] : memref<8x128xf32, #tpu.memory_space<vmem>>, vector<8x128xf32>
    %iota3A = tpu.iota {dimensions = array<i32: 0>} : vector<1024x8xi32>
    %jit3A = arith.constant 128 : i32
    %div3A = vector.broadcast %jit3A : i32 to vector<1024x8xi32>
    %div3A_2 = arith.divsi %iota3A, %div3A : vector<1024x8xi32>
    %sign3A = arith.constant 0 : i32
    %sign3A_3 = vector.broadcast %sign3A : i32 to vector<1024x8xi32>
    %sign3A_4 = arith.cmpi sgt, %iota3A, %sign3A_3 : vector<1024x8xi32>
    %sign3A_5 = arith.extui %sign3A_4 : vector<1024x8xi1> to vector<1024x8xi32>
    %sign3A_6 = arith.constant 0 : i32
    %sign3A_7 = vector.broadcast %sign3A_6 : i32 to vector<1024x8xi32>
    %sign3A_8 = arith.cmpi slt, %iota3A, %sign3A_7 : vector<1024x8xi32>
    %sign3A_9 = arith.extui %sign3A_8 : vector<1024x8xi1> to vector<1024x8xi32>
    %sign3A_10 = arith.subi %sign3A_5, %sign3A_9 : vector<1024x8xi32>
    %sign3A_11 = arith.constant 0 : i32
    %sign3A_12 = arith.cmpi sgt, %jit3A, %sign3A_11 : i32
    %sign3A_13 = arith.extui %sign3A_12 : i1 to i32
    %sign3A_14 = arith.constant 0 : i32
    %sign3A_15 = arith.cmpi slt, %jit3A, %sign3A_14 : i32
    %sign3A_16 = arith.extui %sign3A_15 : i1 to i32
    %sign3A_17 = arith.subi %sign3A_13, %sign3A_16 : i32
    %ne3A = vector.broadcast %sign3A_17 : i32 to vector<1024x8xi32>
    %ne3A_18 = arith.cmpi ne, %sign3A_10, %ne3A : vector<1024x8xi32>
    %rem3A = vector.broadcast %jit3A : i32 to vector<1024x8xi32>
    %rem3A_19 = arith.remsi %iota3A, %rem3A : vector<1024x8xi32>
    %ne3A_20 = arith.constant 0 : i32
    %ne3A_21 = vector.broadcast %ne3A_20 : i32 to vector<1024x8xi32>
    %ne3A_22 = arith.cmpi ne, %rem3A_19, %ne3A_21 : vector<1024x8xi32>
    %and3A = arith.andi %ne3A_18, %ne3A_22 : vector<1024x8xi1>
    %sub3A = arith.constant 1 : i32
    %sub3A_23 = vector.broadcast %sub3A : i32 to vector<1024x8xi32>
    %sub3A_24 = arith.subi %div3A_2, %sub3A_23 : vector<1024x8xi32>
    %select_n3A = arith.select %and3A, %sub3A_24, %div3A_2 : vector<1024x8xi1>, vector<1024x8xi32>
    %iota3A_25 = tpu.iota {dimensions = array<i32: 1>} : vector<1024x8xi32>
    %eq3A = arith.cmpi eq, %select_n3A, %iota3A_25 : vector<1024x8xi32>
    %convert_element_type3A = arith.extui %eq3A : vector<1024x8xi1> to vector<1024x8xi32>
    %convert_element_type3A_26 = arith.sitofp %convert_element_type3A : vector<1024x8xi32> to vector<1024x8xf32>
    %iota3A_27 = tpu.iota {dimensions = array<i32: 0>} : vector<1024x128xi32>
    %jit3A_28 = arith.constant 128 : i32
    %eq3A_29 = arith.constant 0 : i32
    %eq3A_30 = arith.cmpi eq, %jit3A_28, %eq3A_29 : i32
    %jit3A_31 = arith.constant 1 : i32
    %select_n3A_32 = arith.select %eq3A_30, %jit3A_31, %jit3A_28 : i32
    %rem3A_33 = vector.broadcast %select_n3A_32 : i32 to vector<1024x128xi32>
    %rem3A_34 = arith.remsi %iota3A_27, %rem3A_33 : vector<1024x128xi32>
    %ne3A_35 = arith.constant 0 : i32
    %ne3A_36 = vector.broadcast %ne3A_35 : i32 to vector<1024x128xi32>
    %ne3A_37 = arith.cmpi ne, %rem3A_34, %ne3A_36 : vector<1024x128xi32>
    %lt3A = arith.constant 0 : i32
    %lt3A_38 = vector.broadcast %lt3A : i32 to vector<1024x128xi32>
    %lt3A_39 = arith.cmpi slt, %rem3A_34, %lt3A_38 : vector<1024x128xi32>
    %lt3A_40 = arith.constant 0 : i32
    %lt3A_41 = arith.cmpi slt, %select_n3A_32, %lt3A_40 : i32
    %ne3A_42 = vector.broadcast %lt3A_41 : i1 to vector<1024x128xi1>
    %ne3A_43 = vector.broadcast %ne3A_42 : vector<1024x128xi1> to vector<1024x128xi1>
    %ne3A_44 = arith.xori %lt3A_39, %ne3A_43 : vector<1024x128xi1>
    %and3A_45 = arith.andi %ne3A_44, %ne3A_37 : vector<1024x128xi1>
    %add3A = vector.broadcast %select_n3A_32 : i32 to vector<1024x128xi32>
    %add3A_46 = arith.addi %rem3A_34, %add3A : vector<1024x128xi32>
    %select_n3A_47 = arith.select %and3A_45, %add3A_46, %rem3A_34 : vector<1024x128xi1>, vector<1024x128xi32>
    %iota3A_48 = tpu.iota {dimensions = array<i32: 1>} : vector<1024x128xi32>
    %eq3A_49 = arith.cmpi eq, %select_n3A_47, %iota3A_48 : vector<1024x128xi32>
    %convert_element_type3A_50 = arith.extui %eq3A_49 : vector<1024x128xi1> to vector<1024x128xi32>
    %convert_element_type3A_51 = arith.sitofp %convert_element_type3A_50 : vector<1024x128xi32> to vector<1024x128xf32>
    %dot_general3A = arith.constant dense<0.000000e+00> : vector<1024x128xf32>
    %dot_general3A_52 = tpu.matmul %convert_element_type3A_26, %get3A_1, %dot_general3A {dimension_numbers = #tpu.dot_dimension_numbers<[1], [0], [0], [1], [0, 0, 1, 1], [], []>, transpose_lhs_hint = false} : vector<1024x8xf32>, vector<8x128xf32>, vector<1024x128xf32> -> vector<1024x128xf32>
    %mul3A = arith.mulf %dot_general3A_52, %convert_element_type3A_51 : vector<1024x128xf32>
    %reduce_sum3A = arith.constant dense<0.000000e+00> : vector<1024xf32>
    %reduce_sum3A_53 = vector.multi_reduction <add>, %mul3A, %reduce_sum3A [1] : vector<1024x128xf32> to vector<1024xf32>
    %broadcast_in_dim3A = vector.shape_cast %reduce_sum3A_53 : vector<1024xf32> to vector<1024x1xf32>
    %add3A_54 = arith.constant 1.000000e-30 : f32
    %add3A_55 = vector.broadcast %add3A_54 : f32 to vector<1024x1xf32>
    %add3A_56 = arith.addf %broadcast_in_dim3A, %add3A_55 : vector<1024x1xf32>
    %get3A_57 = arith.constant 0 : index
    %get3A_58 = arith.constant 0 : index
    %get3A_59 = arith.constant 0 : index
    %get3A_60 = vector.load %arg1[%get3A_57, %get3A_58, %get3A_59] : memref<2x1024x64xf32, #tpu.memory_space<vmem>>, vector<1x1024x64xf32>
    %get3A_61 = vector.shape_cast %get3A_60 : vector<1x1024x64xf32> to vector<1024x64xf32>
    %get3A_62 = arith.constant 1 : index
    %get3A_63 = arith.constant 0 : index
    %get3A_64 = arith.constant 0 : index
    %get3A_65 = vector.load %arg1[%get3A_62, %get3A_63, %get3A_64] : memref<2x1024x64xf32, #tpu.memory_space<vmem>>, vector<1x1024x64xf32>
    %get3A_66 = vector.shape_cast %get3A_65 : vector<1x1024x64xf32> to vector<1024x64xf32>
    %concatenate3A = tpu.concatenate %get3A_61, %get3A_66 in 1 : vector<1024x64xf32>, vector<1024x64xf32> -> vector<1024x128xf32>
    %div3A_67 = vector.broadcast %add3A_56 : vector<1024x1xf32> to vector<1024x128xf32>
    %div3A_68 = arith.divf %concatenate3A, %div3A_67 : vector<1024x128xf32>
    %get3A_69 = arith.constant 0 : index
    %get3A_70 = arith.constant 0 : index
    %get3A_71 = vector.load %arg3[%get3A_69, %get3A_70] : memref<1x128xf32, #tpu.memory_space<vmem>>, vector<1x128xf32>
    %add3A_72 = vector.broadcast %get3A_71 : vector<1x128xf32> to vector<1024x128xf32>
    %add3A_73 = arith.addf %div3A_68, %add3A_72 : vector<1024x128xf32>
    %max3A = arith.constant 0.000000e+00 : f32
    %max3A_74 = vector.broadcast %max3A : f32 to vector<1024x128xf32>
    %max3A_75 = arith.maximumf %add3A_73, %max3A_74 : vector<1024x128xf32>
    %get3A_76 = arith.constant 0 : index
    %get3A_77 = arith.constant 0 : index
    %get3A_78 = vector.load %arg4[%get3A_76, %get3A_77] : memref<128x64xf32, #tpu.memory_space<vmem>>, vector<128x64xf32>
    %dot_general3A_79 = arith.constant dense<0.000000e+00> : vector<1024x64xf32>
    %dot_general3A_80 = tpu.matmul %max3A_75, %get3A_78, %dot_general3A_79 {dimension_numbers = #tpu.dot_dimension_numbers<[1], [0], [0], [1], [0, 0, 1, 1], [], []>, transpose_lhs_hint = false} : vector<1024x128xf32>, vector<128x64xf32>, vector<1024x64xf32> -> vector<1024x64xf32>
    %slice3A = vector.extract_strided_slice %dot_general3A_80 {offsets = [0, 0], sizes = [1024, 32], strides = [1, 1]} : vector<1024x64xf32> to vector<1024x32xf32>
    %swap3A = arith.constant 0 : index
    %swap3A_81 = arith.constant 0 : index
    %swap3A_82 = arith.constant 0 : index
    %swap3A_83 = vector.load %arg7[%swap3A, %swap3A_81, %swap3A_82] : memref<2x1024x32xf32, #tpu.memory_space<vmem>>, vector<1x1024x32xf32>
    %swap3A_84 = vector.shape_cast %swap3A_83 : vector<1x1024x32xf32> to vector<1024x32xf32>
    %swap3A_85 = vector.shape_cast %slice3A : vector<1024x32xf32> to vector<1x1024x32xf32>
    tpu.vector_store %arg7[%swap3A, %swap3A_81, %swap3A_82], %swap3A_85 {strides = array<i32>} : memref<2x1024x32xf32, #tpu.memory_space<vmem>>, vector<1x1024x32xf32>,
    %slice3A_86 = vector.extract_strided_slice %dot_general3A_80 {offsets = [0, 32], sizes = [1024, 32], strides = [1, 1]} : vector<1024x64xf32> to vector<1024x32xf32>
    %swap3A_87 = arith.constant 1 : index
    %swap3A_88 = arith.constant 0 : index
    %swap3A_89 = arith.constant 0 : index
    %swap3A_90 = vector.load %arg7[%swap3A_87, %swap3A_88, %swap3A_89] : memref<2x1024x32xf32, #tpu.memory_space<vmem>>, vector<1x1024x32xf32>
    %swap3A_91 = vector.shape_cast %swap3A_90 : vector<1x1024x32xf32> to vector<1024x32xf32>
    %swap3A_92 = vector.shape_cast %slice3A_86 : vector<1024x32xf32> to vector<1x1024x32xf32>
    tpu.vector_store %arg7[%swap3A_87, %swap3A_88, %swap3A_89], %swap3A_92 {strides = array<i32>} : memref<2x1024x32xf32, #tpu.memory_space<vmem>>, vector<1x1024x32xf32>,
    %get3A_93 = arith.constant 0 : index
    %get3A_94 = arith.constant 0 : index
    %get3A_95 = vector.load %arg5[%get3A_93, %get3A_94] : memref<1x64xf32, #tpu.memory_space<vmem>>, vector<1x64xf32>
    %mul3A_96 = vector.broadcast %get3A_95 : vector<1x64xf32> to vector<1024x64xf32>
    %mul3A_97 = arith.mulf %dot_general3A_80, %mul3A_96 : vector<1024x64xf32>
    %reduce_sum3A_98 = arith.constant dense<0.000000e+00> : vector<1024xf32>
    %reduce_sum3A_99 = vector.multi_reduction <add>, %mul3A_97, %reduce_sum3A_98 [1] : vector<1024x64xf32> to vector<1024xf32>
    %broadcast_in_dim3A_100 = vector.shape_cast %reduce_sum3A_99 : vector<1024xf32> to vector<1024x1xf32>
    %reshape3A = vector.shape_cast %broadcast_in_dim3A_100 : vector<1024x1xf32> to vector<8x128xf32>
    %swap3A_101 = arith.constant 0 : index
    %swap3A_102 = arith.constant 0 : index
    %swap3A_103 = vector.load %arg8[%swap3A_101, %swap3A_102] : memref<8x128xf32, #tpu.memory_space<vmem>>, vector<8x128xf32>
    tpu.vector_store %arg8[%swap3A_101, %swap3A_102], %reshape3A {strides = array<i32>} : memref<8x128xf32, #tpu.memory_space<vmem>>, vector<8x128xf32>,
    %get3A_104 = arith.constant 0 : index
    %get3A_105 = arith.constant 0 : index
    %get3A_106 = vector.load %arg6[%get3A_104, %get3A_105] : memref<1x64xf32, #tpu.memory_space<vmem>>, vector<1x64xf32>
    %mul3A_107 = vector.broadcast %get3A_106 : vector<1x64xf32> to vector<1024x64xf32>
    %mul3A_108 = arith.mulf %dot_general3A_80, %mul3A_107 : vector<1024x64xf32>
    %reduce_sum3A_109 = arith.constant dense<0.000000e+00> : vector<1024xf32>
    %reduce_sum3A_110 = vector.multi_reduction <add>, %mul3A_108, %reduce_sum3A_109 [1] : vector<1024x64xf32> to vector<1024xf32>
    %broadcast_in_dim3A_111 = vector.shape_cast %reduce_sum3A_110 : vector<1024xf32> to vector<1024x1xf32>
    %reshape3A_112 = vector.shape_cast %broadcast_in_dim3A_111 : vector<1024x1xf32> to vector<8x128xf32>
    %swap3A_113 = arith.constant 0 : index
    %swap3A_114 = arith.constant 0 : index
    %swap3A_115 = vector.load %arg9[%swap3A_113, %swap3A_114] : memref<8x128xf32, #tpu.memory_space<vmem>>, vector<8x128xf32>
    tpu.vector_store %arg9[%swap3A_113, %swap3A_114], %reshape3A_112 {strides = array<i32>} : memref<8x128xf32, #tpu.memory_space<vmem>>, vector<8x128xf32>,
    return
  }
  func.func @transform_0(%arg0: i32) -> (i32, i32, i32) {
    %c0_i32 = arith.constant 0 : i32
    %c0_i32_0 = arith.constant 0 : i32
    %c0_i32_1 = arith.constant 0 : i32
    return %c0_i32, %arg0, %c0_i32_0 : i32, i32, i32
  }
  func.func @transform_1(%arg0: i32) -> (i32, i32) {
    %c0_i32 = arith.constant 0 : i32
    %c0_i32_0 = arith.constant 0 : i32
    return %arg0, %c0_i32 : i32, i32
  }
  func.func @transform_2(%arg0: i32) -> (i32, i32) {
    %c0_i32 = arith.constant 0 : i32
    %c0_i32_0 = arith.constant 0 : i32
    %c0_i32_1 = arith.constant 0 : i32
    return %c0_i32, %c0_i32_0 : i32, i32
  }
  func.func @transform_3(%arg0: i32) -> (i32, i32) {
    %c0_i32 = arith.constant 0 : i32
    %c0_i32_0 = arith.constant 0 : i32
    %c0_i32_1 = arith.constant 0 : i32
    return %c0_i32, %c0_i32_0 : i32, i32
  }
  func.func @transform_4(%arg0: i32) -> (i32, i32) {
    %c0_i32 = arith.constant 0 : i32
    %c0_i32_0 = arith.constant 0 : i32
    %c0_i32_1 = arith.constant 0 : i32
    return %c0_i32, %c0_i32_0 : i32, i32
  }
  func.func @transform_5(%arg0: i32) -> (i32, i32) {
    %c0_i32 = arith.constant 0 : i32
    %c0_i32_0 = arith.constant 0 : i32
    %c0_i32_1 = arith.constant 0 : i32
    return %c0_i32, %c0_i32_0 : i32, i32
  }
  func.func @transform_6(%arg0: i32) -> (i32, i32, i32) {
    %c0_i32 = arith.constant 0 : i32
    %c0_i32_0 = arith.constant 0 : i32
    %c0_i32_1 = arith.constant 0 : i32
    return %c0_i32, %arg0, %c0_i32_0 : i32, i32, i32
  }
  func.func @transform_7(%arg0: i32) -> (i32, i32) {
    %c0_i32 = arith.constant 0 : i32
    %c0_i32_0 = arith.constant 0 : i32
    return %arg0, %c0_i32 : i32, i32
  }
  func.func @transform_8(%arg0: i32) -> (i32, i32) {
    %c0_i32 = arith.constant 0 : i32
    %c0_i32_0 = arith.constant 0 : i32
    return %arg0, %c0_i32 : i32, i32
  }
}

module attributes {stable_mosaic.version = 14 : i64} {
  func.func @_tc_c_body(%arg0: i32, %arg1: memref<2x1024x32xf32, #tpu.memory_space<vmem>>, %arg2: memref<8x128xf32, #tpu.memory_space<vmem>>, %arg3: memref<1x64xf32, #tpu.memory_space<vmem>>, %arg4: memref<8x128xi32, #tpu.memory_space<vmem>>, %arg5: memref<64x128xf32, #tpu.memory_space<vmem>>, %arg6: memref<1x128xf32, #tpu.memory_space<vmem>>, %arg7: memref<128x128xf32, #tpu.memory_space<vmem>>, %arg8: memref<128x128xf32, #tpu.memory_space<vmem>>) attributes {dimension_semantics = [#tpu.dimension_semantics<arbitrary>], iteration_bounds = array<i64: 10>, scalar_prefetch = 0 : i64, scratch_operands = 1 : i64, tpu.core_type = #tpu.core_type<tc>, window_params = [{transform_indices = @transform_0, window_bounds = array<i64: 2, 1024, 32>}, {transform_indices = @transform_1, window_bounds = array<i64: 8, 128>}, {pipeline_mode = #tpu.pipeline_mode<synchronous>, transform_indices = @transform_2, window_bounds = array<i64: 1, 64>}, {transform_indices = @transform_3, window_bounds = array<i64: 8, 128>}, {pipeline_mode = #tpu.pipeline_mode<synchronous>, transform_indices = @transform_4, window_bounds = array<i64: 64, 128>}, {pipeline_mode = #tpu.pipeline_mode<synchronous>, transform_indices = @transform_5, window_bounds = array<i64: 1, 128>}, {pipeline_mode = #tpu.pipeline_mode<synchronous>, transform_indices = @transform_6, window_bounds = array<i64: 128, 128>}]} {
    %eq3A = arith.constant 0 : i32
    %eq3A_0 = arith.cmpi eq, %arg0, %eq3A : i32
    %convert_element_type3A = arith.extui %eq3A_0 : i1 to i32
    %cond3A = arith.constant 0 : i32
    %cond3A_1 = arith.cmpi ne, %convert_element_type3A, %cond3A : i32
    scf.if %cond3A_1 {
      %broadcast_in_dim3A_183 = arith.constant 0.000000e+00 : f32
      %broadcast_in_dim3A_184 = vector.broadcast %broadcast_in_dim3A_183 : f32 to vector<128x128xf32>
      %swap3A_185 = arith.constant 0 : index
      %swap3A_186 = arith.constant 0 : index
      %swap3A_187 = vector.load %arg8[%swap3A_185, %swap3A_186] : memref<128x128xf32, #tpu.memory_space<vmem>>, vector<128x128xf32>
      tpu.vector_store %arg8[%swap3A_185, %swap3A_186], %broadcast_in_dim3A_184 {strides = array<i32>} : memref<128x128xf32, #tpu.memory_space<vmem>>, vector<128x128xf32>,
    } else {
    }
    %get3A = arith.constant 0 : index
    %get3A_2 = arith.constant 0 : index
    %get3A_3 = vector.load %arg2[%get3A, %get3A_2] : memref<8x128xf32, #tpu.memory_space<vmem>>, vector<8x128xf32>
    %iota3A = tpu.iota {dimensions = array<i32: 0>} : vector<1024x8xi32>
    %jit3A = arith.constant 128 : i32
    %div3A = vector.broadcast %jit3A : i32 to vector<1024x8xi32>
    %div3A_4 = arith.divsi %iota3A, %div3A : vector<1024x8xi32>
    %sign3A = arith.constant 0 : i32
    %sign3A_5 = vector.broadcast %sign3A : i32 to vector<1024x8xi32>
    %sign3A_6 = arith.cmpi sgt, %iota3A, %sign3A_5 : vector<1024x8xi32>
    %sign3A_7 = arith.extui %sign3A_6 : vector<1024x8xi1> to vector<1024x8xi32>
    %sign3A_8 = arith.constant 0 : i32
    %sign3A_9 = vector.broadcast %sign3A_8 : i32 to vector<1024x8xi32>
    %sign3A_10 = arith.cmpi slt, %iota3A, %sign3A_9 : vector<1024x8xi32>
    %sign3A_11 = arith.extui %sign3A_10 : vector<1024x8xi1> to vector<1024x8xi32>
    %sign3A_12 = arith.subi %sign3A_7, %sign3A_11 : vector<1024x8xi32>
    %sign3A_13 = arith.constant 0 : i32
    %sign3A_14 = arith.cmpi sgt, %jit3A, %sign3A_13 : i32
    %sign3A_15 = arith.extui %sign3A_14 : i1 to i32
    %sign3A_16 = arith.constant 0 : i32
    %sign3A_17 = arith.cmpi slt, %jit3A, %sign3A_16 : i32
    %sign3A_18 = arith.extui %sign3A_17 : i1 to i32
    %sign3A_19 = arith.subi %sign3A_15, %sign3A_18 : i32
    %ne3A = vector.broadcast %sign3A_19 : i32 to vector<1024x8xi32>
    %ne3A_20 = arith.cmpi ne, %sign3A_12, %ne3A : vector<1024x8xi32>
    %rem3A = vector.broadcast %jit3A : i32 to vector<1024x8xi32>
    %rem3A_21 = arith.remsi %iota3A, %rem3A : vector<1024x8xi32>
    %ne3A_22 = arith.constant 0 : i32
    %ne3A_23 = vector.broadcast %ne3A_22 : i32 to vector<1024x8xi32>
    %ne3A_24 = arith.cmpi ne, %rem3A_21, %ne3A_23 : vector<1024x8xi32>
    %and3A = arith.andi %ne3A_20, %ne3A_24 : vector<1024x8xi1>
    %sub3A = arith.constant 1 : i32
    %sub3A_25 = vector.broadcast %sub3A : i32 to vector<1024x8xi32>
    %sub3A_26 = arith.subi %div3A_4, %sub3A_25 : vector<1024x8xi32>
    %select_n3A = arith.select %and3A, %sub3A_26, %div3A_4 : vector<1024x8xi1>, vector<1024x8xi32>
    %iota3A_27 = tpu.iota {dimensions = array<i32: 1>} : vector<1024x8xi32>
    %eq3A_28 = arith.cmpi eq, %select_n3A, %iota3A_27 : vector<1024x8xi32>
    %convert_element_type3A_29 = arith.extui %eq3A_28 : vector<1024x8xi1> to vector<1024x8xi32>
    %convert_element_type3A_30 = arith.sitofp %convert_element_type3A_29 : vector<1024x8xi32> to vector<1024x8xf32>
    %iota3A_31 = tpu.iota {dimensions = array<i32: 0>} : vector<1024x128xi32>
    %jit3A_32 = arith.constant 128 : i32
    %eq3A_33 = arith.constant 0 : i32
    %eq3A_34 = arith.cmpi eq, %jit3A_32, %eq3A_33 : i32
    %jit3A_35 = arith.constant 1 : i32
    %select_n3A_36 = arith.select %eq3A_34, %jit3A_35, %jit3A_32 : i32
    %rem3A_37 = vector.broadcast %select_n3A_36 : i32 to vector<1024x128xi32>
    %rem3A_38 = arith.remsi %iota3A_31, %rem3A_37 : vector<1024x128xi32>
    %ne3A_39 = arith.constant 0 : i32
    %ne3A_40 = vector.broadcast %ne3A_39 : i32 to vector<1024x128xi32>
    %ne3A_41 = arith.cmpi ne, %rem3A_38, %ne3A_40 : vector<1024x128xi32>
    %lt3A = arith.constant 0 : i32
    %lt3A_42 = vector.broadcast %lt3A : i32 to vector<1024x128xi32>
    %lt3A_43 = arith.cmpi slt, %rem3A_38, %lt3A_42 : vector<1024x128xi32>
    %lt3A_44 = arith.constant 0 : i32
    %lt3A_45 = arith.cmpi slt, %select_n3A_36, %lt3A_44 : i32
    %ne3A_46 = vector.broadcast %lt3A_45 : i1 to vector<1024x128xi1>
    %ne3A_47 = vector.broadcast %ne3A_46 : vector<1024x128xi1> to vector<1024x128xi1>
    %ne3A_48 = arith.xori %lt3A_43, %ne3A_47 : vector<1024x128xi1>
    %and3A_49 = arith.andi %ne3A_48, %ne3A_41 : vector<1024x128xi1>
    %add3A = vector.broadcast %select_n3A_36 : i32 to vector<1024x128xi32>
    %add3A_50 = arith.addi %rem3A_38, %add3A : vector<1024x128xi32>
    %select_n3A_51 = arith.select %and3A_49, %add3A_50, %rem3A_38 : vector<1024x128xi1>, vector<1024x128xi32>
    %iota3A_52 = tpu.iota {dimensions = array<i32: 1>} : vector<1024x128xi32>
    %eq3A_53 = arith.cmpi eq, %select_n3A_51, %iota3A_52 : vector<1024x128xi32>
    %convert_element_type3A_54 = arith.extui %eq3A_53 : vector<1024x128xi1> to vector<1024x128xi32>
    %convert_element_type3A_55 = arith.sitofp %convert_element_type3A_54 : vector<1024x128xi32> to vector<1024x128xf32>
    %dot_general3A = arith.constant dense<0.000000e+00> : vector<1024x128xf32>
    %dot_general3A_56 = tpu.matmul %convert_element_type3A_30, %get3A_3, %dot_general3A {dimension_numbers = #tpu.dot_dimension_numbers<[1], [0], [0], [1], [0, 0, 1, 1], [], []>, transpose_lhs_hint = false} : vector<1024x8xf32>, vector<8x128xf32>, vector<1024x128xf32> -> vector<1024x128xf32>
    %mul3A = arith.mulf %dot_general3A_56, %convert_element_type3A_55 : vector<1024x128xf32>
    %reduce_sum3A = arith.constant dense<0.000000e+00> : vector<1024xf32>
    %reduce_sum3A_57 = vector.multi_reduction <add>, %mul3A, %reduce_sum3A [1] : vector<1024x128xf32> to vector<1024xf32>
    %broadcast_in_dim3A = vector.shape_cast %reduce_sum3A_57 : vector<1024xf32> to vector<1024x1xf32>
    %add3A_58 = arith.constant 1.000000e-30 : f32
    %add3A_59 = vector.broadcast %add3A_58 : f32 to vector<1024x1xf32>
    %add3A_60 = arith.addf %broadcast_in_dim3A, %add3A_59 : vector<1024x1xf32>
    %get3A_61 = arith.constant 0 : index
    %get3A_62 = arith.constant 0 : index
    %get3A_63 = arith.constant 0 : index
    %get3A_64 = vector.load %arg1[%get3A_61, %get3A_62, %get3A_63] : memref<2x1024x32xf32, #tpu.memory_space<vmem>>, vector<1x1024x32xf32>
    %get3A_65 = vector.shape_cast %get3A_64 : vector<1x1024x32xf32> to vector<1024x32xf32>
    %get3A_66 = arith.constant 1 : index
    %get3A_67 = arith.constant 0 : index
    %get3A_68 = arith.constant 0 : index
    %get3A_69 = vector.load %arg1[%get3A_66, %get3A_67, %get3A_68] : memref<2x1024x32xf32, #tpu.memory_space<vmem>>, vector<1x1024x32xf32>
    %get3A_70 = vector.shape_cast %get3A_69 : vector<1x1024x32xf32> to vector<1024x32xf32>
    %concatenate3A = tpu.concatenate %get3A_65, %get3A_70 in 1 : vector<1024x32xf32>, vector<1024x32xf32> -> vector<1024x64xf32>
    %div3A_71 = vector.broadcast %add3A_60 : vector<1024x1xf32> to vector<1024x64xf32>
    %div3A_72 = arith.divf %concatenate3A, %div3A_71 : vector<1024x64xf32>
    %get3A_73 = arith.constant 0 : index
    %get3A_74 = arith.constant 0 : index
    %get3A_75 = vector.load %arg3[%get3A_73, %get3A_74] : memref<1x64xf32, #tpu.memory_space<vmem>>, vector<1x64xf32>
    %add3A_76 = vector.broadcast %get3A_75 : vector<1x64xf32> to vector<1024x64xf32>
    %add3A_77 = arith.addf %div3A_72, %add3A_76 : vector<1024x64xf32>
    %reduce_max3A = arith.constant dense<0xFF800000> : vector<1024xf32>
    %reduce_max3A_78 = vector.multi_reduction <maximumf>, %add3A_77, %reduce_max3A [1] : vector<1024x64xf32> to vector<1024xf32>
    %broadcast_in_dim3A_79 = vector.shape_cast %reduce_max3A_78 : vector<1024xf32> to vector<1024x1xf32>
    %sub3A_80 = vector.broadcast %broadcast_in_dim3A_79 : vector<1024x1xf32> to vector<1024x64xf32>
    %sub3A_81 = arith.subf %add3A_77, %sub3A_80 : vector<1024x64xf32>
    %exp3A = math.exp %sub3A_81 : vector<1024x64xf32>
    %reduce_sum3A_82 = arith.constant dense<0.000000e+00> : vector<1024xf32>
    %reduce_sum3A_83 = vector.multi_reduction <add>, %exp3A, %reduce_sum3A_82 [1] : vector<1024x64xf32> to vector<1024xf32>
    %broadcast_in_dim3A_84 = vector.shape_cast %reduce_sum3A_83 : vector<1024xf32> to vector<1024x1xf32>
    %log3A = math.log %broadcast_in_dim3A_84 : vector<1024x1xf32>
    %sub3A_85 = vector.broadcast %log3A : vector<1024x1xf32> to vector<1024x64xf32>
    %sub3A_86 = arith.subf %sub3A_81, %sub3A_85 : vector<1024x64xf32>
    %broadcast_in_dim3A_87 = arith.constant 1.000000e+00 : f32
    %broadcast_in_dim3A_88 = vector.broadcast %broadcast_in_dim3A_87 : f32 to vector<1024x64xf32>
    %concatenate3A_89 = tpu.concatenate %sub3A_86, %broadcast_in_dim3A_88 in 1 : vector<1024x64xf32>, vector<1024x64xf32> -> vector<1024x128xf32>
    %get3A_90 = arith.constant 0 : index
    %get3A_91 = arith.constant 0 : index
    %get3A_92 = vector.load %arg4[%get3A_90, %get3A_91] : memref<8x128xi32, #tpu.memory_space<vmem>>, vector<8x128xi32>
    %convert_element_type3A_93 = arith.sitofp %get3A_92 : vector<8x128xi32> to vector<8x128xf32>
    %iota3A_94 = tpu.iota {dimensions = array<i32: 0>} : vector<1024x8xi32>
    %jit3A_95 = arith.constant 128 : i32
    %div3A_96 = vector.broadcast %jit3A_95 : i32 to vector<1024x8xi32>
    %div3A_97 = arith.divsi %iota3A_94, %div3A_96 : vector<1024x8xi32>
    %sign3A_98 = arith.constant 0 : i32
    %sign3A_99 = vector.broadcast %sign3A_98 : i32 to vector<1024x8xi32>
    %sign3A_100 = arith.cmpi sgt, %iota3A_94, %sign3A_99 : vector<1024x8xi32>
    %sign3A_101 = arith.extui %sign3A_100 : vector<1024x8xi1> to vector<1024x8xi32>
    %sign3A_102 = arith.constant 0 : i32
    %sign3A_103 = vector.broadcast %sign3A_102 : i32 to vector<1024x8xi32>
    %sign3A_104 = arith.cmpi slt, %iota3A_94, %sign3A_103 : vector<1024x8xi32>
    %sign3A_105 = arith.extui %sign3A_104 : vector<1024x8xi1> to vector<1024x8xi32>
    %sign3A_106 = arith.subi %sign3A_101, %sign3A_105 : vector<1024x8xi32>
    %sign3A_107 = arith.constant 0 : i32
    %sign3A_108 = arith.cmpi sgt, %jit3A_95, %sign3A_107 : i32
    %sign3A_109 = arith.extui %sign3A_108 : i1 to i32
    %sign3A_110 = arith.constant 0 : i32
    %sign3A_111 = arith.cmpi slt, %jit3A_95, %sign3A_110 : i32
    %sign3A_112 = arith.extui %sign3A_111 : i1 to i32
    %sign3A_113 = arith.subi %sign3A_109, %sign3A_112 : i32
    %ne3A_114 = vector.broadcast %sign3A_113 : i32 to vector<1024x8xi32>
    %ne3A_115 = arith.cmpi ne, %sign3A_106, %ne3A_114 : vector<1024x8xi32>
    %rem3A_116 = vector.broadcast %jit3A_95 : i32 to vector<1024x8xi32>
    %rem3A_117 = arith.remsi %iota3A_94, %rem3A_116 : vector<1024x8xi32>
    %ne3A_118 = arith.constant 0 : i32
    %ne3A_119 = vector.broadcast %ne3A_118 : i32 to vector<1024x8xi32>
    %ne3A_120 = arith.cmpi ne, %rem3A_117, %ne3A_119 : vector<1024x8xi32>
    %and3A_121 = arith.andi %ne3A_115, %ne3A_120 : vector<1024x8xi1>
    %sub3A_122 = arith.constant 1 : i32
    %sub3A_123 = vector.broadcast %sub3A_122 : i32 to vector<1024x8xi32>
    %sub3A_124 = arith.subi %div3A_97, %sub3A_123 : vector<1024x8xi32>
    %select_n3A_125 = arith.select %and3A_121, %sub3A_124, %div3A_97 : vector<1024x8xi1>, vector<1024x8xi32>
    %iota3A_126 = tpu.iota {dimensions = array<i32: 1>} : vector<1024x8xi32>
    %eq3A_127 = arith.cmpi eq, %select_n3A_125, %iota3A_126 : vector<1024x8xi32>
    %convert_element_type3A_128 = arith.extui %eq3A_127 : vector<1024x8xi1> to vector<1024x8xi32>
    %convert_element_type3A_129 = arith.sitofp %convert_element_type3A_128 : vector<1024x8xi32> to vector<1024x8xf32>
    %iota3A_130 = tpu.iota {dimensions = array<i32: 0>} : vector<1024x128xi32>
    %jit3A_131 = arith.constant 128 : i32
    %eq3A_132 = arith.constant 0 : i32
    %eq3A_133 = arith.cmpi eq, %jit3A_131, %eq3A_132 : i32
    %jit3A_134 = arith.constant 1 : i32
    %select_n3A_135 = arith.select %eq3A_133, %jit3A_134, %jit3A_131 : i32
    %rem3A_136 = vector.broadcast %select_n3A_135 : i32 to vector<1024x128xi32>
    %rem3A_137 = arith.remsi %iota3A_130, %rem3A_136 : vector<1024x128xi32>
    %ne3A_138 = arith.constant 0 : i32
    %ne3A_139 = vector.broadcast %ne3A_138 : i32 to vector<1024x128xi32>
    %ne3A_140 = arith.cmpi ne, %rem3A_137, %ne3A_139 : vector<1024x128xi32>
    %lt3A_141 = arith.constant 0 : i32
    %lt3A_142 = vector.broadcast %lt3A_141 : i32 to vector<1024x128xi32>
    %lt3A_143 = arith.cmpi slt, %rem3A_137, %lt3A_142 : vector<1024x128xi32>
    %lt3A_144 = arith.constant 0 : i32
    %lt3A_145 = arith.cmpi slt, %select_n3A_135, %lt3A_144 : i32
    %ne3A_146 = vector.broadcast %lt3A_145 : i1 to vector<1024x128xi1>
    %ne3A_147 = vector.broadcast %ne3A_146 : vector<1024x128xi1> to vector<1024x128xi1>
    %ne3A_148 = arith.xori %lt3A_143, %ne3A_147 : vector<1024x128xi1>
    %and3A_149 = arith.andi %ne3A_148, %ne3A_140 : vector<1024x128xi1>
    %add3A_150 = vector.broadcast %select_n3A_135 : i32 to vector<1024x128xi32>
    %add3A_151 = arith.addi %rem3A_137, %add3A_150 : vector<1024x128xi32>
    %select_n3A_152 = arith.select %and3A_149, %add3A_151, %rem3A_137 : vector<1024x128xi1>, vector<1024x128xi32>
    %iota3A_153 = tpu.iota {dimensions = array<i32: 1>} : vector<1024x128xi32>
    %eq3A_154 = arith.cmpi eq, %select_n3A_152, %iota3A_153 : vector<1024x128xi32>
    %convert_element_type3A_155 = arith.extui %eq3A_154 : vector<1024x128xi1> to vector<1024x128xi32>
    %convert_element_type3A_156 = arith.sitofp %convert_element_type3A_155 : vector<1024x128xi32> to vector<1024x128xf32>
    %dot_general3A_157 = arith.constant dense<0.000000e+00> : vector<1024x128xf32>
    %dot_general3A_158 = tpu.matmul %convert_element_type3A_129, %convert_element_type3A_93, %dot_general3A_157 {dimension_numbers = #tpu.dot_dimension_numbers<[1], [0], [0], [1], [0, 0, 1, 1], [], []>, transpose_lhs_hint = false} : vector<1024x8xf32>, vector<8x128xf32>, vector<1024x128xf32> -> vector<1024x128xf32>
    %mul3A_159 = arith.mulf %dot_general3A_158, %convert_element_type3A_156 : vector<1024x128xf32>
    %reduce_sum3A_160 = arith.constant dense<0.000000e+00> : vector<1024xf32>
    %reduce_sum3A_161 = vector.multi_reduction <add>, %mul3A_159, %reduce_sum3A_160 [1] : vector<1024x128xf32> to vector<1024xf32>
    %broadcast_in_dim3A_162 = vector.shape_cast %reduce_sum3A_161 : vector<1024xf32> to vector<1024x1xf32>
    %iota3A_163 = tpu.iota {dimensions = array<i32: 1>} : vector<1x128xi32>
    %convert_element_type3A_164 = arith.sitofp %iota3A_163 : vector<1x128xi32> to vector<1x128xf32>
    %eq3A_165 = vector.broadcast %broadcast_in_dim3A_162 : vector<1024x1xf32> to vector<1024x128xf32>
    %eq3A_166 = vector.broadcast %convert_element_type3A_164 : vector<1x128xf32> to vector<1024x128xf32>
    %eq3A_167 = arith.cmpf oeq, %eq3A_165, %eq3A_166 : vector<1024x128xf32>
    %convert_element_type3A_168 = arith.extui %eq3A_167 : vector<1024x128xi1> to vector<1024x128xi32>
    %convert_element_type3A_169 = arith.sitofp %convert_element_type3A_168 : vector<1024x128xi32> to vector<1024x128xf32>
    %get3A_170 = arith.constant 0 : index
    %get3A_171 = arith.constant 0 : index
    %get3A_172 = vector.load %arg8[%get3A_170, %get3A_171] : memref<128x128xf32, #tpu.memory_space<vmem>>, vector<128x128xf32>
    %dot_general3A_173 = arith.constant dense<0.000000e+00> : vector<128x128xf32>
    %dot_general3A_174 = tpu.matmul %convert_element_type3A_169, %concatenate3A_89, %dot_general3A_173 {dimension_numbers = #tpu.dot_dimension_numbers<[0], [0], [1], [1], [0, 1, 1, 1], [], []>, transpose_lhs_hint = false} : vector<1024x128xf32>, vector<1024x128xf32>, vector<128x128xf32> -> vector<128x128xf32>
    %add3A_175 = arith.addf %get3A_172, %dot_general3A_174 : vector<128x128xf32>
    %swap3A = arith.constant 0 : index
    %swap3A_176 = arith.constant 0 : index
    %swap3A_177 = vector.load %arg8[%swap3A, %swap3A_176] : memref<128x128xf32, #tpu.memory_space<vmem>>, vector<128x128xf32>
    tpu.vector_store %arg8[%swap3A, %swap3A_176], %add3A_175 {strides = array<i32>} : memref<128x128xf32, #tpu.memory_space<vmem>>, vector<128x128xf32>,
    %eq3A_178 = arith.constant 9 : i32
    %eq3A_179 = arith.cmpi eq, %arg0, %eq3A_178 : i32
    %convert_element_type3A_180 = arith.extui %eq3A_179 : i1 to i32
    %cond3A_181 = arith.constant 0 : i32
    %cond3A_182 = arith.cmpi ne, %convert_element_type3A_180, %cond3A_181 : i32
    scf.if %cond3A_182 {
      %get3A_183 = arith.constant 0 : index
      %get3A_184 = arith.constant 0 : index
      %get3A_185 = vector.load %arg8[%get3A_183, %get3A_184] : memref<128x128xf32, #tpu.memory_space<vmem>>, vector<128x128xf32>
      %slice3A = vector.extract_strided_slice %get3A_185 {offsets = [0, 0], sizes = [128, 64], strides = [1, 1]} : vector<128x128xf32> to vector<128x64xf32>
      %slice3A_186 = vector.extract_strided_slice %get3A_185 {offsets = [0, 64], sizes = [128, 1], strides = [1, 1]} : vector<128x128xf32> to vector<128x1xf32>
      %max3A = arith.constant 1.000000e+00 : f32
      %max3A_187 = vector.broadcast %max3A : f32 to vector<128x1xf32>
      %max3A_188 = arith.maximumf %slice3A_186, %max3A_187 : vector<128x1xf32>
      %div3A_189 = vector.broadcast %max3A_188 : vector<128x1xf32> to vector<128x64xf32>
      %div3A_190 = arith.divf %slice3A, %div3A_189 : vector<128x64xf32>
      %get3A_191 = arith.constant 0 : index
      %get3A_192 = arith.constant 0 : index
      %get3A_193 = vector.load %arg5[%get3A_191, %get3A_192] : memref<64x128xf32, #tpu.memory_space<vmem>>, vector<64x128xf32>
      %dot_general3A_194 = arith.constant dense<0.000000e+00> : vector<128x128xf32>
      %dot_general3A_195 = tpu.matmul %div3A_190, %get3A_193, %dot_general3A_194 {dimension_numbers = #tpu.dot_dimension_numbers<[1], [0], [0], [1], [0, 0, 1, 1], [], []>, transpose_lhs_hint = false} : vector<128x64xf32>, vector<64x128xf32>, vector<128x128xf32> -> vector<128x128xf32>
      %get3A_196 = arith.constant 0 : index
      %get3A_197 = arith.constant 0 : index
      %get3A_198 = vector.load %arg6[%get3A_196, %get3A_197] : memref<1x128xf32, #tpu.memory_space<vmem>>, vector<1x128xf32>
      %add3A_199 = vector.broadcast %get3A_198 : vector<1x128xf32> to vector<128x128xf32>
      %add3A_200 = arith.addf %dot_general3A_195, %add3A_199 : vector<128x128xf32>
      %swap3A_201 = arith.constant 0 : index
      %swap3A_202 = arith.constant 0 : index
      %swap3A_203 = vector.load %arg7[%swap3A_201, %swap3A_202] : memref<128x128xf32, #tpu.memory_space<vmem>>, vector<128x128xf32>
      tpu.vector_store %arg7[%swap3A_201, %swap3A_202], %add3A_200 {strides = array<i32>} : memref<128x128xf32, #tpu.memory_space<vmem>>, vector<128x128xf32>,
    } else {
    }
    return
  }
  func.func @transform_0(%arg0: i32) -> (i32, i32, i32) {
    %c0_i32 = arith.constant 0 : i32
    %c0_i32_0 = arith.constant 0 : i32
    %c0_i32_1 = arith.constant 0 : i32
    return %c0_i32, %arg0, %c0_i32_0 : i32, i32, i32
  }
  func.func @transform_1(%arg0: i32) -> (i32, i32) {
    %c0_i32 = arith.constant 0 : i32
    %c0_i32_0 = arith.constant 0 : i32
    return %arg0, %c0_i32 : i32, i32
  }
  func.func @transform_2(%arg0: i32) -> (i32, i32) {
    %c0_i32 = arith.constant 0 : i32
    %c0_i32_0 = arith.constant 0 : i32
    %c0_i32_1 = arith.constant 0 : i32
    return %c0_i32, %c0_i32_0 : i32, i32
  }
  func.func @transform_3(%arg0: i32) -> (i32, i32) {
    %c0_i32 = arith.constant 0 : i32
    %c0_i32_0 = arith.constant 0 : i32
    return %arg0, %c0_i32 : i32, i32
  }
  func.func @transform_4(%arg0: i32) -> (i32, i32) {
    %c0_i32 = arith.constant 0 : i32
    %c0_i32_0 = arith.constant 0 : i32
    %c0_i32_1 = arith.constant 0 : i32
    return %c0_i32, %c0_i32_0 : i32, i32
  }
  func.func @transform_5(%arg0: i32) -> (i32, i32) {
    %c0_i32 = arith.constant 0 : i32
    %c0_i32_0 = arith.constant 0 : i32
    %c0_i32_1 = arith.constant 0 : i32
    return %c0_i32, %c0_i32_0 : i32, i32
  }
  func.func @transform_6(%arg0: i32) -> (i32, i32) {
    %c0_i32 = arith.constant 0 : i32
    %c0_i32_0 = arith.constant 0 : i32
    %c0_i32_1 = arith.constant 0 : i32
    return %c0_i32, %c0_i32_0 : i32, i32
  }
}

</mosaic_0001>

<sc_bundles>
// kernel: gat_edge_sc_128.3.cloned.1.call-start
scs
__scs_entry_jumppad:
0x0: {  	(pc) =	sbr.rel $0x88, $3  }
0x1: {  	(tag) =	ssettag $0x0;
	lr =	simm.s32 $0x1  }
0x2: {  	[smem:$0x3F94] =	sst lr;
	_ =	strace $0xD0000000  }
0x3: {  	_ = 	snop  }
0x4: {  	_ = 	snop  }
0x5: {  	_ = 	snop  }
0x6: {  	_ = 	snop  }
0x7: {  	_ = 	snop  }
__scs_overlays_trampoline_lowered:
0x8: {  	[smem:$0x3FA3] =	sst s0  }
0x9: {  	[smem:$0x3FA4] =	sst s1  }
0xa: {  	[smem:$0x3FA5] =	sst s2  }
0xb: {  	[smem:$0x3FA6] =	sst s3  }
0xc: {  	[smem:$0x3FA7] =	sst s4  }
0xd: {  	[smem:$0x3FA8] =	sst s5  }
0xe: {  	[smem:$0x3FA9] =	sst s6  }
0xf: {  	[smem:$0x3FAA] =	sst s7  }
0x10: {  	[smem:$0x3FAB] =	sst s8  }
0x11: {  	[smem:$0x3FAC] =	sst s9;
	s0 =	simm.s32 @!p0 $0x0  }
0x12: {  	s1 =	sld [smem:$0x3F92];
	s0 =	simm.s32 @p0 $0x1  }
0x13: {  	[smem:$0x3FAD] =	sst s0;
	s0 =	simm.s32 @!p1 $0x0  }
0x14: {  	s2 =	sld [smem:$0x3F91];
	s0 =	simm.s32 @p1 $0x1  }
0x15: {  	[smem:$0x3FAE] =	sst s0;
	s0 =	simm.s32 @!p2 $0x0  }
0x16: {  	s3 =	sld [smem:$0x3FDB];
	s0 =	simm.s32 @p2 $0x1  }
0x17: {  	s4 =	simm.s32 $0x1BF5;
	[smem:$0x3FB0] =	sst s0  }
0x18: {  	s0 =	sld [smem:$0x3F93];
	_ =	swait.ge [sflag:s4], $0x0  }
0x19: {  	s7 =	sld [smem:$0x3F94]  }
0x1a: {  	s8 =	sadd.s32 $0xFFFFE003, lr  }
0x1b: {  	s9 =	sadd.s32 $0xFFFFFEF7, lr;
	s5 =	simm.s32 $0xFFFFFFFF;
	p2 =	slt.u32 s8, $0xFFFFF086  }
0x1c: {  	p1 =	slt.u32 s9, $0xF7A;
	s5 =	simm.s32 @!p2 $0x0  }
0x1d: {  	s5 =	simm.s32 @p1 $0x1;
	p0 =	seq.s32 s7, s2  }
0x1e: {  	s7 =	smul.u32 @!p0 $0xF7A, s2;
	p2 =	seq.s32 @!p0 s5, $0x0  }
0x1f: {  	s9 =	smul.u32 $0xF7A, s1;
	s8 =	simm.s32 @!p0 $0x1BF5;
	p2 =	por !p2, p0  }
0x20: {  	[sflag:s8] =	ssyncset.s32 @!p0 $0xFFFFF086;
	s6 =	sadd.s32 @!p0 s3, s7;
	s7 =	simm.s32 @!p0 $0x108  }
0x21: {  	s3 =	sadd.s32 s3, s9;
	s6 =	sadd.s32 @!p0 $0x88, s6;
	s7 =	simm.s32 @p2 $0x1082  }
0x22: {  	[simem:s7], [sflag:s8] =	dma.local @!p0 [hbm:s6], $0xF7A  }
0x23: {  	s9 =	sor.u32 $0xD0000000, s2;
	s6 =	simm.s32 $0x108;
	_ =	swait.ge @!p0 [sflag:s8], $0x0  }
0x24: {  	s3 =	sadd.s32 $0x88, s3;
	s6 =	simm.s32 @!p1 $0x1082;
	[sflag:s4] =	ssyncset.s32 $0xFFFFF086  }
0x25: {  	[simem:s6], [sflag:s4] =	dma.local [hbm:s3], $0xF7A  }
0x26: {  	[smem:$0x3F94] =	sst s1;
	(tag) =	ssettag s2;
	_ =	strace s9  }
0x27: {  	s1 =	sld [smem:$0x3FA4]  }
0x28: {  	s2 =	sld [smem:$0x3FA5]  }
0x29: {  	s4 =	sld [smem:$0x3FA7]  }
0x2a: {  	p0 =	seq.s32 s5, $0x0;
	s5 =	sld [smem:$0x3FA8]  }
0x2b: {  	s6 =	sld [smem:$0x3FA9]  }
0x2c: {  	s7 =	sld [smem:$0x3FAA]  }
0x2d: {  	s3 =	simm.s32 $0x108;
	s8 =	sld [smem:$0x3FAB]  }
0x2e: {  	s3 =	simm.s32 @!p0 $0x1082;
	s9 =	sld [smem:$0x3FAC]  }
0x2f: {  	lr =	sadd.s32 s0, s3;
	s0 =	sld [smem:$0x3FA3]  }
0x30: {  	s3 =	sld [smem:$0x3FA6]  }
0x31: {  	[smem:$0x3FAF] =	sst s10  }
0x32: {  	s10 =	sld [smem:$0x3FAD];
	_ =	sdelay $0x3  }
0x33: {  	p0 =	seq.s32 s10, $0x1;
	s10 =	sld [smem:$0x3FAF];
	_ =	sdelay $0x3  }
0x34: {  	[smem:$0x3FAF] =	sst s10  }
0x35: {  	s10 =	sld [smem:$0x3FAE];
	_ =	sdelay $0x3  }
0x36: {  	p1 =	seq.s32 s10, $0x1;
	s10 =	sld [smem:$0x3FAF];
	_ =	sdelay $0x3  }
0x37: {  	[smem:$0x3FAF] =	sst s10  }
0x38: {  	s10 =	sld [smem:$0x3FB0]  }
0x39: {  	_ = 	snop;
	(pc) =	sbr.ind lr, $3  }
0x3a: {  	_ = 	snop  }
0x3b: {  	_ = 	snop  }
0x3c: {  	p2 =	seq.s32 s10, $0x1;
	s10 =	sld [smem:$0x3FAF]  }
0x3d: {  	_ =	shalt  }
0x3e: {  	_ =	shalt  }
0x3f: {  	_ =	shalt  }
0x40: {  	_ =	shalt  }
0x41: {  	_ =	shalt  }
0x42: {  	_ =	shalt  }
0x43: {  	_ =	shalt  }
0x44: {  	_ =	shalt  }
0x45: {  	_ =	shalt  }
0x46: {  	_ =	shalt  }
0x47: {  	_ =	shalt  }
0x48: {  	_ =	shalt  }
0x49: {  	_ =	shalt  }
0x4a: {  	_ =	shalt  }
0x4b: {  	_ =	shalt  }
0x4c: {  	_ =	shalt  }
0x4d: {  	_ =	shalt  }
0x4e: {  	_ =	shalt  }
0x4f: {  	_ =	shalt  }
0x50: {  	_ =	shalt  }
0x51: {  	_ =	shalt  }
0x52: {  	_ =	shalt  }
0x53: {  	_ =	shalt  }
0x54: {  	_ =	shalt  }
0x55: {  	_ =	shalt  }
0x56: {  	_ =	shalt  }
0x57: {  	_ =	shalt  }
0x58: {  	_ =	shalt  }
0x59: {  	_ =	shalt  }
0x5a: {  	_ =	shalt  }
0x5b: {  	_ =	shalt  }
0x5c: {  	_ =	shalt  }
0x5d: {  	_ =	shalt  }
0x5e: {  	_ =	shalt  }
0x5f: {  	_ =	shalt  }
0x60: {  	_ =	shalt  }
0x61: {  	_ =	shalt  }
0x62: {  	_ =	shalt  }
0x63: {  	_ =	shalt  }
0x64: {  	_ =	shalt  }
0x65: {  	_ =	shalt  }
0x66: {  	_ =	shalt  }
0x67: {  	_ =	shalt  }
0x68: {  	_ =	shalt  }
0x69: {  	_ =	shalt  }
0x6a: {  	_ =	shalt  }
0x6b: {  	_ =	shalt  }
0x6c: {  	_ =	shalt  }
0x6d: {  	_ =	shalt  }
0x6e: {  	_ =	shalt  }
0x6f: {  	_ =	shalt  }
0x70: {  	_ =	shalt  }
0x71: {  	_ =	shalt  }
0x72: {  	_ =	shalt  }
0x73: {  	_ =	shalt  }
0x74: {  	_ =	shalt  }
0x75: {  	_ =	shalt  }
0x76: {  	_ =	shalt  }
0x77: {  	_ =	shalt  }
0x78: {  	_ =	shalt  }
0x79: {  	_ =	shalt  }
0x7a: {  	_ =	shalt  }
0x7b: {  	_ =	shalt  }
0x7c: {  	_ =	shalt  }
0x7d: {  	_ =	shalt  }
0x7e: {  	_ =	shalt  }
0x7f: {  	_ =	shalt  }
0x80: {  	_ =	shalt  }
0x81: {  	_ =	shalt  }
0x82: {  	_ =	shalt  }
0x83: {  	_ =	shalt  }
0x84: {  	_ =	shalt  }
0x85: {  	_ =	shalt  }
0x86: {  	_ =	shalt  }
0x87: {  	_ =	shalt  }
.Lfunc_end0:
.L_simem_size_0:
called_computation_lowered:
.L_overlay_start_0:
0x88: {  	s2 =	sld [smem:$0x3FD9]  }
0x89: {  	s3 =	sld [smem:$0x3FFE];
	_ =	sdelay $0x1  }
0x8a: {  	s1 =	srdreg.scid  }
0x8b: {  	s0 =	sand.u32 $0x1, s1  }
0x8c: {  	s16 =	sshll.u32 s0, $0xA;
	s2 =	sadd.s32 s3, s2  }
0x8d: {  	s2 =	sadd.s32 s2, s16  }
0x8e: {  	[smem:$0x3FBB] =	sst s2  }
0x8f: {  	_ = 	snop  }
0x90: {  	(tm) =	ssettm $0x1  }
0x91: {  	s17 =	sld [smem:$0x3FFB];
	_ =	sdelay $0x3  }
0x92: {  	_ =	strace s17  }
0x93: {  	s2 =	sld [smem:$0x3FFC];
	_ =	sdelay $0x3  }
0x94: {  	_ =	strace s2  }
0x95: {  	s2 =	sld [smem:$0x3FFD];
	_ =	sdelay $0x3  }
0x96: {  	_ =	strace s2  }
0x97: {  	_ =	strace $0x8FFFFFFF  }
0x98: {  	s18 =	sld [smem:$0x3FDB];
	_ =	sdelay $0x1  }
0x99: {  	s19 =	simm.s32 $_scs_section_size  }
0x9a: {  	s4 =	simm.s32 $_size__tile_overlayer_lowered;
	s5 =	simm.s32 $_tile_overlayer_lowered  }
0x9b: {  	s22 =	simm.s32 $0x1BFF;
	s21 =	sshll.u32 s5, $0x1;
	s2 =	sadd.s32 s19, s18  }
0x9c: {  	s6 =	simm.s32 $0x0;
	s20 =	sshll.u32 s4, $0x1;
	s4 =	sadd.s32 s21, s2  }
0x9d: {  	[timem:s6], [sflag:s22] =	dma.local [hbm:s4], s20  }
0x9e: {  	_ =	swait.ge [sflag:s22], s20  }
0x9f: {  	s3 =	ssub.s32 $0x0, s20;
	[sflag:s22] =	ssyncset.done $0x0  }
0xa0: {  	[sflag:s22] =	ssyncadd.s32 s3;
	_ =	sdelay $0x1  }
0xa1: {  	s23 =	simm.s32 $0x1B8B  }
0xa2: {  	_ =	swait.ge [sflag:s23], $0x1  }
0xa3: {  	[sflag:s23] =	ssyncset.done $0x0  }
0xa4: {  	s25 =	simm.s32 $0x1B8E;
	s24 =	sld [smem:$0x3FFE];
	[sflag:s23] =	ssyncadd.s32 $0xFFFFFFFF  }
0xa5: {  	s26 =	simm.s32 $execute0_lowered;
	[smem:$0x3FD2] =	sst s25  }
0xa6: {  	s4 =	sshll.u32 s26, $0x1;
	_ =	strace $0x80000046;
	[dreg:$0x1] =	wrdreg $0xFFFFFFFF  }
0xa7: {  	s28 =	simm.s32 $_size_execute0_lowered;
	s2 =	sadd.s32 s2, s4;
	[dreg:$0x0] =	wrdreg $0x0  }
0xa8: {  	s4 =	sshll.u32 s28, $0x1;
	[dreg:$0x2] =	wrdreg s2  }
0xa9: {  	[dreg:$0x3] =	wrdreg s4  }
0xaa: {  	[dreg:$0x4] =	wrdreg $0xC0  }
0xab: {  	_ =	task [dreg:s6], $0x5FFFF  }
0xac: {  	[dreg:$0x1] =	wrdreg $0xFFFFFFFF  }
0xad: {  	[dreg:$0x0] =	wrdreg $0x60  }
0xae: {  	[dreg:$0x2] =	wrdreg s24  }
0xaf: {  	[dreg:$0x3] =	wrdreg $0x133000  }
0xb0: {  	[dreg:$0x4] =	wrdreg $0x1D3000  }
0xb1: {  	[dreg:$0x5] =	wrdreg $0x9  }
0xb2: {  	_ =	task.clear_ibuf [dreg:s6], $0x6FFFF;
	_ =	strace $0x90000046  }
0xb3: {  	s29 =	simm.s32 $0x9;
	_ =	strace $0x80000048  }
0xb4: {  	_ =	swait.ge [sflag:s29], $0x1  }
0xb5: {  	[sflag:s29] =	ssyncadd.s32 $0xFFFFFFFF  }
0xb6: {  	_ =	strace $0x90000048  }
0xb7: {  	_ =	sfence  }
0xb8: {  	s30 =	sld [smem:$0x0];
	_ =	sdelay $0x2  }
0xb9: {  	s31 =	sshll.u32 s1, $0xD;
	s1 =	sshrl.u32 s1, $0x2  }
0xba: {  	s3 =	sand.u32 $0x4000, s31;
	s1 =	sadd.s32 s1, s30  }
0xbb: {  	s0 =	sor.u32 s3, s0;
	s1 =	sshll.u32 s1, $0x11  }
0xbc: {  	s0 =	sor.u32 s1, s0  }
0xbd: {  	s0 =	sadd.s32 $0x8F2B, s0  }
0xbe: {  	[sflag:s0] =	ssyncadd.remote.s32 $0x1  }
0xbf: {  	_ =	sfence.sel $0xFFFF  }
0xc0: {  	[dreg:$0x0] =	wrdreg $0xFFFFFFFF;
	(pc) =	sbr.abs _section_cstart, $3  }
0xc1: {  	[dreg:$0x1] =	wrdreg $0xFFFFFFFF  }
0xc2: {  	_ =	task.clear_ibuf [dreg:s6], $0x2FFFF;
	_ =	strace $0x9FFFFFFF  }
0xc3: {  	(tm) =	ssettm $0x7FFFFFFF  }
tec
execute0_lowered:
.L_overlay_start_1:
0x0: {  	(tag) =	ssettag $0x1  }
0x1: {  	s0 =	rddreg [dreg:$0x0]  }
0x2: {  	s2 =	srdreg.scid;
	s1 =	rddreg [dreg:$0x1]  }
0x3: {  	s3 =	rddreg [dreg:$0x2];
	s4 =	simm.s32 $0x0;
	s9 =	stileid.u32  }
0x4: {  	s28 =	simm.s32 $0xF200;
	s29 =	simm.s32 $0xF300;
	s30 =	simm.s32 $0x80  }
0x5: {  	s2 =	sand.u32 $0x1, s2;
	[smem:$0x7FF] =	sst s4;
	s7 =	smul.u32 $0xA20, s9  }
0x6: {  	s8 =	smul.u32 $0xA000, s9;
	s10 =	sadd.s32 $0x2E00, s0;
	s15 =	sadd.s32 $0x3400, s0  }
0x7: {  	s11 =	smul.u32 $0x280, s9;
	_ =	strace $0x80000047;
	[dreg:$0x4] =	wrdreg s10  }
0x8: {  	s31 =	simm.s32 $0x11300;
	s5 =	smul.u32 $0xA0000, s2;
	[dreg:$0x5] =	wrdreg s15  }
0x9: {  	s16 =	ssub.s32 $0x2, s2;
	p0 =	sne.s32 s2, $0x0;
	s2 =	simm.s32 $0x3  }
0xa: {  	s7 =	sadd.s32 s7, s0;
	s17 =	sshrl.u32 s11, $0x3;
	s12 =	sshrl.u32 s16, $0x1  }
0xb: {  	s19 =	sadd.s32 $0x80, s11;
	s9 =	sadd.s32 s8, s1;
	s13 =	sadd.s32 $0x100, s11  }
0xc: {  	s10 =	sadd.s32 s11, s3;
	s23 =	sadd.s32 $0x180, s11;
	s11 =	sadd.s32 $0x200, s11  }
0xd: {  	s6 =	sshrl.u32 s5, $0x3;
	s5 =	sadd.s32 s8, s5;
	s12 =	ssub.s32 s16, s12  }
0xe: {  	s18 =	sadd.s32 $0x2BA00, s7;
	s7 =	sadd.s32 $0x35C00, s7;
	s20 =	sshll.u32 s19, $0x6  }
0xf: {  	s21 =	sshll.u32 s13, $0x6;
	s24 =	sadd.s32 s13, s3;
	s25 =	sshll.u32 s23, $0x6  }
0x10: {  	s26 =	sshll.u32 s11, $0x6;
	s13 =	simm.s32 $0x5000;
	[dreg:$0x6] =	wrdreg s18  }
0x11: {  	s6 =	sadd.s32 s6, s0;
	s5 =	sshrl.u32 s5, $0x3;
	[dreg:$0x7] =	wrdreg s7  }
0x12: {  	s8 =	sadd.s32 s20, s1;
	s7 =	sadd.s32 s19, s3;
	[dreg:$0xb] =	wrdreg s24  }
0x13: {  	s22 =	sadd.s32 s21, s1;
	s18 =	sadd.s32 s11, s3;
	[dreg:$0x8] =	wrdreg s8  }
0x14: {  	v0 =	vimm.s32 $0x1;
	s24 =	simm.s32 $0x2800;
	s5 =	sadd.s32 s5, s0;
	[dreg:$0x9] =	wrdreg s7  }
0x15: {  	v1 =	vimm.s32 $0x2;
	v2 =	vimm.s32 $0x3;
	v3 =	vimm.s32 $0x4;
	s0 =	sadd.s32 s17, s0;
	[dreg:$0xa] =	wrdreg s22;
	s8 =	sadd.s32 s25, s1  }
0x16: {  	v4 =	vimm.s32 $0x5;
	v5 =	vimm.s32 $0x6;
	v6 =	vimm.s32 $0x7;
	s7 =	sadd.s32 s23, s3;
	s17 =	sadd.s32 s26, s1;
	s19 =	sadd.s32 $0x3A00, s6  }
0x17: {  	v7 =	vimm.s32 $0x8;
	v8 =	vimm.s32 $0x9;
	v9 =	vimm.s32 $0xA;
	s22 =	smax.u32 s12, $0x1;
	s23 =	simm.s32 $0x5;
	[dreg:$0xc] =	wrdreg s8  }
0x18: {  	v10 =	vimm.s32 $0xB;
	v11 =	vimm.s32 $0xC;
	v12 =	vimm.s32 $0xD;
	s26 =	simm.s32 $0xA100;
	s6 =	simm.s32 $0x1;
	[dreg:$0xd] =	wrdreg s7  }
0x19: {  	v13 =	vimm.s32 $0xE;
	v16 =	vimm.s32 $0x0;
	vm0 =	vcmask $0x300;
	s20 =	sadd.s32 $0x3FE00, s5;
	s21 =	sadd.s32 $0x67E00, s0;
	s0 =	simm.s32 $0xF280  }
0x1a: {  	v14 =	vimm.s32 $0xF;
	v15 =	vimm.f32 $0.0e+00;
	v16 =	vsel vm0, $0x3, v16;
	s5 =	simm.s32 $0x4;
	s7 =	simm.s32 $0x2;
	s8 =	simm.s32 $0x0  }
.LBB2_1:
0x1b: {  	s11 =	rddreg [dreg:$0x4]  }
0x1c: {  	[tilespmem:s4], [sflag:$0x5] =	stream.linear.gather [hbm4b:s11+s4], $0x2800, $0x38;
	[tilespmem:$0x1D580] =	vst v63  }
0x1d: {  	_ =	swait.ge [sflag:s23], $0x2800  }
0x1e: {  	[sflag:s23] =	ssyncset.done $0x0  }
0x1f: {  	s15 =	rddreg [dreg:$0x5];
	[sflag:s23] =	ssyncadd.s32 $0xFFFFD800  }
0x20: {  	[tilespmem:s24], [sflag:$0x5] =	stream.linear.gather [hbm4b:s15+s4], $0x2800, $0x38;
	[tilespmem:$0x1D580] =	vst v63  }
0x21: {  	_ =	swait.ge [sflag:s23], $0x2800  }
0x22: {  	[sflag:s23] =	ssyncset.done $0x0  }
0x23: {  	s16 =	rddreg [dreg:$0x6];
	[sflag:s23] =	ssyncadd.s32 $0xFFFFD800  }
0x24: {  	[tilespmem:s13], [sflag:$0x5] =	stream.linear.gather [hbm4b:s16+s4], $0x5100, $0x38;
	[tilespmem:$0x1D580] =	vst v63  }
0x25: {  	_ =	swait.ge [sflag:s23], $0x5100  }
0x26: {  	[sflag:s23] =	ssyncset.done $0x0  }
0x27: {  	s25 =	rddreg [dreg:$0x7];
	[sflag:s23] =	ssyncadd.s32 $0xFFFFAF00  }
0x28: {  	[tilespmem:s26], [sflag:$0x5] =	stream.linear.gather [hbm4b:s25+s4], $0x5100, $0x38;
	[tilespmem:$0x1D580] =	vst v63  }
0x29: {  	_ =	swait.ge [sflag:s23], $0x5100  }
0x2a: {  	[sflag:s23] =	ssyncset.done $0x0  }
0x2b: {  	s12 =	simm.s32 $0x0;
	[sflag:s23] =	ssyncadd.s32 $0xFFFFAF00  }
0x2c: {  	v17 =	vimm.f32 $-3.000000010e+38;
	s11 =	simm.s32 $0x40;
	v18 =	vld [tilespmem:s12+$0x0]  }
.LBB2_2:
0x2d: {  	p1 =	sne.s32 s11, $0x9FC0  }
.Ltmp0:
0x2e: {  	_ = 	snop;
	(pc) =	sbr.rel @p1 .LBB2_2-.Ltmp0, $3  }
0x2f: {  	_ =	sdelay $0x1  }
0x30: {  	s12 =	sshra.s32 s11, $0x2;
	s11 =	sadd.s32 $0x40, s11;
	v17 =	vmax.f32 v17, v18  }
0x31: {  	v18 =	vld [tilespmem:s12+$0x0]  }
0x32: {  	_ =	sdelay $0x3  }
0x33: {  	v17 =	vmax.f32 v17, v18  }
0x34: {  	[tilespmem:$0xF200] =	vst v17  }
0x35: {  	v31 =	vld.msk [tilespmem:s28+$0x0], $0xffff  }
0x36: {  	v32 =	vld.idx.msk [tilespmem:v0+s28+$0x0], $0xffff  }
0x37: {  	v30 =	vld.idx.msk [tilespmem:v1+s28+$0x0], $0xffff  }
0x38: {  	v29 =	vld.idx.msk [tilespmem:v2+s28+$0x0], $0xffff  }
0x39: {  	v28 =	vld.idx.msk [tilespmem:v3+s28+$0x0], $0xffff  }
0x3a: {  	v27 =	vld.idx.msk [tilespmem:v4+s28+$0x0], $0xffff  }
0x3b: {  	v26 =	vld.idx.msk [tilespmem:v5+s28+$0x0], $0xffff  }
0x3c: {  	v25 =	vld.idx.msk [tilespmem:v6+s28+$0x0], $0xffff  }
0x3d: {  	v24 =	vld.idx.msk [tilespmem:v7+s28+$0x0], $0xffff  }
0x3e: {  	v23 =	vld.idx.msk [tilespmem:v8+s28+$0x0], $0xffff  }
0x3f: {  	v22 =	vld.idx.msk [tilespmem:v9+s28+$0x0], $0xffff  }
0x40: {  	v21 =	vld.idx.msk [tilespmem:v10+s28+$0x0], $0xffff  }
0x41: {  	v20 =	vld.idx.msk [tilespmem:v11+s28+$0x0], $0xffff  }
0x42: {  	v19 =	vld.idx.msk [tilespmem:v12+s28+$0x0], $0xffff  }
0x43: {  	v18 =	vld.idx.msk [tilespmem:v13+s28+$0x0], $0xffff  }
0x44: {  	s12 =	simm.s32 $0x0;
	v17 =	vld.idx.msk [tilespmem:v14+s28+$0x0], $0xffff  }
0x45: {  	v33 =	vimm.f32 $-3.000000010e+38;
	s11 =	simm.s32 $0x40;
	v34 =	vld [tilespmem:s12+$0x2800]  }
.LBB2_4:
0x46: {  	p1 =	sne.s32 s11, $0x9FC0  }
.Ltmp1:
0x47: {  	_ = 	snop;
	(pc) =	sbr.rel @p1 .LBB2_4-.Ltmp1, $3  }
0x48: {  	_ =	sdelay $0x1  }
0x49: {  	s12 =	sshra.s32 s11, $0x2;
	s11 =	sadd.s32 $0x40, s11;
	v33 =	vmax.f32 v33, v34  }
0x4a: {  	v34 =	vld [tilespmem:s12+$0x2800]  }
0x4b: {  	_ =	sdelay $0x3  }
0x4c: {  	v33 =	vmax.f32 v33, v34  }
0x4d: {  	[tilespmem:$0xF200] =	vst v33  }
0x4e: {  	v47 =	vld.msk [tilespmem:s28+$0x0], $0xffff  }
0x4f: {  	v48 =	vld.idx.msk [tilespmem:v0+s28+$0x0], $0xffff  }
0x50: {  	v46 =	vld.idx.msk [tilespmem:v1+s28+$0x0], $0xffff  }
0x51: {  	v45 =	vld.idx.msk [tilespmem:v2+s28+$0x0], $0xffff  }
0x52: {  	v44 =	vld.idx.msk [tilespmem:v3+s28+$0x0], $0xffff  }
0x53: {  	v43 =	vld.idx.msk [tilespmem:v4+s28+$0x0], $0xffff  }
0x54: {  	v42 =	vld.idx.msk [tilespmem:v5+s28+$0x0], $0xffff  }
0x55: {  	v41 =	vld.idx.msk [tilespmem:v6+s28+$0x0], $0xffff  }
0x56: {  	v40 =	vld.idx.msk [tilespmem:v7+s28+$0x0], $0xffff  }
0x57: {  	v39 =	vld.idx.msk [tilespmem:v8+s28+$0x0], $0xffff  }
0x58: {  	v38 =	vld.idx.msk [tilespmem:v9+s28+$0x0], $0xffff  }
0x59: {  	v37 =	vld.idx.msk [tilespmem:v10+s28+$0x0], $0xffff  }
0x5a: {  	v36 =	vld.idx.msk [tilespmem:v11+s28+$0x0], $0xffff  }
0x5b: {  	v35 =	vld.idx.msk [tilespmem:v12+s28+$0x0], $0xffff  }
0x5c: {  	v34 =	vld.idx.msk [tilespmem:v13+s28+$0x0], $0xffff  }
0x5d: {  	s11 =	simm.s32 $0x0;
	s12 =	simm.s32 $0x100;
	v33 =	vld.idx.msk [tilespmem:v14+s28+$0x0], $0xffff  }
.LBB2_6:
0x5e: {  	p1 =	sne.s32 s12, $0x7F00;
	[tilespmem:s11+$0x11330] =	vst v15  }
0x5f: {  	[tilespmem:s11+$0xF300] =	vst v15  }
0x60: {  	[tilespmem:s11+$0x11300] =	vst v15  }
.Ltmp2:
0x61: {  	[tilespmem:s11+$0xF310] =	vst v15;
	(pc) =	sbr.rel @p1 .LBB2_6-.Ltmp2, $4  }
0x62: {  	[tilespmem:s11+$0x11310] =	vst v15  }
0x63: {  	[tilespmem:s11+$0xF320] =	vst v15  }
0x64: {  	[tilespmem:s11+$0x11320] =	vst v15  }
0x65: {  	[tilespmem:s11+$0xF330] =	vst v15;
	s11 =	sshra.s32 s12, $0x2;
	s12 =	sadd.s32 $0x100, s12  }
0x66: {  	[tilespmem:s11+$0x11330] =	vst v15  }
0x67: {  	[tilespmem:s11+$0xF300] =	vst v15  }
0x68: {  	[tilespmem:s11+$0x11300] =	vst v15  }
0x69: {  	[tilespmem:s11+$0xF310] =	vst v15  }
0x6a: {  	[tilespmem:s11+$0x11310] =	vst v15  }
0x6b: {  	[tilespmem:s11+$0xF320] =	vst v15  }
0x6c: {  	[tilespmem:s11+$0x11320] =	vst v15  }
0x6d: {  	[tilespmem:s11+$0xF330] =	vst v15  }
0x6e: {  	[tilespmem:$0xF200] =	vst v15  }
0x6f: {  	[tilespmem:$0xF280] =	vst v15  }
0x70: {  	[tilespmem:$0xF210] =	vst v15  }
0x71: {  	[tilespmem:$0xF290] =	vst v15  }
0x72: {  	[tilespmem:$0xF220] =	vst v15  }
0x73: {  	[tilespmem:$0xF2A0] =	vst v15  }
0x74: {  	[tilespmem:$0xF230] =	vst v15  }
0x75: {  	[tilespmem:$0xF2B0] =	vst v15  }
0x76: {  	[tilespmem:$0xF240] =	vst v15  }
0x77: {  	[tilespmem:$0xF2C0] =	vst v15  }
0x78: {  	[tilespmem:$0xF250] =	vst v15  }
0x79: {  	[tilespmem:$0xF2D0] =	vst v15  }
0x7a: {  	[tilespmem:$0xF260] =	vst v15  }
0x7b: {  	[tilespmem:$0xF2E0] =	vst v15  }
0x7c: {  	[tilespmem:$0xF270] =	vst v15  }
0x7d: {  	[tilespmem:$0xF2F0] =	vst v15  }
0x7e: {  	[spmem:s9] =	stream.linear.scatter [tilespmem:s29], [sflag:$0x5], $0x2000, $0x38;
	[tilespmem:$0x1D580] =	vst v63  }
0x7f: {  	_ =	swait.ge [sflag:s23], $0x2000  }
0x80: {  	[sflag:s23] =	ssyncset.done $0x0  }
0x81: {  	[sflag:s23] =	ssyncadd.s32 $0xFFFFE000  }
0x82: {  	[spmem:s10] =	stream.linear.scatter [tilespmem:s28], [sflag:$0x5], $0x80, $0x38;
	[tilespmem:$0x1D580] =	vst v63  }
0x83: {  	_ =	swait.ge [sflag:s23], $0x80  }
0x84: {  	[sflag:s23] =	ssyncset.done $0x0  }
0x85: {  	s25 =	rddreg [dreg:$0x8];
	[sflag:s23] =	ssyncadd.s32 $0xFFFFFF80  }
0x86: {  	[spmem:s25] =	stream.linear.scatter [tilespmem:s29], [sflag:$0x5], $0x2000, $0x38;
	[tilespmem:$0x1D580] =	vst v63  }
0x87: {  	_ =	swait.ge [sflag:s23], $0x2000  }
0x88: {  	[sflag:s23] =	ssyncset.done $0x0  }
0x89: {  	s12 =	rddreg [dreg:$0x9];
	[sflag:s23] =	ssyncadd.s32 $0xFFFFE000  }
0x8a: {  	[spmem:s12] =	stream.linear.scatter [tilespmem:s28], [sflag:$0x5], $0x80, $0x38;
	[tilespmem:$0x1D580] =	vst v63  }
0x8b: {  	_ =	swait.ge [sflag:s23], $0x80  }
0x8c: {  	[sflag:s23] =	ssyncset.done $0x0  }
0x8d: {  	s14 =	rddreg [dreg:$0xa];
	[sflag:s23] =	ssyncadd.s32 $0xFFFFFF80  }
0x8e: {  	[spmem:s14] =	stream.linear.scatter [tilespmem:s29], [sflag:$0x5], $0x2000, $0x38;
	[tilespmem:$0x1D580] =	vst v63  }
0x8f: {  	_ =	swait.ge [sflag:s23], $0x2000  }
0x90: {  	[sflag:s23] =	ssyncset.done $0x0  }
0x91: {  	s15 =	rddreg [dreg:$0xb];
	[sflag:s23] =	ssyncadd.s32 $0xFFFFE000  }
0x92: {  	[spmem:s15] =	stream.linear.scatter [tilespmem:s28], [sflag:$0x5], $0x80, $0x38;
	[tilespmem:$0x1D580] =	vst v63  }
0x93: {  	_ =	swait.ge [sflag:s23], $0x80  }
0x94: {  	[sflag:s23] =	ssyncset.done $0x0  }
0x95: {  	s16 =	rddreg [dreg:$0xc];
	[sflag:s23] =	ssyncadd.s32 $0xFFFFFF80  }
0x96: {  	[spmem:s16] =	stream.linear.scatter [tilespmem:s29], [sflag:$0x5], $0x2000, $0x38;
	[tilespmem:$0x1D580] =	vst v63  }
0x97: {  	_ =	swait.ge [sflag:s23], $0x2000  }
0x98: {  	[sflag:s23] =	ssyncset.done $0x0  }
0x99: {  	s25 =	rddreg [dreg:$0xd];
	[sflag:s23] =	ssyncadd.s32 $0xFFFFE000  }
0x9a: {  	[spmem:s25] =	stream.linear.scatter [tilespmem:s28], [sflag:$0x5], $0x80, $0x38;
	[tilespmem:$0x1D580] =	vst v63  }
0x9b: {  	_ =	swait.ge [sflag:s23], $0x80  }
0x9c: {  	[sflag:s23] =	ssyncset.done $0x0  }
0x9d: {  	[sflag:s23] =	ssyncadd.s32 $0xFFFFFF80  }
0x9e: {  	[spmem:s17] =	stream.linear.scatter [tilespmem:s29], [sflag:$0x5], $0x2000, $0x38;
	[tilespmem:$0x1D580] =	vst v63  }
0x9f: {  	_ =	swait.ge [sflag:s23], $0x2000  }
0xa0: {  	[sflag:s23] =	ssyncset.done $0x0  }
0xa1: {  	v31 =	vmax.f32 v31, v32;
	v51 =	vmax.f32 v47, v48;
	[sflag:s23] =	ssyncadd.s32 $0xFFFFE000  }
0xa2: {  	v30 =	vmax.f32 v31, v30;
	v52 =	vmax.f32 v51, v46;
	[spmem:s18] =	stream.linear.scatter [tilespmem:s28], [sflag:$0x5], $0x80, $0x38;
	[tilespmem:$0x1D580] =	vst v63  }
0xa3: {  	v29 =	vmax.f32 v30, v29;
	v53 =	vmax.f32 v52, v45;
	_ =	swait.ge [sflag:s23], $0x80  }
0xa4: {  	v28 =	vmax.f32 v29, v28;
	v54 =	vmax.f32 v53, v44;
	[sflag:s23] =	ssyncset.done $0x0  }
0xa5: {  	v27 =	vmax.f32 v28, v27;
	v55 =	vmax.f32 v54, v43;
	[sflag:s23] =	ssyncadd.s32 $0xFFFFFF80  }
0xa6: {  	v26 =	vmax.f32 v27, v26;
	v56 =	vmax.f32 v55, v42;
	[bflag:$0x0] =	sbarrier.arrive $0xFFFF  }
0xa7: {  	v25 =	vmax.f32 v26, v25;
	v57 =	vmax.f32 v56, v41;
	[spmem:s1] =	stream.indirect.scatter.add.f32 [tilespmem:s29], [sflag:$0x3], $0x40, s26, s30, $0xb8;
	[tilespmem:$0x1D580] =	vst v63  }
0xa8: {  	v24 =	vmax.f32 v25, v24;
	v58 =	vmax.f32 v57, v40  }
0xa9: {  	v23 =	vmax.f32 v24, v23;
	v59 =	vmax.f32 v58, v39;
	[spmem:s3] =	stream.indirect.scatter.add.f32 [tilespmem:s28], [sflag:$0x3], $0x1, s26, s30, $0xb8;
	[tilespmem:$0x1D580] =	vst v63  }
0xaa: {  	v22 =	vmax.f32 v23, v22;
	v60 =	vmax.f32 v59, v38  }
0xab: {  	v21 =	vmax.f32 v22, v21;
	v61 =	vmax.f32 v60, v37;
	[spmem:s1] =	stream.indirect.scatter.add.f32 [tilespmem:s31], [sflag:$0x4], $0x40, s26, s30, $0xb8;
	[tilespmem:$0x1D580] =	vst v63  }
0xac: {  	v20 =	vmax.f32 v21, v20;
	v62 =	vmax.f32 v61, v36  }
0xad: {  	v19 =	vmax.f32 v20, v19;
	v63 =	vmax.f32 v62, v35;
	[spmem:s3] =	stream.indirect.scatter.add.f32 [tilespmem:s0], [sflag:$0x4], $0x1, s26, s30, $0xb8;
	[tilespmem:$0x1D580] =	vst v63  }
0xae: {  	v18 =	vmax.f32 v19, v18;
	v19 =	vmax.f32 v63, v34;
	_ =	swait.ge [sflag:s2], $0x2000  }
0xaf: {  	v17 =	vmax.f32 v18, v17;
	v18 =	vmax.f32 v19, v33;
	[sflag:s2] =	ssyncset.done $0x0  }
0xb0: {  	v17 =	vadd.f32 v18, v17;
	[sflag:s2] =	ssyncadd.s32 $0xFFFFE000  }
0xb1: {  	_ =	swait.ge [sflag:s2], $0x80  }
0xb2: {  	v18 =	vmul.f32 $2.000000030e-01, v17;
	[sflag:s2] =	ssyncset.done $0x0  }
0xb3: {  	s11 =	simm.s32 $0x0;
	[sflag:s2] =	ssyncadd.s32 $0xFFFFFF80  }
0xb4: {  	v17 =	vmax.f32 v17, v18;
	[tilespmem:s29], [sflag:$0x1] =	stream.indirect.gather [hbm4b:s19+s30], $0x40, s13, s30, $0xb8;
	[tilespmem:$0x1D580] =	vst v63  }
.LBB2_8:
0xb5: {  	_ =	swait.ge [sflag:s5], $0x2000  }
0xb6: {  	[sflag:s5] =	ssyncset.done $0x0  }
0xb7: {  	[sflag:s5] =	ssyncadd.s32 $0xFFFFE000  }
0xb8: {  	_ =	swait.ge [sflag:s5], $0x80  }
0xb9: {  	s13 =	sshll.u32 s11, $0x8;
	[sflag:s5] =	ssyncset.done $0x0  }
0xba: {  	s12 =	sadd.s32 $0x5080, s13;
	[sflag:s5] =	ssyncadd.s32 $0xFFFFFF80  }
0xbb: {  	[tilespmem:s31], [sflag:$0x2] =	stream.indirect.gather [hbm4b:s19+s30], $0x40, s12, s30, $0xb8;
	[tilespmem:$0x1D580] =	vst v63  }
0xbc: {  	p1 =	por $0x1, $0x1;
	s14 =	simm.s32 $0x0;
	s12 =	sor.u32 $0x80, s13  }
.LBB2_9:
0xbd: {  	s15 =	sor.u32 s13, s14  }
0xbe: {  	v18 =	vld [tilespmem:s15+$0x5000]  }
0xbf: {  	v19 =	vld [tilespmem:s15+$0xA100];
	s25 =	sor.u32 $0x10, s15  }
0xc0: {  	v20 =	vld [tilespmem:s25+$0x5000]  }
0xc1: {  	s16 =	sor.u32 $0x20, s15;
	v21 =	vld [tilespmem:s25+$0xA100]  }
0xc2: {  	v22 =	vld [tilespmem:s16+$0x5000]  }
0xc3: {  	s15 =	sor.u32 $0x30, s15;
	v23 =	vld [tilespmem:s16+$0xA100]  }
0xc4: {  	v24 =	vld [tilespmem:s15+$0x5000]  }
0xc5: {  	v25 =	vld [tilespmem:s15+$0xA100]  }
0xc6: {  	v18 =	vld.idx.msk [tilespmem:v18+s4+$0x0], $0xffff  }
0xc7: {  	v19 =	vld.idx.msk [tilespmem:v19+s24+$0x0], $0xffff  }
0xc8: {  	v20 =	vld.idx.msk [tilespmem:v20+s4+$0x0], $0xffff  }
0xc9: {  	v21 =	vld.idx.msk [tilespmem:v21+s24+$0x0], $0xffff  }
0xca: {  	v22 =	vld.idx.msk [tilespmem:v22+s4+$0x0], $0xffff  }
0xcb: {  	v23 =	vld.idx.msk [tilespmem:v23+s24+$0x0], $0xffff  }
0xcc: {  	v24 =	vld.idx.msk [tilespmem:v24+s4+$0x0], $0xffff  }
0xcd: {  	v25 =	vld.idx.msk [tilespmem:v25+s24+$0x0], $0xffff;
	_ =	sdelay $0x1  }
0xce: {  	v18 =	vadd.f32 v19, v18  }
0xcf: {  	v19 =	vadd.f32 v21, v20  }
0xd0: {  	v57 =	vadd.f32 v23, v22;
	v58 =	vmul.f32 $2.000000030e-01, v18  }
0xd1: {  	v59 =	vadd.f32 v25, v24;
	v60 =	vmul.f32 $2.000000030e-01, v19  }
0xd2: {  	v61 =	vmul.f32 $2.000000030e-01, v57;
	v18 =	vmax.f32 v18, v58  }
0xd3: {  	v62 =	vmul.f32 $2.000000030e-01, v59;
	v18 =	vsub.f32 v18, v17;
	v19 =	vmax.f32 v19, v60  }
0xd4: {  	v20 =	vmax.f32 v57, v61;
	v19 =	vsub.f32 v19, v17  }
0xd5: {  	v63 =	vmax.f32 v59, v62;
	v20 =	vsub.f32 v20, v17;
	v18 =	vmul.f32 $1.442695020e+00, v18  }
0xd6: {  	v21 =	vsub.f32 v63, v17;
	v19 =	vmul.f32 $1.442695020e+00, v19  }
0xd7: {  	(erf) = vpow2.f32 v18;
	v18 =	vmul.f32 $1.442695020e+00, v20  }
0xd8: {  	(erf) = vpow2.f32 v19;
	v19 =	vmul.f32 $1.442695020e+00, v21  }
0xd9: {  	(erf) = vpow2.f32 v18  }
0xda: {  	(erf) = vpow2.f32 v19;
	_ =	sdelay $0x4  }
0xdb: {  	p2 =	por p1, p1  }
.Ltmp3:
0xdc: {  	v18 =	vpop (erf);
	(pc) =	sbr.rel @p2 .LBB2_9-.Ltmp3, $4  }
0xdd: {  	v19 =	vpop (erf);
	[tilespmem:s14+$0xF200] =	vst v18  }
0xde: {  	v18 =	vpop (erf);
	[tilespmem:s14+$0xF210] =	vst v19  }
0xdf: {  	[tilespmem:s14+$0xF220] =	vst v18;
	v18 =	vpop (erf)  }
0xe0: {  	p1 =	por $0x0, $0x0;
	[tilespmem:s14+$0xF230] =	vst v18;
	s14 =	simm.s32 $0x40  }
0xe1: {  	s14 =	simm.s32 $0x0  }
0xe2: {  	s25 =	simm.s32 $0x1;
	s15 =	simm.s32 $0x2;
	s16 =	simm.s32 $0x3;
	v18 =	vmov s14  }
0xe3: {  	v19 =	vmov s25;
	s25 =	simm.s32 $0x4;
	v20 =	vmov s15;
	v21 =	vmov s16;
	s16 =	simm.s32 $0x5  }
0xe4: {  	v18 =	vshrl.u32 v18, $0x3;
	v22 =	vmov s25;
	v23 =	vmov s16  }
0xe5: {  	v19 =	vshrl.u32 v19, $0x3;
	v20 =	vshrl.u32 v20, $0x3;
	v18 =	vshll.u32 v18, v16  }
0xe6: {  	v22 =	vshrl.u32 v22, $0x3;
	v23 =	vshrl.u32 v23, $0x3;
	v19 =	vshll.u32 v19, v16  }
0xe7: {  	v20 =	vshll.u32 v20, v16;
	v18 =	vbroadcast v18, $0x0;
	v19 =	vadd.s32 $0x1, v19  }
0xe8: {  	v22 =	vshll.u32 v22, v16;
	v20 =	vadd.s32 $0x2, v20;
	v19 =	vbroadcast v19, $0x0  }
0xe9: {  	_ =	swait.ge [sflag:s6], $0x2000;
	s25 =	simm.s32 $0x6;
	v23 =	vshll.u32 v23, v16;
	v20 =	vbroadcast v20, $0x0;
	v22 =	vadd.s32 $0x4, v22  }
0xea: {  	s15 =	simm.s32 $0x7;
	[sflag:s6] =	ssyncset.done $0x0;
	v24 =	vmov s25;
	v23 =	vadd.s32 $0x5, v23;
	v22 =	vbroadcast v22, $0x0  }
0xeb: {  	v25 =	vmov s15;
	[sflag:s6] =	ssyncadd.s32 $0xFFFFE000;
	s25 =	simm.s32 $0xF400;
	v24 =	vshrl.u32 v24, $0x3;
	v23 =	vbroadcast v23, $0x0  }
0xec: {  	v25 =	vshrl.u32 v25, $0x3;
	v29 =	vld [tilespmem:s25+$0xFFFFFF20];
	v24 =	vshll.u32 v24, v16  }
0xed: {  	v25 =	vshll.u32 v25, v16;
	v24 =	vadd.s32 $0x6, v24;
	v26 =	vld.idx.msk [tilespmem:v18+s28+$0x0], $0xffff  }
0xee: {  	v18 =	vbroadcast v24, $0x0;
	v24 =	vadd.s32 $0x7, v25;
	v25 =	vld.idx.msk [tilespmem:v19+s28+$0x0], $0xffff  }
0xef: {  	v24 =	vbroadcast v24, $0x0;
	v27 =	vld.idx.msk [tilespmem:v20+s28+$0x0], $0xffff  }
0xf0: {  	v28 =	vld.idx.msk [tilespmem:v22+s28+$0x0], $0xffff  }
0xf1: {  	v20 =	vld.idx.msk [tilespmem:v23+s28+$0x0], $0xffff  }
0xf2: {  	v22 =	vld [tilespmem:s25+$0xF0]  }
0xf3: {  	v21 =	vshrl.u32 v21, $0x3;
	v23 =	vld [tilespmem:s25+$0xFFFFFF00]  }
0xf4: {  	v21 =	vshll.u32 v21, v16;
	v19 =	vld.idx.msk [tilespmem:v18+s28+$0x0], $0xffff  }
0xf5: {  	v21 =	vadd.s32 $0x3, v21;
	v18 =	vld.idx.msk [tilespmem:v24+s28+$0x0], $0xffff  }
0xf6: {  	v21 =	vbroadcast v21, $0x0;
	v24 =	vld [tilespmem:s25+$0xFFFFFF10]  }
0xf7: {  	v30 =	vld [tilespmem:s25+$0xFFFFFF30]  }
0xf8: {  	v31 =	vld [tilespmem:s25+$0xFFFFFF40]  }
0xf9: {  	v32 =	vld [tilespmem:s25+$0xFFFFFF50];
	v23 =	vmul.f32 v23, v26  }
0xfa: {  	v33 =	vld [tilespmem:s25+$0xFFFFFF60];
	v22 =	vmul.f32 v22, v18  }
0xfb: {  	[tilespmem:s25+$0xFFFFFF00] =	vst v23;
	v23 =	vld [tilespmem:s25+$0xFFFFFF70];
	v24 =	vmul.f32 v24, v26  }
0xfc: {  	v21 =	vld.idx.msk [tilespmem:v21+s28+$0x0], $0xffff;
	[tilespmem:s25+$0xF0] =	vst v22;
	v22 =	vmul.f32 v29, v26  }
0xfd: {  	[tilespmem:s25+$0xFFFFFF10] =	vst v24;
	v24 =	vmul.f32 v30, v26;
	v29 =	vld [tilespmem:s25+$0xFFFFFF90]  }
0xfe: {  	v26 =	vld [tilespmem:s25+$0xFFFFFF80];
	[tilespmem:s25+$0xFFFFFF20] =	vst v22;
	v22 =	vmul.f32 v31, v25  }
0xff: {  	v30 =	vld [tilespmem:s25+$0xFFFFFFA0];
	[tilespmem:s25+$0xFFFFFF30] =	vst v24;
	v24 =	vmul.f32 v32, v25  }
0x100: {  	v23 =	vmul.f32 v23, v25;
	v31 =	vld [tilespmem:s25+$0xFFFFFFB0];
	[tilespmem:s25+$0xFFFFFF40] =	vst v22  }
0x101: {  	v22 =	vmul.f32 v33, v25;
	[tilespmem:s25+$0xFFFFFF50] =	vst v24;
	v24 =	vld [tilespmem:s25+$0xFFFFFFC0]  }
0x102: {  	s16 =	simm.s32 $0x8;
	s15 =	simm.s32 $0x9;
	[tilespmem:s25+$0xFFFFFF70] =	vst v23;
	v23 =	vmul.f32 v29, v27;
	v29 =	vld [tilespmem:s25+$0xFFFFFFE0]  }
0x103: {  	v54 =	vmov s16;
	s16 =	simm.s32 $0xA;
	v55 =	vmov s15;
	s15 =	simm.s32 $0xB;
	[tilespmem:s25+$0xFFFFFF60] =	vst v22;
	v22 =	vmul.f32 v26, v27;
	v26 =	vld [tilespmem:s25+$0xFFFFFFD0]  }
0x104: {  	v56 =	vmov s16;
	s16 =	simm.s32 $0xC;
	v34 =	vmov s15;
	s15 =	simm.s32 $0xD;
	v61 =	vld [tilespmem:s25+$0x30]  }
0x105: {  	v35 =	vmov s16;
	v36 =	vmov s15;
	[tilespmem:s25+$0xFFFFFF80] =	vst v22;
	v22 =	vmul.f32 v30, v27;
	v30 =	vld [tilespmem:s25+$0xFFFFFFF0]  }
0x106: {  	s16 =	simm.s32 $0xE;
	v57 =	vshrl.u32 v56, $0x3;
	v58 =	vshrl.u32 v34, $0x3;
	[tilespmem:s25+$0xFFFFFF90] =	vst v23;
	v23 =	vmul.f32 v31, v27;
	v27 =	vld [tilespmem:s25+$0x0]  }
0x107: {  	v37 =	vmov s16;
	v59 =	vshrl.u32 v35, $0x3;
	[tilespmem:s25+$0xFFFFFFA0] =	vst v22;
	v22 =	vmul.f32 v24, v21;
	v24 =	vld [tilespmem:s25+$0x10]  }
0x108: {  	v60 =	vshrl.u32 v36, $0x3;
	[tilespmem:s25+$0xFFFFFFB0] =	vst v23;
	v29 =	vmul.f32 v29, v21;
	v23 =	vmul.f32 v26, v21;
	v26 =	vld [tilespmem:s25+$0x20]  }
0x109: {  	v62 =	vld [tilespmem:s25+$0x60];
	v34 =	vshll.u32 v59, v16;
	v35 =	vshll.u32 v60, v16;
	v32 =	vshll.u32 v57, v16;
	[tilespmem:s25+$0xFFFFFFC0] =	vst v22  }
0x10a: {  	v25 =	vshrl.u32 v54, $0x3;
	v31 =	vshrl.u32 v55, $0x3;
	[tilespmem:s25+$0xFFFFFFE0] =	vst v29;
	v21 =	vmul.f32 v30, v21;
	v30 =	vld [tilespmem:s25+$0x40]  }
0x10b: {  	v25 =	vshll.u32 v25, v16;
	v31 =	vshll.u32 v31, v16;
	[tilespmem:s25+$0xFFFFFFD0] =	vst v23;
	v23 =	vmul.f32 v27, v28;
	v27 =	vld [tilespmem:s25+$0x50]  }
0x10c: {  	v22 =	vbroadcast v25, $0x0;
	v25 =	vshrl.u32 v37, $0x3;
	[tilespmem:s25+$0xFFFFFFF0] =	vst v21;
	v21 =	vmul.f32 v24, v28  }
0x10d: {  	v29 =	vshll.u32 v58, v16;
	v38 =	vshll.u32 v25, v16;
	[tilespmem:s25+$0x0] =	vst v23;
	v23 =	vld [tilespmem:s25+$0x70];
	v24 =	vmul.f32 v26, v28  }
0x10e: {  	v25 =	vadd.s32 $0x1, v31;
	v33 =	vadd.s32 $0x3, v29;
	v28 =	vmul.f32 v61, v28;
	[tilespmem:s25+$0x10] =	vst v21;
	v21 =	vld [tilespmem:s25+$0x80]  }
0x10f: {  	v29 =	vadd.s32 $0x4, v34;
	v34 =	vmul.f32 v62, v20;
	[tilespmem:s25+$0x20] =	vst v24;
	v63 =	vmul.f32 v30, v20;
	v24 =	vld [tilespmem:s25+$0x90]  }
0x110: {  	v31 =	vadd.s32 $0x2, v32;
	v26 =	vbroadcast v25, $0x0;
	v25 =	vld [tilespmem:s25+$0xA0];
	[tilespmem:s25+$0x30] =	vst v28;
	v32 =	vmul.f32 v27, v20  }
0x111: {  	s14 =	simm.s32 $0x10;
	s15 =	simm.s32 $0xF;
	v30 =	vadd.s32 $0x5, v35;
	v28 =	vbroadcast v31, $0x0;
	v31 =	vadd.s32 $0x6, v38;
	v27 =	vld [tilespmem:s25+$0xB0];
	[tilespmem:s25+$0x40] =	vst v63  }
.LBB2_11:
0x112: {  	p1 =	slt.u32 s14, $0x78;
	v33 =	vbroadcast v33, $0x0;
	v35 =	vmov s15;
	[tilespmem:s25+$0x50] =	vst v32;
	v20 =	vmul.f32 v23, v20;
	v23 =	vld [tilespmem:s25+$0xC0]  }
0x113: {  	v29 =	vbroadcast v29, $0x0;
	v32 =	vshrl.u32 v35, $0x3;
	[tilespmem:s25+$0x60] =	vst v34;
	v21 =	vmul.f32 v21, v19;
	v34 =	vld [tilespmem:s25+$0xD0]  }
0x114: {  	v30 =	vbroadcast v30, $0x0;
	v32 =	vshll.u32 v32, v16;
	[tilespmem:s25+$0x70] =	vst v20;
	v20 =	vmul.f32 v24, v19;
	v24 =	vld [tilespmem:s25+$0xE0]  }
0x115: {  	v31 =	vbroadcast v31, $0x0;
	v22 =	vld.idx.msk [tilespmem:v22+s28+$0x0], $0xffff;
	v32 =	vadd.s32 $0x7, v32;
	[tilespmem:s25+$0x80] =	vst v21;
	v21 =	vmul.f32 v25, v19  }
0x116: {  	v25 =	vld.idx.msk [tilespmem:v26+s28+$0x0], $0xffff;
	v26 =	vbroadcast v32, $0x0;
	[tilespmem:s25+$0x90] =	vst v20;
	v19 =	vmul.f32 v27, v19  }
0x117: {  	v27 =	vld.idx.msk [tilespmem:v28+s28+$0x0], $0xffff;
	[tilespmem:s25+$0xA0] =	vst v21;
	v20 =	vmul.f32 v23, v18  }
0x118: {  	v23 =	vld.idx.msk [tilespmem:v33+s28+$0x0], $0xffff;
	[tilespmem:s25+$0xB0] =	vst v19;
	v19 =	vmul.f32 v34, v18  }
0x119: {  	v21 =	vld.idx.msk [tilespmem:v29+s28+$0x0], $0xffff;
	[tilespmem:s25+$0xC0] =	vst v20;
	v18 =	vmul.f32 v24, v18  }
0x11a: {  	v20 =	vld.idx.msk [tilespmem:v30+s28+$0x0], $0xffff;
	[tilespmem:s25+$0xD0] =	vst v19  }
0x11b: {  	v19 =	vld.idx.msk [tilespmem:v31+s28+$0x0], $0xffff;
	[tilespmem:s25+$0xE0] =	vst v18  }
0x11c: {  	s25 =	sadd.s32 $0x200, s25;
	v18 =	vld.idx.msk [tilespmem:v26+s28+$0x0], $0xffff  }
0x11d: {  	v24 =	vld [tilespmem:s25+$0xF0]  }
0x11e: {  	v26 =	vld [tilespmem:s25+$0xFFFFFF00]  }
0x11f: {  	v28 =	vld [tilespmem:s25+$0xFFFFFF10]  }
0x120: {  	v29 =	vld [tilespmem:s25+$0xFFFFFF20]  }
0x121: {  	v30 =	vld [tilespmem:s25+$0xFFFFFF30]  }
0x122: {  	v31 =	vld [tilespmem:s25+$0xFFFFFF40];
	v24 =	vmul.f32 v24, v18  }
0x123: {  	v26 =	vmul.f32 v26, v22;
	v32 =	vld [tilespmem:s25+$0xFFFFFF50]  }
0x124: {  	v28 =	vmul.f32 v28, v22;
	v33 =	vld [tilespmem:s25+$0xFFFFFF60];
	[tilespmem:s25+$0xF0] =	vst v24  }
0x125: {  	[tilespmem:s25+$0xFFFFFF00] =	vst v26;
	v24 =	vmul.f32 v29, v22;
	v26 =	vld [tilespmem:s25+$0xFFFFFF70]  }
0x126: {  	[tilespmem:s25+$0xFFFFFF10] =	vst v28;
	v22 =	vmul.f32 v30, v22;
	v28 =	vld [tilespmem:s25+$0xFFFFFF80]  }
0x127: {  	[tilespmem:s25+$0xFFFFFF20] =	vst v24;
	v24 =	vmul.f32 v31, v25;
	v29 =	vld [tilespmem:s25+$0xFFFFFF90]  }
0x128: {  	[tilespmem:s25+$0xFFFFFF30] =	vst v22;
	v22 =	vmul.f32 v32, v25;
	v30 =	vld [tilespmem:s25+$0xFFFFFFA0]  }
0x129: {  	[tilespmem:s25+$0xFFFFFF40] =	vst v24;
	v24 =	vmul.f32 v33, v25;
	v31 =	vld [tilespmem:s25+$0xFFFFFFB0]  }
0x12a: {  	v32 =	vmov s14;
	[tilespmem:s25+$0xFFFFFF50] =	vst v22;
	v22 =	vmul.f32 v26, v25;
	v25 =	vld [tilespmem:s25+$0xFFFFFFC0]  }
0x12b: {  	s15 =	sadd.s32 $0x1, s14;
	s16 =	sadd.s32 $0x2, s14;
	v26 =	vshrl.u32 v32, $0x3;
	[tilespmem:s25+$0xFFFFFF60] =	vst v24;
	v24 =	vmul.f32 v28, v27;
	v28 =	vld [tilespmem:s25+$0xFFFFFFD0]  }
0x12c: {  	v33 =	vmov s16;
	s16 =	sadd.s32 $0x4, s14;
	v32 =	vmov s15;
	s15 =	sadd.s32 $0x3, s14;
	[tilespmem:s25+$0xFFFFFF70] =	vst v22;
	v22 =	vmul.f32 v29, v27;
	v29 =	vld [tilespmem:s25+$0xFFFFFFE0]  }
0x12d: {  	v35 =	vmov s16;
	s16 =	sadd.s32 $0x6, s14;
	v34 =	vmov s15;
	s15 =	sadd.s32 $0x5, s14;
	[tilespmem:s25+$0xFFFFFF80] =	vst v24;
	v24 =	vmul.f32 v30, v27;
	v30 =	vld [tilespmem:s25+$0xFFFFFFF0]  }
0x12e: {  	v37 =	vmov s16;
	v36 =	vmov s15;
	[tilespmem:s25+$0xFFFFFF90] =	vst v22;
	v22 =	vmul.f32 v31, v27;
	v27 =	vld [tilespmem:s25+$0x0]  }
0x12f: {  	v26 =	vshll.u32 v26, v16;
	v31 =	vshrl.u32 v32, $0x3;
	[tilespmem:s25+$0xFFFFFFA0] =	vst v24;
	v24 =	vmul.f32 v25, v23;
	v25 =	vld [tilespmem:s25+$0x10]  }
0x130: {  	v32 =	vshrl.u32 v33, $0x3;
	v33 =	vshrl.u32 v34, $0x3;
	[tilespmem:s25+$0xFFFFFFB0] =	vst v22;
	v28 =	vmul.f32 v28, v23;
	v34 =	vld [tilespmem:s25+$0x20]  }
0x131: {  	v35 =	vshrl.u32 v35, $0x3;
	v36 =	vshrl.u32 v36, $0x3;
	[tilespmem:s25+$0xFFFFFFC0] =	vst v24;
	v24 =	vmul.f32 v29, v23;
	v29 =	vld [tilespmem:s25+$0x30]  }
0x132: {  	v22 =	vbroadcast v26, $0x0;
	v26 =	vshrl.u32 v37, $0x3;
	[tilespmem:s25+$0xFFFFFFD0] =	vst v28;
	v23 =	vmul.f32 v30, v23;
	v28 =	vld [tilespmem:s25+$0x40]  }
0x133: {  	v30 =	vshll.u32 v31, v16;
	v31 =	vshll.u32 v32, v16;
	[tilespmem:s25+$0xFFFFFFE0] =	vst v24;
	v24 =	vmul.f32 v27, v21;
	v27 =	vld [tilespmem:s25+$0x50]  }
0x134: {  	v35 =	vshll.u32 v35, v16;
	v32 =	vshll.u32 v33, v16;
	[tilespmem:s25+$0xFFFFFFF0] =	vst v23;
	v25 =	vmul.f32 v25, v21;
	v37 =	vld [tilespmem:s25+$0x60]  }
.Ltmp4:
0x135: {  	v36 =	vshll.u32 v36, v16;
	v38 =	vshll.u32 v26, v16;
	[tilespmem:s25+$0x0] =	vst v24;
	v24 =	vmul.f32 v34, v21;
	v23 =	vld [tilespmem:s25+$0x70];
	(pc) =	sbr.rel @p1 .LBB2_11-.Ltmp4, $4  }
0x136: {  	v26 =	vadd.s32 $0x1, v30;
	v31 =	vadd.s32 $0x2, v31;
	[tilespmem:s25+$0x10] =	vst v25;
	v25 =	vmul.f32 v29, v21;
	v21 =	vld [tilespmem:s25+$0x80]  }
0x137: {  	v33 =	vadd.s32 $0x3, v32;
	v29 =	vadd.s32 $0x4, v35;
	[tilespmem:s25+$0x20] =	vst v24;
	v34 =	vmul.f32 v28, v20;
	v24 =	vld [tilespmem:s25+$0x90]  }
0x138: {  	v30 =	vadd.s32 $0x5, v36;
	v26 =	vbroadcast v26, $0x0;
	[tilespmem:s25+$0x30] =	vst v25;
	v32 =	vmul.f32 v27, v20;
	v25 =	vld [tilespmem:s25+$0xA0]  }
0x139: {  	s15 =	sadd.s32 $0x7, s14;
	s14 =	sadd.s32 $0x8, s14;
	v28 =	vbroadcast v31, $0x0;
	v31 =	vadd.s32 $0x6, v38;
	[tilespmem:s25+$0x40] =	vst v34;
	v34 =	vmul.f32 v37, v20;
	v27 =	vld [tilespmem:s25+$0xB0]  }
0x13a: {  	_ = 	snop  }
0x13b: {  	v36 =	vld [tilespmem:s25+$0xC0]  }
0x13c: {  	v37 =	vld [tilespmem:s25+$0xD0]  }
0x13d: {  	v38 =	vld [tilespmem:s25+$0xE0]  }
0x13e: {  	v22 =	vld.idx.msk [tilespmem:v22+s28+$0x0], $0xffff  }
0x13f: {  	v26 =	vld.idx.msk [tilespmem:v26+s28+$0x0], $0xffff  }
0x140: {  	s14 =	sadd.s32 $0x200, s25;
	v28 =	vld.idx.msk [tilespmem:v28+s28+$0x0], $0xffff  }
0x141: {  	v62 =	vld [tilespmem:s14+$0xF0]  }
0x142: {  	v35 =	vmov s15;
	v63 =	vld [tilespmem:s14+$0xFFFFFF00]  }
0x143: {  	[tilespmem:s25+$0x50] =	vst v32;
	v20 =	vmul.f32 v23, v20;
	v35 =	vshrl.u32 v35, $0x3;
	v39 =	vld [tilespmem:s14+$0xFFFFFF60]  }
0x144: {  	[tilespmem:s25+$0x60] =	vst v34;
	v21 =	vmul.f32 v21, v19;
	v40 =	vld [tilespmem:s14+$0xFFFFFF70];
	v35 =	vshll.u32 v35, v16  }
0x145: {  	v41 =	vld [tilespmem:s14+$0xFFFFFF80];
	[tilespmem:s25+$0x70] =	vst v20;
	v60 =	vmul.f32 v24, v19;
	v35 =	vadd.s32 $0x7, v35;
	v61 =	vmul.f32 v25, v19  }
0x146: {  	v42 =	vld [tilespmem:s14+$0xFFFFFFA0];
	[tilespmem:s25+$0x80] =	vst v21;
	v35 =	vbroadcast v35, $0x0;
	v19 =	vmul.f32 v27, v19  }
0x147: {  	v43 =	vld [tilespmem:s14+$0xFFFFFFB0];
	[tilespmem:s25+$0x90] =	vst v60  }
0x148: {  	v34 =	vmul.f32 v36, v18;
	v36 =	vld [tilespmem:s14+$0xFFFFFF20];
	[tilespmem:s25+$0xB0] =	vst v19;
	v19 =	vmul.f32 v37, v18  }
0x149: {  	[tilespmem:s25+$0xA0] =	vst v61;
	v18 =	vmul.f32 v38, v18;
	v37 =	vld [tilespmem:s14+$0xFFFFFF30]  }
0x14a: {  	v38 =	vld [tilespmem:s14+$0xFFFFFF50];
	[tilespmem:s25+$0xD0] =	vst v19  }
0x14b: {  	v19 =	vld [tilespmem:s14+$0xFFFFFF40];
	[tilespmem:s25+$0xE0] =	vst v18;
	v18 =	vmul.f32 v63, v22  }
0x14c: {  	v44 =	vmul.f32 v40, v26;
	[tilespmem:s25+$0xC0] =	vst v34;
	v24 =	vld.idx.msk [tilespmem:v35+s28+$0x0], $0xffff  }
0x14d: {  	v33 =	vbroadcast v33, $0x0;
	v45 =	vld [tilespmem:s14+$0xFFFFFFC0];
	[tilespmem:s14+$0xFFFFFF00] =	vst v18;
	v18 =	vmul.f32 v36, v22  }
0x14e: {  	[tilespmem:s14+$0xFFFFFF70] =	vst v44;
	v35 =	vld [tilespmem:s14+$0xFFFFFF10];
	v21 =	vmul.f32 v37, v22  }
0x14f: {  	v46 =	vld [tilespmem:s14+$0xFFFFFFD0];
	v20 =	vmul.f32 v38, v26;
	[tilespmem:s14+$0xFFFFFF20] =	vst v18  }
0x150: {  	v18 =	vmul.f32 v19, v26;
	v19 =	vld [tilespmem:s14+$0xFFFFFF90];
	[tilespmem:s14+$0xFFFFFF30] =	vst v21  }
0x151: {  	v29 =	vbroadcast v29, $0x0;
	v47 =	vld [tilespmem:s14+$0xFFFFFFE0];
	[tilespmem:s14+$0xFFFFFF50] =	vst v20;
	v25 =	vmul.f32 v62, v24  }
0x152: {  	v48 =	vld [tilespmem:s14+$0xFFFFFFF0];
	[tilespmem:s14+$0xFFFFFF40] =	vst v18;
	v18 =	vmul.f32 v39, v26  }
0x153: {  	v33 =	vld.idx.msk [tilespmem:v33+s28+$0x0], $0xffff;
	v27 =	vmul.f32 v35, v22;
	[tilespmem:s14+$0xF0] =	vst v25  }
0x154: {  	v49 =	vld [tilespmem:s14+$0x0];
	[tilespmem:s14+$0xFFFFFF60] =	vst v18;
	v18 =	vmul.f32 v41, v28  }
0x155: {  	v30 =	vbroadcast v30, $0x0;
	v50 =	vld [tilespmem:s14+$0x10];
	[tilespmem:s14+$0xFFFFFF10] =	vst v27;
	v19 =	vmul.f32 v19, v28  }
0x156: {  	v51 =	vld [tilespmem:s14+$0x20];
	[tilespmem:s14+$0xFFFFFF80] =	vst v18;
	v18 =	vmul.f32 v42, v28  }
0x157: {  	v29 =	vld.idx.msk [tilespmem:v29+s28+$0x0], $0xffff;
	[tilespmem:s14+$0xFFFFFF90] =	vst v19;
	v19 =	vmul.f32 v43, v28  }
0x158: {  	v52 =	vld [tilespmem:s14+$0x30];
	[tilespmem:s14+$0xFFFFFFA0] =	vst v18;
	v18 =	vmul.f32 v45, v33  }
0x159: {  	v31 =	vbroadcast v31, $0x0;
	v53 =	vld [tilespmem:s14+$0x40];
	[tilespmem:s14+$0xFFFFFFB0] =	vst v19;
	v19 =	vmul.f32 v46, v33  }
0x15a: {  	v54 =	vld [tilespmem:s14+$0x50];
	[tilespmem:s14+$0xFFFFFFC0] =	vst v18;
	v18 =	vmul.f32 v47, v33  }
0x15b: {  	v23 =	vld.idx.msk [tilespmem:v30+s28+$0x0], $0xffff;
	[tilespmem:s14+$0xFFFFFFD0] =	vst v19;
	v19 =	vmul.f32 v48, v33  }
0x15c: {  	v55 =	vld [tilespmem:s14+$0x60];
	[tilespmem:s14+$0xFFFFFFE0] =	vst v18;
	v18 =	vmul.f32 v49, v29  }
0x15d: {  	v56 =	vld [tilespmem:s14+$0x70];
	[tilespmem:s14+$0xFFFFFFF0] =	vst v19;
	v19 =	vmul.f32 v50, v29  }
0x15e: {  	v57 =	vld [tilespmem:s14+$0x80];
	[tilespmem:s14+$0x0] =	vst v18;
	v18 =	vmul.f32 v51, v29  }
0x15f: {  	v30 =	vld.idx.msk [tilespmem:v31+s28+$0x0], $0xffff;
	[tilespmem:s14+$0x10] =	vst v19;
	v19 =	vmul.f32 v52, v29  }
0x160: {  	v58 =	vld [tilespmem:s14+$0x90];
	[tilespmem:s14+$0x20] =	vst v18;
	v18 =	vmul.f32 v53, v23  }
0x161: {  	v59 =	vld [tilespmem:s14+$0xA0];
	[tilespmem:s14+$0x30] =	vst v19;
	v19 =	vmul.f32 v54, v23  }
0x162: {  	v60 =	vld [tilespmem:s14+$0xB0];
	[tilespmem:s14+$0x40] =	vst v18;
	v18 =	vmul.f32 v55, v23  }
0x163: {  	v61 =	vld [tilespmem:s14+$0xC0];
	[tilespmem:s14+$0x50] =	vst v19;
	v19 =	vmul.f32 v56, v23  }
0x164: {  	v62 =	vld [tilespmem:s14+$0xD0];
	[tilespmem:s14+$0x60] =	vst v18;
	v18 =	vmul.f32 v57, v30  }
0x165: {  	v63 =	vld [tilespmem:s14+$0xE0];
	[tilespmem:s14+$0x70] =	vst v19;
	v19 =	vmul.f32 v58, v30  }
0x166: {  	[tilespmem:s14+$0x80] =	vst v18;
	v18 =	vmul.f32 v59, v30  }
0x167: {  	[tilespmem:s14+$0x90] =	vst v19;
	v19 =	vmul.f32 v60, v30  }
0x168: {  	[tilespmem:s14+$0xA0] =	vst v18;
	v18 =	vmul.f32 v61, v24  }
0x169: {  	[tilespmem:s14+$0xB0] =	vst v19;
	v19 =	vmul.f32 v62, v24  }
0x16a: {  	[tilespmem:s14+$0xC0] =	vst v18;
	v18 =	vmul.f32 v63, v24  }
0x16b: {  	s13 =	sand.u32 $0x3FFFFF00, s13;
	[tilespmem:s14+$0xD0] =	vst v19  }
0x16c: {  	s13 =	sadd.s32 $0xA100, s13;
	[tilespmem:s14+$0xE0] =	vst v18  }
0x16d: {  	[spmem:s1] =	stream.indirect.scatter.add.f32 [tilespmem:s29], [sflag:$0x3], $0x40, s13, s30, $0xb8;
	[tilespmem:$0x1D580] =	vst v63  }
0x16e: {  	_ = 	snop  }
0x16f: {  	[spmem:s3] =	stream.indirect.scatter.add.f32 [tilespmem:s28], [sflag:$0x3], $0x1, s13, s30, $0xb8;
	[tilespmem:$0x1D580] =	vst v63  }
0x170: {  	p1 =	por $0x1, $0x1;
	s13 =	simm.s32 $0x0  }
.LBB2_13:
0x171: {  	s14 =	sor.u32 s12, s13  }
0x172: {  	v18 =	vld [tilespmem:s14+$0x5000]  }
0x173: {  	v19 =	vld [tilespmem:s14+$0xA100];
	s15 =	sor.u32 $0x10, s14  }
0x174: {  	v20 =	vld [tilespmem:s15+$0x5000]  }
0x175: {  	s25 =	sor.u32 $0x20, s14;
	v21 =	vld [tilespmem:s15+$0xA100]  }
0x176: {  	v22 =	vld [tilespmem:s25+$0x5000]  }
0x177: {  	s14 =	sor.u32 $0x30, s14;
	v23 =	vld [tilespmem:s25+$0xA100]  }
0x178: {  	v24 =	vld [tilespmem:s14+$0x5000]  }
0x179: {  	v25 =	vld [tilespmem:s14+$0xA100]  }
0x17a: {  	v18 =	vld.idx.msk [tilespmem:v18+s4+$0x0], $0xffff  }
0x17b: {  	v19 =	vld.idx.msk [tilespmem:v19+s24+$0x0], $0xffff  }
0x17c: {  	v20 =	vld.idx.msk [tilespmem:v20+s4+$0x0], $0xffff  }
0x17d: {  	v21 =	vld.idx.msk [tilespmem:v21+s24+$0x0], $0xffff  }
0x17e: {  	v22 =	vld.idx.msk [tilespmem:v22+s4+$0x0], $0xffff  }
0x17f: {  	v23 =	vld.idx.msk [tilespmem:v23+s24+$0x0], $0xffff  }
0x180: {  	v24 =	vld.idx.msk [tilespmem:v24+s4+$0x0], $0xffff  }
0x181: {  	v25 =	vld.idx.msk [tilespmem:v25+s24+$0x0], $0xffff;
	_ =	sdelay $0x1  }
0x182: {  	v18 =	vadd.f32 v19, v18  }
0x183: {  	v19 =	vadd.f32 v21, v20  }
0x184: {  	v57 =	vadd.f32 v23, v22;
	v58 =	vmul.f32 $2.000000030e-01, v18  }
0x185: {  	v59 =	vadd.f32 v25, v24;
	v60 =	vmul.f32 $2.000000030e-01, v19  }
0x186: {  	v61 =	vmul.f32 $2.000000030e-01, v57;
	v18 =	vmax.f32 v18, v58  }
0x187: {  	v62 =	vmul.f32 $2.000000030e-01, v59;
	v18 =	vsub.f32 v18, v17;
	v19 =	vmax.f32 v19, v60  }
0x188: {  	v20 =	vmax.f32 v57, v61;
	v19 =	vsub.f32 v19, v17  }
0x189: {  	v63 =	vmax.f32 v59, v62;
	v20 =	vsub.f32 v20, v17;
	v18 =	vmul.f32 $1.442695020e+00, v18  }
0x18a: {  	v21 =	vsub.f32 v63, v17;
	v19 =	vmul.f32 $1.442695020e+00, v19  }
0x18b: {  	(erf) = vpow2.f32 v18;
	v18 =	vmul.f32 $1.442695020e+00, v20  }
0x18c: {  	(erf) = vpow2.f32 v19;
	v19 =	vmul.f32 $1.442695020e+00, v21  }
0x18d: {  	(erf) = vpow2.f32 v18  }
0x18e: {  	(erf) = vpow2.f32 v19;
	_ =	sdelay $0x4  }
0x18f: {  	p2 =	por p1, p1  }
.Ltmp5:
0x190: {  	v18 =	vpop (erf);
	(pc) =	sbr.rel @p2 .LBB2_13-.Ltmp5, $4  }
0x191: {  	v19 =	vpop (erf);
	[tilespmem:s13+$0xF280] =	vst v18  }
0x192: {  	v18 =	vpop (erf);
	[tilespmem:s13+$0xF290] =	vst v19  }
0x193: {  	[tilespmem:s13+$0xF2A0] =	vst v18;
	v18 =	vpop (erf)  }
0x194: {  	p1 =	por $0x0, $0x0;
	[tilespmem:s13+$0xF2B0] =	vst v18;
	s13 =	simm.s32 $0x40  }
0x195: {  	s13 =	simm.s32 $0x0;
	s16 =	simm.s32 $0x1;
	s14 =	simm.s32 $0x2  }
0x196: {  	s25 =	simm.s32 $0x3;
	s15 =	simm.s32 $0x4;
	v18 =	vmov s13;
	v19 =	vmov s16;
	v20 =	vmov s14  }
0x197: {  	v21 =	vmov s25;
	v22 =	vmov s15;
	s16 =	simm.s32 $0x5;
	v18 =	vshrl.u32 v18, $0x3  }
0x198: {  	v23 =	vmov s16;
	v19 =	vshrl.u32 v19, $0x3;
	v20 =	vshrl.u32 v20, $0x3  }
0x199: {  	v22 =	vshrl.u32 v22, $0x3;
	v18 =	vshll.u32 v18, v16;
	v19 =	vshll.u32 v19, v16  }
0x19a: {  	v20 =	vshll.u32 v20, v16;
	v18 =	vbroadcast v18, $0x0;
	v19 =	vadd.s32 $0x1, v19  }
0x19b: {  	v22 =	vshll.u32 v22, v16;
	v20 =	vadd.s32 $0x2, v20;
	v19 =	vbroadcast v19, $0x0  }
0x19c: {  	_ =	swait.ge [sflag:s7], $0x2000;
	s25 =	simm.s32 $0x6;
	v23 =	vshrl.u32 v23, $0x3;
	v22 =	vadd.s32 $0x4, v22;
	v20 =	vbroadcast v20, $0x0  }
0x19d: {  	s14 =	simm.s32 $0x7;
	[sflag:s7] =	ssyncset.done $0x0;
	v24 =	vmov s25;
	v23 =	vshll.u32 v23, v16;
	v22 =	vbroadcast v22, $0x0  }
0x19e: {  	s13 =	simm.s32 $0x11400;
	v25 =	vmov s14;
	[sflag:s7] =	ssyncadd.s32 $0xFFFFE000;
	v24 =	vshrl.u32 v24, $0x3;
	v23 =	vadd.s32 $0x5, v23  }
0x19f: {  	v25 =	vshrl.u32 v25, $0x3;
	v29 =	vld [tilespmem:s13+$0xFFFFFF20];
	v24 =	vshll.u32 v24, v16;
	v23 =	vbroadcast v23, $0x0  }
0x1a0: {  	v25 =	vshll.u32 v25, v16;
	v24 =	vadd.s32 $0x6, v24;
	v26 =	vld.idx.msk [tilespmem:v18+s0+$0x0], $0xffff  }
0x1a1: {  	v18 =	vbroadcast v24, $0x0;
	v24 =	vadd.s32 $0x7, v25;
	v25 =	vld.idx.msk [tilespmem:v19+s0+$0x0], $0xffff  }
0x1a2: {  	v24 =	vbroadcast v24, $0x0;
	v27 =	vld.idx.msk [tilespmem:v20+s0+$0x0], $0xffff  }
0x1a3: {  	v28 =	vld.idx.msk [tilespmem:v22+s0+$0x0], $0xffff  }
0x1a4: {  	v22 =	vld [tilespmem:s13+$0xF0]  }
0x1a5: {  	v20 =	vld.idx.msk [tilespmem:v23+s0+$0x0], $0xffff  }
0x1a6: {  	v21 =	vshrl.u32 v21, $0x3;
	v23 =	vld [tilespmem:s13+$0xFFFFFF00]  }
0x1a7: {  	v21 =	vshll.u32 v21, v16;
	v19 =	vld.idx.msk [tilespmem:v18+s0+$0x0], $0xffff  }
0x1a8: {  	v21 =	vadd.s32 $0x3, v21;
	v18 =	vld.idx.msk [tilespmem:v24+s0+$0x0], $0xffff  }
0x1a9: {  	v21 =	vbroadcast v21, $0x0;
	v24 =	vld [tilespmem:s13+$0xFFFFFF10]  }
0x1aa: {  	v30 =	vld [tilespmem:s13+$0xFFFFFF30]  }
0x1ab: {  	v31 =	vld [tilespmem:s13+$0xFFFFFF40]  }
0x1ac: {  	v32 =	vld [tilespmem:s13+$0xFFFFFF50];
	v23 =	vmul.f32 v23, v26  }
0x1ad: {  	v33 =	vld [tilespmem:s13+$0xFFFFFF60];
	v22 =	vmul.f32 v22, v18  }
0x1ae: {  	[tilespmem:s13+$0xFFFFFF00] =	vst v23;
	v23 =	vld [tilespmem:s13+$0xFFFFFF70];
	v24 =	vmul.f32 v24, v26  }
0x1af: {  	v21 =	vld.idx.msk [tilespmem:v21+s0+$0x0], $0xffff;
	[tilespmem:s13+$0xF0] =	vst v22;
	v22 =	vmul.f32 v29, v26  }
0x1b0: {  	[tilespmem:s13+$0xFFFFFF10] =	vst v24;
	v24 =	vmul.f32 v30, v26;
	v29 =	vld [tilespmem:s13+$0xFFFFFF90]  }
0x1b1: {  	v26 =	vld [tilespmem:s13+$0xFFFFFF80];
	[tilespmem:s13+$0xFFFFFF20] =	vst v22;
	v22 =	vmul.f32 v31, v25  }
0x1b2: {  	v30 =	vld [tilespmem:s13+$0xFFFFFFA0];
	[tilespmem:s13+$0xFFFFFF30] =	vst v24;
	v24 =	vmul.f32 v32, v25  }
0x1b3: {  	v23 =	vmul.f32 v23, v25;
	v31 =	vld [tilespmem:s13+$0xFFFFFFB0];
	[tilespmem:s13+$0xFFFFFF40] =	vst v22  }
0x1b4: {  	v22 =	vmul.f32 v33, v25;
	[tilespmem:s13+$0xFFFFFF50] =	vst v24;
	v24 =	vld [tilespmem:s13+$0xFFFFFFC0]  }
0x1b5: {  	s16 =	simm.s32 $0x9;
	[tilespmem:s13+$0xFFFFFF70] =	vst v23;
	v23 =	vmul.f32 v29, v27;
	v29 =	vld [tilespmem:s13+$0xFFFFFFE0]  }
0x1b6: {  	s15 =	simm.s32 $0x8;
	s25 =	simm.s32 $0xA;
	v55 =	vmov s16;
	s16 =	simm.s32 $0xB;
	[tilespmem:s13+$0xFFFFFF60] =	vst v22;
	v22 =	vmul.f32 v26, v27;
	v26 =	vld [tilespmem:s13+$0xFFFFFFD0]  }
0x1b7: {  	v54 =	vmov s15;
	v56 =	vmov s25;
	s25 =	simm.s32 $0xC;
	v61 =	vld [tilespmem:s13+$0x30];
	v34 =	vmov s16  }
0x1b8: {  	v35 =	vmov s25;
	s16 =	simm.s32 $0xD;
	s25 =	simm.s32 $0xE;
	v57 =	vshrl.u32 v56, $0x3;
	[tilespmem:s13+$0xFFFFFF80] =	vst v22;
	v22 =	vmul.f32 v30, v27;
	v30 =	vld [tilespmem:s13+$0xFFFFFFF0]  }
0x1b9: {  	v36 =	vmov s16;
	v37 =	vmov s25;
	[tilespmem:s13+$0xFFFFFF90] =	vst v23;
	v23 =	vmul.f32 v31, v27;
	v27 =	vld [tilespmem:s13+$0x0]  }
0x1ba: {  	v58 =	vshrl.u32 v34, $0x3;
	v59 =	vshrl.u32 v35, $0x3;
	[tilespmem:s13+$0xFFFFFFA0] =	vst v22;
	v22 =	vmul.f32 v24, v21;
	v24 =	vld [tilespmem:s13+$0x10]  }
0x1bb: {  	v60 =	vshrl.u32 v36, $0x3;
	[tilespmem:s13+$0xFFFFFFB0] =	vst v23;
	v29 =	vmul.f32 v29, v21;
	v23 =	vmul.f32 v26, v21;
	v26 =	vld [tilespmem:s13+$0x20]  }
0x1bc: {  	v62 =	vld [tilespmem:s13+$0x60];
	v34 =	vshll.u32 v59, v16;
	v35 =	vshll.u32 v60, v16;
	v32 =	vshll.u32 v57, v16;
	[tilespmem:s13+$0xFFFFFFC0] =	vst v22  }
0x1bd: {  	v25 =	vshrl.u32 v54, $0x3;
	v31 =	vshrl.u32 v55, $0x3;
	[tilespmem:s13+$0xFFFFFFE0] =	vst v29;
	v21 =	vmul.f32 v30, v21;
	v30 =	vld [tilespmem:s13+$0x40]  }
0x1be: {  	v25 =	vshll.u32 v25, v16;
	v31 =	vshll.u32 v31, v16;
	[tilespmem:s13+$0xFFFFFFD0] =	vst v23;
	v23 =	vmul.f32 v27, v28;
	v27 =	vld [tilespmem:s13+$0x50]  }
0x1bf: {  	v22 =	vbroadcast v25, $0x0;
	v25 =	vshrl.u32 v37, $0x3;
	[tilespmem:s13+$0xFFFFFFF0] =	vst v21;
	v21 =	vmul.f32 v24, v28  }
0x1c0: {  	v29 =	vshll.u32 v58, v16;
	v38 =	vshll.u32 v25, v16;
	[tilespmem:s13+$0x0] =	vst v23;
	v23 =	vld [tilespmem:s13+$0x70];
	v24 =	vmul.f32 v26, v28  }
0x1c1: {  	v25 =	vadd.s32 $0x1, v31;
	v33 =	vadd.s32 $0x3, v29;
	v28 =	vmul.f32 v61, v28;
	[tilespmem:s13+$0x10] =	vst v21;
	v21 =	vld [tilespmem:s13+$0x80]  }
0x1c2: {  	v29 =	vadd.s32 $0x4, v34;
	v34 =	vmul.f32 v62, v20;
	[tilespmem:s13+$0x20] =	vst v24;
	v63 =	vmul.f32 v30, v20;
	v24 =	vld [tilespmem:s13+$0x90]  }
0x1c3: {  	v31 =	vadd.s32 $0x2, v32;
	v26 =	vbroadcast v25, $0x0;
	v25 =	vld [tilespmem:s13+$0xA0];
	[tilespmem:s13+$0x30] =	vst v28;
	v32 =	vmul.f32 v27, v20  }
0x1c4: {  	s15 =	simm.s32 $0xF;
	s14 =	simm.s32 $0x10;
	v30 =	vadd.s32 $0x5, v35;
	v28 =	vbroadcast v31, $0x0;
	v31 =	vadd.s32 $0x6, v38;
	v27 =	vld [tilespmem:s13+$0xB0];
	[tilespmem:s13+$0x40] =	vst v63  }
.LBB2_15:
0x1c5: {  	p1 =	slt.u32 s14, $0x78;
	v33 =	vbroadcast v33, $0x0;
	v35 =	vmov s15;
	[tilespmem:s13+$0x50] =	vst v32;
	v20 =	vmul.f32 v23, v20;
	v23 =	vld [tilespmem:s13+$0xC0]  }
0x1c6: {  	v29 =	vbroadcast v29, $0x0;
	v32 =	vshrl.u32 v35, $0x3;
	[tilespmem:s13+$0x60] =	vst v34;
	v21 =	vmul.f32 v21, v19;
	v34 =	vld [tilespmem:s13+$0xD0]  }
0x1c7: {  	v30 =	vbroadcast v30, $0x0;
	v32 =	vshll.u32 v32, v16;
	[tilespmem:s13+$0x70] =	vst v20;
	v20 =	vmul.f32 v24, v19;
	v24 =	vld [tilespmem:s13+$0xE0]  }
0x1c8: {  	v31 =	vbroadcast v31, $0x0;
	v22 =	vld.idx.msk [tilespmem:v22+s0+$0x0], $0xffff;
	v32 =	vadd.s32 $0x7, v32;
	[tilespmem:s13+$0x80] =	vst v21;
	v21 =	vmul.f32 v25, v19  }
0x1c9: {  	v25 =	vld.idx.msk [tilespmem:v26+s0+$0x0], $0xffff;
	v26 =	vbroadcast v32, $0x0;
	[tilespmem:s13+$0x90] =	vst v20;
	v19 =	vmul.f32 v27, v19  }
0x1ca: {  	v27 =	vld.idx.msk [tilespmem:v28+s0+$0x0], $0xffff;
	[tilespmem:s13+$0xA0] =	vst v21;
	v20 =	vmul.f32 v23, v18  }
0x1cb: {  	v23 =	vld.idx.msk [tilespmem:v33+s0+$0x0], $0xffff;
	[tilespmem:s13+$0xB0] =	vst v19;
	v19 =	vmul.f32 v34, v18  }
0x1cc: {  	v21 =	vld.idx.msk [tilespmem:v29+s0+$0x0], $0xffff;
	[tilespmem:s13+$0xC0] =	vst v20;
	v18 =	vmul.f32 v24, v18  }
0x1cd: {  	v20 =	vld.idx.msk [tilespmem:v30+s0+$0x0], $0xffff;
	[tilespmem:s13+$0xD0] =	vst v19  }
0x1ce: {  	v19 =	vld.idx.msk [tilespmem:v31+s0+$0x0], $0xffff;
	[tilespmem:s13+$0xE0] =	vst v18  }
0x1cf: {  	s13 =	sadd.s32 $0x200, s13;
	v18 =	vld.idx.msk [tilespmem:v26+s0+$0x0], $0xffff  }
0x1d0: {  	v24 =	vld [tilespmem:s13+$0xF0]  }
0x1d1: {  	v26 =	vld [tilespmem:s13+$0xFFFFFF00]  }
0x1d2: {  	v28 =	vld [tilespmem:s13+$0xFFFFFF10]  }
0x1d3: {  	v29 =	vld [tilespmem:s13+$0xFFFFFF20]  }
0x1d4: {  	v30 =	vld [tilespmem:s13+$0xFFFFFF30]  }
0x1d5: {  	v31 =	vld [tilespmem:s13+$0xFFFFFF40];
	v24 =	vmul.f32 v24, v18  }
0x1d6: {  	v26 =	vmul.f32 v26, v22;
	v32 =	vld [tilespmem:s13+$0xFFFFFF50]  }
0x1d7: {  	v28 =	vmul.f32 v28, v22;
	v33 =	vld [tilespmem:s13+$0xFFFFFF60];
	[tilespmem:s13+$0xF0] =	vst v24  }
0x1d8: {  	[tilespmem:s13+$0xFFFFFF00] =	vst v26;
	v24 =	vmul.f32 v29, v22;
	v26 =	vld [tilespmem:s13+$0xFFFFFF70]  }
0x1d9: {  	[tilespmem:s13+$0xFFFFFF10] =	vst v28;
	v22 =	vmul.f32 v30, v22;
	v28 =	vld [tilespmem:s13+$0xFFFFFF80]  }
0x1da: {  	[tilespmem:s13+$0xFFFFFF20] =	vst v24;
	v24 =	vmul.f32 v31, v25;
	v29 =	vld [tilespmem:s13+$0xFFFFFF90]  }
0x1db: {  	[tilespmem:s13+$0xFFFFFF30] =	vst v22;
	v22 =	vmul.f32 v32, v25;
	v30 =	vld [tilespmem:s13+$0xFFFFFFA0]  }
0x1dc: {  	[tilespmem:s13+$0xFFFFFF40] =	vst v24;
	v24 =	vmul.f32 v33, v25;
	v31 =	vld [tilespmem:s13+$0xFFFFFFB0]  }
0x1dd: {  	v32 =	vmov s14;
	[tilespmem:s13+$0xFFFFFF50] =	vst v22;
	v22 =	vmul.f32 v26, v25;
	v25 =	vld [tilespmem:s13+$0xFFFFFFC0]  }
0x1de: {  	s15 =	sadd.s32 $0x1, s14;
	s16 =	sadd.s32 $0x2, s14;
	v26 =	vshrl.u32 v32, $0x3;
	[tilespmem:s13+$0xFFFFFF60] =	vst v24;
	v24 =	vmul.f32 v28, v27;
	v28 =	vld [tilespmem:s13+$0xFFFFFFD0]  }
0x1df: {  	v33 =	vmov s16;
	s16 =	sadd.s32 $0x4, s14;
	v32 =	vmov s15;
	s15 =	sadd.s32 $0x3, s14;
	[tilespmem:s13+$0xFFFFFF70] =	vst v22;
	v22 =	vmul.f32 v29, v27;
	v29 =	vld [tilespmem:s13+$0xFFFFFFE0]  }
0x1e0: {  	v35 =	vmov s16;
	s16 =	sadd.s32 $0x6, s14;
	v34 =	vmov s15;
	s15 =	sadd.s32 $0x5, s14;
	[tilespmem:s13+$0xFFFFFF80] =	vst v24;
	v24 =	vmul.f32 v30, v27;
	v30 =	vld [tilespmem:s13+$0xFFFFFFF0]  }
0x1e1: {  	v37 =	vmov s16;
	v36 =	vmov s15;
	[tilespmem:s13+$0xFFFFFF90] =	vst v22;
	v22 =	vmul.f32 v31, v27;
	v27 =	vld [tilespmem:s13+$0x0]  }
0x1e2: {  	v26 =	vshll.u32 v26, v16;
	v31 =	vshrl.u32 v32, $0x3;
	[tilespmem:s13+$0xFFFFFFA0] =	vst v24;
	v24 =	vmul.f32 v25, v23;
	v25 =	vld [tilespmem:s13+$0x10]  }
0x1e3: {  	v32 =	vshrl.u32 v33, $0x3;
	v33 =	vshrl.u32 v34, $0x3;
	[tilespmem:s13+$0xFFFFFFB0] =	vst v22;
	v28 =	vmul.f32 v28, v23;
	v34 =	vld [tilespmem:s13+$0x20]  }
0x1e4: {  	v35 =	vshrl.u32 v35, $0x3;
	v36 =	vshrl.u32 v36, $0x3;
	[tilespmem:s13+$0xFFFFFFC0] =	vst v24;
	v24 =	vmul.f32 v29, v23;
	v29 =	vld [tilespmem:s13+$0x30]  }
0x1e5: {  	v22 =	vbroadcast v26, $0x0;
	v26 =	vshrl.u32 v37, $0x3;
	[tilespmem:s13+$0xFFFFFFD0] =	vst v28;
	v23 =	vmul.f32 v30, v23;
	v28 =	vld [tilespmem:s13+$0x40]  }
0x1e6: {  	v30 =	vshll.u32 v31, v16;
	v31 =	vshll.u32 v32, v16;
	[tilespmem:s13+$0xFFFFFFE0] =	vst v24;
	v24 =	vmul.f32 v27, v21;
	v27 =	vld [tilespmem:s13+$0x50]  }
0x1e7: {  	v35 =	vshll.u32 v35, v16;
	v32 =	vshll.u32 v33, v16;
	[tilespmem:s13+$0xFFFFFFF0] =	vst v23;
	v25 =	vmul.f32 v25, v21;
	v37 =	vld [tilespmem:s13+$0x60]  }
.Ltmp6:
0x1e8: {  	v36 =	vshll.u32 v36, v16;
	v38 =	vshll.u32 v26, v16;
	[tilespmem:s13+$0x0] =	vst v24;
	v24 =	vmul.f32 v34, v21;
	v23 =	vld [tilespmem:s13+$0x70];
	(pc) =	sbr.rel @p1 .LBB2_15-.Ltmp6, $4  }
0x1e9: {  	v26 =	vadd.s32 $0x1, v30;
	v31 =	vadd.s32 $0x2, v31;
	[tilespmem:s13+$0x10] =	vst v25;
	v25 =	vmul.f32 v29, v21;
	v21 =	vld [tilespmem:s13+$0x80]  }
0x1ea: {  	v33 =	vadd.s32 $0x3, v32;
	v29 =	vadd.s32 $0x4, v35;
	[tilespmem:s13+$0x20] =	vst v24;
	v34 =	vmul.f32 v28, v20;
	v24 =	vld [tilespmem:s13+$0x90]  }
0x1eb: {  	v30 =	vadd.s32 $0x5, v36;
	v26 =	vbroadcast v26, $0x0;
	[tilespmem:s13+$0x30] =	vst v25;
	v32 =	vmul.f32 v27, v20;
	v25 =	vld [tilespmem:s13+$0xA0]  }
0x1ec: {  	s15 =	sadd.s32 $0x7, s14;
	s14 =	sadd.s32 $0x8, s14;
	v28 =	vbroadcast v31, $0x0;
	v31 =	vadd.s32 $0x6, v38;
	[tilespmem:s13+$0x40] =	vst v34;
	v34 =	vmul.f32 v37, v20;
	v27 =	vld [tilespmem:s13+$0xB0]  }
0x1ed: {  	_ = 	snop  }
0x1ee: {  	v36 =	vld [tilespmem:s13+$0xC0]  }
0x1ef: {  	v37 =	vld [tilespmem:s13+$0xD0]  }
0x1f0: {  	v38 =	vld [tilespmem:s13+$0xE0]  }
0x1f1: {  	v22 =	vld.idx.msk [tilespmem:v22+s0+$0x0], $0xffff  }
0x1f2: {  	v26 =	vld.idx.msk [tilespmem:v26+s0+$0x0], $0xffff  }
0x1f3: {  	s14 =	sadd.s32 $0x200, s13;
	v28 =	vld.idx.msk [tilespmem:v28+s0+$0x0], $0xffff  }
0x1f4: {  	v62 =	vld [tilespmem:s14+$0xF0]  }
0x1f5: {  	v35 =	vmov s15;
	v63 =	vld [tilespmem:s14+$0xFFFFFF00]  }
0x1f6: {  	[tilespmem:s13+$0x50] =	vst v32;
	v20 =	vmul.f32 v23, v20;
	v35 =	vshrl.u32 v35, $0x3;
	v39 =	vld [tilespmem:s14+$0xFFFFFF60]  }
0x1f7: {  	[tilespmem:s13+$0x60] =	vst v34;
	v21 =	vmul.f32 v21, v19;
	v40 =	vld [tilespmem:s14+$0xFFFFFF70];
	v35 =	vshll.u32 v35, v16  }
0x1f8: {  	v41 =	vld [tilespmem:s14+$0xFFFFFF80];
	[tilespmem:s13+$0x70] =	vst v20;
	v60 =	vmul.f32 v24, v19;
	v35 =	vadd.s32 $0x7, v35;
	v61 =	vmul.f32 v25, v19  }
0x1f9: {  	v42 =	vld [tilespmem:s14+$0xFFFFFFA0];
	[tilespmem:s13+$0x80] =	vst v21;
	v35 =	vbroadcast v35, $0x0;
	v19 =	vmul.f32 v27, v19  }
0x1fa: {  	v43 =	vld [tilespmem:s14+$0xFFFFFFB0];
	[tilespmem:s13+$0x90] =	vst v60  }
0x1fb: {  	v34 =	vmul.f32 v36, v18;
	v36 =	vld [tilespmem:s14+$0xFFFFFF20];
	[tilespmem:s13+$0xB0] =	vst v19;
	v19 =	vmul.f32 v37, v18  }
0x1fc: {  	[tilespmem:s13+$0xA0] =	vst v61;
	v18 =	vmul.f32 v38, v18;
	v37 =	vld [tilespmem:s14+$0xFFFFFF30]  }
0x1fd: {  	v38 =	vld [tilespmem:s14+$0xFFFFFF50];
	[tilespmem:s13+$0xD0] =	vst v19  }
0x1fe: {  	v19 =	vld [tilespmem:s14+$0xFFFFFF40];
	[tilespmem:s13+$0xE0] =	vst v18;
	v18 =	vmul.f32 v63, v22  }
0x1ff: {  	v44 =	vmul.f32 v40, v26;
	[tilespmem:s13+$0xC0] =	vst v34;
	v24 =	vld.idx.msk [tilespmem:v35+s0+$0x0], $0xffff  }
0x200: {  	v33 =	vbroadcast v33, $0x0;
	v45 =	vld [tilespmem:s14+$0xFFFFFFC0];
	[tilespmem:s14+$0xFFFFFF00] =	vst v18;
	v18 =	vmul.f32 v36, v22  }
0x201: {  	[tilespmem:s14+$0xFFFFFF70] =	vst v44;
	v35 =	vld [tilespmem:s14+$0xFFFFFF10];
	v21 =	vmul.f32 v37, v22  }
0x202: {  	v46 =	vld [tilespmem:s14+$0xFFFFFFD0];
	v20 =	vmul.f32 v38, v26;
	[tilespmem:s14+$0xFFFFFF20] =	vst v18  }
0x203: {  	v18 =	vmul.f32 v19, v26;
	v19 =	vld [tilespmem:s14+$0xFFFFFF90];
	[tilespmem:s14+$0xFFFFFF30] =	vst v21  }
0x204: {  	v29 =	vbroadcast v29, $0x0;
	v47 =	vld [tilespmem:s14+$0xFFFFFFE0];
	[tilespmem:s14+$0xFFFFFF50] =	vst v20;
	v25 =	vmul.f32 v62, v24  }
0x205: {  	v48 =	vld [tilespmem:s14+$0xFFFFFFF0];
	[tilespmem:s14+$0xFFFFFF40] =	vst v18;
	v18 =	vmul.f32 v39, v26  }
0x206: {  	v33 =	vld.idx.msk [tilespmem:v33+s0+$0x0], $0xffff;
	v27 =	vmul.f32 v35, v22;
	[tilespmem:s14+$0xF0] =	vst v25  }
0x207: {  	v49 =	vld [tilespmem:s14+$0x0];
	[tilespmem:s14+$0xFFFFFF60] =	vst v18;
	v18 =	vmul.f32 v41, v28  }
0x208: {  	v30 =	vbroadcast v30, $0x0;
	v50 =	vld [tilespmem:s14+$0x10];
	[tilespmem:s14+$0xFFFFFF10] =	vst v27;
	v19 =	vmul.f32 v19, v28  }
0x209: {  	v51 =	vld [tilespmem:s14+$0x20];
	[tilespmem:s14+$0xFFFFFF80] =	vst v18;
	v18 =	vmul.f32 v42, v28  }
0x20a: {  	v29 =	vld.idx.msk [tilespmem:v29+s0+$0x0], $0xffff;
	[tilespmem:s14+$0xFFFFFF90] =	vst v19;
	v19 =	vmul.f32 v43, v28  }
0x20b: {  	v52 =	vld [tilespmem:s14+$0x30];
	[tilespmem:s14+$0xFFFFFFA0] =	vst v18;
	v18 =	vmul.f32 v45, v33  }
0x20c: {  	v31 =	vbroadcast v31, $0x0;
	v53 =	vld [tilespmem:s14+$0x40];
	[tilespmem:s14+$0xFFFFFFB0] =	vst v19;
	v19 =	vmul.f32 v46, v33  }
0x20d: {  	v54 =	vld [tilespmem:s14+$0x50];
	[tilespmem:s14+$0xFFFFFFC0] =	vst v18;
	v18 =	vmul.f32 v47, v33  }
0x20e: {  	v23 =	vld.idx.msk [tilespmem:v30+s0+$0x0], $0xffff;
	[tilespmem:s14+$0xFFFFFFD0] =	vst v19;
	v19 =	vmul.f32 v48, v33  }
0x20f: {  	v55 =	vld [tilespmem:s14+$0x60];
	[tilespmem:s14+$0xFFFFFFE0] =	vst v18;
	v18 =	vmul.f32 v49, v29  }
0x210: {  	v56 =	vld [tilespmem:s14+$0x70];
	[tilespmem:s14+$0xFFFFFFF0] =	vst v19;
	v19 =	vmul.f32 v50, v29  }
0x211: {  	v57 =	vld [tilespmem:s14+$0x80];
	[tilespmem:s14+$0x0] =	vst v18;
	v18 =	vmul.f32 v51, v29  }
0x212: {  	v30 =	vld.idx.msk [tilespmem:v31+s0+$0x0], $0xffff;
	[tilespmem:s14+$0x10] =	vst v19;
	v19 =	vmul.f32 v52, v29  }
0x213: {  	v58 =	vld [tilespmem:s14+$0x90];
	[tilespmem:s14+$0x20] =	vst v18;
	v18 =	vmul.f32 v53, v23  }
0x214: {  	v59 =	vld [tilespmem:s14+$0xA0];
	[tilespmem:s14+$0x30] =	vst v19;
	v19 =	vmul.f32 v54, v23  }
0x215: {  	v60 =	vld [tilespmem:s14+$0xB0];
	[tilespmem:s14+$0x40] =	vst v18;
	v18 =	vmul.f32 v55, v23  }
0x216: {  	v61 =	vld [tilespmem:s14+$0xC0];
	[tilespmem:s14+$0x50] =	vst v19;
	v19 =	vmul.f32 v56, v23  }
0x217: {  	v62 =	vld [tilespmem:s14+$0xD0];
	[tilespmem:s14+$0x60] =	vst v18;
	v18 =	vmul.f32 v57, v30  }
0x218: {  	v63 =	vld [tilespmem:s14+$0xE0];
	[tilespmem:s14+$0x70] =	vst v19;
	v19 =	vmul.f32 v58, v30  }
0x219: {  	[tilespmem:s14+$0x80] =	vst v18;
	v18 =	vmul.f32 v59, v30  }
0x21a: {  	[tilespmem:s14+$0x90] =	vst v19;
	v19 =	vmul.f32 v60, v30  }
0x21b: {  	[tilespmem:s14+$0xA0] =	vst v18;
	v18 =	vmul.f32 v61, v24  }
0x21c: {  	[tilespmem:s14+$0xB0] =	vst v19;
	v19 =	vmul.f32 v62, v24  }
0x21d: {  	[tilespmem:s14+$0xC0] =	vst v18;
	v18 =	vmul.f32 v63, v24  }
0x21e: {  	[tilespmem:s14+$0xD0] =	vst v19  }
0x21f: {  	[tilespmem:s14+$0xE0] =	vst v18  }
0x220: {  	_ =	swait.ge [sflag:s2], $0x2000  }
0x221: {  	[sflag:s2] =	ssyncset.done $0x0  }
0x222: {  	s25 =	sshll.u32 s11, $0x1;
	[sflag:s2] =	ssyncadd.s32 $0xFFFFE000  }
0x223: {  	s13 =	smin.u32 s25, $0x9F;
	_ =	swait.ge [sflag:s2], $0x80  }
0x224: {  	s11 =	sadd.s32 $0x1, s11;
	s13 =	sshll.u32 s13, $0x7;
	[sflag:s2] =	ssyncset.done $0x0  }
0x225: {  	p1 =	sne.s32 s11, $0x51;
	s13 =	sadd.s32 $0x5100, s13;
	[sflag:s2] =	ssyncadd.s32 $0xFFFFFF80  }
0x226: {  	[tilespmem:s29], [sflag:$0x1] =	stream.indirect.gather [hbm4b:s19+s30], $0x40, s13, s30, $0xb8;
	[tilespmem:$0x1D580] =	vst v63  }
.Ltmp7:
0x227: {  	_ = 	snop;
	(pc) =	sbr.rel @p1 .LBB2_8-.Ltmp7, $4  }
0x228: {  	s12 =	sadd.s32 $0xA100, s12  }
0x229: {  	[spmem:s1] =	stream.indirect.scatter.add.f32 [tilespmem:s31], [sflag:$0x4], $0x40, s12, s30, $0xb8;
	[tilespmem:$0x1D580] =	vst v63  }
0x22a: {  	_ = 	snop  }
0x22b: {  	[spmem:s3] =	stream.indirect.scatter.add.f32 [tilespmem:s0], [sflag:$0x4], $0x1, s12, s30, $0xb8;
	[tilespmem:$0x1D580] =	vst v63  }
0x22c: {  	_ =	swait.ge [sflag:s6], $0x2000  }
0x22d: {  	[sflag:s6] =	ssyncset.done $0x0  }
0x22e: {  	[sflag:s6] =	ssyncadd.s32 $0xFFFFE000  }
0x22f: {  	_ =	swait.ge [sflag:s5], $0x2000  }
0x230: {  	[sflag:s5] =	ssyncset.done $0x0  }
0x231: {  	[sflag:s5] =	ssyncadd.s32 $0xFFFFE000  }
0x232: {  	_ =	swait.ge [sflag:s5], $0x80  }
0x233: {  	s11 =	stileid.u32;
	[sflag:s5] =	ssyncset.done $0x0  }
0x234: {  	s11 =	sshll.u32 s11, $0x6;
	[sflag:s5] =	ssyncadd.s32 $0xFFFFFF80  }
0x235: {  	s12 =	sshrl.u32 s9, $0x3;
	s11 =	sor.u32 $0x1C05, s11;
	[bflag:$0x0] =	sbarrier.arrive $0xFFFF  }
0x236: {  	[hbm:s20], [sflag:s11] =	dma.local [spmem:s12], $0x1400  }
0x237: {  	_ =	swait.ge [sflag:s23], $0x1400  }
0x238: {  	s8 =	sadd.s32 $0x1, s8;
	[sflag:s23] =	ssyncset.done $0x0  }
0x239: {  	p1 =	sne.s32 s8, s22;
	s12 =	sshrl.u32 @!p0 s10, $0x3;
	[sflag:s23] =	ssyncadd.s32 $0xFFFFEC00  }
0x23a: {  	[hbm:s21], [sflag:s11] =	dma.local @!p0 [spmem:s12], $0x50  }
.Ltmp8:
0x23b: {  	_ = 	snop;
	(pc) =	sbr.rel @p1 .LBB2_1-.Ltmp8, $4  }
0x23c: {  	s11 =	simm.s32 @!p0 $0x5  }
0x23d: {  	_ =	swait.ge @!p0 [sflag:s11], $0x50  }
0x23e: {  	[sflag:s11] =	ssyncset.done @!p0 $0x0  }
0x23f: {  	s13 =	simm.s32 $0x5000;
	[sflag:s11] =	ssyncadd.s32 @!p0 $0xFFFFFFB0  }
0x240: {  	_ =	sfence.sel $0x180000  }
0x241: {  	[bflag:$0x0] =	sbarrier.arrive $0xFFFF  }
0x242: {  	_ =	strace $0x90000047  }
0x243: {  	s0 =	stileid.u32;
	[bflag:$0x2] =	sbarrier.arrive $0xFFFF  }
0x244: {  	p0 =	sne.s32 s0, $0x0;
	s0 =	rddreg [dreg:$0x3]  }
0x245: {  	s0 =	sadd.s32 @!p0 $0x100000, s0  }
0x246: {  	[sflag:s0] =	ssyncadd.tile.s32 @!p0 $0x1;
	_ =	shalt  }
.Lfunc_end2:
_tile_overlayer_lowered:
.L_overlay_start_2:
0x247: {  	(tag) =	ssettag $0x2  }
0x248: {  	s0 =	rddreg [dreg:$0x0];
	s2 =	stileid.u32  }
0x249: {  	s1 =	rddreg [dreg:$0x1];
	p0 =	sne.s32 s2, $0x0  }
0x24a: {  	s3 =	rddreg [dreg:$0x2];
	[bflag:$0x3] =	sbarrier.arrive $0xFFFF;
	s2 =	simm.s32 @!p0 $0x1C05  }
0x24b: {  	[timem:s3], [sflag:s2] =	dma.local @!p0 [hbm:s0], s1  }
0x24c: {  	s0 =	simm.s32 @!p0 $0x5  }
0x24d: {  	_ =	swait.ge @!p0 [sflag:s0], s1  }
0x24e: {  	s1 =	ssub.s32 @!p0 $0x0, s1;
	[sflag:s0] =	ssyncset.done @!p0 $0x0  }
0x24f: {  	[sflag:s0] =	ssyncadd.s32 @!p0 s1  }
0x250: {  	[bflag:$0x3] =	sbarrier.arrive $0xFFFF  }
0x251: {  	_ =	shalt  }

// kernel: gat_edge_sc_64.3.cloned.1.call-start
scs
__scs_entry_jumppad:
0x0: {  	(pc) =	sbr.rel $0x88, $3  }
0x1: {  	(tag) =	ssettag $0x0;
	lr =	simm.s32 $0x1  }
0x2: {  	[smem:$0x3F94] =	sst lr;
	_ =	strace $0xD0000000  }
0x3: {  	_ = 	snop  }
0x4: {  	_ = 	snop  }
0x5: {  	_ = 	snop  }
0x6: {  	_ = 	snop  }
0x7: {  	_ = 	snop  }
__scs_overlays_trampoline_lowered:
0x8: {  	[smem:$0x3FA3] =	sst s0  }
0x9: {  	[smem:$0x3FA4] =	sst s1  }
0xa: {  	[smem:$0x3FA5] =	sst s2  }
0xb: {  	[smem:$0x3FA6] =	sst s3  }
0xc: {  	[smem:$0x3FA7] =	sst s4  }
0xd: {  	[smem:$0x3FA8] =	sst s5  }
0xe: {  	[smem:$0x3FA9] =	sst s6  }
0xf: {  	[smem:$0x3FAA] =	sst s7  }
0x10: {  	[smem:$0x3FAB] =	sst s8  }
0x11: {  	[smem:$0x3FAC] =	sst s9;
	s0 =	simm.s32 @!p0 $0x0  }
0x12: {  	s1 =	sld [smem:$0x3F92];
	s0 =	simm.s32 @p0 $0x1  }
0x13: {  	[smem:$0x3FAD] =	sst s0;
	s0 =	simm.s32 @!p1 $0x0  }
0x14: {  	s2 =	sld [smem:$0x3F91];
	s0 =	simm.s32 @p1 $0x1  }
0x15: {  	[smem:$0x3FAE] =	sst s0;
	s0 =	simm.s32 @!p2 $0x0  }
0x16: {  	s3 =	sld [smem:$0x3FDB];
	s0 =	simm.s32 @p2 $0x1  }
0x17: {  	s4 =	simm.s32 $0x1BF5;
	[smem:$0x3FB0] =	sst s0  }
0x18: {  	s0 =	sld [smem:$0x3F93];
	_ =	swait.ge [sflag:s4], $0x0  }
0x19: {  	s7 =	sld [smem:$0x3F94]  }
0x1a: {  	s8 =	sadd.s32 $0xFFFFE003, lr  }
0x1b: {  	s9 =	sadd.s32 $0xFFFFFEF7, lr;
	s5 =	simm.s32 $0xFFFFFFFF;
	p2 =	slt.u32 s8, $0xFFFFF086  }
0x1c: {  	p1 =	slt.u32 s9, $0xF7A;
	s5 =	simm.s32 @!p2 $0x0  }
0x1d: {  	s5 =	simm.s32 @p1 $0x1;
	p0 =	seq.s32 s7, s2  }
0x1e: {  	s7 =	smul.u32 @!p0 $0xF7A, s2;
	p2 =	seq.s32 @!p0 s5, $0x0  }
0x1f: {  	s9 =	smul.u32 $0xF7A, s1;
	s8 =	simm.s32 @!p0 $0x1BF5;
	p2 =	por !p2, p0  }
0x20: {  	[sflag:s8] =	ssyncset.s32 @!p0 $0xFFFFF086;
	s6 =	sadd.s32 @!p0 s3, s7;
	s7 =	simm.s32 @!p0 $0x108  }
0x21: {  	s3 =	sadd.s32 s3, s9;
	s6 =	sadd.s32 @!p0 $0x88, s6;
	s7 =	simm.s32 @p2 $0x1082  }
0x22: {  	[simem:s7], [sflag:s8] =	dma.local @!p0 [hbm:s6], $0xF7A  }
0x23: {  	s9 =	sor.u32 $0xD0000000, s2;
	s6 =	simm.s32 $0x108;
	_ =	swait.ge @!p0 [sflag:s8], $0x0  }
0x24: {  	s3 =	sadd.s32 $0x88, s3;
	s6 =	simm.s32 @!p1 $0x1082;
	[sflag:s4] =	ssyncset.s32 $0xFFFFF086  }
0x25: {  	[simem:s6], [sflag:s4] =	dma.local [hbm:s3], $0xF7A  }
0x26: {  	[smem:$0x3F94] =	sst s1;
	(tag) =	ssettag s2;
	_ =	strace s9  }
0x27: {  	s1 =	sld [smem:$0x3FA4]  }
0x28: {  	s2 =	sld [smem:$0x3FA5]  }
0x29: {  	s4 =	sld [smem:$0x3FA7]  }
0x2a: {  	p0 =	seq.s32 s5, $0x0;
	s5 =	sld [smem:$0x3FA8]  }
0x2b: {  	s6 =	sld [smem:$0x3FA9]  }
0x2c: {  	s7 =	sld [smem:$0x3FAA]  }
0x2d: {  	s3 =	simm.s32 $0x108;
	s8 =	sld [smem:$0x3FAB]  }
0x2e: {  	s3 =	simm.s32 @!p0 $0x1082;
	s9 =	sld [smem:$0x3FAC]  }
0x2f: {  	lr =	sadd.s32 s0, s3;
	s0 =	sld [smem:$0x3FA3]  }
0x30: {  	s3 =	sld [smem:$0x3FA6]  }
0x31: {  	[smem:$0x3FAF] =	sst s10  }
0x32: {  	s10 =	sld [smem:$0x3FAD];
	_ =	sdelay $0x3  }
0x33: {  	p0 =	seq.s32 s10, $0x1;
	s10 =	sld [smem:$0x3FAF];
	_ =	sdelay $0x3  }
0x34: {  	[smem:$0x3FAF] =	sst s10  }
0x35: {  	s10 =	sld [smem:$0x3FAE];
	_ =	sdelay $0x3  }
0x36: {  	p1 =	seq.s32 s10, $0x1;
	s10 =	sld [smem:$0x3FAF];
	_ =	sdelay $0x3  }
0x37: {  	[smem:$0x3FAF] =	sst s10  }
0x38: {  	s10 =	sld [smem:$0x3FB0]  }
0x39: {  	_ = 	snop;
	(pc) =	sbr.ind lr, $3  }
0x3a: {  	_ = 	snop  }
0x3b: {  	_ = 	snop  }
0x3c: {  	p2 =	seq.s32 s10, $0x1;
	s10 =	sld [smem:$0x3FAF]  }
0x3d: {  	_ =	shalt  }
0x3e: {  	_ =	shalt  }
0x3f: {  	_ =	shalt  }
0x40: {  	_ =	shalt  }
0x41: {  	_ =	shalt  }
0x42: {  	_ =	shalt  }
0x43: {  	_ =	shalt  }
0x44: {  	_ =	shalt  }
0x45: {  	_ =	shalt  }
0x46: {  	_ =	shalt  }
0x47: {  	_ =	shalt  }
0x48: {  	_ =	shalt  }
0x49: {  	_ =	shalt  }
0x4a: {  	_ =	shalt  }
0x4b: {  	_ =	shalt  }
0x4c: {  	_ =	shalt  }
0x4d: {  	_ =	shalt  }
0x4e: {  	_ =	shalt  }
0x4f: {  	_ =	shalt  }
0x50: {  	_ =	shalt  }
0x51: {  	_ =	shalt  }
0x52: {  	_ =	shalt  }
0x53: {  	_ =	shalt  }
0x54: {  	_ =	shalt  }
0x55: {  	_ =	shalt  }
0x56: {  	_ =	shalt  }
0x57: {  	_ =	shalt  }
0x58: {  	_ =	shalt  }
0x59: {  	_ =	shalt  }
0x5a: {  	_ =	shalt  }
0x5b: {  	_ =	shalt  }
0x5c: {  	_ =	shalt  }
0x5d: {  	_ =	shalt  }
0x5e: {  	_ =	shalt  }
0x5f: {  	_ =	shalt  }
0x60: {  	_ =	shalt  }
0x61: {  	_ =	shalt  }
0x62: {  	_ =	shalt  }
0x63: {  	_ =	shalt  }
0x64: {  	_ =	shalt  }
0x65: {  	_ =	shalt  }
0x66: {  	_ =	shalt  }
0x67: {  	_ =	shalt  }
0x68: {  	_ =	shalt  }
0x69: {  	_ =	shalt  }
0x6a: {  	_ =	shalt  }
0x6b: {  	_ =	shalt  }
0x6c: {  	_ =	shalt  }
0x6d: {  	_ =	shalt  }
0x6e: {  	_ =	shalt  }
0x6f: {  	_ =	shalt  }
0x70: {  	_ =	shalt  }
0x71: {  	_ =	shalt  }
0x72: {  	_ =	shalt  }
0x73: {  	_ =	shalt  }
0x74: {  	_ =	shalt  }
0x75: {  	_ =	shalt  }
0x76: {  	_ =	shalt  }
0x77: {  	_ =	shalt  }
0x78: {  	_ =	shalt  }
0x79: {  	_ =	shalt  }
0x7a: {  	_ =	shalt  }
0x7b: {  	_ =	shalt  }
0x7c: {  	_ =	shalt  }
0x7d: {  	_ =	shalt  }
0x7e: {  	_ =	shalt  }
0x7f: {  	_ =	shalt  }
0x80: {  	_ =	shalt  }
0x81: {  	_ =	shalt  }
0x82: {  	_ =	shalt  }
0x83: {  	_ =	shalt  }
0x84: {  	_ =	shalt  }
0x85: {  	_ =	shalt  }
0x86: {  	_ =	shalt  }
0x87: {  	_ =	shalt  }
.Lfunc_end0:
.L_simem_size_0:
called_computation.1_lowered:
.L_overlay_start_0:
0x88: {  	s2 =	sld [smem:$0x3FD9]  }
0x89: {  	s3 =	sld [smem:$0x3FFE];
	_ =	sdelay $0x1  }
0x8a: {  	s1 =	srdreg.scid  }
0x8b: {  	s0 =	sand.u32 $0x1, s1  }
0x8c: {  	s16 =	sshll.u32 s0, $0xA;
	s2 =	sadd.s32 s3, s2  }
0x8d: {  	s2 =	sadd.s32 s2, s16  }
0x8e: {  	[smem:$0x3FBB] =	sst s2  }
0x8f: {  	_ = 	snop  }
0x90: {  	(tm) =	ssettm $0x1  }
0x91: {  	s17 =	sld [smem:$0x3FFB];
	_ =	sdelay $0x3  }
0x92: {  	_ =	strace s17  }
0x93: {  	s2 =	sld [smem:$0x3FFC];
	_ =	sdelay $0x3  }
0x94: {  	_ =	strace s2  }
0x95: {  	s2 =	sld [smem:$0x3FFD];
	_ =	sdelay $0x3  }
0x96: {  	_ =	strace s2  }
0x97: {  	_ =	strace $0x8FFFFFFF  }
0x98: {  	s18 =	sld [smem:$0x3FDB];
	_ =	sdelay $0x1  }
0x99: {  	s19 =	simm.s32 $_scs_section_size  }
0x9a: {  	s4 =	simm.s32 $_size__tile_overlayer_lowered;
	s5 =	simm.s32 $_tile_overlayer_lowered  }
0x9b: {  	s22 =	simm.s32 $0x1BFF;
	s21 =	sshll.u32 s5, $0x1;
	s2 =	sadd.s32 s19, s18  }
0x9c: {  	s6 =	simm.s32 $0x0;
	s20 =	sshll.u32 s4, $0x1;
	s4 =	sadd.s32 s21, s2  }
0x9d: {  	[timem:s6], [sflag:s22] =	dma.local [hbm:s4], s20  }
0x9e: {  	_ =	swait.ge [sflag:s22], s20  }
0x9f: {  	s3 =	ssub.s32 $0x0, s20;
	[sflag:s22] =	ssyncset.done $0x0  }
0xa0: {  	[sflag:s22] =	ssyncadd.s32 s3;
	_ =	sdelay $0x1  }
0xa1: {  	s23 =	simm.s32 $0x1B8B  }
0xa2: {  	_ =	swait.ge [sflag:s23], $0x1  }
0xa3: {  	[sflag:s23] =	ssyncset.done $0x0  }
0xa4: {  	s25 =	simm.s32 $0x1B8E;
	s24 =	sld [smem:$0x3FFE];
	[sflag:s23] =	ssyncadd.s32 $0xFFFFFFFF  }
0xa5: {  	s26 =	simm.s32 $execute0_lowered;
	[smem:$0x3FD2] =	sst s25  }
0xa6: {  	s4 =	sshll.u32 s26, $0x1;
	_ =	strace $0x80000049;
	[dreg:$0x1] =	wrdreg $0xFFFFFFFF  }
0xa7: {  	s28 =	simm.s32 $_size_execute0_lowered;
	s2 =	sadd.s32 s2, s4;
	[dreg:$0x0] =	wrdreg $0x0  }
0xa8: {  	s4 =	sshll.u32 s28, $0x1;
	[dreg:$0x2] =	wrdreg s2  }
0xa9: {  	[dreg:$0x3] =	wrdreg s4  }
0xaa: {  	[dreg:$0x4] =	wrdreg $0xC0  }
0xab: {  	_ =	task [dreg:s6], $0x5FFFF  }
0xac: {  	[dreg:$0x1] =	wrdreg $0xFFFFFFFF  }
0xad: {  	[dreg:$0x0] =	wrdreg $0x60  }
0xae: {  	[dreg:$0x2] =	wrdreg s24  }
0xaf: {  	[dreg:$0x3] =	wrdreg $0x113000  }
0xb0: {  	[dreg:$0x4] =	wrdreg $0x163000  }
0xb1: {  	[dreg:$0x5] =	wrdreg $0x9  }
0xb2: {  	_ =	task.clear_ibuf [dreg:s6], $0x6FFFF;
	_ =	strace $0x90000049  }
0xb3: {  	s29 =	simm.s32 $0x9;
	_ =	strace $0x8000004B  }
0xb4: {  	_ =	swait.ge [sflag:s29], $0x1  }
0xb5: {  	[sflag:s29] =	ssyncadd.s32 $0xFFFFFFFF  }
0xb6: {  	_ =	strace $0x9000004B  }
0xb7: {  	_ =	sfence  }
0xb8: {  	s30 =	sld [smem:$0x0];
	_ =	sdelay $0x2  }
0xb9: {  	s31 =	sshll.u32 s1, $0xD;
	s1 =	sshrl.u32 s1, $0x2  }
0xba: {  	s3 =	sand.u32 $0x4000, s31;
	s1 =	sadd.s32 s1, s30  }
0xbb: {  	s0 =	sor.u32 s3, s0;
	s1 =	sshll.u32 s1, $0x11  }
0xbc: {  	s0 =	sor.u32 s1, s0  }
0xbd: {  	s0 =	sadd.s32 $0x8F2B, s0  }
0xbe: {  	[sflag:s0] =	ssyncadd.remote.s32 $0x1  }
0xbf: {  	_ =	sfence.sel $0xFFFF  }
0xc0: {  	[dreg:$0x0] =	wrdreg $0xFFFFFFFF;
	(pc) =	sbr.abs _section_cstart, $3  }
0xc1: {  	[dreg:$0x1] =	wrdreg $0xFFFFFFFF  }
0xc2: {  	_ =	task.clear_ibuf [dreg:s6], $0x2FFFF;
	_ =	strace $0x9FFFFFFF  }
0xc3: {  	(tm) =	ssettm $0x7FFFFFFF  }
tec
execute0_lowered:
.L_overlay_start_1:
0x0: {  	(tag) =	ssettag $0x1  }
0x1: {  	s0 =	rddreg [dreg:$0x0]  }
0x2: {  	s1 =	rddreg [dreg:$0x1]  }
0x3: {  	s2 =	srdreg.scid;
	s3 =	rddreg [dreg:$0x2]  }
0x4: {  	s4 =	simm.s32 $0x0;
	s9 =	stileid.u32;
	s14 =	simm.s32 $0x5000  }
0x5: {  	s28 =	simm.s32 $0xF200;
	s29 =	simm.s32 $0xF300;
	s30 =	simm.s32 $0x80  }
0x6: {  	s2 =	sand.u32 $0x1, s2;
	[smem:$0x7FF] =	sst s4;
	s7 =	smul.u32 $0xA20, s9  }
0x7: {  	s8 =	smul.u32 $0x5000, s9;
	s10 =	sadd.s32 $0x2E00, s0;
	s15 =	sadd.s32 $0x3400, s0  }
0x8: {  	s11 =	smul.u32 $0x280, s9;
	_ =	strace $0x8000004A;
	[dreg:$0x4] =	wrdreg s10  }
0x9: {  	s31 =	simm.s32 $0x10300;
	s5 =	smul.u32 $0x50000, s2;
	[dreg:$0x5] =	wrdreg s15  }
0xa: {  	s16 =	ssub.s32 $0x2, s2;
	p0 =	sne.s32 s2, $0x0;
	s2 =	simm.s32 $0x3  }
0xb: {  	s7 =	sadd.s32 s7, s0;
	s17 =	sshrl.u32 s11, $0x3;
	s12 =	sshrl.u32 s16, $0x1  }
0xc: {  	s19 =	sadd.s32 $0x80, s11;
	s9 =	sadd.s32 s8, s1;
	s13 =	sadd.s32 $0x100, s11  }
0xd: {  	s10 =	sadd.s32 s11, s3;
	s23 =	sadd.s32 $0x180, s11;
	s11 =	sadd.s32 $0x200, s11  }
0xe: {  	s6 =	sshrl.u32 s5, $0x3;
	s5 =	sadd.s32 s8, s5;
	s12 =	ssub.s32 s16, s12  }
0xf: {  	s18 =	sadd.s32 $0x2BA00, s7;
	s7 =	sadd.s32 $0x35C00, s7;
	s20 =	sshll.u32 s19, $0x5  }
0x10: {  	s21 =	sshll.u32 s13, $0x5;
	s24 =	sadd.s32 s13, s3;
	s25 =	sshll.u32 s23, $0x5  }
0x11: {  	s26 =	sshll.u32 s11, $0x5;
	s6 =	sadd.s32 s6, s0;
	[dreg:$0x6] =	wrdreg s18  }
0x12: {  	s5 =	sshrl.u32 s5, $0x3;
	[dreg:$0x7] =	wrdreg s7;
	s8 =	sadd.s32 s20, s1  }
0x13: {  	s7 =	sadd.s32 s19, s3;
	s22 =	sadd.s32 s21, s1;
	[dreg:$0xb] =	wrdreg s24  }
0x14: {  	s18 =	sadd.s32 s11, s3;
	s24 =	simm.s32 $0x2800;
	[dreg:$0x8] =	wrdreg s8  }
0x15: {  	v0 =	vimm.s32 $0x1;
	s5 =	sadd.s32 s5, s0;
	s0 =	sadd.s32 s17, s0;
	[dreg:$0x9] =	wrdreg s7  }
0x16: {  	v1 =	vimm.s32 $0x2;
	v2 =	vimm.s32 $0x3;
	v3 =	vimm.s32 $0x4;
	[dreg:$0xa] =	wrdreg s22;
	s8 =	sadd.s32 s25, s1;
	s7 =	sadd.s32 s23, s3  }
0x17: {  	v4 =	vimm.s32 $0x5;
	v5 =	vimm.s32 $0x6;
	v6 =	vimm.s32 $0x7;
	s19 =	sadd.s32 $0x3A00, s6;
	s22 =	smax.u32 s12, $0x1;
	[dreg:$0xc] =	wrdreg s8  }
0x18: {  	v7 =	vimm.s32 $0x8;
	v8 =	vimm.s32 $0x9;
	v9 =	vimm.s32 $0xA;
	s23 =	simm.s32 $0x5;
	s6 =	simm.s32 $0x1;
	[dreg:$0xd] =	wrdreg s7  }
0x19: {  	v10 =	vimm.s32 $0xB;
	v11 =	vimm.s32 $0xC;
	v12 =	vimm.s32 $0xD;
	s7 =	sadd.s32 s26, s1;
	s20 =	sadd.s32 $0x17A00, s5;
	s21 =	sadd.s32 $0x3FE00, s0  }
0x1a: {  	v13 =	vimm.s32 $0xE;
	v16 =	vimm.s32 $0x0;
	vm0 =	vcmask $0x300;
	s26 =	simm.s32 $0xA100;
	s0 =	simm.s32 $0xF280;
	s5 =	simm.s32 $0x4  }
0x1b: {  	v14 =	vimm.s32 $0xF;
	v15 =	vimm.f32 $0.0e+00;
	v16 =	vsel vm0, $0x3, v16;
	s8 =	simm.s32 $0x0;
	[dreg:$0xe] =	wrdreg s7;
	s7 =	simm.s32 $0x2  }
.LBB2_1:
0x1c: {  	s11 =	rddreg [dreg:$0x4]  }
0x1d: {  	[tilespmem:s4], [sflag:$0x5] =	stream.linear.gather [hbm4b:s11+s4], $0x2800, $0x38;
	[tilespmem:$0x16580] =	vst v63  }
0x1e: {  	_ =	swait.ge [sflag:s23], $0x2800  }
0x1f: {  	[sflag:s23] =	ssyncset.done $0x0  }
0x20: {  	s16 =	rddreg [dreg:$0x5];
	[sflag:s23] =	ssyncadd.s32 $0xFFFFD800  }
0x21: {  	[tilespmem:s24], [sflag:$0x5] =	stream.linear.gather [hbm4b:s16+s4], $0x2800, $0x38;
	[tilespmem:$0x16580] =	vst v63  }
0x22: {  	_ =	swait.ge [sflag:s23], $0x2800  }
0x23: {  	[sflag:s23] =	ssyncset.done $0x0  }
0x24: {  	s17 =	rddreg [dreg:$0x6];
	[sflag:s23] =	ssyncadd.s32 $0xFFFFD800  }
0x25: {  	[tilespmem:s14], [sflag:$0x5] =	stream.linear.gather [hbm4b:s17+s4], $0x5100, $0x38;
	[tilespmem:$0x16580] =	vst v63  }
0x26: {  	_ =	swait.ge [sflag:s23], $0x5100  }
0x27: {  	[sflag:s23] =	ssyncset.done $0x0  }
0x28: {  	s25 =	rddreg [dreg:$0x7];
	[sflag:s23] =	ssyncadd.s32 $0xFFFFAF00  }
0x29: {  	[tilespmem:s26], [sflag:$0x5] =	stream.linear.gather [hbm4b:s25+s4], $0x5100, $0x38;
	[tilespmem:$0x16580] =	vst v63  }
0x2a: {  	_ =	swait.ge [sflag:s23], $0x5100  }
0x2b: {  	[sflag:s23] =	ssyncset.done $0x0  }
0x2c: {  	s12 =	simm.s32 $0x0;
	[sflag:s23] =	ssyncadd.s32 $0xFFFFAF00  }
0x2d: {  	v17 =	vimm.f32 $-3.000000010e+38;
	s11 =	simm.s32 $0x40;
	v18 =	vld [tilespmem:s12+$0x0]  }
.LBB2_2:
0x2e: {  	p1 =	sne.s32 s11, $0x9FC0  }
.Ltmp0:
0x2f: {  	_ = 	snop;
	(pc) =	sbr.rel @p1 .LBB2_2-.Ltmp0, $3  }
0x30: {  	_ =	sdelay $0x1  }
0x31: {  	s12 =	sshra.s32 s11, $0x2;
	s11 =	sadd.s32 $0x40, s11;
	v17 =	vmax.f32 v17, v18  }
0x32: {  	v18 =	vld [tilespmem:s12+$0x0]  }
0x33: {  	_ =	sdelay $0x3  }
0x34: {  	v17 =	vmax.f32 v17, v18  }
0x35: {  	[tilespmem:$0xF200] =	vst v17  }
0x36: {  	v31 =	vld.msk [tilespmem:s28+$0x0], $0xffff  }
0x37: {  	v32 =	vld.idx.msk [tilespmem:v0+s28+$0x0], $0xffff  }
0x38: {  	v30 =	vld.idx.msk [tilespmem:v1+s28+$0x0], $0xffff  }
0x39: {  	v29 =	vld.idx.msk [tilespmem:v2+s28+$0x0], $0xffff  }
0x3a: {  	v28 =	vld.idx.msk [tilespmem:v3+s28+$0x0], $0xffff  }
0x3b: {  	v27 =	vld.idx.msk [tilespmem:v4+s28+$0x0], $0xffff  }
0x3c: {  	v26 =	vld.idx.msk [tilespmem:v5+s28+$0x0], $0xffff  }
0x3d: {  	v25 =	vld.idx.msk [tilespmem:v6+s28+$0x0], $0xffff  }
0x3e: {  	v24 =	vld.idx.msk [tilespmem:v7+s28+$0x0], $0xffff  }
0x3f: {  	v23 =	vld.idx.msk [tilespmem:v8+s28+$0x0], $0xffff  }
0x40: {  	v22 =	vld.idx.msk [tilespmem:v9+s28+$0x0], $0xffff  }
0x41: {  	v21 =	vld.idx.msk [tilespmem:v10+s28+$0x0], $0xffff  }
0x42: {  	v20 =	vld.idx.msk [tilespmem:v11+s28+$0x0], $0xffff  }
0x43: {  	v19 =	vld.idx.msk [tilespmem:v12+s28+$0x0], $0xffff  }
0x44: {  	v18 =	vld.idx.msk [tilespmem:v13+s28+$0x0], $0xffff  }
0x45: {  	s12 =	simm.s32 $0x0;
	v17 =	vld.idx.msk [tilespmem:v14+s28+$0x0], $0xffff  }
0x46: {  	v33 =	vimm.f32 $-3.000000010e+38;
	s11 =	simm.s32 $0x40;
	v34 =	vld [tilespmem:s12+$0x2800]  }
.LBB2_4:
0x47: {  	p1 =	sne.s32 s11, $0x9FC0  }
.Ltmp1:
0x48: {  	_ = 	snop;
	(pc) =	sbr.rel @p1 .LBB2_4-.Ltmp1, $3  }
0x49: {  	_ =	sdelay $0x1  }
0x4a: {  	s12 =	sshra.s32 s11, $0x2;
	s11 =	sadd.s32 $0x40, s11;
	v33 =	vmax.f32 v33, v34  }
0x4b: {  	v34 =	vld [tilespmem:s12+$0x2800]  }
0x4c: {  	_ =	sdelay $0x3  }
0x4d: {  	v33 =	vmax.f32 v33, v34  }
0x4e: {  	[tilespmem:$0xF200] =	vst v33  }
0x4f: {  	v47 =	vld.msk [tilespmem:s28+$0x0], $0xffff  }
0x50: {  	v48 =	vld.idx.msk [tilespmem:v0+s28+$0x0], $0xffff  }
0x51: {  	v46 =	vld.idx.msk [tilespmem:v1+s28+$0x0], $0xffff  }
0x52: {  	v45 =	vld.idx.msk [tilespmem:v2+s28+$0x0], $0xffff  }
0x53: {  	v44 =	vld.idx.msk [tilespmem:v3+s28+$0x0], $0xffff  }
0x54: {  	v43 =	vld.idx.msk [tilespmem:v4+s28+$0x0], $0xffff  }
0x55: {  	v42 =	vld.idx.msk [tilespmem:v5+s28+$0x0], $0xffff  }
0x56: {  	v41 =	vld.idx.msk [tilespmem:v6+s28+$0x0], $0xffff  }
0x57: {  	v40 =	vld.idx.msk [tilespmem:v7+s28+$0x0], $0xffff  }
0x58: {  	v39 =	vld.idx.msk [tilespmem:v8+s28+$0x0], $0xffff  }
0x59: {  	v38 =	vld.idx.msk [tilespmem:v9+s28+$0x0], $0xffff  }
0x5a: {  	v37 =	vld.idx.msk [tilespmem:v10+s28+$0x0], $0xffff  }
0x5b: {  	v36 =	vld.idx.msk [tilespmem:v11+s28+$0x0], $0xffff  }
0x5c: {  	v35 =	vld.idx.msk [tilespmem:v12+s28+$0x0], $0xffff  }
0x5d: {  	v34 =	vld.idx.msk [tilespmem:v13+s28+$0x0], $0xffff  }
0x5e: {  	s12 =	simm.s32 $0x80;
	s11 =	simm.s32 $0x0;
	v33 =	vld.idx.msk [tilespmem:v14+s28+$0x0], $0xffff  }
.LBB2_6:
0x5f: {  	p1 =	sne.s32 s12, $0x3F80;
	[tilespmem:s11+$0x10310] =	vst v15;
	s13 =	smov.u32 s12;
	s12 =	sadd.s32 $0x80, s12  }
.Ltmp2:
0x60: {  	[tilespmem:s11+$0xF310] =	vst v15;
	(pc) =	sbr.rel @p1 .LBB2_6-.Ltmp2, $3  }
0x61: {  	[tilespmem:s11+$0xF300] =	vst v15  }
0x62: {  	[tilespmem:s11+$0x10300] =	vst v15;
	_ =	sdelay $0x1  }
0x63: {  	s11 =	sshra.s32 s13, $0x2  }
0x64: {  	[tilespmem:s11+$0x10310] =	vst v15  }
0x65: {  	[tilespmem:s11+$0xF310] =	vst v15  }
0x66: {  	[tilespmem:s11+$0xF300] =	vst v15  }
0x67: {  	[tilespmem:s11+$0x10300] =	vst v15  }
0x68: {  	[tilespmem:$0xF200] =	vst v15  }
0x69: {  	[tilespmem:$0xF280] =	vst v15  }
0x6a: {  	[tilespmem:$0xF210] =	vst v15  }
0x6b: {  	[tilespmem:$0xF290] =	vst v15  }
0x6c: {  	[tilespmem:$0xF220] =	vst v15  }
0x6d: {  	[tilespmem:$0xF2A0] =	vst v15  }
0x6e: {  	[tilespmem:$0xF230] =	vst v15  }
0x6f: {  	[tilespmem:$0xF2B0] =	vst v15  }
0x70: {  	[tilespmem:$0xF240] =	vst v15  }
0x71: {  	[tilespmem:$0xF2C0] =	vst v15  }
0x72: {  	[tilespmem:$0xF250] =	vst v15  }
0x73: {  	[tilespmem:$0xF2D0] =	vst v15  }
0x74: {  	[tilespmem:$0xF260] =	vst v15  }
0x75: {  	[tilespmem:$0xF2E0] =	vst v15  }
0x76: {  	[tilespmem:$0xF270] =	vst v15  }
0x77: {  	[tilespmem:$0xF2F0] =	vst v15  }
0x78: {  	[spmem:s9] =	stream.linear.scatter [tilespmem:s29], [sflag:$0x5], $0x1000, $0x38;
	[tilespmem:$0x16580] =	vst v63  }
0x79: {  	_ =	swait.ge [sflag:s23], $0x1000  }
0x7a: {  	[sflag:s23] =	ssyncset.done $0x0  }
0x7b: {  	[sflag:s23] =	ssyncadd.s32 $0xFFFFF000  }
0x7c: {  	[spmem:s10] =	stream.linear.scatter [tilespmem:s28], [sflag:$0x5], $0x80, $0x38;
	[tilespmem:$0x16580] =	vst v63  }
0x7d: {  	_ =	swait.ge [sflag:s23], $0x80  }
0x7e: {  	[sflag:s23] =	ssyncset.done $0x0  }
0x7f: {  	s25 =	rddreg [dreg:$0x8];
	[sflag:s23] =	ssyncadd.s32 $0xFFFFFF80  }
0x80: {  	[spmem:s25] =	stream.linear.scatter [tilespmem:s29], [sflag:$0x5], $0x1000, $0x38;
	[tilespmem:$0x16580] =	vst v63  }
0x81: {  	_ =	swait.ge [sflag:s23], $0x1000  }
0x82: {  	[sflag:s23] =	ssyncset.done $0x0  }
0x83: {  	s12 =	rddreg [dreg:$0x9];
	[sflag:s23] =	ssyncadd.s32 $0xFFFFF000  }
0x84: {  	[spmem:s12] =	stream.linear.scatter [tilespmem:s28], [sflag:$0x5], $0x80, $0x38;
	[tilespmem:$0x16580] =	vst v63  }
0x85: {  	_ =	swait.ge [sflag:s23], $0x80  }
0x86: {  	[sflag:s23] =	ssyncset.done $0x0  }
0x87: {  	s13 =	rddreg [dreg:$0xa];
	[sflag:s23] =	ssyncadd.s32 $0xFFFFFF80  }
0x88: {  	[spmem:s13] =	stream.linear.scatter [tilespmem:s29], [sflag:$0x5], $0x1000, $0x38;
	[tilespmem:$0x16580] =	vst v63  }
0x89: {  	_ =	swait.ge [sflag:s23], $0x1000  }
0x8a: {  	[sflag:s23] =	ssyncset.done $0x0  }
0x8b: {  	s15 =	rddreg [dreg:$0xb];
	[sflag:s23] =	ssyncadd.s32 $0xFFFFF000  }
0x8c: {  	[spmem:s15] =	stream.linear.scatter [tilespmem:s28], [sflag:$0x5], $0x80, $0x38;
	[tilespmem:$0x16580] =	vst v63  }
0x8d: {  	_ =	swait.ge [sflag:s23], $0x80  }
0x8e: {  	[sflag:s23] =	ssyncset.done $0x0  }
0x8f: {  	s16 =	rddreg [dreg:$0xc];
	[sflag:s23] =	ssyncadd.s32 $0xFFFFFF80  }
0x90: {  	[spmem:s16] =	stream.linear.scatter [tilespmem:s29], [sflag:$0x5], $0x1000, $0x38;
	[tilespmem:$0x16580] =	vst v63  }
0x91: {  	_ =	swait.ge [sflag:s23], $0x1000  }
0x92: {  	[sflag:s23] =	ssyncset.done $0x0  }
0x93: {  	s17 =	rddreg [dreg:$0xd];
	[sflag:s23] =	ssyncadd.s32 $0xFFFFF000  }
0x94: {  	[spmem:s17] =	stream.linear.scatter [tilespmem:s28], [sflag:$0x5], $0x80, $0x38;
	[tilespmem:$0x16580] =	vst v63  }
0x95: {  	_ =	swait.ge [sflag:s23], $0x80  }
0x96: {  	[sflag:s23] =	ssyncset.done $0x0  }
0x97: {  	s25 =	rddreg [dreg:$0xe];
	[sflag:s23] =	ssyncadd.s32 $0xFFFFFF80  }
0x98: {  	[spmem:s25] =	stream.linear.scatter [tilespmem:s29], [sflag:$0x5], $0x1000, $0x38;
	[tilespmem:$0x16580] =	vst v63  }
0x99: {  	_ =	swait.ge [sflag:s23], $0x1000  }
0x9a: {  	[sflag:s23] =	ssyncset.done $0x0  }
0x9b: {  	v31 =	vmax.f32 v31, v32;
	v51 =	vmax.f32 v47, v48;
	[sflag:s23] =	ssyncadd.s32 $0xFFFFF000  }
0x9c: {  	v30 =	vmax.f32 v31, v30;
	v52 =	vmax.f32 v51, v46;
	[spmem:s18] =	stream.linear.scatter [tilespmem:s28], [sflag:$0x5], $0x80, $0x38;
	[tilespmem:$0x16580] =	vst v63  }
0x9d: {  	v29 =	vmax.f32 v30, v29;
	v53 =	vmax.f32 v52, v45;
	_ =	swait.ge [sflag:s23], $0x80  }
0x9e: {  	v28 =	vmax.f32 v29, v28;
	v54 =	vmax.f32 v53, v44;
	[sflag:s23] =	ssyncset.done $0x0  }
0x9f: {  	v27 =	vmax.f32 v28, v27;
	v55 =	vmax.f32 v54, v43;
	[sflag:s23] =	ssyncadd.s32 $0xFFFFFF80  }
0xa0: {  	v26 =	vmax.f32 v27, v26;
	v56 =	vmax.f32 v55, v42;
	[bflag:$0x0] =	sbarrier.arrive $0xFFFF  }
0xa1: {  	v25 =	vmax.f32 v26, v25;
	v57 =	vmax.f32 v56, v41;
	[spmem:s1] =	stream.indirect.scatter.add.f32 [tilespmem:s29], [sflag:$0x3], $0x20, s26, s30, $0xb8;
	[tilespmem:$0x16580] =	vst v63  }
0xa2: {  	v24 =	vmax.f32 v25, v24;
	v58 =	vmax.f32 v57, v40  }
0xa3: {  	v23 =	vmax.f32 v24, v23;
	v59 =	vmax.f32 v58, v39;
	[spmem:s3] =	stream.indirect.scatter.add.f32 [tilespmem:s28], [sflag:$0x3], $0x1, s26, s30, $0xb8;
	[tilespmem:$0x16580] =	vst v63  }
0xa4: {  	v22 =	vmax.f32 v23, v22;
	v60 =	vmax.f32 v59, v38  }
0xa5: {  	v21 =	vmax.f32 v22, v21;
	v61 =	vmax.f32 v60, v37;
	[spmem:s1] =	stream.indirect.scatter.add.f32 [tilespmem:s31], [sflag:$0x4], $0x20, s26, s30, $0xb8;
	[tilespmem:$0x16580] =	vst v63  }
0xa6: {  	v20 =	vmax.f32 v21, v20;
	v62 =	vmax.f32 v61, v36  }
0xa7: {  	v19 =	vmax.f32 v20, v19;
	v63 =	vmax.f32 v62, v35;
	[spmem:s3] =	stream.indirect.scatter.add.f32 [tilespmem:s0], [sflag:$0x4], $0x1, s26, s30, $0xb8;
	[tilespmem:$0x16580] =	vst v63  }
0xa8: {  	v18 =	vmax.f32 v19, v18;
	v19 =	vmax.f32 v63, v34;
	_ =	swait.ge [sflag:s2], $0x1000  }
0xa9: {  	v17 =	vmax.f32 v18, v17;
	v18 =	vmax.f32 v19, v33;
	[sflag:s2] =	ssyncset.done $0x0  }
0xaa: {  	v17 =	vadd.f32 v18, v17;
	[sflag:s2] =	ssyncadd.s32 $0xFFFFF000  }
0xab: {  	_ =	swait.ge [sflag:s2], $0x80  }
0xac: {  	v18 =	vmul.f32 $2.000000030e-01, v17;
	[sflag:s2] =	ssyncset.done $0x0  }
0xad: {  	s11 =	simm.s32 $0x0;
	[sflag:s2] =	ssyncadd.s32 $0xFFFFFF80  }
0xae: {  	v17 =	vmax.f32 v17, v18;
	[tilespmem:s29], [sflag:$0x1] =	stream.indirect.gather [hbm4b:s19+s30], $0x20, s14, s30, $0xb8;
	[tilespmem:$0x16580] =	vst v63  }
.LBB2_8:
0xaf: {  	_ =	swait.ge [sflag:s5], $0x1000  }
0xb0: {  	[sflag:s5] =	ssyncset.done $0x0  }
0xb1: {  	[sflag:s5] =	ssyncadd.s32 $0xFFFFF000  }
0xb2: {  	_ =	swait.ge [sflag:s5], $0x80  }
0xb3: {  	s13 =	sshll.u32 s11, $0x8;
	[sflag:s5] =	ssyncset.done $0x0  }
0xb4: {  	s12 =	sadd.s32 $0x5080, s13;
	[sflag:s5] =	ssyncadd.s32 $0xFFFFFF80  }
0xb5: {  	[tilespmem:s31], [sflag:$0x2] =	stream.indirect.gather [hbm4b:s19+s30], $0x20, s12, s30, $0xb8;
	[tilespmem:$0x16580] =	vst v63  }
0xb6: {  	p1 =	por $0x1, $0x1;
	s14 =	simm.s32 $0x0;
	s12 =	sor.u32 $0x80, s13  }
.LBB2_9:
0xb7: {  	s15 =	sor.u32 s13, s14  }
0xb8: {  	v18 =	vld [tilespmem:s15+$0x5000]  }
0xb9: {  	v19 =	vld [tilespmem:s15+$0xA100];
	s16 =	sor.u32 $0x10, s15  }
0xba: {  	v20 =	vld [tilespmem:s16+$0x5000]  }
0xbb: {  	s25 =	sor.u32 $0x20, s15;
	v21 =	vld [tilespmem:s16+$0xA100]  }
0xbc: {  	v22 =	vld [tilespmem:s25+$0x5000]  }
0xbd: {  	s15 =	sor.u32 $0x30, s15;
	v23 =	vld [tilespmem:s25+$0xA100]  }
0xbe: {  	v24 =	vld [tilespmem:s15+$0x5000]  }
0xbf: {  	v25 =	vld [tilespmem:s15+$0xA100]  }
0xc0: {  	v18 =	vld.idx.msk [tilespmem:v18+s4+$0x0], $0xffff  }
0xc1: {  	v19 =	vld.idx.msk [tilespmem:v19+s24+$0x0], $0xffff  }
0xc2: {  	v20 =	vld.idx.msk [tilespmem:v20+s4+$0x0], $0xffff  }
0xc3: {  	v21 =	vld.idx.msk [tilespmem:v21+s24+$0x0], $0xffff  }
0xc4: {  	v22 =	vld.idx.msk [tilespmem:v22+s4+$0x0], $0xffff  }
0xc5: {  	v23 =	vld.idx.msk [tilespmem:v23+s24+$0x0], $0xffff  }
0xc6: {  	v24 =	vld.idx.msk [tilespmem:v24+s4+$0x0], $0xffff  }
0xc7: {  	v25 =	vld.idx.msk [tilespmem:v25+s24+$0x0], $0xffff;
	_ =	sdelay $0x1  }
0xc8: {  	v18 =	vadd.f32 v19, v18  }
0xc9: {  	v19 =	vadd.f32 v21, v20  }
0xca: {  	v57 =	vadd.f32 v23, v22;
	v58 =	vmul.f32 $2.000000030e-01, v18  }
0xcb: {  	v59 =	vadd.f32 v25, v24;
	v60 =	vmul.f32 $2.000000030e-01, v19  }
0xcc: {  	v61 =	vmul.f32 $2.000000030e-01, v57;
	v18 =	vmax.f32 v18, v58  }
0xcd: {  	v62 =	vmul.f32 $2.000000030e-01, v59;
	v18 =	vsub.f32 v18, v17;
	v19 =	vmax.f32 v19, v60  }
0xce: {  	v20 =	vmax.f32 v57, v61;
	v19 =	vsub.f32 v19, v17  }
0xcf: {  	v63 =	vmax.f32 v59, v62;
	v20 =	vsub.f32 v20, v17;
	v18 =	vmul.f32 $1.442695020e+00, v18  }
0xd0: {  	v21 =	vsub.f32 v63, v17;
	v19 =	vmul.f32 $1.442695020e+00, v19  }
0xd1: {  	(erf) = vpow2.f32 v18;
	v18 =	vmul.f32 $1.442695020e+00, v20  }
0xd2: {  	(erf) = vpow2.f32 v19;
	v19 =	vmul.f32 $1.442695020e+00, v21  }
0xd3: {  	(erf) = vpow2.f32 v18  }
0xd4: {  	(erf) = vpow2.f32 v19;
	_ =	sdelay $0x4  }
0xd5: {  	p2 =	por p1, p1  }
.Ltmp3:
0xd6: {  	v18 =	vpop (erf);
	(pc) =	sbr.rel @p2 .LBB2_9-.Ltmp3, $4  }
0xd7: {  	v19 =	vpop (erf);
	[tilespmem:s14+$0xF200] =	vst v18  }
0xd8: {  	v18 =	vpop (erf);
	[tilespmem:s14+$0xF210] =	vst v19  }
0xd9: {  	[tilespmem:s14+$0xF220] =	vst v18;
	v18 =	vpop (erf)  }
0xda: {  	p1 =	por $0x0, $0x0;
	[tilespmem:s14+$0xF230] =	vst v18;
	s14 =	simm.s32 $0x40  }
0xdb: {  	s14 =	simm.s32 $0x0;
	s25 =	simm.s32 $0x1  }
0xdc: {  	s15 =	simm.s32 $0x2;
	s16 =	simm.s32 $0x3;
	s17 =	simm.s32 $0x5;
	v18 =	vmov s14;
	v19 =	vmov s25  }
0xdd: {  	s14 =	simm.s32 $0x4;
	v20 =	vmov s15;
	v21 =	vmov s16;
	v23 =	vmov s17  }
0xde: {  	s25 =	simm.s32 $0x6;
	v18 =	vshrl.u32 v18, $0x3;
	v22 =	vmov s14;
	v19 =	vshrl.u32 v19, $0x3  }
0xdf: {  	v24 =	vmov s25;
	v20 =	vshrl.u32 v20, $0x3;
	v19 =	vshll.u32 v19, v16  }
0xe0: {  	s17 =	simm.s32 $0x7;
	v21 =	vshrl.u32 v21, $0x3;
	v23 =	vshrl.u32 v23, $0x3;
	v19 =	vadd.s32 $0x1, v19  }
0xe1: {  	_ =	swait.ge [sflag:s6], $0x1000;
	v25 =	vmov s17;
	v22 =	vshrl.u32 v22, $0x3;
	v19 =	vbroadcast v19, $0x0  }
0xe2: {  	[sflag:s6] =	ssyncset.done $0x0;
	v18 =	vshll.u32 v18, v16;
	v20 =	vshll.u32 v20, v16;
	v22 =	vshll.u32 v22, v16  }
0xe3: {  	[sflag:s6] =	ssyncadd.s32 $0xFFFFF000;
	s14 =	simm.s32 $0xF380;
	v21 =	vshll.u32 v21, v16;
	v18 =	vbroadcast v18, $0x0;
	v22 =	vadd.s32 $0x4, v22  }
0xe4: {  	v31 =	vld [tilespmem:s14+$0xFFFFFF80];
	v20 =	vadd.s32 $0x2, v20;
	v26 =	vbroadcast v22, $0x0;
	v22 =	vshrl.u32 v25, $0x3  }
0xe5: {  	v35 =	vld [tilespmem:s14+$0xFFFFFF90];
	v21 =	vadd.s32 $0x3, v21;
	v20 =	vbroadcast v20, $0x0;
	v22 =	vshll.u32 v22, v16  }
0xe6: {  	v23 =	vshll.u32 v23, v16;
	v36 =	vld [tilespmem:s14+$0xFFFFFFA0];
	v21 =	vbroadcast v21, $0x0;
	v22 =	vadd.s32 $0x7, v22  }
0xe7: {  	v24 =	vshrl.u32 v24, $0x3;
	v23 =	vadd.s32 $0x5, v23;
	v27 =	vld.idx.msk [tilespmem:v19+s28+$0x0], $0xffff;
	v19 =	vbroadcast v22, $0x0  }
0xe8: {  	v37 =	vld [tilespmem:s14+$0xFFFFFFB0];
	v24 =	vshll.u32 v24, v16;
	v23 =	vbroadcast v23, $0x0  }
0xe9: {  	v24 =	vadd.s32 $0x6, v24;
	v25 =	vld.idx.msk [tilespmem:v18+s28+$0x0], $0xffff  }
0xea: {  	s17 =	simm.s32 $0xA;
	v18 =	vbroadcast v24, $0x0;
	v24 =	vld [tilespmem:s14+$0x70]  }
0xeb: {  	v28 =	vmov s17;
	s17 =	simm.s32 $0xE;
	v29 =	vld.idx.msk [tilespmem:v20+s28+$0x0], $0xffff  }
0xec: {  	v34 =	vmov s17;
	v28 =	vshrl.u32 v28, $0x3;
	v22 =	vld.idx.msk [tilespmem:v21+s28+$0x0], $0xffff  }
0xed: {  	s25 =	simm.s32 $0x8;
	v34 =	vshrl.u32 v34, $0x3;
	v28 =	vshll.u32 v28, v16;
	v19 =	vld.idx.msk [tilespmem:v19+s28+$0x0], $0xffff  }
0xee: {  	s16 =	simm.s32 $0x9;
	v41 =	vshll.u32 v34, v16;
	v42 =	vadd.s32 $0x2, v28;
	v20 =	vld.idx.msk [tilespmem:v23+s28+$0x0], $0xffff;
	v23 =	vmov s25;
	s25 =	simm.s32 $0xB  }
0xef: {  	v21 =	vld.idx.msk [tilespmem:v26+s28+$0x0], $0xffff;
	v23 =	vshrl.u32 v23, $0x3;
	v26 =	vmov s16;
	v30 =	vmov s25;
	s16 =	simm.s32 $0xC;
	s25 =	simm.s32 $0xD  }
0xf0: {  	v38 =	vld [tilespmem:s14+$0xFFFFFFC0];
	v32 =	vmov s16;
	v33 =	vmov s25;
	v23 =	vshll.u32 v23, v16  }
0xf1: {  	v39 =	vld [tilespmem:s14+$0xFFFFFFD0];
	v26 =	vshrl.u32 v26, $0x3;
	v30 =	vshrl.u32 v30, $0x3;
	v31 =	vmul.f32 v31, v25  }
0xf2: {  	v40 =	vld [tilespmem:s14+$0xFFFFFFE0];
	v32 =	vshrl.u32 v32, $0x3;
	v26 =	vshll.u32 v26, v16;
	v24 =	vmul.f32 v24, v19  }
0xf3: {  	v33 =	vshrl.u32 v33, $0x3;
	v25 =	vmul.f32 v35, v25;
	v62 =	vadd.s32 $0x1, v26;
	v26 =	vld [tilespmem:s14+$0x10];
	[tilespmem:s14+$0xFFFFFF80] =	vst v31  }
0xf4: {  	v23 =	vbroadcast v23, $0x0;
	v30 =	vshll.u32 v30, v16;
	v61 =	vmul.f32 v36, v27;
	[tilespmem:s14+$0x70] =	vst v24;
	v24 =	vld [tilespmem:s14+$0xFFFFFFF0]  }
0xf5: {  	v35 =	vadd.s32 $0x3, v30;
	v30 =	vbroadcast v42, $0x0;
	v27 =	vmul.f32 v37, v27;
	[tilespmem:s14+$0xFFFFFF90] =	vst v25;
	v25 =	vld [tilespmem:s14+$0x0]  }
0xf6: {  	v32 =	vshll.u32 v32, v16;
	v18 =	vld.idx.msk [tilespmem:v18+s28+$0x0], $0xffff;
	v63 =	vmul.f32 v38, v29;
	v28 =	vbroadcast v62, $0x0;
	[tilespmem:s14+$0xFFFFFFA0] =	vst v61  }
0xf7: {  	v33 =	vshll.u32 v33, v16;
	v34 =	vmul.f32 v39, v29;
	v36 =	vmul.f32 v40, v22;
	[tilespmem:s14+$0xFFFFFFB0] =	vst v27;
	v27 =	vld [tilespmem:s14+$0x20]  }
0xf8: {  	s15 =	simm.s32 $0x10;
	s16 =	simm.s32 $0xF;
	v29 =	vld [tilespmem:s14+$0x30];
	v31 =	vadd.s32 $0x4, v32;
	v32 =	vadd.s32 $0x5, v33;
	v33 =	vadd.s32 $0x6, v41;
	[tilespmem:s14+$0xFFFFFFC0] =	vst v63  }
.LBB2_11:
0xf9: {  	p1 =	slt.u32 s15, $0x78;
	v35 =	vbroadcast v35, $0x0;
	v37 =	vmov s16;
	[tilespmem:s14+$0xFFFFFFD0] =	vst v34;
	v22 =	vmul.f32 v24, v22;
	v24 =	vld [tilespmem:s14+$0x40]  }
0xfa: {  	v31 =	vbroadcast v31, $0x0;
	v34 =	vshrl.u32 v37, $0x3;
	[tilespmem:s14+$0xFFFFFFE0] =	vst v36;
	v25 =	vmul.f32 v25, v21;
	v36 =	vld [tilespmem:s14+$0x50]  }
0xfb: {  	v32 =	vbroadcast v32, $0x0;
	v34 =	vshll.u32 v34, v16;
	[tilespmem:s14+$0xFFFFFFF0] =	vst v22;
	v21 =	vmul.f32 v26, v21;
	v26 =	vld [tilespmem:s14+$0x60]  }
0xfc: {  	v37 =	vld.idx.msk [tilespmem:v23+s28+$0x0], $0xffff;
	v23 =	vbroadcast v33, $0x0;
	v22 =	vadd.s32 $0x7, v34;
	[tilespmem:s14+$0x0] =	vst v25;
	v25 =	vmul.f32 v27, v20  }
0xfd: {  	v27 =	vld.idx.msk [tilespmem:v28+s28+$0x0], $0xffff;
	v28 =	vbroadcast v22, $0x0;
	[tilespmem:s14+$0x10] =	vst v21;
	v20 =	vmul.f32 v29, v20  }
0xfe: {  	v29 =	vld.idx.msk [tilespmem:v30+s28+$0x0], $0xffff;
	[tilespmem:s14+$0x20] =	vst v25;
	v24 =	vmul.f32 v24, v18  }
0xff: {  	v22 =	vld.idx.msk [tilespmem:v35+s28+$0x0], $0xffff;
	[tilespmem:s14+$0x30] =	vst v20;
	v18 =	vmul.f32 v36, v18  }
0x100: {  	v21 =	vld.idx.msk [tilespmem:v31+s28+$0x0], $0xffff;
	[tilespmem:s14+$0x40] =	vst v24;
	v19 =	vmul.f32 v26, v19  }
0x101: {  	v20 =	vld.idx.msk [tilespmem:v32+s28+$0x0], $0xffff;
	[tilespmem:s14+$0x50] =	vst v18  }
0x102: {  	v18 =	vld.idx.msk [tilespmem:v23+s28+$0x0], $0xffff;
	[tilespmem:s14+$0x60] =	vst v19  }
0x103: {  	v23 =	vmov s15;
	s14 =	sadd.s32 $0x100, s14;
	v19 =	vld.idx.msk [tilespmem:v28+s28+$0x0], $0xffff  }
0x104: {  	s16 =	sadd.s32 $0x1, s15;
	s25 =	sadd.s32 $0x2, s15;
	s17 =	sadd.s32 $0x3, s15;
	v23 =	vshrl.u32 v23, $0x3;
	v24 =	vld [tilespmem:s14+$0x70]  }
0x105: {  	v25 =	vmov s16;
	s16 =	sadd.s32 $0x4, s15;
	v26 =	vmov s25;
	s25 =	sadd.s32 $0x6, s15;
	v28 =	vmov s17;
	s17 =	sadd.s32 $0x5, s15;
	v30 =	vld [tilespmem:s14+$0xFFFFFF80]  }
0x106: {  	v31 =	vmov s16;
	v33 =	vmov s25;
	v32 =	vmov s17;
	v34 =	vld [tilespmem:s14+$0xFFFFFF90]  }
0x107: {  	v25 =	vshrl.u32 v25, $0x3;
	v26 =	vshrl.u32 v26, $0x3;
	v23 =	vshll.u32 v23, v16;
	v35 =	vld [tilespmem:s14+$0xFFFFFFA0]  }
0x108: {  	v31 =	vshrl.u32 v31, $0x3;
	v28 =	vshrl.u32 v28, $0x3;
	v32 =	vshrl.u32 v32, $0x3;
	v36 =	vld [tilespmem:s14+$0xFFFFFFB0]  }
0x109: {  	v33 =	vshrl.u32 v33, $0x3;
	v23 =	vbroadcast v23, $0x0;
	v38 =	vld [tilespmem:s14+$0xFFFFFFC0];
	v24 =	vmul.f32 v24, v19  }
0x10a: {  	v25 =	vshll.u32 v25, v16;
	v26 =	vshll.u32 v26, v16;
	v30 =	vmul.f32 v30, v37;
	v39 =	vld [tilespmem:s14+$0xFFFFFFD0]  }
0x10b: {  	v31 =	vshll.u32 v31, v16;
	v28 =	vshll.u32 v28, v16;
	v34 =	vmul.f32 v34, v37;
	v37 =	vld [tilespmem:s14+$0xFFFFFFE0];
	[tilespmem:s14+$0x70] =	vst v24  }
.Ltmp4:
0x10c: {  	v33 =	vshll.u32 v33, v16;
	v32 =	vshll.u32 v32, v16;
	[tilespmem:s14+$0xFFFFFF80] =	vst v30;
	v30 =	vmul.f32 v35, v27;
	v24 =	vld [tilespmem:s14+$0xFFFFFFF0];
	(pc) =	sbr.rel @p1 .LBB2_11-.Ltmp4, $4  }
0x10d: {  	v40 =	vadd.s32 $0x1, v25;
	v41 =	vadd.s32 $0x2, v26;
	[tilespmem:s14+$0xFFFFFF90] =	vst v34;
	v27 =	vmul.f32 v36, v27;
	v25 =	vld [tilespmem:s14+$0x0]  }
0x10e: {  	v31 =	vadd.s32 $0x4, v31;
	v35 =	vadd.s32 $0x3, v28;
	[tilespmem:s14+$0xFFFFFFA0] =	vst v30;
	v36 =	vmul.f32 v38, v29;
	v26 =	vld [tilespmem:s14+$0x10]  }
0x10f: {  	v32 =	vadd.s32 $0x5, v32;
	v28 =	vbroadcast v40, $0x0;
	[tilespmem:s14+$0xFFFFFFB0] =	vst v27;
	v34 =	vmul.f32 v39, v29;
	v27 =	vld [tilespmem:s14+$0x20]  }
0x110: {  	s16 =	sadd.s32 $0x7, s15;
	s15 =	sadd.s32 $0x8, s15;
	v33 =	vadd.s32 $0x6, v33;
	v30 =	vbroadcast v41, $0x0;
	[tilespmem:s14+$0xFFFFFFC0] =	vst v36;
	v36 =	vmul.f32 v37, v22;
	v29 =	vld [tilespmem:s14+$0x30]  }
0x111: {  	_ = 	snop  }
0x112: {  	v38 =	vld [tilespmem:s14+$0x40]  }
0x113: {  	v39 =	vld [tilespmem:s14+$0x50]  }
0x114: {  	v40 =	vld [tilespmem:s14+$0x60]  }
0x115: {  	v23 =	vld.idx.msk [tilespmem:v23+s28+$0x0], $0xffff  }
0x116: {  	v28 =	vld.idx.msk [tilespmem:v28+s28+$0x0], $0xffff  }
0x117: {  	s15 =	sadd.s32 $0x100, s14;
	v30 =	vld.idx.msk [tilespmem:v30+s28+$0x0], $0xffff  }
0x118: {  	v47 =	vld [tilespmem:s15+$0x70]  }
0x119: {  	v49 =	vld [tilespmem:s15+$0xFFFFFF80]  }
0x11a: {  	[tilespmem:s14+$0xFFFFFFD0] =	vst v34;
	v22 =	vmul.f32 v24, v22;
	v51 =	vld [tilespmem:s15+$0xFFFFFF90]  }
0x11b: {  	v37 =	vmov s16;
	[tilespmem:s14+$0xFFFFFFE0] =	vst v36;
	v25 =	vmul.f32 v25, v21;
	v52 =	vld [tilespmem:s15+$0xFFFFFFA0]  }
0x11c: {  	v37 =	vshrl.u32 v37, $0x3;
	v53 =	vld [tilespmem:s15+$0xFFFFFFB0];
	[tilespmem:s14+$0xFFFFFFF0] =	vst v22;
	v44 =	vmul.f32 v26, v21  }
0x11d: {  	v35 =	vbroadcast v35, $0x0;
	v54 =	vld [tilespmem:s15+$0xFFFFFFD0];
	v37 =	vshll.u32 v37, v16;
	[tilespmem:s14+$0x0] =	vst v25;
	v46 =	vmul.f32 v27, v20  }
0x11e: {  	v55 =	vld [tilespmem:s15+$0xFFFFFFE0];
	v37 =	vadd.s32 $0x7, v37;
	[tilespmem:s14+$0x10] =	vst v44;
	v48 =	vmul.f32 v29, v20  }
0x11f: {  	v56 =	vld [tilespmem:s15+$0xFFFFFFF0];
	v37 =	vbroadcast v37, $0x0;
	[tilespmem:s14+$0x20] =	vst v46;
	v50 =	vmul.f32 v38, v18  }
0x120: {  	v31 =	vbroadcast v31, $0x0;
	v58 =	vld [tilespmem:s15+$0x0];
	v18 =	vmul.f32 v39, v18;
	[tilespmem:s14+$0x30] =	vst v48  }
0x121: {  	v59 =	vld [tilespmem:s15+$0x20];
	v19 =	vmul.f32 v40, v19;
	[tilespmem:s14+$0x40] =	vst v50  }
0x122: {  	v32 =	vbroadcast v32, $0x0;
	v57 =	vmul.f32 v53, v28;
	[tilespmem:s14+$0x50] =	vst v18;
	v18 =	vld [tilespmem:s15+$0xFFFFFFC0]  }
0x123: {  	v35 =	vld.idx.msk [tilespmem:v35+s28+$0x0], $0xffff;
	[tilespmem:s14+$0x60] =	vst v19;
	v19 =	vmul.f32 v49, v23  }
0x124: {  	v33 =	vbroadcast v33, $0x0;
	v60 =	vld [tilespmem:s15+$0x30];
	v21 =	vmul.f32 v54, v30;
	[tilespmem:s15+$0xFFFFFFB0] =	vst v57  }
0x125: {  	[tilespmem:s15+$0xFFFFFF80] =	vst v19;
	v19 =	vmul.f32 v52, v28;
	v45 =	vld.idx.msk [tilespmem:v37+s28+$0x0], $0xffff  }
0x126: {  	v31 =	vld.idx.msk [tilespmem:v31+s28+$0x0], $0xffff;
	v23 =	vmul.f32 v51, v23;
	[tilespmem:s15+$0xFFFFFFD0] =	vst v21  }
0x127: {  	[tilespmem:s15+$0xFFFFFFA0] =	vst v19;
	v19 =	vld [tilespmem:s15+$0x10];
	v18 =	vmul.f32 v18, v30  }
0x128: {  	v42 =	vld.idx.msk [tilespmem:v32+s28+$0x0], $0xffff;
	[tilespmem:s15+$0xFFFFFF90] =	vst v23;
	v20 =	vmul.f32 v56, v35  }
0x129: {  	v61 =	vld [tilespmem:s15+$0x40];
	[tilespmem:s15+$0xFFFFFFC0] =	vst v18;
	v18 =	vmul.f32 v55, v35  }
0x12a: {  	v43 =	vld.idx.msk [tilespmem:v33+s28+$0x0], $0xffff;
	[tilespmem:s15+$0xFFFFFFF0] =	vst v20;
	v26 =	vmul.f32 v47, v45  }
0x12b: {  	v62 =	vld [tilespmem:s15+$0x50];
	[tilespmem:s15+$0xFFFFFFE0] =	vst v18;
	v18 =	vmul.f32 v58, v31  }
0x12c: {  	v63 =	vld [tilespmem:s15+$0x60];
	v19 =	vmul.f32 v19, v31;
	[tilespmem:s15+$0x70] =	vst v26  }
0x12d: {  	[tilespmem:s15+$0x0] =	vst v18;
	v18 =	vmul.f32 v59, v42  }
0x12e: {  	[tilespmem:s15+$0x10] =	vst v19;
	v19 =	vmul.f32 v60, v42  }
0x12f: {  	[tilespmem:s15+$0x20] =	vst v18;
	v18 =	vmul.f32 v61, v43  }
0x130: {  	[tilespmem:s15+$0x30] =	vst v19;
	v19 =	vmul.f32 v62, v43  }
0x131: {  	[tilespmem:s15+$0x40] =	vst v18;
	v18 =	vmul.f32 v63, v45  }
0x132: {  	s13 =	sand.u32 $0x3FFFFF00, s13;
	[tilespmem:s15+$0x50] =	vst v19  }
0x133: {  	s13 =	sadd.s32 $0xA100, s13;
	[tilespmem:s15+$0x60] =	vst v18  }
0x134: {  	[spmem:s1] =	stream.indirect.scatter.add.f32 [tilespmem:s29], [sflag:$0x3], $0x20, s13, s30, $0xb8;
	[tilespmem:$0x16580] =	vst v63  }
0x135: {  	_ = 	snop  }
0x136: {  	[spmem:s3] =	stream.indirect.scatter.add.f32 [tilespmem:s28], [sflag:$0x3], $0x1, s13, s30, $0xb8;
	[tilespmem:$0x16580] =	vst v63  }
0x137: {  	p1 =	por $0x1, $0x1;
	s13 =	simm.s32 $0x0  }
.LBB2_13:
0x138: {  	s14 =	sor.u32 s12, s13  }
0x139: {  	v18 =	vld [tilespmem:s14+$0x5000]  }
0x13a: {  	v19 =	vld [tilespmem:s14+$0xA100];
	s15 =	sor.u32 $0x10, s14  }
0x13b: {  	v20 =	vld [tilespmem:s15+$0x5000]  }
0x13c: {  	s25 =	sor.u32 $0x20, s14;
	v21 =	vld [tilespmem:s15+$0xA100]  }
0x13d: {  	v22 =	vld [tilespmem:s25+$0x5000]  }
0x13e: {  	s14 =	sor.u32 $0x30, s14;
	v23 =	vld [tilespmem:s25+$0xA100]  }
0x13f: {  	v24 =	vld [tilespmem:s14+$0x5000]  }
0x140: {  	v25 =	vld [tilespmem:s14+$0xA100]  }
0x141: {  	v18 =	vld.idx.msk [tilespmem:v18+s4+$0x0], $0xffff  }
0x142: {  	v19 =	vld.idx.msk [tilespmem:v19+s24+$0x0], $0xffff  }
0x143: {  	v20 =	vld.idx.msk [tilespmem:v20+s4+$0x0], $0xffff  }
0x144: {  	v21 =	vld.idx.msk [tilespmem:v21+s24+$0x0], $0xffff  }
0x145: {  	v22 =	vld.idx.msk [tilespmem:v22+s4+$0x0], $0xffff  }
0x146: {  	v23 =	vld.idx.msk [tilespmem:v23+s24+$0x0], $0xffff  }
0x147: {  	v24 =	vld.idx.msk [tilespmem:v24+s4+$0x0], $0xffff  }
0x148: {  	v25 =	vld.idx.msk [tilespmem:v25+s24+$0x0], $0xffff;
	_ =	sdelay $0x1  }
0x149: {  	v18 =	vadd.f32 v19, v18  }
0x14a: {  	v19 =	vadd.f32 v21, v20  }
0x14b: {  	v57 =	vadd.f32 v23, v22;
	v58 =	vmul.f32 $2.000000030e-01, v18  }
0x14c: {  	v59 =	vadd.f32 v25, v24;
	v60 =	vmul.f32 $2.000000030e-01, v19  }
0x14d: {  	v61 =	vmul.f32 $2.000000030e-01, v57;
	v18 =	vmax.f32 v18, v58  }
0x14e: {  	v62 =	vmul.f32 $2.000000030e-01, v59;
	v18 =	vsub.f32 v18, v17;
	v19 =	vmax.f32 v19, v60  }
0x14f: {  	v20 =	vmax.f32 v57, v61;
	v19 =	vsub.f32 v19, v17  }
0x150: {  	v63 =	vmax.f32 v59, v62;
	v20 =	vsub.f32 v20, v17;
	v18 =	vmul.f32 $1.442695020e+00, v18  }
0x151: {  	v21 =	vsub.f32 v63, v17;
	v19 =	vmul.f32 $1.442695020e+00, v19  }
0x152: {  	(erf) = vpow2.f32 v18;
	v18 =	vmul.f32 $1.442695020e+00, v20  }
0x153: {  	(erf) = vpow2.f32 v19;
	v19 =	vmul.f32 $1.442695020e+00, v21  }
0x154: {  	(erf) = vpow2.f32 v18  }
0x155: {  	(erf) = vpow2.f32 v19;
	_ =	sdelay $0x4  }
0x156: {  	p2 =	por p1, p1  }
.Ltmp5:
0x157: {  	v18 =	vpop (erf);
	(pc) =	sbr.rel @p2 .LBB2_13-.Ltmp5, $4  }
0x158: {  	v19 =	vpop (erf);
	[tilespmem:s13+$0xF280] =	vst v18  }
0x159: {  	v18 =	vpop (erf);
	[tilespmem:s13+$0xF290] =	vst v19  }
0x15a: {  	[tilespmem:s13+$0xF2A0] =	vst v18;
	v18 =	vpop (erf)  }
0x15b: {  	p1 =	por $0x0, $0x0;
	[tilespmem:s13+$0xF2B0] =	vst v18;
	s13 =	simm.s32 $0x40  }
0x15c: {  	s13 =	simm.s32 $0x0;
	s25 =	simm.s32 $0x1  }
0x15d: {  	s14 =	simm.s32 $0x2;
	s15 =	simm.s32 $0x3;
	s16 =	simm.s32 $0x4;
	v18 =	vmov s13;
	v19 =	vmov s25  }
0x15e: {  	s17 =	simm.s32 $0x5;
	v20 =	vmov s14;
	v21 =	vmov s15;
	v22 =	vmov s16  }
0x15f: {  	s25 =	simm.s32 $0x6;
	v23 =	vmov s17;
	v18 =	vshrl.u32 v18, $0x3;
	v19 =	vshrl.u32 v19, $0x3  }
0x160: {  	v24 =	vmov s25;
	v20 =	vshrl.u32 v20, $0x3;
	v19 =	vshll.u32 v19, v16  }
0x161: {  	s15 =	simm.s32 $0x7;
	v21 =	vshrl.u32 v21, $0x3;
	v22 =	vshrl.u32 v22, $0x3;
	v19 =	vadd.s32 $0x1, v19  }
0x162: {  	_ =	swait.ge [sflag:s7], $0x1000;
	v23 =	vshrl.u32 v23, $0x3;
	v25 =	vmov s15;
	v19 =	vbroadcast v19, $0x0  }
0x163: {  	[sflag:s7] =	ssyncset.done $0x0;
	v18 =	vshll.u32 v18, v16;
	v20 =	vshll.u32 v20, v16;
	v22 =	vshll.u32 v22, v16  }
0x164: {  	s13 =	simm.s32 $0x10380;
	[sflag:s7] =	ssyncadd.s32 $0xFFFFF000;
	v21 =	vshll.u32 v21, v16;
	v18 =	vbroadcast v18, $0x0;
	v22 =	vadd.s32 $0x4, v22  }
0x165: {  	v31 =	vld [tilespmem:s13+$0xFFFFFF80];
	v20 =	vadd.s32 $0x2, v20;
	v26 =	vbroadcast v22, $0x0;
	v22 =	vshrl.u32 v25, $0x3  }
0x166: {  	v35 =	vld [tilespmem:s13+$0xFFFFFF90];
	v21 =	vadd.s32 $0x3, v21;
	v20 =	vbroadcast v20, $0x0;
	v22 =	vshll.u32 v22, v16  }
0x167: {  	v23 =	vshll.u32 v23, v16;
	v36 =	vld [tilespmem:s13+$0xFFFFFFA0];
	v21 =	vbroadcast v21, $0x0;
	v22 =	vadd.s32 $0x7, v22  }
0x168: {  	v24 =	vshrl.u32 v24, $0x3;
	v23 =	vadd.s32 $0x5, v23;
	v27 =	vld.idx.msk [tilespmem:v19+s0+$0x0], $0xffff;
	v19 =	vbroadcast v22, $0x0  }
0x169: {  	v37 =	vld [tilespmem:s13+$0xFFFFFFB0];
	v24 =	vshll.u32 v24, v16;
	v23 =	vbroadcast v23, $0x0  }
0x16a: {  	v24 =	vadd.s32 $0x6, v24;
	v25 =	vld.idx.msk [tilespmem:v18+s0+$0x0], $0xffff  }
0x16b: {  	s25 =	simm.s32 $0xA;
	v18 =	vbroadcast v24, $0x0;
	v24 =	vld [tilespmem:s13+$0x70]  }
0x16c: {  	v28 =	vmov s25;
	s25 =	simm.s32 $0xE;
	v29 =	vld.idx.msk [tilespmem:v20+s0+$0x0], $0xffff  }
0x16d: {  	v34 =	vmov s25;
	v28 =	vshrl.u32 v28, $0x3;
	v22 =	vld.idx.msk [tilespmem:v21+s0+$0x0], $0xffff  }
0x16e: {  	s16 =	simm.s32 $0x8;
	v34 =	vshrl.u32 v34, $0x3;
	v28 =	vshll.u32 v28, v16;
	v19 =	vld.idx.msk [tilespmem:v19+s0+$0x0], $0xffff  }
0x16f: {  	s17 =	simm.s32 $0x9;
	v41 =	vshll.u32 v34, v16;
	v42 =	vadd.s32 $0x2, v28;
	v20 =	vld.idx.msk [tilespmem:v23+s0+$0x0], $0xffff;
	v23 =	vmov s16;
	s16 =	simm.s32 $0xB  }
0x170: {  	v21 =	vld.idx.msk [tilespmem:v26+s0+$0x0], $0xffff;
	v26 =	vmov s17;
	s17 =	simm.s32 $0xD;
	v23 =	vshrl.u32 v23, $0x3;
	v30 =	vmov s16;
	s16 =	simm.s32 $0xC  }
0x171: {  	v38 =	vld [tilespmem:s13+$0xFFFFFFC0];
	v33 =	vmov s17;
	v26 =	vshrl.u32 v26, $0x3;
	v32 =	vmov s16  }
0x172: {  	v39 =	vld [tilespmem:s13+$0xFFFFFFD0];
	v23 =	vshll.u32 v23, v16;
	v30 =	vshrl.u32 v30, $0x3;
	v31 =	vmul.f32 v31, v25  }
0x173: {  	v40 =	vld [tilespmem:s13+$0xFFFFFFE0];
	v33 =	vshrl.u32 v33, $0x3;
	v26 =	vshll.u32 v26, v16;
	v24 =	vmul.f32 v24, v19  }
0x174: {  	v32 =	vshrl.u32 v32, $0x3;
	v62 =	vadd.s32 $0x1, v26;
	v26 =	vld [tilespmem:s13+$0x10];
	v25 =	vmul.f32 v35, v25;
	[tilespmem:s13+$0xFFFFFF80] =	vst v31  }
0x175: {  	v23 =	vbroadcast v23, $0x0;
	v30 =	vshll.u32 v30, v16;
	v61 =	vmul.f32 v36, v27;
	[tilespmem:s13+$0x70] =	vst v24;
	v24 =	vld [tilespmem:s13+$0xFFFFFFF0]  }
0x176: {  	v33 =	vshll.u32 v33, v16;
	v28 =	vbroadcast v62, $0x0;
	v27 =	vmul.f32 v37, v27;
	[tilespmem:s13+$0xFFFFFF90] =	vst v25;
	v25 =	vld [tilespmem:s13+$0x0]  }
0x177: {  	v35 =	vadd.s32 $0x3, v30;
	v30 =	vbroadcast v42, $0x0;
	v18 =	vld.idx.msk [tilespmem:v18+s0+$0x0], $0xffff;
	v63 =	vmul.f32 v38, v29;
	[tilespmem:s13+$0xFFFFFFA0] =	vst v61  }
0x178: {  	v32 =	vshll.u32 v32, v16;
	v34 =	vmul.f32 v39, v29;
	v36 =	vmul.f32 v40, v22;
	[tilespmem:s13+$0xFFFFFFB0] =	vst v27;
	v27 =	vld [tilespmem:s13+$0x20]  }
0x179: {  	s14 =	simm.s32 $0x10;
	s15 =	simm.s32 $0xF;
	v29 =	vld [tilespmem:s13+$0x30];
	v31 =	vadd.s32 $0x4, v32;
	v32 =	vadd.s32 $0x5, v33;
	v33 =	vadd.s32 $0x6, v41;
	[tilespmem:s13+$0xFFFFFFC0] =	vst v63  }
.LBB2_15:
0x17a: {  	p1 =	slt.u32 s14, $0x78;
	v35 =	vbroadcast v35, $0x0;
	v37 =	vmov s15;
	[tilespmem:s13+$0xFFFFFFD0] =	vst v34;
	v22 =	vmul.f32 v24, v22;
	v24 =	vld [tilespmem:s13+$0x40]  }
0x17b: {  	v31 =	vbroadcast v31, $0x0;
	v34 =	vshrl.u32 v37, $0x3;
	[tilespmem:s13+$0xFFFFFFE0] =	vst v36;
	v25 =	vmul.f32 v25, v21;
	v36 =	vld [tilespmem:s13+$0x50]  }
0x17c: {  	v32 =	vbroadcast v32, $0x0;
	v34 =	vshll.u32 v34, v16;
	[tilespmem:s13+$0xFFFFFFF0] =	vst v22;
	v21 =	vmul.f32 v26, v21;
	v26 =	vld [tilespmem:s13+$0x60]  }
0x17d: {  	v37 =	vld.idx.msk [tilespmem:v23+s0+$0x0], $0xffff;
	v23 =	vbroadcast v33, $0x0;
	v22 =	vadd.s32 $0x7, v34;
	[tilespmem:s13+$0x0] =	vst v25;
	v25 =	vmul.f32 v27, v20  }
0x17e: {  	v27 =	vld.idx.msk [tilespmem:v28+s0+$0x0], $0xffff;
	v28 =	vbroadcast v22, $0x0;
	[tilespmem:s13+$0x10] =	vst v21;
	v20 =	vmul.f32 v29, v20  }
0x17f: {  	v29 =	vld.idx.msk [tilespmem:v30+s0+$0x0], $0xffff;
	[tilespmem:s13+$0x20] =	vst v25;
	v24 =	vmul.f32 v24, v18  }
0x180: {  	v22 =	vld.idx.msk [tilespmem:v35+s0+$0x0], $0xffff;
	[tilespmem:s13+$0x30] =	vst v20;
	v18 =	vmul.f32 v36, v18  }
0x181: {  	v21 =	vld.idx.msk [tilespmem:v31+s0+$0x0], $0xffff;
	[tilespmem:s13+$0x40] =	vst v24;
	v19 =	vmul.f32 v26, v19  }
0x182: {  	v20 =	vld.idx.msk [tilespmem:v32+s0+$0x0], $0xffff;
	[tilespmem:s13+$0x50] =	vst v18  }
0x183: {  	v18 =	vld.idx.msk [tilespmem:v23+s0+$0x0], $0xffff;
	[tilespmem:s13+$0x60] =	vst v19  }
0x184: {  	v23 =	vmov s14;
	s13 =	sadd.s32 $0x100, s13;
	v19 =	vld.idx.msk [tilespmem:v28+s0+$0x0], $0xffff  }
0x185: {  	s15 =	sadd.s32 $0x1, s14;
	s16 =	sadd.s32 $0x2, s14;
	s17 =	sadd.s32 $0x3, s14;
	v23 =	vshrl.u32 v23, $0x3;
	v24 =	vld [tilespmem:s13+$0x70]  }
0x186: {  	v25 =	vmov s15;
	s15 =	sadd.s32 $0x4, s14;
	v26 =	vmov s16;
	s16 =	sadd.s32 $0x5, s14;
	v28 =	vmov s17;
	s17 =	sadd.s32 $0x6, s14;
	v30 =	vld [tilespmem:s13+$0xFFFFFF80]  }
0x187: {  	v31 =	vmov s15;
	v32 =	vmov s16;
	v33 =	vmov s17;
	v34 =	vld [tilespmem:s13+$0xFFFFFF90]  }
0x188: {  	v25 =	vshrl.u32 v25, $0x3;
	v26 =	vshrl.u32 v26, $0x3;
	v23 =	vshll.u32 v23, v16;
	v35 =	vld [tilespmem:s13+$0xFFFFFFA0]  }
0x189: {  	v31 =	vshrl.u32 v31, $0x3;
	v32 =	vshrl.u32 v32, $0x3;
	v28 =	vshrl.u32 v28, $0x3;
	v36 =	vld [tilespmem:s13+$0xFFFFFFB0]  }
0x18a: {  	v23 =	vbroadcast v23, $0x0;
	v33 =	vshrl.u32 v33, $0x3;
	v38 =	vld [tilespmem:s13+$0xFFFFFFC0];
	v24 =	vmul.f32 v24, v19  }
0x18b: {  	v25 =	vshll.u32 v25, v16;
	v26 =	vshll.u32 v26, v16;
	v30 =	vmul.f32 v30, v37;
	v39 =	vld [tilespmem:s13+$0xFFFFFFD0]  }
0x18c: {  	v31 =	vshll.u32 v31, v16;
	v28 =	vshll.u32 v28, v16;
	v34 =	vmul.f32 v34, v37;
	v37 =	vld [tilespmem:s13+$0xFFFFFFE0];
	[tilespmem:s13+$0x70] =	vst v24  }
.Ltmp6:
0x18d: {  	v32 =	vshll.u32 v32, v16;
	v33 =	vshll.u32 v33, v16;
	[tilespmem:s13+$0xFFFFFF80] =	vst v30;
	v30 =	vmul.f32 v35, v27;
	v24 =	vld [tilespmem:s13+$0xFFFFFFF0];
	(pc) =	sbr.rel @p1 .LBB2_15-.Ltmp6, $4  }
0x18e: {  	v40 =	vadd.s32 $0x1, v25;
	v41 =	vadd.s32 $0x2, v26;
	[tilespmem:s13+$0xFFFFFF90] =	vst v34;
	v27 =	vmul.f32 v36, v27;
	v25 =	vld [tilespmem:s13+$0x0]  }
0x18f: {  	v31 =	vadd.s32 $0x4, v31;
	v35 =	vadd.s32 $0x3, v28;
	[tilespmem:s13+$0xFFFFFFA0] =	vst v30;
	v36 =	vmul.f32 v38, v29;
	v26 =	vld [tilespmem:s13+$0x10]  }
0x190: {  	v32 =	vadd.s32 $0x5, v32;
	v28 =	vbroadcast v40, $0x0;
	[tilespmem:s13+$0xFFFFFFB0] =	vst v27;
	v34 =	vmul.f32 v39, v29;
	v27 =	vld [tilespmem:s13+$0x20]  }
0x191: {  	s15 =	sadd.s32 $0x7, s14;
	s14 =	sadd.s32 $0x8, s14;
	v33 =	vadd.s32 $0x6, v33;
	v30 =	vbroadcast v41, $0x0;
	[tilespmem:s13+$0xFFFFFFC0] =	vst v36;
	v36 =	vmul.f32 v37, v22;
	v29 =	vld [tilespmem:s13+$0x30]  }
0x192: {  	_ = 	snop  }
0x193: {  	v38 =	vld [tilespmem:s13+$0x40]  }
0x194: {  	v39 =	vld [tilespmem:s13+$0x50]  }
0x195: {  	v40 =	vld [tilespmem:s13+$0x60]  }
0x196: {  	v23 =	vld.idx.msk [tilespmem:v23+s0+$0x0], $0xffff  }
0x197: {  	v28 =	vld.idx.msk [tilespmem:v28+s0+$0x0], $0xffff  }
0x198: {  	s14 =	sadd.s32 $0x100, s13;
	v30 =	vld.idx.msk [tilespmem:v30+s0+$0x0], $0xffff  }
0x199: {  	v47 =	vld [tilespmem:s14+$0x70]  }
0x19a: {  	v49 =	vld [tilespmem:s14+$0xFFFFFF80]  }
0x19b: {  	[tilespmem:s13+$0xFFFFFFD0] =	vst v34;
	v22 =	vmul.f32 v24, v22;
	v51 =	vld [tilespmem:s14+$0xFFFFFF90]  }
0x19c: {  	v37 =	vmov s15;
	[tilespmem:s13+$0xFFFFFFE0] =	vst v36;
	v25 =	vmul.f32 v25, v21;
	v52 =	vld [tilespmem:s14+$0xFFFFFFA0]  }
0x19d: {  	v37 =	vshrl.u32 v37, $0x3;
	v53 =	vld [tilespmem:s14+$0xFFFFFFB0];
	[tilespmem:s13+$0xFFFFFFF0] =	vst v22;
	v44 =	vmul.f32 v26, v21  }
0x19e: {  	v35 =	vbroadcast v35, $0x0;
	v54 =	vld [tilespmem:s14+$0xFFFFFFD0];
	v37 =	vshll.u32 v37, v16;
	[tilespmem:s13+$0x0] =	vst v25;
	v46 =	vmul.f32 v27, v20  }
0x19f: {  	v55 =	vld [tilespmem:s14+$0xFFFFFFE0];
	v37 =	vadd.s32 $0x7, v37;
	[tilespmem:s13+$0x10] =	vst v44;
	v48 =	vmul.f32 v29, v20  }
0x1a0: {  	v56 =	vld [tilespmem:s14+$0xFFFFFFF0];
	v37 =	vbroadcast v37, $0x0;
	[tilespmem:s13+$0x20] =	vst v46;
	v50 =	vmul.f32 v38, v18  }
0x1a1: {  	v31 =	vbroadcast v31, $0x0;
	v58 =	vld [tilespmem:s14+$0x0];
	v18 =	vmul.f32 v39, v18;
	[tilespmem:s13+$0x30] =	vst v48  }
0x1a2: {  	v59 =	vld [tilespmem:s14+$0x20];
	v19 =	vmul.f32 v40, v19;
	[tilespmem:s13+$0x40] =	vst v50  }
0x1a3: {  	v32 =	vbroadcast v32, $0x0;
	v57 =	vmul.f32 v53, v28;
	[tilespmem:s13+$0x50] =	vst v18;
	v18 =	vld [tilespmem:s14+$0xFFFFFFC0]  }
0x1a4: {  	v35 =	vld.idx.msk [tilespmem:v35+s0+$0x0], $0xffff;
	[tilespmem:s13+$0x60] =	vst v19;
	v19 =	vmul.f32 v49, v23  }
0x1a5: {  	v33 =	vbroadcast v33, $0x0;
	v60 =	vld [tilespmem:s14+$0x30];
	v21 =	vmul.f32 v54, v30;
	[tilespmem:s14+$0xFFFFFFB0] =	vst v57  }
0x1a6: {  	[tilespmem:s14+$0xFFFFFF80] =	vst v19;
	v19 =	vmul.f32 v52, v28;
	v45 =	vld.idx.msk [tilespmem:v37+s0+$0x0], $0xffff  }
0x1a7: {  	v31 =	vld.idx.msk [tilespmem:v31+s0+$0x0], $0xffff;
	v23 =	vmul.f32 v51, v23;
	[tilespmem:s14+$0xFFFFFFD0] =	vst v21  }
0x1a8: {  	[tilespmem:s14+$0xFFFFFFA0] =	vst v19;
	v19 =	vld [tilespmem:s14+$0x10];
	v18 =	vmul.f32 v18, v30  }
0x1a9: {  	v42 =	vld.idx.msk [tilespmem:v32+s0+$0x0], $0xffff;
	[tilespmem:s14+$0xFFFFFF90] =	vst v23;
	v20 =	vmul.f32 v56, v35  }
0x1aa: {  	v61 =	vld [tilespmem:s14+$0x40];
	[tilespmem:s14+$0xFFFFFFC0] =	vst v18;
	v18 =	vmul.f32 v55, v35  }
0x1ab: {  	v43 =	vld.idx.msk [tilespmem:v33+s0+$0x0], $0xffff;
	[tilespmem:s14+$0xFFFFFFF0] =	vst v20;
	v26 =	vmul.f32 v47, v45  }
0x1ac: {  	v62 =	vld [tilespmem:s14+$0x50];
	[tilespmem:s14+$0xFFFFFFE0] =	vst v18;
	v18 =	vmul.f32 v58, v31  }
0x1ad: {  	v63 =	vld [tilespmem:s14+$0x60];
	v19 =	vmul.f32 v19, v31;
	[tilespmem:s14+$0x70] =	vst v26  }
0x1ae: {  	[tilespmem:s14+$0x0] =	vst v18;
	v18 =	vmul.f32 v59, v42  }
0x1af: {  	[tilespmem:s14+$0x10] =	vst v19;
	v19 =	vmul.f32 v60, v42  }
0x1b0: {  	[tilespmem:s14+$0x20] =	vst v18;
	v18 =	vmul.f32 v61, v43  }
0x1b1: {  	[tilespmem:s14+$0x30] =	vst v19;
	v19 =	vmul.f32 v62, v43  }
0x1b2: {  	[tilespmem:s14+$0x40] =	vst v18;
	v18 =	vmul.f32 v63, v45  }
0x1b3: {  	[tilespmem:s14+$0x50] =	vst v19  }
0x1b4: {  	[tilespmem:s14+$0x60] =	vst v18  }
0x1b5: {  	_ =	swait.ge [sflag:s2], $0x1000  }
0x1b6: {  	[sflag:s2] =	ssyncset.done $0x0  }
0x1b7: {  	s25 =	sshll.u32 s11, $0x1;
	[sflag:s2] =	ssyncadd.s32 $0xFFFFF000  }
0x1b8: {  	s13 =	smin.u32 s25, $0x9F;
	_ =	swait.ge [sflag:s2], $0x80  }
0x1b9: {  	s11 =	sadd.s32 $0x1, s11;
	s13 =	sshll.u32 s13, $0x7;
	[sflag:s2] =	ssyncset.done $0x0  }
0x1ba: {  	p1 =	sne.s32 s11, $0x51;
	s13 =	sadd.s32 $0x5100, s13;
	[sflag:s2] =	ssyncadd.s32 $0xFFFFFF80  }
0x1bb: {  	[tilespmem:s29], [sflag:$0x1] =	stream.indirect.gather [hbm4b:s19+s30], $0x20, s13, s30, $0xb8;
	[tilespmem:$0x16580] =	vst v63  }
.Ltmp7:
0x1bc: {  	_ = 	snop;
	(pc) =	sbr.rel @p1 .LBB2_8-.Ltmp7, $4  }
0x1bd: {  	s12 =	sadd.s32 $0xA100, s12  }
0x1be: {  	[spmem:s1] =	stream.indirect.scatter.add.f32 [tilespmem:s31], [sflag:$0x4], $0x20, s12, s30, $0xb8;
	[tilespmem:$0x16580] =	vst v63  }
0x1bf: {  	_ = 	snop  }
0x1c0: {  	[spmem:s3] =	stream.indirect.scatter.add.f32 [tilespmem:s0], [sflag:$0x4], $0x1, s12, s30, $0xb8;
	[tilespmem:$0x16580] =	vst v63  }
0x1c1: {  	_ =	swait.ge [sflag:s6], $0x1000  }
0x1c2: {  	[sflag:s6] =	ssyncset.done $0x0  }
0x1c3: {  	[sflag:s6] =	ssyncadd.s32 $0xFFFFF000  }
0x1c4: {  	_ =	swait.ge [sflag:s5], $0x1000  }
0x1c5: {  	[sflag:s5] =	ssyncset.done $0x0  }
0x1c6: {  	[sflag:s5] =	ssyncadd.s32 $0xFFFFF000  }
0x1c7: {  	_ =	swait.ge [sflag:s5], $0x80  }
0x1c8: {  	s11 =	stileid.u32;
	[sflag:s5] =	ssyncset.done $0x0  }
0x1c9: {  	s11 =	sshll.u32 s11, $0x6;
	[sflag:s5] =	ssyncadd.s32 $0xFFFFFF80  }
0x1ca: {  	s12 =	sshrl.u32 s9, $0x3;
	s11 =	sor.u32 $0x1C05, s11;
	[bflag:$0x0] =	sbarrier.arrive $0xFFFF  }
0x1cb: {  	[hbm:s20], [sflag:s11] =	dma.local [spmem:s12], $0xA00  }
0x1cc: {  	_ =	swait.ge [sflag:s23], $0xA00  }
0x1cd: {  	s8 =	sadd.s32 $0x1, s8;
	[sflag:s23] =	ssyncset.done $0x0  }
0x1ce: {  	p1 =	sne.s32 s8, s22;
	s12 =	sshrl.u32 @!p0 s10, $0x3;
	[sflag:s23] =	ssyncadd.s32 $0xFFFFF600  }
0x1cf: {  	[hbm:s21], [sflag:s11] =	dma.local @!p0 [spmem:s12], $0x50  }
.Ltmp8:
0x1d0: {  	_ = 	snop;
	(pc) =	sbr.rel @p1 .LBB2_1-.Ltmp8, $4  }
0x1d1: {  	s11 =	simm.s32 @!p0 $0x5  }
0x1d2: {  	_ =	swait.ge @!p0 [sflag:s11], $0x50  }
0x1d3: {  	[sflag:s11] =	ssyncset.done @!p0 $0x0  }
0x1d4: {  	s14 =	simm.s32 $0x5000;
	[sflag:s11] =	ssyncadd.s32 @!p0 $0xFFFFFFB0  }
0x1d5: {  	_ =	sfence.sel $0x180000  }
0x1d6: {  	[bflag:$0x0] =	sbarrier.arrive $0xFFFF  }
0x1d7: {  	_ =	strace $0x9000004A  }
0x1d8: {  	s0 =	stileid.u32;
	[bflag:$0x2] =	sbarrier.arrive $0xFFFF  }
0x1d9: {  	p0 =	sne.s32 s0, $0x0;
	s0 =	rddreg [dreg:$0x3]  }
0x1da: {  	s0 =	sadd.s32 @!p0 $0x100000, s0  }
0x1db: {  	[sflag:s0] =	ssyncadd.tile.s32 @!p0 $0x1;
	_ =	shalt  }
.Lfunc_end2:
_tile_overlayer_lowered:
.L_overlay_start_2:
0x1dc: {  	(tag) =	ssettag $0x2  }
0x1dd: {  	s0 =	rddreg [dreg:$0x0];
	s2 =	stileid.u32  }
0x1de: {  	s1 =	rddreg [dreg:$0x1];
	p0 =	sne.s32 s2, $0x0  }
0x1df: {  	s3 =	rddreg [dreg:$0x2];
	[bflag:$0x3] =	sbarrier.arrive $0xFFFF;
	s2 =	simm.s32 @!p0 $0x1C05  }
0x1e0: {  	[timem:s3], [sflag:s2] =	dma.local @!p0 [hbm:s0], s1  }
0x1e1: {  	s0 =	simm.s32 @!p0 $0x5  }
0x1e2: {  	_ =	swait.ge @!p0 [sflag:s0], s1  }
0x1e3: {  	s1 =	ssub.s32 @!p0 $0x0, s1;
	[sflag:s0] =	ssyncset.done @!p0 $0x0  }
0x1e4: {  	[sflag:s0] =	ssyncadd.s32 @!p0 s1  }
0x1e5: {  	[bflag:$0x3] =	sbarrier.arrive $0xFFFF  }
0x1e6: {  	_ =	shalt  }

</sc_bundles>
